<compile_context>
chip_gen: v7x
topology: tpu7x:2x2x1
jax: 0.10.2.dev20260603
libtpu: 0.0.44.dev20260713+nightly
codegen_flags: <defaults>
</compile_context>

<pallas_src>
import functools

import jax
import jax.numpy as jnp
from jax import lax
from jax.experimental import pallas as pl
from jax.experimental.pallas import tpu as pltpu
from jax.experimental.pallas import tpu_sc as plsc

TOPK = 32
ROW_LEN = 32768
NUM_ROWS = 32 * 32
LANES = 16
NV_ROW = ROW_LEN // LANES
GROUP = 8
NGROUP = NV_ROW // GROUP
CAND_CAP = 8192
STATIC_CAND_VREGS = 8

NEG_INF = float("-inf")
BIG_I32 = 2**31 - 1
_IN_BOUNDS = "promise_in_bounds"


def _shuf(x, pv):
  return x.at[pv].get(mode=_IN_BOUNDS, unique_indices=True)


def _splat_max(v, lane):
  for d in (8, 4, 2, 1):
    v = jnp.maximum(v, _shuf(v, jnp.bitwise_xor(lane, d)))
  return v


def _splat_min(v, lane):
  for d in (8, 4, 2, 1):
    v = jnp.minimum(v, _shuf(v, jnp.bitwise_xor(lane, d)))
  return v


def _bitonic_clean_desc(x, lane):
  for d in (8, 4, 2, 1):
    p = _shuf(x, jnp.bitwise_xor(lane, d))
    x = jnp.where(jnp.bitwise_and(lane, d) == 0, jnp.maximum(x, p),
                  jnp.minimum(x, p))
  return x


def _merge16_hi(a, b, lane):
  rb = _shuf(b, 15 - lane)
  return _bitonic_clean_desc(jnp.maximum(a, rb), lane)


def _merge16_full(a, b, lane):
  rb = _shuf(b, 15 - lane)
  hi = _bitonic_clean_desc(jnp.maximum(a, rb), lane)
  lo = _bitonic_clean_desc(jnp.minimum(a, rb), lane)
  return hi, lo


def _tree_max(vs):
  while len(vs) > 1:
    vs = [jnp.maximum(a, b) for a, b in zip(vs[::2], vs[1::2])]
  return vs[0]


def _tree_min(vs):
  while len(vs) > 1:
    vs = [jnp.minimum(a, b) for a, b in zip(vs[::2], vs[1::2])]
  return vs[0]


def _kernel_body(nw, in_hbm, out_hbm, row_a, row_b, gmax_v, dlist_v,
                 cnt_buf, slot_ids, slot_cnt, cand_v, cand_i, out_v,
                 sem_a, sem_b):
  rows_per_w = NUM_ROWS // nw
  info = plsc.get_sparse_core_info()
  nc = info.num_cores
  w = lax.axis_index("s") * nc + lax.axis_index("c")
  lane = lax.iota(jnp.int32, LANES)
  lane0 = lane == 0
  row0 = w * rows_per_w

  def process_row(r_local, row_v):
    ninf = jnp.full((LANES,), NEG_INF, jnp.float32)
    big = jnp.full((LANES,), BIG_I32, jnp.int32)
    zi = jnp.zeros((LANES,), jnp.int32)
    zf = jnp.zeros((LANES,), jnp.float32)

    for k in range(STATIC_CAND_VREGS):
      cand_v[pl.ds(k * LANES, LANES)] = ninf

    def p0(g, carry):
      a0, a1 = carry
      vs = [row_v[pl.ds((g * 2 * GROUP + k) * LANES, LANES)]
            for k in range(2 * GROUP)]
      t0 = _tree_max(vs[:GROUP])
      t1 = _tree_max(vs[GROUP:])
      gmax_v[pl.ds((2 * g) * LANES, LANES)] = t0
      gmax_v[pl.ds((2 * g + 1) * LANES, LANES)] = t1
      return jnp.maximum(a0, t0), jnp.maximum(a1, t1)

    a0, a1 = lax.fori_loop(0, NGROUP // 2, p0, (ninf, ninf))
    thr_s = _splat_min(jnp.minimum(a0, a1), lane)

    def p1a(j, _):
      g = gmax_v[pl.ds(j * LANES, LANES)]
      m = g >= thr_s
      cnt = plsc.all_reduce_population_count(m)
      plsc.store_compressed(dlist_v.at[pl.ds(j * LANES, LANES)],
                            j * LANES + lane, mask=m)
      plsc.store_scatter(cnt_buf, [zi + j], cnt, mask=lane0)
      return _

    lax.fori_loop(0, NGROUP, p1a, jnp.int32(0))

    def l2(k, dsp):
      c = cnt_buf[pl.ds(k * LANES, LANES)]
      m = c > 0
      mi = jnp.where(m, jnp.int32(1), jnp.int32(0))
      pos = dsp + plsc.cumsum(mi) - 1
      plsc.store_scatter(slot_ids, [pos], (k * LANES + lane) * 32 + c, mask=m)
      return dsp + plsc.all_reduce_population_count(m)

    dsp = lax.fori_loop(0, NGROUP // LANES, l2, zi)
    n_slots = dsp[0]

    def slot_body(s, ptr):
      rec = slot_ids[pl.ds(s, LANES)][0]
      jslot = lax.shift_right_logical(rec, 5)
      c = jnp.bitwise_and(rec, 31)
      ids16 = dlist_v[pl.ds(jslot * LANES, LANES)]

      def inner(q, p):
        sel = 2 * q + lax.shift_right_logical(lane, 3)
        valid = sel < c
        e = jnp.bitwise_and(_shuf(ids16, jnp.minimum(sel, LANES - 1)),
                            NGROUP * LANES - 1)
        col_base = (lax.shift_right_logical(e, 4) * (GROUP * LANES)
                    + jnp.bitwise_and(e, LANES - 1))
        elem_idx = col_base + jnp.bitwise_and(lane, 7) * LANES
        v = plsc.load_gather(row_v, [elem_idx])
        m = jnp.logical_and(v >= thr_s, valid)
        cnt = plsc.all_reduce_population_count(m)
        pc = jnp.minimum(p, CAND_CAP)
        plsc.store_compressed(cand_v.at[pl.ds(pc, LANES)], v, mask=m)
        plsc.store_compressed(cand_i.at[pl.ds(pc, LANES)], elem_idx, mask=m)
        return p + cnt[0]

      return lax.fori_loop(0, lax.shift_right_logical(c + 1, 1), inner, ptr)

    n_cand = lax.fori_loop(0, n_slots, slot_body, jnp.int32(0))

    plsc.store_scatter(cand_v, [jnp.minimum(n_cand, CAND_CAP) + lane], ninf)
    nv = lax.shift_right_logical(n_cand + LANES - 1, 4)

    init = (zf, zf, zi, zi)

    def extract_static(_):
      def rnd(t, carry):
        v0, v1, i0, i1 = carry
        vs = [cand_v[pl.ds(k * LANES, LANES)]
              for k in range(STATIC_CAND_VREGS)]
        mx = _splat_max(_tree_max(vs), lane)
        idxms = []
        for k in range(STATIC_CAND_VREGS):
          ii = cand_i[pl.ds(k * LANES, LANES)]
          idxms.append(jnp.where(vs[k] == mx, ii, big))
        bi = _splat_min(_tree_min(idxms), lane)
        pms = [jnp.where(idxms[k] == bi, k * LANES + lane, big)
               for k in range(STATIC_CAND_VREGS)]
        p = _splat_min(_tree_min(pms), lane)
        plsc.store_scatter(cand_v, [p], ninf, mask=lane0)
        v0 = jnp.where(lane == t, mx, v0)
        v1 = jnp.where(lane == t - LANES, mx, v1)
        i0 = jnp.where(lane == t, bi, i0)
        i1 = jnp.where(lane == t - LANES, bi, i1)
        return v0, v1, i0, i1

      return lax.fori_loop(0, TOPK, rnd, init)

    def extract_dynamic(_):
      def rnd(t, carry):
        v0, v1, i0, i1 = carry

        def fmax(j, acc):
          return jnp.maximum(acc, cand_v[pl.ds(j * LANES, LANES)])

        mx = _splat_max(lax.fori_loop(0, nv, fmax, ninf), lane)

        def fbi(j, best):
          v = cand_v[pl.ds(j * LANES, LANES)]
          ii = cand_i[pl.ds(j * LANES, LANES)]
          return jnp.minimum(best, jnp.where(v == mx, ii, big))

        bi = _splat_min(lax.fori_loop(0, nv, fbi, big), lane)

        def fp(j, best):
          v = cand_v[pl.ds(j * LANES, LANES)]
          ii = cand_i[pl.ds(j * LANES, LANES)]
          hit = jnp.logical_and(v == mx, ii == bi)
          return jnp.minimum(best, jnp.where(hit, j * LANES + lane, big))

        p = _splat_min(lax.fori_loop(0, nv, fp, big), lane)
        plsc.store_scatter(cand_v, [p], ninf, mask=lane0)
        v0 = jnp.where(lane == t, mx, v0)
        v1 = jnp.where(lane == t - LANES, mx, v1)
        i0 = jnp.where(lane == t, bi, i0)
        i1 = jnp.where(lane == t - LANES, bi, i1)
        return v0, v1, i0, i1

      return lax.fori_loop(0, TOPK, rnd, init)

    def extract_fallback(_):
      plsc.store_scatter(row_v, [ROW_LEN + lane], ninf)

      def rnd(t, carry):
        v0, v1, i0, i1 = carry

        def fmax(j, acc):
          return jnp.maximum(acc, row_v[pl.ds(j * LANES, LANES)])

        mx = _splat_max(lax.fori_loop(0, NV_ROW + 1, fmax, ninf), lane)

        def fbi(j, best):
          v = row_v[pl.ds(j * LANES, LANES)]
          return jnp.minimum(best, jnp.where(v == mx, j * LANES + lane, big))

        bi = _splat_min(lax.fori_loop(0, NV_ROW + 1, fbi, big), lane)
        plsc.store_scatter(row_v, [bi], ninf, mask=lane0)
        v0 = jnp.where(lane == t, mx, v0)
        v1 = jnp.where(lane == t - LANES, mx, v1)
        i0 = jnp.where(lane == t, bi, i0)
        i1 = jnp.where(lane == t - LANES, bi, i1)
        return v0, v1, i0, i1

      return lax.fori_loop(0, TOPK, rnd, init)

    def extract_small(_):
      return lax.cond(n_cand <= STATIC_CAND_VREGS * LANES,
                      extract_static, extract_dynamic, 0)

    nv_c = jnp.minimum(nv, CAND_CAP // LANES)

    def vmerge(j, carry):
      s0, s1 = carry
      c = plsc.sort_key_val(cand_v[pl.ds(j * LANES, LANES)], zi,
                            descending=True)[0]
      m_hi = _merge16_hi(s1, c, lane)
      return _merge16_full(s0, m_hi, lane)

    s0, s1 = lax.fori_loop(0, nv_c, vmerge, (ninf, ninf))
    t32 = _shuf(s1, zi + 15)

    def wcompact(j, wp):
      v = cand_v[pl.ds(j * LANES, LANES)]
      ii = cand_i[pl.ds(j * LANES, LANES)]
      m = v >= t32
      cnt = plsc.all_reduce_population_count(m)
      pc = jnp.minimum(wp, NGROUP * LANES - LANES)
      plsc.store_compressed(gmax_v.at[pl.ds(pc, LANES)], v, mask=m)
      plsc.store_compressed(dlist_v.at[pl.ds(pc, LANES)], ii, mask=m)
      return wp + cnt[0]

    n_win = lax.fori_loop(0, nv_c, wcompact, jnp.int32(0))

    def fast_finish(_):
      return (gmax_v[pl.ds(0, LANES)], gmax_v[pl.ds(LANES, LANES)],
              dlist_v[pl.ds(0, LANES)], dlist_v[pl.ds(LANES, LANES)])

    def slow(_):
      return lax.cond(n_cand <= CAND_CAP, extract_small, extract_fallback, 0)

    v0, v1, i0, i1 = lax.cond(
        jnp.logical_and(n_win == TOPK, n_cand <= CAND_CAP),
        fast_finish, slow, 0)

    k0, w0 = plsc.sort_key_val(i0, v0)
    k1, w1 = plsc.sort_key_val(i1, v1)
    rk = _shuf(k1, LANES - 1 - lane)
    rv = _shuf(w1, LANES - 1 - lane)
    cmp = k0 <= rk
    lok, lov = jnp.where(cmp, k0, rk), jnp.where(cmp, w0, rv)
    hik, hiv = jnp.where(cmp, rk, k0), jnp.where(cmp, rv, w0)
    for d in (8, 4, 2, 1):
      keep_small = jnp.bitwise_and(lane, d) == 0
      nlk, nlv, nhk, nhv = [], [], [], []
      pk = _shuf(lok, jnp.bitwise_xor(lane, d))
      pv2 = _shuf(lov, jnp.bitwise_xor(lane, d))
      nk = jnp.where(keep_small, jnp.minimum(lok, pk), jnp.maximum(lok, pk))
      lov = jnp.where(nk == lok, lov, pv2)
      lok = nk
      pk = _shuf(hik, jnp.bitwise_xor(lane, d))
      pv2 = _shuf(hiv, jnp.bitwise_xor(lane, d))
      nk = jnp.where(keep_small, jnp.minimum(hik, pk), jnp.maximum(hik, pk))
      hiv = jnp.where(nk == hik, hiv, pv2)
      hik = nk

    base = r_local * TOPK
    plsc.store_scatter(out_v, [base + lane], lov)
    plsc.store_scatter(out_v, [base + LANES + lane], hiv)

  pltpu.async_copy(in_hbm.at[row0], row_a.at[pl.ds(0, ROW_LEN)], sem_a)

  def pair_body(i, _):
    r_even = 2 * i
    pltpu.make_async_copy(in_hbm.at[row0], row_a.at[pl.ds(0, ROW_LEN)],
                          sem_a).wait()
    pltpu.async_copy(in_hbm.at[row0 + r_even + 1],
                     row_b.at[pl.ds(0, ROW_LEN)], sem_b)
    process_row(r_even, row_a)
    pltpu.make_async_copy(in_hbm.at[row0], row_b.at[pl.ds(0, ROW_LEN)],
                          sem_b).wait()

    @pl.when(r_even + 2 < rows_per_w)
    def _start_next():
      pltpu.async_copy(in_hbm.at[row0 + r_even + 2],
                       row_a.at[pl.ds(0, ROW_LEN)], sem_a)

    process_row(r_even + 1, row_b)
    return _

  lax.fori_loop(0, rows_per_w // 2, pair_body, jnp.int32(0))
  pltpu.sync_copy(out_v, out_hbm.at[pl.ds(w * rows_per_w * TOPK,
                                          rows_per_w * TOPK)])


def kernel(inputs):
  info = plsc.get_sparse_core_info()
  nw = info.num_cores * info.num_subcores
  rows_per_w = NUM_ROWS // nw
  mesh = plsc.VectorSubcoreMesh(core_axis_name="c", subcore_axis_name="s")
  k = pl.kernel(
      functools.partial(_kernel_body, nw),
      out_type=jax.ShapeDtypeStruct((NUM_ROWS * TOPK,), jnp.float32),
      mesh=mesh,
      compiler_params=pltpu.CompilerParams(needs_layout_passes=False),
      scratch_types=[
          pltpu.VMEM((ROW_LEN + LANES,), jnp.float32),
          pltpu.VMEM((ROW_LEN + LANES,), jnp.float32),
          pltpu.VMEM((NGROUP * LANES,), jnp.float32),
          pltpu.VMEM((NGROUP * LANES,), jnp.int32),
          pltpu.VMEM((NGROUP,), jnp.int32),
          pltpu.VMEM((NGROUP + LANES,), jnp.int32),
          pltpu.VMEM((NGROUP + LANES,), jnp.int32),
          pltpu.VMEM((CAND_CAP + LANES,), jnp.float32),
          pltpu.VMEM((CAND_CAP + LANES,), jnp.int32),
          pltpu.VMEM((rows_per_w * TOPK,), jnp.float32),
          pltpu.SemaphoreType.DMA,
          pltpu.SemaphoreType.DMA,
      ],
  )
  out = k(inputs.reshape(NUM_ROWS, ROW_LEN))
  return out.reshape(32, 32, TOPK)

# --- scband reference (transcript-rebuilt; emitter-appended) ---
"""Pipeline reference for scband-kmax-pool1d-1580547972871 (READ-ONLY COPY).

The authoritative reference and input builder live on the scoring server;
editing this copy changes nothing except your own understanding.
"""

import jax, jax.numpy as jnp
import numpy as np

TOP_K = 32

def setup_inputs(seed: int = 0) -> dict:
    key = jax.random.key(seed)
    inputs = jax.random.normal(key, (32, 32, 32768), dtype=jnp.float32)
    return {"inputs": inputs}

def reference(inputs):
    # topk along last dim, keep original temporal order (sort indices ascending)
    _, top_idxs = jax.lax.top_k(inputs, TOP_K)
    sorted_top_idxs = jnp.sort(top_idxs, axis=2)
    out = jnp.take_along_axis(inputs, sorted_top_idxs, axis=2)
    return out

if __name__ == "__main__":
    import jax
    _d = setup_inputs()
    print(jax.jit(kernel)(*tuple(_d.values())))

</pallas_src>

<mosaic_0001>
#map = affine_map<(d0, d1) -> (0, 0)>
#map1 = affine_map<(d0, d1) -> (0)>
module attributes {stable_mosaic.version = 14 : i64} {
  func.func @_kernel_body(%arg0: i32, %arg1: i32, %arg2: memref<1024x32768xf32, #tpu.memory_space<hbm>>, %arg3: memref<32768xf32, #tpu.memory_space<hbm>>, %arg4: memref<32784xf32, #tpu.memory_space<vmem>>, %arg5: memref<32784xf32, #tpu.memory_space<vmem>>, %arg6: memref<4096xf32, #tpu.memory_space<vmem>>, %arg7: memref<4096xi32, #tpu.memory_space<vmem>>, %arg8: memref<256xi32, #tpu.memory_space<vmem>>, %arg9: memref<272xi32, #tpu.memory_space<vmem>>, %arg10: memref<272xi32, #tpu.memory_space<vmem>>, %arg11: memref<8208xf32, #tpu.memory_space<vmem>>, %arg12: memref<8208xi32, #tpu.memory_space<vmem>>, %arg13: memref<1024xf32, #tpu.memory_space<vmem>>, %arg14: memref<!tpu.dma_semaphore, #tpu.memory_space<semaphore_mem>>, %arg15: memref<!tpu.dma_semaphore, #tpu.memory_space<semaphore_mem>>) attributes {dimension_semantics = [#tpu.dimension_semantics<core_parallel>, #tpu.dimension_semantics<subcore_parallel>], iteration_bounds = array<i64: 2, 16>, scalar_prefetch = 0 : i64, scratch_operands = 12 : i64, tpu.core_type = #tpu.core_type<sc_vector_subcore>, window_params = [{transform_indices = #map}, {transform_indices = #map1}]} {
    %mul3A = arith.constant 2 : i32
    %mul3A_0 = arith.muli %arg1, %mul3A : i32
    %add3A = arith.addi %mul3A_0, %arg0 : i32
    %iota3A = tpu.iota {dimensions = array<i32: 0>} : vector<16xi32>
    %eq3A = arith.constant 0 : i32
    %eq3A_1 = vector.broadcast %eq3A : i32 to vector<16xi32>
    %eq3A_2 = arith.cmpi eq, %iota3A, %eq3A_1 : vector<16xi32>
    %mul3A_3 = arith.constant 32 : i32
    %mul3A_4 = arith.muli %add3A, %mul3A_3 : i32
    %dma_start3A = arith.constant 0 : i32
    %dma_start3A_5 = tpu.memref_slice %arg4[%dma_start3A] : memref<32784xf32, #tpu.memory_space<vmem>> -> memref<32768xf32, #tpu.memory_space<vmem>>
    %dma_start3A_6 = arith.constant 0 : i32
    %dma_start3A_7 = tpu.memref_slice %arg2[%mul3A_4, %dma_start3A_6] : memref<1024x32768xf32, #tpu.memory_space<hbm>> -> memref<1x32768xf32, #tpu.memory_space<hbm>>
    %dma_start3A_8 = tpu.memref_squeeze %dma_start3A_7 : memref<1x32768xf32, #tpu.memory_space<hbm>> -> memref<32768xf32, #tpu.memory_space<hbm>>
    %dma_start3A_9 = arith.constant 0 : i32
    %dma_start3A_10 = tpu.memref_slice %arg4[%dma_start3A_9] : memref<32784xf32, #tpu.memory_space<vmem>> -> memref<32768xf32, #tpu.memory_space<vmem>>
    %dma_start3A_11 = arith.constant 0 : i32
    %dma_start3A_12 = tpu.memref_slice %arg2[%mul3A_4, %dma_start3A_11] : memref<1024x32768xf32, #tpu.memory_space<hbm>> -> memref<1x32768xf32, #tpu.memory_space<hbm>>
    %dma_start3A_13 = tpu.memref_squeeze %dma_start3A_12 : memref<1x32768xf32, #tpu.memory_space<hbm>> -> memref<32768xf32, #tpu.memory_space<hbm>>
    tpu.enqueue_dma source(%dma_start3A_13 : memref<32768xf32, #tpu.memory_space<hbm>>) target(%dma_start3A_10 : memref<32768xf32, #tpu.memory_space<vmem>>) target_semaphore(%arg14 : memref<!tpu.dma_semaphore, #tpu.memory_space<semaphore_mem>>)
    %scan3A = arith.constant 0 : i32
    %scan3A_14 = arith.constant 0 : i32
    %scan3A_15 = arith.constant 16 : i32
    %scan3A_16 = arith.addi %scan3A_14, %scan3A_15 : i32
    %scan3A_17 = arith.constant 1 : i32
    scf.for %scan3A_23 = %scan3A_14 to %scan3A_16 step %scan3A_17  : i32 {
      %mul3A_24 = arith.constant 2 : i32
      %mul3A_25 = arith.muli %mul3A_24, %scan3A_23 : i32
      %dma_wait3A = arith.constant 0 : i32
      %dma_wait3A_26 = tpu.memref_slice %arg4[%dma_wait3A] : memref<32784xf32, #tpu.memory_space<vmem>> -> memref<32768xf32, #tpu.memory_space<vmem>>
      %dma_wait3A_27 = arith.constant 0 : i32
      %dma_wait3A_28 = tpu.memref_slice %arg2[%mul3A_4, %dma_wait3A_27] : memref<1024x32768xf32, #tpu.memory_space<hbm>> -> memref<1x32768xf32, #tpu.memory_space<hbm>>
      %dma_wait3A_29 = tpu.memref_squeeze %dma_wait3A_28 : memref<1x32768xf32, #tpu.memory_space<hbm>> -> memref<32768xf32, #tpu.memory_space<hbm>>
      %dma_wait3A_30 = arith.constant 0 : i32
      %dma_wait3A_31 = tpu.memref_slice %arg4[%dma_wait3A_30] : memref<32784xf32, #tpu.memory_space<vmem>> -> memref<32768xf32, #tpu.memory_space<vmem>>
      %dma_wait3A_32 = arith.constant 0 : i32
      %dma_wait3A_33 = tpu.memref_slice %arg2[%mul3A_4, %dma_wait3A_32] : memref<1024x32768xf32, #tpu.memory_space<hbm>> -> memref<1x32768xf32, #tpu.memory_space<hbm>>
      %dma_wait3A_34 = tpu.memref_squeeze %dma_wait3A_33 : memref<1x32768xf32, #tpu.memory_space<hbm>> -> memref<32768xf32, #tpu.memory_space<hbm>>
      tpu.wait_dma2 semaphore(%arg14 : memref<!tpu.dma_semaphore, #tpu.memory_space<semaphore_mem>>) src(%dma_wait3A_34 : memref<32768xf32, #tpu.memory_space<hbm>>) dst(%dma_wait3A_31 : memref<32768xf32, #tpu.memory_space<vmem>>)
      %add3A_35 = arith.addi %mul3A_4, %mul3A_25 : i32
      %add3A_36 = arith.constant 1 : i32
      %add3A_37 = arith.addi %add3A_35, %add3A_36 : i32
      %dma_start3A_38 = arith.constant 0 : i32
      %dma_start3A_39 = tpu.memref_slice %arg5[%dma_start3A_38] : memref<32784xf32, #tpu.memory_space<vmem>> -> memref<32768xf32, #tpu.memory_space<vmem>>
      %dma_start3A_40 = arith.constant 0 : i32
      %dma_start3A_41 = tpu.memref_slice %arg2[%add3A_37, %dma_start3A_40] : memref<1024x32768xf32, #tpu.memory_space<hbm>> -> memref<1x32768xf32, #tpu.memory_space<hbm>>
      %dma_start3A_42 = tpu.memref_squeeze %dma_start3A_41 : memref<1x32768xf32, #tpu.memory_space<hbm>> -> memref<32768xf32, #tpu.memory_space<hbm>>
      %dma_start3A_43 = arith.constant 0 : i32
      %dma_start3A_44 = tpu.memref_slice %arg5[%dma_start3A_43] : memref<32784xf32, #tpu.memory_space<vmem>> -> memref<32768xf32, #tpu.memory_space<vmem>>
      %dma_start3A_45 = arith.constant 0 : i32
      %dma_start3A_46 = tpu.memref_slice %arg2[%add3A_37, %dma_start3A_45] : memref<1024x32768xf32, #tpu.memory_space<hbm>> -> memref<1x32768xf32, #tpu.memory_space<hbm>>
      %dma_start3A_47 = tpu.memref_squeeze %dma_start3A_46 : memref<1x32768xf32, #tpu.memory_space<hbm>> -> memref<32768xf32, #tpu.memory_space<hbm>>
      tpu.enqueue_dma source(%dma_start3A_47 : memref<32768xf32, #tpu.memory_space<hbm>>) target(%dma_start3A_44 : memref<32768xf32, #tpu.memory_space<vmem>>) target_semaphore(%arg15 : memref<!tpu.dma_semaphore, #tpu.memory_space<semaphore_mem>>)
      %broadcast_in_dim3A = arith.constant 0xFF800000 : f32
      %broadcast_in_dim3A_48 = vector.broadcast %broadcast_in_dim3A : f32 to vector<16xf32>
      %broadcast_in_dim3A_49 = arith.constant 2147483647 : i32
      %broadcast_in_dim3A_50 = vector.broadcast %broadcast_in_dim3A_49 : i32 to vector<16xi32>
      %broadcast_in_dim3A_51 = arith.constant 0 : i32
      %broadcast_in_dim3A_52 = vector.broadcast %broadcast_in_dim3A_51 : i32 to vector<16xi32>
      %broadcast_in_dim3A_53 = arith.constant 0.000000e+00 : f32
      %broadcast_in_dim3A_54 = vector.broadcast %broadcast_in_dim3A_53 : f32 to vector<16xf32>
      %swap3A = arith.constant 0 : index
      %swap3A_55 = tpu.vector_load %arg11[%swap3A] {strides = array<i32>} : memref<8208xf32, #tpu.memory_space<vmem>>, vector<16xf32>,
      tpu.vector_store %arg11[%swap3A], %broadcast_in_dim3A_48 {strides = array<i32>} : memref<8208xf32, #tpu.memory_space<vmem>>, vector<16xf32>,
      %swap3A_56 = arith.constant 16 : index
      %swap3A_57 = tpu.vector_load %arg11[%swap3A_56] {strides = array<i32>} : memref<8208xf32, #tpu.memory_space<vmem>>, vector<16xf32>,
      tpu.vector_store %arg11[%swap3A_56], %broadcast_in_dim3A_48 {strides = array<i32>} : memref<8208xf32, #tpu.memory_space<vmem>>, vector<16xf32>,
      %swap3A_58 = arith.constant 32 : index
      %swap3A_59 = tpu.vector_load %arg11[%swap3A_58] {strides = array<i32>} : memref<8208xf32, #tpu.memory_space<vmem>>, vector<16xf32>,
      tpu.vector_store %arg11[%swap3A_58], %broadcast_in_dim3A_48 {strides = array<i32>} : memref<8208xf32, #tpu.memory_space<vmem>>, vector<16xf32>,
      %swap3A_60 = arith.constant 48 : index
      %swap3A_61 = tpu.vector_load %arg11[%swap3A_60] {strides = array<i32>} : memref<8208xf32, #tpu.memory_space<vmem>>, vector<16xf32>,
      tpu.vector_store %arg11[%swap3A_60], %broadcast_in_dim3A_48 {strides = array<i32>} : memref<8208xf32, #tpu.memory_space<vmem>>, vector<16xf32>,
      %swap3A_62 = arith.constant 64 : index
      %swap3A_63 = tpu.vector_load %arg11[%swap3A_62] {strides = array<i32>} : memref<8208xf32, #tpu.memory_space<vmem>>, vector<16xf32>,
      tpu.vector_store %arg11[%swap3A_62], %broadcast_in_dim3A_48 {strides = array<i32>} : memref<8208xf32, #tpu.memory_space<vmem>>, vector<16xf32>,
      %swap3A_64 = arith.constant 80 : index
      %swap3A_65 = tpu.vector_load %arg11[%swap3A_64] {strides = array<i32>} : memref<8208xf32, #tpu.memory_space<vmem>>, vector<16xf32>,
      tpu.vector_store %arg11[%swap3A_64], %broadcast_in_dim3A_48 {strides = array<i32>} : memref<8208xf32, #tpu.memory_space<vmem>>, vector<16xf32>,
      %swap3A_66 = arith.constant 96 : index
      %swap3A_67 = tpu.vector_load %arg11[%swap3A_66] {strides = array<i32>} : memref<8208xf32, #tpu.memory_space<vmem>>, vector<16xf32>,
      tpu.vector_store %arg11[%swap3A_66], %broadcast_in_dim3A_48 {strides = array<i32>} : memref<8208xf32, #tpu.memory_space<vmem>>, vector<16xf32>,
      %swap3A_68 = arith.constant 112 : index
      %swap3A_69 = tpu.vector_load %arg11[%swap3A_68] {strides = array<i32>} : memref<8208xf32, #tpu.memory_space<vmem>>, vector<16xf32>,
      tpu.vector_store %arg11[%swap3A_68], %broadcast_in_dim3A_48 {strides = array<i32>} : memref<8208xf32, #tpu.memory_space<vmem>>, vector<16xf32>,
      %scan3A_70 = arith.constant 0 : i32
      %scan3A_71 = arith.constant 128 : i32
      %scan3A_72 = arith.addi %scan3A_70, %scan3A_71 : i32
      %scan3A_73 = arith.constant 1 : i32
      %scan3A_74:2 = scf.for %scan3A_1045 = %scan3A_70 to %scan3A_72 step %scan3A_73 iter_args(%scan3A_1046 = %broadcast_in_dim3A_48, %scan3A_1047 = %broadcast_in_dim3A_48) -> (vector<16xf32>, vector<16xf32>)  : i32 {
        %mul3A_1048 = arith.constant 2 : i32
        %mul3A_1049 = arith.muli %scan3A_1045, %mul3A_1048 : i32
        %mul3A_1050 = arith.constant 8 : i32
        %mul3A_1051 = arith.muli %mul3A_1049, %mul3A_1050 : i32
        %add3A_1052 = arith.constant 0 : i32
        %add3A_1053 = arith.addi %mul3A_1051, %add3A_1052 : i32
        %mul3A_1054 = arith.constant 16 : i32
        %mul3A_1055 = arith.muli %add3A_1053, %mul3A_1054 : i32
        %get3A = arith.index_cast %mul3A_1055 : i32 to index
        %get3A_1056 = tpu.vector_load %arg4[%get3A] {strides = array<i32>} : memref<32784xf32, #tpu.memory_space<vmem>>, vector<16xf32>,
        %mul3A_1057 = arith.constant 2 : i32
        %mul3A_1058 = arith.muli %scan3A_1045, %mul3A_1057 : i32
        %mul3A_1059 = arith.constant 8 : i32
        %mul3A_1060 = arith.muli %mul3A_1058, %mul3A_1059 : i32
        %add3A_1061 = arith.constant 1 : i32
        %add3A_1062 = arith.addi %mul3A_1060, %add3A_1061 : i32
        %mul3A_1063 = arith.constant 16 : i32
        %mul3A_1064 = arith.muli %add3A_1062, %mul3A_1063 : i32
        %get3A_1065 = arith.index_cast %mul3A_1064 : i32 to index
        %get3A_1066 = tpu.vector_load %arg4[%get3A_1065] {strides = array<i32>} : memref<32784xf32, #tpu.memory_space<vmem>>, vector<16xf32>,
        %mul3A_1067 = arith.constant 2 : i32
        %mul3A_1068 = arith.muli %scan3A_1045, %mul3A_1067 : i32
        %mul3A_1069 = arith.constant 8 : i32
        %mul3A_1070 = arith.muli %mul3A_1068, %mul3A_1069 : i32
        %add3A_1071 = arith.constant 2 : i32
        %add3A_1072 = arith.addi %mul3A_1070, %add3A_1071 : i32
        %mul3A_1073 = arith.constant 16 : i32
        %mul3A_1074 = arith.muli %add3A_1072, %mul3A_1073 : i32
        %get3A_1075 = arith.index_cast %mul3A_1074 : i32 to index
        %get3A_1076 = tpu.vector_load %arg4[%get3A_1075] {strides = array<i32>} : memref<32784xf32, #tpu.memory_space<vmem>>, vector<16xf32>,
        %mul3A_1077 = arith.constant 2 : i32
        %mul3A_1078 = arith.muli %scan3A_1045, %mul3A_1077 : i32
        %mul3A_1079 = arith.constant 8 : i32
        %mul3A_1080 = arith.muli %mul3A_1078, %mul3A_1079 : i32
        %add3A_1081 = arith.constant 3 : i32
        %add3A_1082 = arith.addi %mul3A_1080, %add3A_1081 : i32
        %mul3A_1083 = arith.constant 16 : i32
        %mul3A_1084 = arith.muli %add3A_1082, %mul3A_1083 : i32
        %get3A_1085 = arith.index_cast %mul3A_1084 : i32 to index
        %get3A_1086 = tpu.vector_load %arg4[%get3A_1085] {strides = array<i32>} : memref<32784xf32, #tpu.memory_space<vmem>>, vector<16xf32>,
        %mul3A_1087 = arith.constant 2 : i32
        %mul3A_1088 = arith.muli %scan3A_1045, %mul3A_1087 : i32
        %mul3A_1089 = arith.constant 8 : i32
        %mul3A_1090 = arith.muli %mul3A_1088, %mul3A_1089 : i32
        %add3A_1091 = arith.constant 4 : i32
        %add3A_1092 = arith.addi %mul3A_1090, %add3A_1091 : i32
        %mul3A_1093 = arith.constant 16 : i32
        %mul3A_1094 = arith.muli %add3A_1092, %mul3A_1093 : i32
        %get3A_1095 = arith.index_cast %mul3A_1094 : i32 to index
        %get3A_1096 = tpu.vector_load %arg4[%get3A_1095] {strides = array<i32>} : memref<32784xf32, #tpu.memory_space<vmem>>, vector<16xf32>,
        %mul3A_1097 = arith.constant 2 : i32
        %mul3A_1098 = arith.muli %scan3A_1045, %mul3A_1097 : i32
        %mul3A_1099 = arith.constant 8 : i32
        %mul3A_1100 = arith.muli %mul3A_1098, %mul3A_1099 : i32
        %add3A_1101 = arith.constant 5 : i32
        %add3A_1102 = arith.addi %mul3A_1100, %add3A_1101 : i32
        %mul3A_1103 = arith.constant 16 : i32
        %mul3A_1104 = arith.muli %add3A_1102, %mul3A_1103 : i32
        %get3A_1105 = arith.index_cast %mul3A_1104 : i32 to index
        %get3A_1106 = tpu.vector_load %arg4[%get3A_1105] {strides = array<i32>} : memref<32784xf32, #tpu.memory_space<vmem>>, vector<16xf32>,
        %mul3A_1107 = arith.constant 2 : i32
        %mul3A_1108 = arith.muli %scan3A_1045, %mul3A_1107 : i32
        %mul3A_1109 = arith.constant 8 : i32
        %mul3A_1110 = arith.muli %mul3A_1108, %mul3A_1109 : i32
        %add3A_1111 = arith.constant 6 : i32
        %add3A_1112 = arith.addi %mul3A_1110, %add3A_1111 : i32
        %mul3A_1113 = arith.constant 16 : i32
        %mul3A_1114 = arith.muli %add3A_1112, %mul3A_1113 : i32
        %get3A_1115 = arith.index_cast %mul3A_1114 : i32 to index
        %get3A_1116 = tpu.vector_load %arg4[%get3A_1115] {strides = array<i32>} : memref<32784xf32, #tpu.memory_space<vmem>>, vector<16xf32>,
        %mul3A_1117 = arith.constant 2 : i32
        %mul3A_1118 = arith.muli %scan3A_1045, %mul3A_1117 : i32
        %mul3A_1119 = arith.constant 8 : i32
        %mul3A_1120 = arith.muli %mul3A_1118, %mul3A_1119 : i32
        %add3A_1121 = arith.constant 7 : i32
        %add3A_1122 = arith.addi %mul3A_1120, %add3A_1121 : i32
        %mul3A_1123 = arith.constant 16 : i32
        %mul3A_1124 = arith.muli %add3A_1122, %mul3A_1123 : i32
        %get3A_1125 = arith.index_cast %mul3A_1124 : i32 to index
        %get3A_1126 = tpu.vector_load %arg4[%get3A_1125] {strides = array<i32>} : memref<32784xf32, #tpu.memory_space<vmem>>, vector<16xf32>,
        %mul3A_1127 = arith.constant 2 : i32
        %mul3A_1128 = arith.muli %scan3A_1045, %mul3A_1127 : i32
        %mul3A_1129 = arith.constant 8 : i32
        %mul3A_1130 = arith.muli %mul3A_1128, %mul3A_1129 : i32
        %add3A_1131 = arith.constant 8 : i32
        %add3A_1132 = arith.addi %mul3A_1130, %add3A_1131 : i32
        %mul3A_1133 = arith.constant 16 : i32
        %mul3A_1134 = arith.muli %add3A_1132, %mul3A_1133 : i32
        %get3A_1135 = arith.index_cast %mul3A_1134 : i32 to index
        %get3A_1136 = tpu.vector_load %arg4[%get3A_1135] {strides = array<i32>} : memref<32784xf32, #tpu.memory_space<vmem>>, vector<16xf32>,
        %mul3A_1137 = arith.constant 2 : i32
        %mul3A_1138 = arith.muli %scan3A_1045, %mul3A_1137 : i32
        %mul3A_1139 = arith.constant 8 : i32
        %mul3A_1140 = arith.muli %mul3A_1138, %mul3A_1139 : i32
        %add3A_1141 = arith.constant 9 : i32
        %add3A_1142 = arith.addi %mul3A_1140, %add3A_1141 : i32
        %mul3A_1143 = arith.constant 16 : i32
        %mul3A_1144 = arith.muli %add3A_1142, %mul3A_1143 : i32
        %get3A_1145 = arith.index_cast %mul3A_1144 : i32 to index
        %get3A_1146 = tpu.vector_load %arg4[%get3A_1145] {strides = array<i32>} : memref<32784xf32, #tpu.memory_space<vmem>>, vector<16xf32>,
        %mul3A_1147 = arith.constant 2 : i32
        %mul3A_1148 = arith.muli %scan3A_1045, %mul3A_1147 : i32
        %mul3A_1149 = arith.constant 8 : i32
        %mul3A_1150 = arith.muli %mul3A_1148, %mul3A_1149 : i32
        %add3A_1151 = arith.constant 10 : i32
        %add3A_1152 = arith.addi %mul3A_1150, %add3A_1151 : i32
        %mul3A_1153 = arith.constant 16 : i32
        %mul3A_1154 = arith.muli %add3A_1152, %mul3A_1153 : i32
        %get3A_1155 = arith.index_cast %mul3A_1154 : i32 to index
        %get3A_1156 = tpu.vector_load %arg4[%get3A_1155] {strides = array<i32>} : memref<32784xf32, #tpu.memory_space<vmem>>, vector<16xf32>,
        %mul3A_1157 = arith.constant 2 : i32
        %mul3A_1158 = arith.muli %scan3A_1045, %mul3A_1157 : i32
        %mul3A_1159 = arith.constant 8 : i32
        %mul3A_1160 = arith.muli %mul3A_1158, %mul3A_1159 : i32
        %add3A_1161 = arith.constant 11 : i32
        %add3A_1162 = arith.addi %mul3A_1160, %add3A_1161 : i32
        %mul3A_1163 = arith.constant 16 : i32
        %mul3A_1164 = arith.muli %add3A_1162, %mul3A_1163 : i32
        %get3A_1165 = arith.index_cast %mul3A_1164 : i32 to index
        %get3A_1166 = tpu.vector_load %arg4[%get3A_1165] {strides = array<i32>} : memref<32784xf32, #tpu.memory_space<vmem>>, vector<16xf32>,
        %mul3A_1167 = arith.constant 2 : i32
        %mul3A_1168 = arith.muli %scan3A_1045, %mul3A_1167 : i32
        %mul3A_1169 = arith.constant 8 : i32
        %mul3A_1170 = arith.muli %mul3A_1168, %mul3A_1169 : i32
        %add3A_1171 = arith.constant 12 : i32
        %add3A_1172 = arith.addi %mul3A_1170, %add3A_1171 : i32
        %mul3A_1173 = arith.constant 16 : i32
        %mul3A_1174 = arith.muli %add3A_1172, %mul3A_1173 : i32
        %get3A_1175 = arith.index_cast %mul3A_1174 : i32 to index
        %get3A_1176 = tpu.vector_load %arg4[%get3A_1175] {strides = array<i32>} : memref<32784xf32, #tpu.memory_space<vmem>>, vector<16xf32>,
        %mul3A_1177 = arith.constant 2 : i32
        %mul3A_1178 = arith.muli %scan3A_1045, %mul3A_1177 : i32
        %mul3A_1179 = arith.constant 8 : i32
        %mul3A_1180 = arith.muli %mul3A_1178, %mul3A_1179 : i32
        %add3A_1181 = arith.constant 13 : i32
        %add3A_1182 = arith.addi %mul3A_1180, %add3A_1181 : i32
        %mul3A_1183 = arith.constant 16 : i32
        %mul3A_1184 = arith.muli %add3A_1182, %mul3A_1183 : i32
        %get3A_1185 = arith.index_cast %mul3A_1184 : i32 to index
        %get3A_1186 = tpu.vector_load %arg4[%get3A_1185] {strides = array<i32>} : memref<32784xf32, #tpu.memory_space<vmem>>, vector<16xf32>,
        %mul3A_1187 = arith.constant 2 : i32
        %mul3A_1188 = arith.muli %scan3A_1045, %mul3A_1187 : i32
        %mul3A_1189 = arith.constant 8 : i32
        %mul3A_1190 = arith.muli %mul3A_1188, %mul3A_1189 : i32
        %add3A_1191 = arith.constant 14 : i32
        %add3A_1192 = arith.addi %mul3A_1190, %add3A_1191 : i32
        %mul3A_1193 = arith.constant 16 : i32
        %mul3A_1194 = arith.muli %add3A_1192, %mul3A_1193 : i32
        %get3A_1195 = arith.index_cast %mul3A_1194 : i32 to index
        %get3A_1196 = tpu.vector_load %arg4[%get3A_1195] {strides = array<i32>} : memref<32784xf32, #tpu.memory_space<vmem>>, vector<16xf32>,
        %mul3A_1197 = arith.constant 2 : i32
        %mul3A_1198 = arith.muli %scan3A_1045, %mul3A_1197 : i32
        %mul3A_1199 = arith.constant 8 : i32
        %mul3A_1200 = arith.muli %mul3A_1198, %mul3A_1199 : i32
        %add3A_1201 = arith.constant 15 : i32
        %add3A_1202 = arith.addi %mul3A_1200, %add3A_1201 : i32
        %mul3A_1203 = arith.constant 16 : i32
        %mul3A_1204 = arith.muli %add3A_1202, %mul3A_1203 : i32
        %get3A_1205 = arith.index_cast %mul3A_1204 : i32 to index
        %get3A_1206 = tpu.vector_load %arg4[%get3A_1205] {strides = array<i32>} : memref<32784xf32, #tpu.memory_space<vmem>>, vector<16xf32>,
        %max3A_1207 = arith.maximumf %get3A_1056, %get3A_1066 : vector<16xf32>
        %max3A_1208 = arith.maximumf %get3A_1076, %get3A_1086 : vector<16xf32>
        %max3A_1209 = arith.maximumf %get3A_1096, %get3A_1106 : vector<16xf32>
        %max3A_1210 = arith.maximumf %get3A_1116, %get3A_1126 : vector<16xf32>
        %max3A_1211 = arith.maximumf %max3A_1207, %max3A_1208 : vector<16xf32>
        %max3A_1212 = arith.maximumf %max3A_1209, %max3A_1210 : vector<16xf32>
        %max3A_1213 = arith.maximumf %max3A_1211, %max3A_1212 : vector<16xf32>
        %max3A_1214 = arith.maximumf %get3A_1136, %get3A_1146 : vector<16xf32>
        %max3A_1215 = arith.maximumf %get3A_1156, %get3A_1166 : vector<16xf32>
        %max3A_1216 = arith.maximumf %get3A_1176, %get3A_1186 : vector<16xf32>
        %max3A_1217 = arith.maximumf %get3A_1196, %get3A_1206 : vector<16xf32>
        %max3A_1218 = arith.maximumf %max3A_1214, %max3A_1215 : vector<16xf32>
        %max3A_1219 = arith.maximumf %max3A_1216, %max3A_1217 : vector<16xf32>
        %max3A_1220 = arith.maximumf %max3A_1218, %max3A_1219 : vector<16xf32>
        %mul3A_1221 = arith.constant 2 : i32
        %mul3A_1222 = arith.muli %mul3A_1221, %scan3A_1045 : i32
        %mul3A_1223 = arith.constant 16 : i32
        %mul3A_1224 = arith.muli %mul3A_1222, %mul3A_1223 : i32
        %swap3A_1225 = arith.index_cast %mul3A_1224 : i32 to index
        %swap3A_1226 = tpu.vector_load %arg6[%swap3A_1225] {strides = array<i32>} : memref<4096xf32, #tpu.memory_space<vmem>>, vector<16xf32>,
        tpu.vector_store %arg6[%swap3A_1225], %max3A_1213 {strides = array<i32>} : memref<4096xf32, #tpu.memory_space<vmem>>, vector<16xf32>,
        %mul3A_1227 = arith.constant 2 : i32
        %mul3A_1228 = arith.muli %mul3A_1227, %scan3A_1045 : i32
        %add3A_1229 = arith.constant 1 : i32
        %add3A_1230 = arith.addi %mul3A_1228, %add3A_1229 : i32
        %mul3A_1231 = arith.constant 16 : i32
        %mul3A_1232 = arith.muli %add3A_1230, %mul3A_1231 : i32
        %swap3A_1233 = arith.index_cast %mul3A_1232 : i32 to index
        %swap3A_1234 = tpu.vector_load %arg6[%swap3A_1233] {strides = array<i32>} : memref<4096xf32, #tpu.memory_space<vmem>>, vector<16xf32>,
        tpu.vector_store %arg6[%swap3A_1233], %max3A_1220 {strides = array<i32>} : memref<4096xf32, #tpu.memory_space<vmem>>, vector<16xf32>,
        %max3A_1235 = arith.maximumf %scan3A_1046, %max3A_1213 : vector<16xf32>
        %max3A_1236 = arith.maximumf %scan3A_1047, %max3A_1220 : vector<16xf32>
        scf.yield %max3A_1235, %max3A_1236 : vector<16xf32>, vector<16xf32>
      }
      %scan3A_75 = arith.constant 128 : i32
      %min3A = arith.minimumf %scan3A_74#0, %scan3A_74#1 : vector<16xf32>
      %xor3A = arith.constant 8 : i32
      %xor3A_76 = vector.broadcast %xor3A : i32 to vector<16xi32>
      %xor3A_77 = arith.xori %iota3A, %xor3A_76 : vector<16xi32>
      %lt3A = arith.constant 0 : i32
      %lt3A_78 = vector.broadcast %lt3A : i32 to vector<16xi32>
      %lt3A_79 = arith.cmpi slt, %xor3A_77, %lt3A_78 : vector<16xi32>
      %add3A_80 = arith.constant 16 : i32
      %add3A_81 = vector.broadcast %add3A_80 : i32 to vector<16xi32>
      %add3A_82 = arith.addi %xor3A_77, %add3A_81 : vector<16xi32>
      %select_n3A = arith.select %lt3A_79, %add3A_82, %xor3A_77 : vector<16xi1>, vector<16xi32>
      %broadcast_in_dim3A_83 = vector.shape_cast %select_n3A : vector<16xi32> to vector<16x1xi32>
      %gather3A = vector.shape_cast %broadcast_in_dim3A_83 : vector<16x1xi32> to vector<16xi32>
      %gather3A_84 = tpu.dynamic_gather %min3A[%gather3A] in [0] : vector<16xf32>, vector<16xi32> -> vector<16xf32>
      %min3A_85 = arith.minimumf %min3A, %gather3A_84 : vector<16xf32>
      %xor3A_86 = arith.constant 4 : i32
      %xor3A_87 = vector.broadcast %xor3A_86 : i32 to vector<16xi32>
      %xor3A_88 = arith.xori %iota3A, %xor3A_87 : vector<16xi32>
      %lt3A_89 = arith.constant 0 : i32
      %lt3A_90 = vector.broadcast %lt3A_89 : i32 to vector<16xi32>
      %lt3A_91 = arith.cmpi slt, %xor3A_88, %lt3A_90 : vector<16xi32>
      %add3A_92 = arith.constant 16 : i32
      %add3A_93 = vector.broadcast %add3A_92 : i32 to vector<16xi32>
      %add3A_94 = arith.addi %xor3A_88, %add3A_93 : vector<16xi32>
      %select_n3A_95 = arith.select %lt3A_91, %add3A_94, %xor3A_88 : vector<16xi1>, vector<16xi32>
      %broadcast_in_dim3A_96 = vector.shape_cast %select_n3A_95 : vector<16xi32> to vector<16x1xi32>
      %gather3A_97 = vector.shape_cast %broadcast_in_dim3A_96 : vector<16x1xi32> to vector<16xi32>
      %gather3A_98 = tpu.dynamic_gather %min3A_85[%gather3A_97] in [0] : vector<16xf32>, vector<16xi32> -> vector<16xf32>
      %min3A_99 = arith.minimumf %min3A_85, %gather3A_98 : vector<16xf32>
      %xor3A_100 = arith.constant 2 : i32
      %xor3A_101 = vector.broadcast %xor3A_100 : i32 to vector<16xi32>
      %xor3A_102 = arith.xori %iota3A, %xor3A_101 : vector<16xi32>
      %lt3A_103 = arith.constant 0 : i32
      %lt3A_104 = vector.broadcast %lt3A_103 : i32 to vector<16xi32>
      %lt3A_105 = arith.cmpi slt, %xor3A_102, %lt3A_104 : vector<16xi32>
      %add3A_106 = arith.constant 16 : i32
      %add3A_107 = vector.broadcast %add3A_106 : i32 to vector<16xi32>
      %add3A_108 = arith.addi %xor3A_102, %add3A_107 : vector<16xi32>
      %select_n3A_109 = arith.select %lt3A_105, %add3A_108, %xor3A_102 : vector<16xi1>, vector<16xi32>
      %broadcast_in_dim3A_110 = vector.shape_cast %select_n3A_109 : vector<16xi32> to vector<16x1xi32>
      %gather3A_111 = vector.shape_cast %broadcast_in_dim3A_110 : vector<16x1xi32> to vector<16xi32>
      %gather3A_112 = tpu.dynamic_gather %min3A_99[%gather3A_111] in [0] : vector<16xf32>, vector<16xi32> -> vector<16xf32>
      %min3A_113 = arith.minimumf %min3A_99, %gather3A_112 : vector<16xf32>
      %xor3A_114 = arith.constant 1 : i32
      %xor3A_115 = vector.broadcast %xor3A_114 : i32 to vector<16xi32>
      %xor3A_116 = arith.xori %iota3A, %xor3A_115 : vector<16xi32>
      %lt3A_117 = arith.constant 0 : i32
      %lt3A_118 = vector.broadcast %lt3A_117 : i32 to vector<16xi32>
      %lt3A_119 = arith.cmpi slt, %xor3A_116, %lt3A_118 : vector<16xi32>
      %add3A_120 = arith.constant 16 : i32
      %add3A_121 = vector.broadcast %add3A_120 : i32 to vector<16xi32>
      %add3A_122 = arith.addi %xor3A_116, %add3A_121 : vector<16xi32>
      %select_n3A_123 = arith.select %lt3A_119, %add3A_122, %xor3A_116 : vector<16xi1>, vector<16xi32>
      %broadcast_in_dim3A_124 = vector.shape_cast %select_n3A_123 : vector<16xi32> to vector<16x1xi32>
      %gather3A_125 = vector.shape_cast %broadcast_in_dim3A_124 : vector<16x1xi32> to vector<16xi32>
      %gather3A_126 = tpu.dynamic_gather %min3A_113[%gather3A_125] in [0] : vector<16xf32>, vector<16xi32> -> vector<16xf32>
      %min3A_127 = arith.minimumf %min3A_113, %gather3A_126 : vector<16xf32>
      %scan3A_128 = arith.constant 0 : i32
      %scan3A_129 = arith.constant 0 : i32
      %scan3A_130 = arith.constant 256 : i32
      %scan3A_131 = arith.addi %scan3A_129, %scan3A_130 : i32
      %scan3A_132 = arith.constant 1 : i32
      scf.for %scan3A_1045 = %scan3A_129 to %scan3A_131 step %scan3A_132  : i32 {
        %mul3A_1046 = arith.constant 16 : i32
        %mul3A_1047 = arith.muli %scan3A_1045, %mul3A_1046 : i32
        %get3A = arith.index_cast %mul3A_1047 : i32 to index
        %get3A_1048 = tpu.vector_load %arg6[%get3A] {strides = array<i32>} : memref<4096xf32, #tpu.memory_space<vmem>>, vector<16xf32>,
        %ge3A = arith.cmpf oge, %get3A_1048, %min3A_127 : vector<16xf32>
        %all_reduce_population_count3A = tpu.all_reduce %ge3A {dim = 0 : i64, kind = #tpu.reduction_kind<sum>} : vector<16xi1> -> vector<16xi32>
        %mul3A_1049 = arith.constant 16 : i32
        %mul3A_1050 = arith.muli %scan3A_1045, %mul3A_1049 : i32
        %mul3A_1051 = arith.constant 16 : i32
        %mul3A_1052 = arith.muli %scan3A_1045, %mul3A_1051 : i32
        %add3A_1053 = vector.broadcast %mul3A_1052 : i32 to vector<16xi32>
        %add3A_1054 = arith.addi %add3A_1053, %iota3A : vector<16xi32>
        %swap3A_1055 = arith.index_cast %mul3A_1050 : i32 to index
        %swap3A_1056 = tpu.vector_load %arg7[%swap3A_1055] masked %ge3A {strides = array<i32>} : memref<4096xi32, #tpu.memory_space<vmem>>, vector<16xi32>, vector<16xi1>
        tpu.vector_store %arg7[%swap3A_1055], %add3A_1054 masked %ge3A {strides = array<i32>} : memref<4096xi32, #tpu.memory_space<vmem>>, vector<16xi32>, vector<16xi1>
        %add3A_1057 = vector.broadcast %scan3A_1045 : i32 to vector<16xi32>
        %add3A_1058 = arith.addi %broadcast_in_dim3A_52, %add3A_1057 : vector<16xi32>
        tpu.vector_store_idx %arg8[%add3A_1058], %all_reduce_population_count3A masked %eq3A_2 : memref<256xi32, #tpu.memory_space<vmem>>[vector<16xi32>], vector<16xi32>, vector<16xi1>
      }
      %scan3A_133 = arith.constant 256 : i32
      %scan3A_134 = arith.constant 0 : i32
      %scan3A_135 = arith.constant 16 : i32
      %scan3A_136 = arith.addi %scan3A_134, %scan3A_135 : i32
      %scan3A_137 = arith.constant 1 : i32
      %scan3A_138 = scf.for %scan3A_1045 = %scan3A_134 to %scan3A_136 step %scan3A_137 iter_args(%scan3A_1046 = %broadcast_in_dim3A_52) -> (vector<16xi32>)  : i32 {
        %mul3A_1047 = arith.constant 16 : i32
        %mul3A_1048 = arith.muli %scan3A_1045, %mul3A_1047 : i32
        %get3A = arith.index_cast %mul3A_1048 : i32 to index
        %get3A_1049 = tpu.vector_load %arg8[%get3A] {strides = array<i32>} : memref<256xi32, #tpu.memory_space<vmem>>, vector<16xi32>,
        %gt3A = arith.constant 0 : i32
        %gt3A_1050 = vector.broadcast %gt3A : i32 to vector<16xi32>
        %gt3A_1051 = arith.cmpi sgt, %get3A_1049, %gt3A_1050 : vector<16xi32>
        %jit3A = arith.constant 1 : i32
        %jit3A_1052 = arith.constant 0 : i32
        %broadcast_in_dim3A_1053 = vector.broadcast %jit3A : i32 to vector<16xi32>
        %broadcast_in_dim3A_1054 = vector.broadcast %jit3A_1052 : i32 to vector<16xi32>
        %select_n3A_1055 = arith.select %gt3A_1051, %broadcast_in_dim3A_1053, %broadcast_in_dim3A_1054 : vector<16xi1>, vector<16xi32>
        %broadcast_in_dim3A_1056 = arith.constant true
        %broadcast_in_dim3A_1057 = vector.broadcast %broadcast_in_dim3A_1056 : i1 to vector<16xi1>
        %masked_cumsum3A = tpu.scan <sum>, %select_n3A_1055 masked %broadcast_in_dim3A_1057 : vector<16xi32>, vector<16xi1> -> vector<16xi32>
        %add3A_1058 = arith.addi %scan3A_1046, %masked_cumsum3A : vector<16xi32>
        %sub3A_1059 = arith.constant 1 : i32
        %sub3A_1060 = vector.broadcast %sub3A_1059 : i32 to vector<16xi32>
        %sub3A_1061 = arith.subi %add3A_1058, %sub3A_1060 : vector<16xi32>
        %mul3A_1062 = arith.constant 16 : i32
        %mul3A_1063 = arith.muli %scan3A_1045, %mul3A_1062 : i32
        %add3A_1064 = vector.broadcast %mul3A_1063 : i32 to vector<16xi32>
        %add3A_1065 = arith.addi %add3A_1064, %iota3A : vector<16xi32>
        %mul3A_1066 = arith.constant 32 : i32
        %mul3A_1067 = vector.broadcast %mul3A_1066 : i32 to vector<16xi32>
        %mul3A_1068 = arith.muli %add3A_1065, %mul3A_1067 : vector<16xi32>
        %add3A_1069 = arith.addi %mul3A_1068, %get3A_1049 : vector<16xi32>
        tpu.vector_store_idx %arg9[%sub3A_1061], %add3A_1069 masked %gt3A_1051 : memref<272xi32, #tpu.memory_space<vmem>>[vector<16xi32>], vector<16xi32>, vector<16xi1>
        %all_reduce_population_count3A = tpu.all_reduce %gt3A_1051 {dim = 0 : i64, kind = #tpu.reduction_kind<sum>} : vector<16xi1> -> vector<16xi32>
        %add3A_1070 = arith.addi %scan3A_1046, %all_reduce_population_count3A : vector<16xi32>
        scf.yield %add3A_1070 : vector<16xi32>
      }
      %scan3A_139 = arith.constant 16 : i32
      %slice3A = vector.extract_strided_slice %scan3A_138 {offsets = [0], sizes = [1], strides = [1]} : vector<16xi32> to vector<1xi32>
      %squeeze3A = vector.extract %slice3A[0] : i32 from vector<1xi32>
      %while3A = arith.constant 0 : i32
      %while3A_140 = arith.constant 0 : i32
      %while3A_141 = arith.subi %squeeze3A, %while3A : i32
      %while3A_142 = arith.addi %while3A, %while3A_141 : i32
      %while3A_143 = arith.constant 1 : i32
      %while3A_144 = arith.divsi %while3A_141, %while3A_143 : i32
      %while3A_145 = arith.muli %while3A_144, %while3A_143 : i32
      %while3A_146 = arith.addi %while3A, %while3A_145 : i32
      %while3A_147 = arith.constant 1 : i32
      %while3A_148 = scf.for %while3A_1045 = %while3A to %while3A_146 step %while3A_147 iter_args(%while3A_1046 = %while3A_140) -> (i32)  : i32 {
        %get3A = arith.index_cast %while3A_1045 : i32 to index
        %get3A_1047 = tpu.vector_load %arg9[%get3A] {strides = array<i32>} : memref<272xi32, #tpu.memory_space<vmem>>, vector<16xi32>,
        %slice3A_1048 = vector.extract_strided_slice %get3A_1047 {offsets = [0], sizes = [1], strides = [1]} : vector<16xi32> to vector<1xi32>
        %squeeze3A_1049 = vector.extract %slice3A_1048[0] : i32 from vector<1xi32>
        %shift_right_logical3A_1050 = arith.constant 5 : i32
        %shift_right_logical3A_1051 = arith.shrui %squeeze3A_1049, %shift_right_logical3A_1050 : i32
        %and3A_1052 = arith.constant 31 : i32
        %and3A_1053 = arith.andi %squeeze3A_1049, %and3A_1052 : i32
        %mul3A_1054 = arith.constant 16 : i32
        %mul3A_1055 = arith.muli %shift_right_logical3A_1051, %mul3A_1054 : i32
        %get3A_1056 = arith.index_cast %mul3A_1055 : i32 to index
        %get3A_1057 = tpu.vector_load %arg7[%get3A_1056] {strides = array<i32>} : memref<4096xi32, #tpu.memory_space<vmem>>, vector<16xi32>,
        %add3A_1058 = arith.constant 1 : i32
        %add3A_1059 = arith.addi %and3A_1053, %add3A_1058 : i32
        %shift_right_logical3A_1060 = arith.constant 1 : i32
        %shift_right_logical3A_1061 = arith.shrui %add3A_1059, %shift_right_logical3A_1060 : i32
        %while3A_1062 = arith.constant 0 : i32
        %while3A_1063 = arith.subi %shift_right_logical3A_1061, %while3A_1062 : i32
        %while3A_1064 = arith.addi %while3A_1062, %while3A_1063 : i32
        %while3A_1065 = arith.constant 1 : i32
        %while3A_1066 = arith.divsi %while3A_1063, %while3A_1065 : i32
        %while3A_1067 = arith.muli %while3A_1066, %while3A_1065 : i32
        %while3A_1068 = arith.addi %while3A_1062, %while3A_1067 : i32
        %while3A_1069 = arith.constant 1 : i32
        %while3A_1070 = scf.for %while3A_1073 = %while3A_1062 to %while3A_1068 step %while3A_1069 iter_args(%while3A_1074 = %while3A_1046) -> (i32)  : i32 {
          %mul3A_1075 = arith.constant 2 : i32
          %mul3A_1076 = arith.muli %mul3A_1075, %while3A_1073 : i32
          %shift_right_logical3A_1077 = arith.constant 3 : i32
          %shift_right_logical3A_1078 = vector.broadcast %shift_right_logical3A_1077 : i32 to vector<16xi32>
          %shift_right_logical3A_1079 = arith.shrui %iota3A, %shift_right_logical3A_1078 : vector<16xi32>
          %add3A_1080 = vector.broadcast %mul3A_1076 : i32 to vector<16xi32>
          %add3A_1081 = arith.addi %add3A_1080, %shift_right_logical3A_1079 : vector<16xi32>
          %lt3A_1082 = vector.broadcast %and3A_1053 : i32 to vector<16xi32>
          %lt3A_1083 = arith.cmpi slt, %add3A_1081, %lt3A_1082 : vector<16xi32>
          %min3A_1084 = arith.constant 15 : i32
          %min3A_1085 = vector.broadcast %min3A_1084 : i32 to vector<16xi32>
          %min3A_1086 = arith.minsi %add3A_1081, %min3A_1085 : vector<16xi32>
          %lt3A_1087 = arith.constant 0 : i32
          %lt3A_1088 = vector.broadcast %lt3A_1087 : i32 to vector<16xi32>
          %lt3A_1089 = arith.cmpi slt, %min3A_1086, %lt3A_1088 : vector<16xi32>
          %add3A_1090 = arith.constant 16 : i32
          %add3A_1091 = vector.broadcast %add3A_1090 : i32 to vector<16xi32>
          %add3A_1092 = arith.addi %min3A_1086, %add3A_1091 : vector<16xi32>
          %select_n3A_1093 = arith.select %lt3A_1089, %add3A_1092, %min3A_1086 : vector<16xi1>, vector<16xi32>
          %broadcast_in_dim3A_1094 = vector.shape_cast %select_n3A_1093 : vector<16xi32> to vector<16x1xi32>
          %gather3A_1095 = vector.shape_cast %broadcast_in_dim3A_1094 : vector<16x1xi32> to vector<16xi32>
          %gather3A_1096 = tpu.dynamic_gather %get3A_1057[%gather3A_1095] in [0] : vector<16xi32>, vector<16xi32> -> vector<16xi32>
          %and3A_1097 = arith.constant 4095 : i32
          %and3A_1098 = vector.broadcast %and3A_1097 : i32 to vector<16xi32>
          %and3A_1099 = arith.andi %gather3A_1096, %and3A_1098 : vector<16xi32>
          %shift_right_logical3A_1100 = arith.constant 4 : i32
          %shift_right_logical3A_1101 = vector.broadcast %shift_right_logical3A_1100 : i32 to vector<16xi32>
          %shift_right_logical3A_1102 = arith.shrui %and3A_1099, %shift_right_logical3A_1101 : vector<16xi32>
          %mul3A_1103 = arith.constant 128 : i32
          %mul3A_1104 = vector.broadcast %mul3A_1103 : i32 to vector<16xi32>
          %mul3A_1105 = arith.muli %shift_right_logical3A_1102, %mul3A_1104 : vector<16xi32>
          %and3A_1106 = arith.constant 15 : i32
          %and3A_1107 = vector.broadcast %and3A_1106 : i32 to vector<16xi32>
          %and3A_1108 = arith.andi %and3A_1099, %and3A_1107 : vector<16xi32>
          %add3A_1109 = arith.addi %mul3A_1105, %and3A_1108 : vector<16xi32>
          %and3A_1110 = arith.constant 7 : i32
          %and3A_1111 = vector.broadcast %and3A_1110 : i32 to vector<16xi32>
          %and3A_1112 = arith.andi %iota3A, %and3A_1111 : vector<16xi32>
          %mul3A_1113 = arith.constant 16 : i32
          %mul3A_1114 = vector.broadcast %mul3A_1113 : i32 to vector<16xi32>
          %mul3A_1115 = arith.muli %and3A_1112, %mul3A_1114 : vector<16xi32>
          %add3A_1116 = arith.addi %add3A_1109, %mul3A_1115 : vector<16xi32>
          %gather3A_1117 = tpu.vector_load_idx %arg4[%add3A_1116] : memref<32784xf32, #tpu.memory_space<vmem>>[vector<16xi32>], vector<16xf32>,
          %ge3A = arith.cmpf oge, %gather3A_1117, %min3A_127 : vector<16xf32>
          %and3A_1118 = arith.andi %ge3A, %lt3A_1083 : vector<16xi1>
          %all_reduce_population_count3A = tpu.all_reduce %and3A_1118 {dim = 0 : i64, kind = #tpu.reduction_kind<sum>} : vector<16xi1> -> vector<16xi32>
          %min3A_1119 = arith.constant 8192 : i32
          %min3A_1120 = arith.minsi %while3A_1074, %min3A_1119 : i32
          %swap3A_1121 = arith.index_cast %min3A_1120 : i32 to index
          %swap3A_1122 = tpu.vector_load %arg11[%swap3A_1121] masked %and3A_1118 {strides = array<i32>} : memref<8208xf32, #tpu.memory_space<vmem>>, vector<16xf32>, vector<16xi1>
          tpu.vector_store %arg11[%swap3A_1121], %gather3A_1117 masked %and3A_1118 {strides = array<i32>} : memref<8208xf32, #tpu.memory_space<vmem>>, vector<16xf32>, vector<16xi1>
          %swap3A_1123 = arith.index_cast %min3A_1120 : i32 to index
          %swap3A_1124 = tpu.vector_load %arg12[%swap3A_1123] masked %and3A_1118 {strides = array<i32>} : memref<8208xi32, #tpu.memory_space<vmem>>, vector<16xi32>, vector<16xi1>
          tpu.vector_store %arg12[%swap3A_1123], %add3A_1116 masked %and3A_1118 {strides = array<i32>} : memref<8208xi32, #tpu.memory_space<vmem>>, vector<16xi32>, vector<16xi1>
          %slice3A_1125 = vector.extract_strided_slice %all_reduce_population_count3A {offsets = [0], sizes = [1], strides = [1]} : vector<16xi32> to vector<1xi32>
          %squeeze3A_1126 = vector.extract %slice3A_1125[0] : i32 from vector<1xi32>
          %add3A_1127 = arith.addi %while3A_1074, %squeeze3A_1126 : i32
          scf.yield %add3A_1127 : i32
        }
        %while3A_1071 = arith.constant 1 : i32
        %while3A_1072 = scf.for %while3A_1073 = %while3A_1068 to %while3A_1064 step %while3A_1071 iter_args(%while3A_1074 = %while3A_1070) -> (i32)  : i32 {
          %mul3A_1075 = arith.constant 2 : i32
          %mul3A_1076 = arith.muli %mul3A_1075, %while3A_1073 : i32
          %shift_right_logical3A_1077 = arith.constant 3 : i32
          %shift_right_logical3A_1078 = vector.broadcast %shift_right_logical3A_1077 : i32 to vector<16xi32>
          %shift_right_logical3A_1079 = arith.shrui %iota3A, %shift_right_logical3A_1078 : vector<16xi32>
          %add3A_1080 = vector.broadcast %mul3A_1076 : i32 to vector<16xi32>
          %add3A_1081 = arith.addi %add3A_1080, %shift_right_logical3A_1079 : vector<16xi32>
          %lt3A_1082 = vector.broadcast %and3A_1053 : i32 to vector<16xi32>
          %lt3A_1083 = arith.cmpi slt, %add3A_1081, %lt3A_1082 : vector<16xi32>
          %min3A_1084 = arith.constant 15 : i32
          %min3A_1085 = vector.broadcast %min3A_1084 : i32 to vector<16xi32>
          %min3A_1086 = arith.minsi %add3A_1081, %min3A_1085 : vector<16xi32>
          %lt3A_1087 = arith.constant 0 : i32
          %lt3A_1088 = vector.broadcast %lt3A_1087 : i32 to vector<16xi32>
          %lt3A_1089 = arith.cmpi slt, %min3A_1086, %lt3A_1088 : vector<16xi32>
          %add3A_1090 = arith.constant 16 : i32
          %add3A_1091 = vector.broadcast %add3A_1090 : i32 to vector<16xi32>
          %add3A_1092 = arith.addi %min3A_1086, %add3A_1091 : vector<16xi32>
          %select_n3A_1093 = arith.select %lt3A_1089, %add3A_1092, %min3A_1086 : vector<16xi1>, vector<16xi32>
          %broadcast_in_dim3A_1094 = vector.shape_cast %select_n3A_1093 : vector<16xi32> to vector<16x1xi32>
          %gather3A_1095 = vector.shape_cast %broadcast_in_dim3A_1094 : vector<16x1xi32> to vector<16xi32>
          %gather3A_1096 = tpu.dynamic_gather %get3A_1057[%gather3A_1095] in [0] : vector<16xi32>, vector<16xi32> -> vector<16xi32>
          %and3A_1097 = arith.constant 4095 : i32
          %and3A_1098 = vector.broadcast %and3A_1097 : i32 to vector<16xi32>
          %and3A_1099 = arith.andi %gather3A_1096, %and3A_1098 : vector<16xi32>
          %shift_right_logical3A_1100 = arith.constant 4 : i32
          %shift_right_logical3A_1101 = vector.broadcast %shift_right_logical3A_1100 : i32 to vector<16xi32>
          %shift_right_logical3A_1102 = arith.shrui %and3A_1099, %shift_right_logical3A_1101 : vector<16xi32>
          %mul3A_1103 = arith.constant 128 : i32
          %mul3A_1104 = vector.broadcast %mul3A_1103 : i32 to vector<16xi32>
          %mul3A_1105 = arith.muli %shift_right_logical3A_1102, %mul3A_1104 : vector<16xi32>
          %and3A_1106 = arith.constant 15 : i32
          %and3A_1107 = vector.broadcast %and3A_1106 : i32 to vector<16xi32>
          %and3A_1108 = arith.andi %and3A_1099, %and3A_1107 : vector<16xi32>
          %add3A_1109 = arith.addi %mul3A_1105, %and3A_1108 : vector<16xi32>
          %and3A_1110 = arith.constant 7 : i32
          %and3A_1111 = vector.broadcast %and3A_1110 : i32 to vector<16xi32>
          %and3A_1112 = arith.andi %iota3A, %and3A_1111 : vector<16xi32>
          %mul3A_1113 = arith.constant 16 : i32
          %mul3A_1114 = vector.broadcast %mul3A_1113 : i32 to vector<16xi32>
          %mul3A_1115 = arith.muli %and3A_1112, %mul3A_1114 : vector<16xi32>
          %add3A_1116 = arith.addi %add3A_1109, %mul3A_1115 : vector<16xi32>
          %gather3A_1117 = tpu.vector_load_idx %arg4[%add3A_1116] : memref<32784xf32, #tpu.memory_space<vmem>>[vector<16xi32>], vector<16xf32>,
          %ge3A = arith.cmpf oge, %gather3A_1117, %min3A_127 : vector<16xf32>
          %and3A_1118 = arith.andi %ge3A, %lt3A_1083 : vector<16xi1>
          %all_reduce_population_count3A = tpu.all_reduce %and3A_1118 {dim = 0 : i64, kind = #tpu.reduction_kind<sum>} : vector<16xi1> -> vector<16xi32>
          %min3A_1119 = arith.constant 8192 : i32
          %min3A_1120 = arith.minsi %while3A_1074, %min3A_1119 : i32
          %swap3A_1121 = arith.index_cast %min3A_1120 : i32 to index
          %swap3A_1122 = tpu.vector_load %arg11[%swap3A_1121] masked %and3A_1118 {strides = array<i32>} : memref<8208xf32, #tpu.memory_space<vmem>>, vector<16xf32>, vector<16xi1>
          tpu.vector_store %arg11[%swap3A_1121], %gather3A_1117 masked %and3A_1118 {strides = array<i32>} : memref<8208xf32, #tpu.memory_space<vmem>>, vector<16xf32>, vector<16xi1>
          %swap3A_1123 = arith.index_cast %min3A_1120 : i32 to index
          %swap3A_1124 = tpu.vector_load %arg12[%swap3A_1123] masked %and3A_1118 {strides = array<i32>} : memref<8208xi32, #tpu.memory_space<vmem>>, vector<16xi32>, vector<16xi1>
          tpu.vector_store %arg12[%swap3A_1123], %add3A_1116 masked %and3A_1118 {strides = array<i32>} : memref<8208xi32, #tpu.memory_space<vmem>>, vector<16xi32>, vector<16xi1>
          %slice3A_1125 = vector.extract_strided_slice %all_reduce_population_count3A {offsets = [0], sizes = [1], strides = [1]} : vector<16xi32> to vector<1xi32>
          %squeeze3A_1126 = vector.extract %slice3A_1125[0] : i32 from vector<1xi32>
          %add3A_1127 = arith.addi %while3A_1074, %squeeze3A_1126 : i32
          scf.yield %add3A_1127 : i32
        }
        scf.yield %while3A_1072 : i32
      }
      %while3A_149 = arith.constant 1 : i32
      %while3A_150 = scf.for %while3A_1045 = %while3A_146 to %while3A_142 step %while3A_149 iter_args(%while3A_1046 = %while3A_148) -> (i32)  : i32 {
        %get3A = arith.index_cast %while3A_1045 : i32 to index
        %get3A_1047 = tpu.vector_load %arg9[%get3A] {strides = array<i32>} : memref<272xi32, #tpu.memory_space<vmem>>, vector<16xi32>,
        %slice3A_1048 = vector.extract_strided_slice %get3A_1047 {offsets = [0], sizes = [1], strides = [1]} : vector<16xi32> to vector<1xi32>
        %squeeze3A_1049 = vector.extract %slice3A_1048[0] : i32 from vector<1xi32>
        %shift_right_logical3A_1050 = arith.constant 5 : i32
        %shift_right_logical3A_1051 = arith.shrui %squeeze3A_1049, %shift_right_logical3A_1050 : i32
        %and3A_1052 = arith.constant 31 : i32
        %and3A_1053 = arith.andi %squeeze3A_1049, %and3A_1052 : i32
        %mul3A_1054 = arith.constant 16 : i32
        %mul3A_1055 = arith.muli %shift_right_logical3A_1051, %mul3A_1054 : i32
        %get3A_1056 = arith.index_cast %mul3A_1055 : i32 to index
        %get3A_1057 = tpu.vector_load %arg7[%get3A_1056] {strides = array<i32>} : memref<4096xi32, #tpu.memory_space<vmem>>, vector<16xi32>,
        %add3A_1058 = arith.constant 1 : i32
        %add3A_1059 = arith.addi %and3A_1053, %add3A_1058 : i32
        %shift_right_logical3A_1060 = arith.constant 1 : i32
        %shift_right_logical3A_1061 = arith.shrui %add3A_1059, %shift_right_logical3A_1060 : i32
        %while3A_1062 = arith.constant 0 : i32
        %while3A_1063 = arith.subi %shift_right_logical3A_1061, %while3A_1062 : i32
        %while3A_1064 = arith.addi %while3A_1062, %while3A_1063 : i32
        %while3A_1065 = arith.constant 1 : i32
        %while3A_1066 = arith.divsi %while3A_1063, %while3A_1065 : i32
        %while3A_1067 = arith.muli %while3A_1066, %while3A_1065 : i32
        %while3A_1068 = arith.addi %while3A_1062, %while3A_1067 : i32
        %while3A_1069 = arith.constant 1 : i32
        %while3A_1070 = scf.for %while3A_1073 = %while3A_1062 to %while3A_1068 step %while3A_1069 iter_args(%while3A_1074 = %while3A_1046) -> (i32)  : i32 {
          %mul3A_1075 = arith.constant 2 : i32
          %mul3A_1076 = arith.muli %mul3A_1075, %while3A_1073 : i32
          %shift_right_logical3A_1077 = arith.constant 3 : i32
          %shift_right_logical3A_1078 = vector.broadcast %shift_right_logical3A_1077 : i32 to vector<16xi32>
          %shift_right_logical3A_1079 = arith.shrui %iota3A, %shift_right_logical3A_1078 : vector<16xi32>
          %add3A_1080 = vector.broadcast %mul3A_1076 : i32 to vector<16xi32>
          %add3A_1081 = arith.addi %add3A_1080, %shift_right_logical3A_1079 : vector<16xi32>
          %lt3A_1082 = vector.broadcast %and3A_1053 : i32 to vector<16xi32>
          %lt3A_1083 = arith.cmpi slt, %add3A_1081, %lt3A_1082 : vector<16xi32>
          %min3A_1084 = arith.constant 15 : i32
          %min3A_1085 = vector.broadcast %min3A_1084 : i32 to vector<16xi32>
          %min3A_1086 = arith.minsi %add3A_1081, %min3A_1085 : vector<16xi32>
          %lt3A_1087 = arith.constant 0 : i32
          %lt3A_1088 = vector.broadcast %lt3A_1087 : i32 to vector<16xi32>
          %lt3A_1089 = arith.cmpi slt, %min3A_1086, %lt3A_1088 : vector<16xi32>
          %add3A_1090 = arith.constant 16 : i32
          %add3A_1091 = vector.broadcast %add3A_1090 : i32 to vector<16xi32>
          %add3A_1092 = arith.addi %min3A_1086, %add3A_1091 : vector<16xi32>
          %select_n3A_1093 = arith.select %lt3A_1089, %add3A_1092, %min3A_1086 : vector<16xi1>, vector<16xi32>
          %broadcast_in_dim3A_1094 = vector.shape_cast %select_n3A_1093 : vector<16xi32> to vector<16x1xi32>
          %gather3A_1095 = vector.shape_cast %broadcast_in_dim3A_1094 : vector<16x1xi32> to vector<16xi32>
          %gather3A_1096 = tpu.dynamic_gather %get3A_1057[%gather3A_1095] in [0] : vector<16xi32>, vector<16xi32> -> vector<16xi32>
          %and3A_1097 = arith.constant 4095 : i32
          %and3A_1098 = vector.broadcast %and3A_1097 : i32 to vector<16xi32>
          %and3A_1099 = arith.andi %gather3A_1096, %and3A_1098 : vector<16xi32>
          %shift_right_logical3A_1100 = arith.constant 4 : i32
          %shift_right_logical3A_1101 = vector.broadcast %shift_right_logical3A_1100 : i32 to vector<16xi32>
          %shift_right_logical3A_1102 = arith.shrui %and3A_1099, %shift_right_logical3A_1101 : vector<16xi32>
          %mul3A_1103 = arith.constant 128 : i32
          %mul3A_1104 = vector.broadcast %mul3A_1103 : i32 to vector<16xi32>
          %mul3A_1105 = arith.muli %shift_right_logical3A_1102, %mul3A_1104 : vector<16xi32>
          %and3A_1106 = arith.constant 15 : i32
          %and3A_1107 = vector.broadcast %and3A_1106 : i32 to vector<16xi32>
          %and3A_1108 = arith.andi %and3A_1099, %and3A_1107 : vector<16xi32>
          %add3A_1109 = arith.addi %mul3A_1105, %and3A_1108 : vector<16xi32>
          %and3A_1110 = arith.constant 7 : i32
          %and3A_1111 = vector.broadcast %and3A_1110 : i32 to vector<16xi32>
          %and3A_1112 = arith.andi %iota3A, %and3A_1111 : vector<16xi32>
          %mul3A_1113 = arith.constant 16 : i32
          %mul3A_1114 = vector.broadcast %mul3A_1113 : i32 to vector<16xi32>
          %mul3A_1115 = arith.muli %and3A_1112, %mul3A_1114 : vector<16xi32>
          %add3A_1116 = arith.addi %add3A_1109, %mul3A_1115 : vector<16xi32>
          %gather3A_1117 = tpu.vector_load_idx %arg4[%add3A_1116] : memref<32784xf32, #tpu.memory_space<vmem>>[vector<16xi32>], vector<16xf32>,
          %ge3A = arith.cmpf oge, %gather3A_1117, %min3A_127 : vector<16xf32>
          %and3A_1118 = arith.andi %ge3A, %lt3A_1083 : vector<16xi1>
          %all_reduce_population_count3A = tpu.all_reduce %and3A_1118 {dim = 0 : i64, kind = #tpu.reduction_kind<sum>} : vector<16xi1> -> vector<16xi32>
          %min3A_1119 = arith.constant 8192 : i32
          %min3A_1120 = arith.minsi %while3A_1074, %min3A_1119 : i32
          %swap3A_1121 = arith.index_cast %min3A_1120 : i32 to index
          %swap3A_1122 = tpu.vector_load %arg11[%swap3A_1121] masked %and3A_1118 {strides = array<i32>} : memref<8208xf32, #tpu.memory_space<vmem>>, vector<16xf32>, vector<16xi1>
          tpu.vector_store %arg11[%swap3A_1121], %gather3A_1117 masked %and3A_1118 {strides = array<i32>} : memref<8208xf32, #tpu.memory_space<vmem>>, vector<16xf32>, vector<16xi1>
          %swap3A_1123 = arith.index_cast %min3A_1120 : i32 to index
          %swap3A_1124 = tpu.vector_load %arg12[%swap3A_1123] masked %and3A_1118 {strides = array<i32>} : memref<8208xi32, #tpu.memory_space<vmem>>, vector<16xi32>, vector<16xi1>
          tpu.vector_store %arg12[%swap3A_1123], %add3A_1116 masked %and3A_1118 {strides = array<i32>} : memref<8208xi32, #tpu.memory_space<vmem>>, vector<16xi32>, vector<16xi1>
          %slice3A_1125 = vector.extract_strided_slice %all_reduce_population_count3A {offsets = [0], sizes = [1], strides = [1]} : vector<16xi32> to vector<1xi32>
          %squeeze3A_1126 = vector.extract %slice3A_1125[0] : i32 from vector<1xi32>
          %add3A_1127 = arith.addi %while3A_1074, %squeeze3A_1126 : i32
          scf.yield %add3A_1127 : i32
        }
        %while3A_1071 = arith.constant 1 : i32
        %while3A_1072 = scf.for %while3A_1073 = %while3A_1068 to %while3A_1064 step %while3A_1071 iter_args(%while3A_1074 = %while3A_1070) -> (i32)  : i32 {
          %mul3A_1075 = arith.constant 2 : i32
          %mul3A_1076 = arith.muli %mul3A_1075, %while3A_1073 : i32
          %shift_right_logical3A_1077 = arith.constant 3 : i32
          %shift_right_logical3A_1078 = vector.broadcast %shift_right_logical3A_1077 : i32 to vector<16xi32>
          %shift_right_logical3A_1079 = arith.shrui %iota3A, %shift_right_logical3A_1078 : vector<16xi32>
          %add3A_1080 = vector.broadcast %mul3A_1076 : i32 to vector<16xi32>
          %add3A_1081 = arith.addi %add3A_1080, %shift_right_logical3A_1079 : vector<16xi32>
          %lt3A_1082 = vector.broadcast %and3A_1053 : i32 to vector<16xi32>
          %lt3A_1083 = arith.cmpi slt, %add3A_1081, %lt3A_1082 : vector<16xi32>
          %min3A_1084 = arith.constant 15 : i32
          %min3A_1085 = vector.broadcast %min3A_1084 : i32 to vector<16xi32>
          %min3A_1086 = arith.minsi %add3A_1081, %min3A_1085 : vector<16xi32>
          %lt3A_1087 = arith.constant 0 : i32
          %lt3A_1088 = vector.broadcast %lt3A_1087 : i32 to vector<16xi32>
          %lt3A_1089 = arith.cmpi slt, %min3A_1086, %lt3A_1088 : vector<16xi32>
          %add3A_1090 = arith.constant 16 : i32
          %add3A_1091 = vector.broadcast %add3A_1090 : i32 to vector<16xi32>
          %add3A_1092 = arith.addi %min3A_1086, %add3A_1091 : vector<16xi32>
          %select_n3A_1093 = arith.select %lt3A_1089, %add3A_1092, %min3A_1086 : vector<16xi1>, vector<16xi32>
          %broadcast_in_dim3A_1094 = vector.shape_cast %select_n3A_1093 : vector<16xi32> to vector<16x1xi32>
          %gather3A_1095 = vector.shape_cast %broadcast_in_dim3A_1094 : vector<16x1xi32> to vector<16xi32>
          %gather3A_1096 = tpu.dynamic_gather %get3A_1057[%gather3A_1095] in [0] : vector<16xi32>, vector<16xi32> -> vector<16xi32>
          %and3A_1097 = arith.constant 4095 : i32
          %and3A_1098 = vector.broadcast %and3A_1097 : i32 to vector<16xi32>
          %and3A_1099 = arith.andi %gather3A_1096, %and3A_1098 : vector<16xi32>
          %shift_right_logical3A_1100 = arith.constant 4 : i32
          %shift_right_logical3A_1101 = vector.broadcast %shift_right_logical3A_1100 : i32 to vector<16xi32>
          %shift_right_logical3A_1102 = arith.shrui %and3A_1099, %shift_right_logical3A_1101 : vector<16xi32>
          %mul3A_1103 = arith.constant 128 : i32
          %mul3A_1104 = vector.broadcast %mul3A_1103 : i32 to vector<16xi32>
          %mul3A_1105 = arith.muli %shift_right_logical3A_1102, %mul3A_1104 : vector<16xi32>
          %and3A_1106 = arith.constant 15 : i32
          %and3A_1107 = vector.broadcast %and3A_1106 : i32 to vector<16xi32>
          %and3A_1108 = arith.andi %and3A_1099, %and3A_1107 : vector<16xi32>
          %add3A_1109 = arith.addi %mul3A_1105, %and3A_1108 : vector<16xi32>
          %and3A_1110 = arith.constant 7 : i32
          %and3A_1111 = vector.broadcast %and3A_1110 : i32 to vector<16xi32>
          %and3A_1112 = arith.andi %iota3A, %and3A_1111 : vector<16xi32>
          %mul3A_1113 = arith.constant 16 : i32
          %mul3A_1114 = vector.broadcast %mul3A_1113 : i32 to vector<16xi32>
          %mul3A_1115 = arith.muli %and3A_1112, %mul3A_1114 : vector<16xi32>
          %add3A_1116 = arith.addi %add3A_1109, %mul3A_1115 : vector<16xi32>
          %gather3A_1117 = tpu.vector_load_idx %arg4[%add3A_1116] : memref<32784xf32, #tpu.memory_space<vmem>>[vector<16xi32>], vector<16xf32>,
          %ge3A = arith.cmpf oge, %gather3A_1117, %min3A_127 : vector<16xf32>
          %and3A_1118 = arith.andi %ge3A, %lt3A_1083 : vector<16xi1>
          %all_reduce_population_count3A = tpu.all_reduce %and3A_1118 {dim = 0 : i64, kind = #tpu.reduction_kind<sum>} : vector<16xi1> -> vector<16xi32>
          %min3A_1119 = arith.constant 8192 : i32
          %min3A_1120 = arith.minsi %while3A_1074, %min3A_1119 : i32
          %swap3A_1121 = arith.index_cast %min3A_1120 : i32 to index
          %swap3A_1122 = tpu.vector_load %arg11[%swap3A_1121] masked %and3A_1118 {strides = array<i32>} : memref<8208xf32, #tpu.memory_space<vmem>>, vector<16xf32>, vector<16xi1>
          tpu.vector_store %arg11[%swap3A_1121], %gather3A_1117 masked %and3A_1118 {strides = array<i32>} : memref<8208xf32, #tpu.memory_space<vmem>>, vector<16xf32>, vector<16xi1>
          %swap3A_1123 = arith.index_cast %min3A_1120 : i32 to index
          %swap3A_1124 = tpu.vector_load %arg12[%swap3A_1123] masked %and3A_1118 {strides = array<i32>} : memref<8208xi32, #tpu.memory_space<vmem>>, vector<16xi32>, vector<16xi1>
          tpu.vector_store %arg12[%swap3A_1123], %add3A_1116 masked %and3A_1118 {strides = array<i32>} : memref<8208xi32, #tpu.memory_space<vmem>>, vector<16xi32>, vector<16xi1>
          %slice3A_1125 = vector.extract_strided_slice %all_reduce_population_count3A {offsets = [0], sizes = [1], strides = [1]} : vector<16xi32> to vector<1xi32>
          %squeeze3A_1126 = vector.extract %slice3A_1125[0] : i32 from vector<1xi32>
          %add3A_1127 = arith.addi %while3A_1074, %squeeze3A_1126 : i32
          scf.yield %add3A_1127 : i32
        }
        scf.yield %while3A_1072 : i32
      }
      %min3A_151 = arith.constant 8192 : i32
      %min3A_152 = arith.minsi %while3A_150, %min3A_151 : i32
      %add3A_153 = vector.broadcast %min3A_152 : i32 to vector<16xi32>
      %add3A_154 = arith.addi %add3A_153, %iota3A : vector<16xi32>
      tpu.vector_store_idx %arg11[%add3A_154], %broadcast_in_dim3A_48 : memref<8208xf32, #tpu.memory_space<vmem>>[vector<16xi32>], vector<16xf32>,
      %add3A_155 = arith.constant 16 : i32
      %add3A_156 = arith.addi %while3A_150, %add3A_155 : i32
      %sub3A = arith.constant 1 : i32
      %sub3A_157 = arith.subi %add3A_156, %sub3A : i32
      %shift_right_logical3A = arith.constant 4 : i32
      %shift_right_logical3A_158 = arith.shrui %sub3A_157, %shift_right_logical3A : i32
      %min3A_159 = arith.constant 512 : i32
      %min3A_160 = arith.minsi %shift_right_logical3A_158, %min3A_159 : i32
      %while3A_161 = arith.constant 0 : i32
      %while3A_162 = arith.subi %min3A_160, %while3A_161 : i32
      %while3A_163 = arith.addi %while3A_161, %while3A_162 : i32
      %while3A_164 = arith.constant 1 : i32
      %while3A_165 = arith.divsi %while3A_162, %while3A_164 : i32
      %while3A_166 = arith.muli %while3A_165, %while3A_164 : i32
      %while3A_167 = arith.addi %while3A_161, %while3A_166 : i32
      %while3A_168 = arith.constant 1 : i32
      %while3A_169:2 = scf.for %while3A_1045 = %while3A_161 to %while3A_167 step %while3A_168 iter_args(%while3A_1046 = %broadcast_in_dim3A_48, %while3A_1047 = %broadcast_in_dim3A_48) -> (vector<16xf32>, vector<16xf32>)  : i32 {
        %mul3A_1048 = arith.constant 16 : i32
        %mul3A_1049 = arith.muli %while3A_1045, %mul3A_1048 : i32
        %get3A = arith.index_cast %mul3A_1049 : i32 to index
        %get3A_1050 = tpu.vector_load %arg11[%get3A] {strides = array<i32>} : memref<8208xf32, #tpu.memory_space<vmem>>, vector<16xf32>,
        %masked_sort3A_1051 = arith.constant dense<true> : vector<16xi1>
        %masked_sort3A_1052, %masked_sort3A_1053, %masked_sort3A_1054 = tpu.sort %get3A_1050, %broadcast_in_dim3A_52 masked %masked_sort3A_1051 {descending = true} : (vector<16xf32>, vector<16xi32>, vector<16xi1>) -> (vector<16xi1>, vector<16xf32>, vector<16xi32>)
        %sub3A_1055 = arith.constant 15 : i32
        %sub3A_1056 = vector.broadcast %sub3A_1055 : i32 to vector<16xi32>
        %sub3A_1057 = arith.subi %sub3A_1056, %iota3A : vector<16xi32>
        %lt3A_1058 = arith.constant 0 : i32
        %lt3A_1059 = vector.broadcast %lt3A_1058 : i32 to vector<16xi32>
        %lt3A_1060 = arith.cmpi slt, %sub3A_1057, %lt3A_1059 : vector<16xi32>
        %add3A_1061 = arith.constant 16 : i32
        %add3A_1062 = vector.broadcast %add3A_1061 : i32 to vector<16xi32>
        %add3A_1063 = arith.addi %sub3A_1057, %add3A_1062 : vector<16xi32>
        %select_n3A_1064 = arith.select %lt3A_1060, %add3A_1063, %sub3A_1057 : vector<16xi1>, vector<16xi32>
        %broadcast_in_dim3A_1065 = vector.shape_cast %select_n3A_1064 : vector<16xi32> to vector<16x1xi32>
        %gather3A_1066 = vector.shape_cast %broadcast_in_dim3A_1065 : vector<16x1xi32> to vector<16xi32>
        %gather3A_1067 = tpu.dynamic_gather %masked_sort3A_1053[%gather3A_1066] in [0] : vector<16xf32>, vector<16xi32> -> vector<16xf32>
        %max3A_1068 = arith.maximumf %while3A_1047, %gather3A_1067 : vector<16xf32>
        %xor3A_1069 = arith.constant 8 : i32
        %xor3A_1070 = vector.broadcast %xor3A_1069 : i32 to vector<16xi32>
        %xor3A_1071 = arith.xori %iota3A, %xor3A_1070 : vector<16xi32>
        %lt3A_1072 = arith.constant 0 : i32
        %lt3A_1073 = vector.broadcast %lt3A_1072 : i32 to vector<16xi32>
        %lt3A_1074 = arith.cmpi slt, %xor3A_1071, %lt3A_1073 : vector<16xi32>
        %add3A_1075 = arith.constant 16 : i32
        %add3A_1076 = vector.broadcast %add3A_1075 : i32 to vector<16xi32>
        %add3A_1077 = arith.addi %xor3A_1071, %add3A_1076 : vector<16xi32>
        %select_n3A_1078 = arith.select %lt3A_1074, %add3A_1077, %xor3A_1071 : vector<16xi1>, vector<16xi32>
        %broadcast_in_dim3A_1079 = vector.shape_cast %select_n3A_1078 : vector<16xi32> to vector<16x1xi32>
        %gather3A_1080 = vector.shape_cast %broadcast_in_dim3A_1079 : vector<16x1xi32> to vector<16xi32>
        %gather3A_1081 = tpu.dynamic_gather %max3A_1068[%gather3A_1080] in [0] : vector<16xf32>, vector<16xi32> -> vector<16xf32>
        %and3A_1082 = arith.constant 8 : i32
        %and3A_1083 = vector.broadcast %and3A_1082 : i32 to vector<16xi32>
        %and3A_1084 = arith.andi %iota3A, %and3A_1083 : vector<16xi32>
        %eq3A_1085 = arith.constant 0 : i32
        %eq3A_1086 = vector.broadcast %eq3A_1085 : i32 to vector<16xi32>
        %eq3A_1087 = arith.cmpi eq, %and3A_1084, %eq3A_1086 : vector<16xi32>
        %max3A_1088 = arith.maximumf %max3A_1068, %gather3A_1081 : vector<16xf32>
        %min3A_1089 = arith.minimumf %max3A_1068, %gather3A_1081 : vector<16xf32>
        %select_n3A_1090 = arith.select %eq3A_1087, %max3A_1088, %min3A_1089 : vector<16xi1>, vector<16xf32>
        %xor3A_1091 = arith.constant 4 : i32
        %xor3A_1092 = vector.broadcast %xor3A_1091 : i32 to vector<16xi32>
        %xor3A_1093 = arith.xori %iota3A, %xor3A_1092 : vector<16xi32>
        %lt3A_1094 = arith.constant 0 : i32
        %lt3A_1095 = vector.broadcast %lt3A_1094 : i32 to vector<16xi32>
        %lt3A_1096 = arith.cmpi slt, %xor3A_1093, %lt3A_1095 : vector<16xi32>
        %add3A_1097 = arith.constant 16 : i32
        %add3A_1098 = vector.broadcast %add3A_1097 : i32 to vector<16xi32>
        %add3A_1099 = arith.addi %xor3A_1093, %add3A_1098 : vector<16xi32>
        %select_n3A_1100 = arith.select %lt3A_1096, %add3A_1099, %xor3A_1093 : vector<16xi1>, vector<16xi32>
        %broadcast_in_dim3A_1101 = vector.shape_cast %select_n3A_1100 : vector<16xi32> to vector<16x1xi32>
        %gather3A_1102 = vector.shape_cast %broadcast_in_dim3A_1101 : vector<16x1xi32> to vector<16xi32>
        %gather3A_1103 = tpu.dynamic_gather %select_n3A_1090[%gather3A_1102] in [0] : vector<16xf32>, vector<16xi32> -> vector<16xf32>
        %and3A_1104 = arith.constant 4 : i32
        %and3A_1105 = vector.broadcast %and3A_1104 : i32 to vector<16xi32>
        %and3A_1106 = arith.andi %iota3A, %and3A_1105 : vector<16xi32>
        %eq3A_1107 = arith.constant 0 : i32
        %eq3A_1108 = vector.broadcast %eq3A_1107 : i32 to vector<16xi32>
        %eq3A_1109 = arith.cmpi eq, %and3A_1106, %eq3A_1108 : vector<16xi32>
        %max3A_1110 = arith.maximumf %select_n3A_1090, %gather3A_1103 : vector<16xf32>
        %min3A_1111 = arith.minimumf %select_n3A_1090, %gather3A_1103 : vector<16xf32>
        %select_n3A_1112 = arith.select %eq3A_1109, %max3A_1110, %min3A_1111 : vector<16xi1>, vector<16xf32>
        %xor3A_1113 = arith.constant 2 : i32
        %xor3A_1114 = vector.broadcast %xor3A_1113 : i32 to vector<16xi32>
        %xor3A_1115 = arith.xori %iota3A, %xor3A_1114 : vector<16xi32>
        %lt3A_1116 = arith.constant 0 : i32
        %lt3A_1117 = vector.broadcast %lt3A_1116 : i32 to vector<16xi32>
        %lt3A_1118 = arith.cmpi slt, %xor3A_1115, %lt3A_1117 : vector<16xi32>
        %add3A_1119 = arith.constant 16 : i32
        %add3A_1120 = vector.broadcast %add3A_1119 : i32 to vector<16xi32>
        %add3A_1121 = arith.addi %xor3A_1115, %add3A_1120 : vector<16xi32>
        %select_n3A_1122 = arith.select %lt3A_1118, %add3A_1121, %xor3A_1115 : vector<16xi1>, vector<16xi32>
        %broadcast_in_dim3A_1123 = vector.shape_cast %select_n3A_1122 : vector<16xi32> to vector<16x1xi32>
        %gather3A_1124 = vector.shape_cast %broadcast_in_dim3A_1123 : vector<16x1xi32> to vector<16xi32>
        %gather3A_1125 = tpu.dynamic_gather %select_n3A_1112[%gather3A_1124] in [0] : vector<16xf32>, vector<16xi32> -> vector<16xf32>
        %and3A_1126 = arith.constant 2 : i32
        %and3A_1127 = vector.broadcast %and3A_1126 : i32 to vector<16xi32>
        %and3A_1128 = arith.andi %iota3A, %and3A_1127 : vector<16xi32>
        %eq3A_1129 = arith.constant 0 : i32
        %eq3A_1130 = vector.broadcast %eq3A_1129 : i32 to vector<16xi32>
        %eq3A_1131 = arith.cmpi eq, %and3A_1128, %eq3A_1130 : vector<16xi32>
        %max3A_1132 = arith.maximumf %select_n3A_1112, %gather3A_1125 : vector<16xf32>
        %min3A_1133 = arith.minimumf %select_n3A_1112, %gather3A_1125 : vector<16xf32>
        %select_n3A_1134 = arith.select %eq3A_1131, %max3A_1132, %min3A_1133 : vector<16xi1>, vector<16xf32>
        %xor3A_1135 = arith.constant 1 : i32
        %xor3A_1136 = vector.broadcast %xor3A_1135 : i32 to vector<16xi32>
        %xor3A_1137 = arith.xori %iota3A, %xor3A_1136 : vector<16xi32>
        %lt3A_1138 = arith.constant 0 : i32
        %lt3A_1139 = vector.broadcast %lt3A_1138 : i32 to vector<16xi32>
        %lt3A_1140 = arith.cmpi slt, %xor3A_1137, %lt3A_1139 : vector<16xi32>
        %add3A_1141 = arith.constant 16 : i32
        %add3A_1142 = vector.broadcast %add3A_1141 : i32 to vector<16xi32>
        %add3A_1143 = arith.addi %xor3A_1137, %add3A_1142 : vector<16xi32>
        %select_n3A_1144 = arith.select %lt3A_1140, %add3A_1143, %xor3A_1137 : vector<16xi1>, vector<16xi32>
        %broadcast_in_dim3A_1145 = vector.shape_cast %select_n3A_1144 : vector<16xi32> to vector<16x1xi32>
        %gather3A_1146 = vector.shape_cast %broadcast_in_dim3A_1145 : vector<16x1xi32> to vector<16xi32>
        %gather3A_1147 = tpu.dynamic_gather %select_n3A_1134[%gather3A_1146] in [0] : vector<16xf32>, vector<16xi32> -> vector<16xf32>
        %and3A_1148 = arith.constant 1 : i32
        %and3A_1149 = vector.broadcast %and3A_1148 : i32 to vector<16xi32>
        %and3A_1150 = arith.andi %iota3A, %and3A_1149 : vector<16xi32>
        %eq3A_1151 = arith.constant 0 : i32
        %eq3A_1152 = vector.broadcast %eq3A_1151 : i32 to vector<16xi32>
        %eq3A_1153 = arith.cmpi eq, %and3A_1150, %eq3A_1152 : vector<16xi32>
        %max3A_1154 = arith.maximumf %select_n3A_1134, %gather3A_1147 : vector<16xf32>
        %min3A_1155 = arith.minimumf %select_n3A_1134, %gather3A_1147 : vector<16xf32>
        %select_n3A_1156 = arith.select %eq3A_1153, %max3A_1154, %min3A_1155 : vector<16xi1>, vector<16xf32>
        %sub3A_1157 = arith.constant 15 : i32
        %sub3A_1158 = vector.broadcast %sub3A_1157 : i32 to vector<16xi32>
        %sub3A_1159 = arith.subi %sub3A_1158, %iota3A : vector<16xi32>
        %lt3A_1160 = arith.constant 0 : i32
        %lt3A_1161 = vector.broadcast %lt3A_1160 : i32 to vector<16xi32>
        %lt3A_1162 = arith.cmpi slt, %sub3A_1159, %lt3A_1161 : vector<16xi32>
        %add3A_1163 = arith.constant 16 : i32
        %add3A_1164 = vector.broadcast %add3A_1163 : i32 to vector<16xi32>
        %add3A_1165 = arith.addi %sub3A_1159, %add3A_1164 : vector<16xi32>
        %select_n3A_1166 = arith.select %lt3A_1162, %add3A_1165, %sub3A_1159 : vector<16xi1>, vector<16xi32>
        %broadcast_in_dim3A_1167 = vector.shape_cast %select_n3A_1166 : vector<16xi32> to vector<16x1xi32>
        %gather3A_1168 = vector.shape_cast %broadcast_in_dim3A_1167 : vector<16x1xi32> to vector<16xi32>
        %gather3A_1169 = tpu.dynamic_gather %select_n3A_1156[%gather3A_1168] in [0] : vector<16xf32>, vector<16xi32> -> vector<16xf32>
        %max3A_1170 = arith.maximumf %while3A_1046, %gather3A_1169 : vector<16xf32>
        %xor3A_1171 = arith.constant 8 : i32
        %xor3A_1172 = vector.broadcast %xor3A_1171 : i32 to vector<16xi32>
        %xor3A_1173 = arith.xori %iota3A, %xor3A_1172 : vector<16xi32>
        %lt3A_1174 = arith.constant 0 : i32
        %lt3A_1175 = vector.broadcast %lt3A_1174 : i32 to vector<16xi32>
        %lt3A_1176 = arith.cmpi slt, %xor3A_1173, %lt3A_1175 : vector<16xi32>
        %add3A_1177 = arith.constant 16 : i32
        %add3A_1178 = vector.broadcast %add3A_1177 : i32 to vector<16xi32>
        %add3A_1179 = arith.addi %xor3A_1173, %add3A_1178 : vector<16xi32>
        %select_n3A_1180 = arith.select %lt3A_1176, %add3A_1179, %xor3A_1173 : vector<16xi1>, vector<16xi32>
        %broadcast_in_dim3A_1181 = vector.shape_cast %select_n3A_1180 : vector<16xi32> to vector<16x1xi32>
        %gather3A_1182 = vector.shape_cast %broadcast_in_dim3A_1181 : vector<16x1xi32> to vector<16xi32>
        %gather3A_1183 = tpu.dynamic_gather %max3A_1170[%gather3A_1182] in [0] : vector<16xf32>, vector<16xi32> -> vector<16xf32>
        %and3A_1184 = arith.constant 8 : i32
        %and3A_1185 = vector.broadcast %and3A_1184 : i32 to vector<16xi32>
        %and3A_1186 = arith.andi %iota3A, %and3A_1185 : vector<16xi32>
        %eq3A_1187 = arith.constant 0 : i32
        %eq3A_1188 = vector.broadcast %eq3A_1187 : i32 to vector<16xi32>
        %eq3A_1189 = arith.cmpi eq, %and3A_1186, %eq3A_1188 : vector<16xi32>
        %max3A_1190 = arith.maximumf %max3A_1170, %gather3A_1183 : vector<16xf32>
        %min3A_1191 = arith.minimumf %max3A_1170, %gather3A_1183 : vector<16xf32>
        %select_n3A_1192 = arith.select %eq3A_1189, %max3A_1190, %min3A_1191 : vector<16xi1>, vector<16xf32>
        %xor3A_1193 = arith.constant 4 : i32
        %xor3A_1194 = vector.broadcast %xor3A_1193 : i32 to vector<16xi32>
        %xor3A_1195 = arith.xori %iota3A, %xor3A_1194 : vector<16xi32>
        %lt3A_1196 = arith.constant 0 : i32
        %lt3A_1197 = vector.broadcast %lt3A_1196 : i32 to vector<16xi32>
        %lt3A_1198 = arith.cmpi slt, %xor3A_1195, %lt3A_1197 : vector<16xi32>
        %add3A_1199 = arith.constant 16 : i32
        %add3A_1200 = vector.broadcast %add3A_1199 : i32 to vector<16xi32>
        %add3A_1201 = arith.addi %xor3A_1195, %add3A_1200 : vector<16xi32>
        %select_n3A_1202 = arith.select %lt3A_1198, %add3A_1201, %xor3A_1195 : vector<16xi1>, vector<16xi32>
        %broadcast_in_dim3A_1203 = vector.shape_cast %select_n3A_1202 : vector<16xi32> to vector<16x1xi32>
        %gather3A_1204 = vector.shape_cast %broadcast_in_dim3A_1203 : vector<16x1xi32> to vector<16xi32>
        %gather3A_1205 = tpu.dynamic_gather %select_n3A_1192[%gather3A_1204] in [0] : vector<16xf32>, vector<16xi32> -> vector<16xf32>
        %and3A_1206 = arith.constant 4 : i32
        %and3A_1207 = vector.broadcast %and3A_1206 : i32 to vector<16xi32>
        %and3A_1208 = arith.andi %iota3A, %and3A_1207 : vector<16xi32>
        %eq3A_1209 = arith.constant 0 : i32
        %eq3A_1210 = vector.broadcast %eq3A_1209 : i32 to vector<16xi32>
        %eq3A_1211 = arith.cmpi eq, %and3A_1208, %eq3A_1210 : vector<16xi32>
        %max3A_1212 = arith.maximumf %select_n3A_1192, %gather3A_1205 : vector<16xf32>
        %min3A_1213 = arith.minimumf %select_n3A_1192, %gather3A_1205 : vector<16xf32>
        %select_n3A_1214 = arith.select %eq3A_1211, %max3A_1212, %min3A_1213 : vector<16xi1>, vector<16xf32>
        %xor3A_1215 = arith.constant 2 : i32
        %xor3A_1216 = vector.broadcast %xor3A_1215 : i32 to vector<16xi32>
        %xor3A_1217 = arith.xori %iota3A, %xor3A_1216 : vector<16xi32>
        %lt3A_1218 = arith.constant 0 : i32
        %lt3A_1219 = vector.broadcast %lt3A_1218 : i32 to vector<16xi32>
        %lt3A_1220 = arith.cmpi slt, %xor3A_1217, %lt3A_1219 : vector<16xi32>
        %add3A_1221 = arith.constant 16 : i32
        %add3A_1222 = vector.broadcast %add3A_1221 : i32 to vector<16xi32>
        %add3A_1223 = arith.addi %xor3A_1217, %add3A_1222 : vector<16xi32>
        %select_n3A_1224 = arith.select %lt3A_1220, %add3A_1223, %xor3A_1217 : vector<16xi1>, vector<16xi32>
        %broadcast_in_dim3A_1225 = vector.shape_cast %select_n3A_1224 : vector<16xi32> to vector<16x1xi32>
        %gather3A_1226 = vector.shape_cast %broadcast_in_dim3A_1225 : vector<16x1xi32> to vector<16xi32>
        %gather3A_1227 = tpu.dynamic_gather %select_n3A_1214[%gather3A_1226] in [0] : vector<16xf32>, vector<16xi32> -> vector<16xf32>
        %and3A_1228 = arith.constant 2 : i32
        %and3A_1229 = vector.broadcast %and3A_1228 : i32 to vector<16xi32>
        %and3A_1230 = arith.andi %iota3A, %and3A_1229 : vector<16xi32>
        %eq3A_1231 = arith.constant 0 : i32
        %eq3A_1232 = vector.broadcast %eq3A_1231 : i32 to vector<16xi32>
        %eq3A_1233 = arith.cmpi eq, %and3A_1230, %eq3A_1232 : vector<16xi32>
        %max3A_1234 = arith.maximumf %select_n3A_1214, %gather3A_1227 : vector<16xf32>
        %min3A_1235 = arith.minimumf %select_n3A_1214, %gather3A_1227 : vector<16xf32>
        %select_n3A_1236 = arith.select %eq3A_1233, %max3A_1234, %min3A_1235 : vector<16xi1>, vector<16xf32>
        %xor3A_1237 = arith.constant 1 : i32
        %xor3A_1238 = vector.broadcast %xor3A_1237 : i32 to vector<16xi32>
        %xor3A_1239 = arith.xori %iota3A, %xor3A_1238 : vector<16xi32>
        %lt3A_1240 = arith.constant 0 : i32
        %lt3A_1241 = vector.broadcast %lt3A_1240 : i32 to vector<16xi32>
        %lt3A_1242 = arith.cmpi slt, %xor3A_1239, %lt3A_1241 : vector<16xi32>
        %add3A_1243 = arith.constant 16 : i32
        %add3A_1244 = vector.broadcast %add3A_1243 : i32 to vector<16xi32>
        %add3A_1245 = arith.addi %xor3A_1239, %add3A_1244 : vector<16xi32>
        %select_n3A_1246 = arith.select %lt3A_1242, %add3A_1245, %xor3A_1239 : vector<16xi1>, vector<16xi32>
        %broadcast_in_dim3A_1247 = vector.shape_cast %select_n3A_1246 : vector<16xi32> to vector<16x1xi32>
        %gather3A_1248 = vector.shape_cast %broadcast_in_dim3A_1247 : vector<16x1xi32> to vector<16xi32>
        %gather3A_1249 = tpu.dynamic_gather %select_n3A_1236[%gather3A_1248] in [0] : vector<16xf32>, vector<16xi32> -> vector<16xf32>
        %and3A_1250 = arith.constant 1 : i32
        %and3A_1251 = vector.broadcast %and3A_1250 : i32 to vector<16xi32>
        %and3A_1252 = arith.andi %iota3A, %and3A_1251 : vector<16xi32>
        %eq3A_1253 = arith.constant 0 : i32
        %eq3A_1254 = vector.broadcast %eq3A_1253 : i32 to vector<16xi32>
        %eq3A_1255 = arith.cmpi eq, %and3A_1252, %eq3A_1254 : vector<16xi32>
        %max3A_1256 = arith.maximumf %select_n3A_1236, %gather3A_1249 : vector<16xf32>
        %min3A_1257 = arith.minimumf %select_n3A_1236, %gather3A_1249 : vector<16xf32>
        %select_n3A_1258 = arith.select %eq3A_1255, %max3A_1256, %min3A_1257 : vector<16xi1>, vector<16xf32>
        %min3A_1259 = arith.minimumf %while3A_1046, %gather3A_1169 : vector<16xf32>
        %xor3A_1260 = arith.constant 8 : i32
        %xor3A_1261 = vector.broadcast %xor3A_1260 : i32 to vector<16xi32>
        %xor3A_1262 = arith.xori %iota3A, %xor3A_1261 : vector<16xi32>
        %lt3A_1263 = arith.constant 0 : i32
        %lt3A_1264 = vector.broadcast %lt3A_1263 : i32 to vector<16xi32>
        %lt3A_1265 = arith.cmpi slt, %xor3A_1262, %lt3A_1264 : vector<16xi32>
        %add3A_1266 = arith.constant 16 : i32
        %add3A_1267 = vector.broadcast %add3A_1266 : i32 to vector<16xi32>
        %add3A_1268 = arith.addi %xor3A_1262, %add3A_1267 : vector<16xi32>
        %select_n3A_1269 = arith.select %lt3A_1265, %add3A_1268, %xor3A_1262 : vector<16xi1>, vector<16xi32>
        %broadcast_in_dim3A_1270 = vector.shape_cast %select_n3A_1269 : vector<16xi32> to vector<16x1xi32>
        %gather3A_1271 = vector.shape_cast %broadcast_in_dim3A_1270 : vector<16x1xi32> to vector<16xi32>
        %gather3A_1272 = tpu.dynamic_gather %min3A_1259[%gather3A_1271] in [0] : vector<16xf32>, vector<16xi32> -> vector<16xf32>
        %and3A_1273 = arith.constant 8 : i32
        %and3A_1274 = vector.broadcast %and3A_1273 : i32 to vector<16xi32>
        %and3A_1275 = arith.andi %iota3A, %and3A_1274 : vector<16xi32>
        %eq3A_1276 = arith.constant 0 : i32
        %eq3A_1277 = vector.broadcast %eq3A_1276 : i32 to vector<16xi32>
        %eq3A_1278 = arith.cmpi eq, %and3A_1275, %eq3A_1277 : vector<16xi32>
        %max3A_1279 = arith.maximumf %min3A_1259, %gather3A_1272 : vector<16xf32>
        %min3A_1280 = arith.minimumf %min3A_1259, %gather3A_1272 : vector<16xf32>
        %select_n3A_1281 = arith.select %eq3A_1278, %max3A_1279, %min3A_1280 : vector<16xi1>, vector<16xf32>
        %xor3A_1282 = arith.constant 4 : i32
        %xor3A_1283 = vector.broadcast %xor3A_1282 : i32 to vector<16xi32>
        %xor3A_1284 = arith.xori %iota3A, %xor3A_1283 : vector<16xi32>
        %lt3A_1285 = arith.constant 0 : i32
        %lt3A_1286 = vector.broadcast %lt3A_1285 : i32 to vector<16xi32>
        %lt3A_1287 = arith.cmpi slt, %xor3A_1284, %lt3A_1286 : vector<16xi32>
        %add3A_1288 = arith.constant 16 : i32
        %add3A_1289 = vector.broadcast %add3A_1288 : i32 to vector<16xi32>
        %add3A_1290 = arith.addi %xor3A_1284, %add3A_1289 : vector<16xi32>
        %select_n3A_1291 = arith.select %lt3A_1287, %add3A_1290, %xor3A_1284 : vector<16xi1>, vector<16xi32>
        %broadcast_in_dim3A_1292 = vector.shape_cast %select_n3A_1291 : vector<16xi32> to vector<16x1xi32>
        %gather3A_1293 = vector.shape_cast %broadcast_in_dim3A_1292 : vector<16x1xi32> to vector<16xi32>
        %gather3A_1294 = tpu.dynamic_gather %select_n3A_1281[%gather3A_1293] in [0] : vector<16xf32>, vector<16xi32> -> vector<16xf32>
        %and3A_1295 = arith.constant 4 : i32
        %and3A_1296 = vector.broadcast %and3A_1295 : i32 to vector<16xi32>
        %and3A_1297 = arith.andi %iota3A, %and3A_1296 : vector<16xi32>
        %eq3A_1298 = arith.constant 0 : i32
        %eq3A_1299 = vector.broadcast %eq3A_1298 : i32 to vector<16xi32>
        %eq3A_1300 = arith.cmpi eq, %and3A_1297, %eq3A_1299 : vector<16xi32>
        %max3A_1301 = arith.maximumf %select_n3A_1281, %gather3A_1294 : vector<16xf32>
        %min3A_1302 = arith.minimumf %select_n3A_1281, %gather3A_1294 : vector<16xf32>
        %select_n3A_1303 = arith.select %eq3A_1300, %max3A_1301, %min3A_1302 : vector<16xi1>, vector<16xf32>
        %xor3A_1304 = arith.constant 2 : i32
        %xor3A_1305 = vector.broadcast %xor3A_1304 : i32 to vector<16xi32>
        %xor3A_1306 = arith.xori %iota3A, %xor3A_1305 : vector<16xi32>
        %lt3A_1307 = arith.constant 0 : i32
        %lt3A_1308 = vector.broadcast %lt3A_1307 : i32 to vector<16xi32>
        %lt3A_1309 = arith.cmpi slt, %xor3A_1306, %lt3A_1308 : vector<16xi32>
        %add3A_1310 = arith.constant 16 : i32
        %add3A_1311 = vector.broadcast %add3A_1310 : i32 to vector<16xi32>
        %add3A_1312 = arith.addi %xor3A_1306, %add3A_1311 : vector<16xi32>
        %select_n3A_1313 = arith.select %lt3A_1309, %add3A_1312, %xor3A_1306 : vector<16xi1>, vector<16xi32>
        %broadcast_in_dim3A_1314 = vector.shape_cast %select_n3A_1313 : vector<16xi32> to vector<16x1xi32>
        %gather3A_1315 = vector.shape_cast %broadcast_in_dim3A_1314 : vector<16x1xi32> to vector<16xi32>
        %gather3A_1316 = tpu.dynamic_gather %select_n3A_1303[%gather3A_1315] in [0] : vector<16xf32>, vector<16xi32> -> vector<16xf32>
        %and3A_1317 = arith.constant 2 : i32
        %and3A_1318 = vector.broadcast %and3A_1317 : i32 to vector<16xi32>
        %and3A_1319 = arith.andi %iota3A, %and3A_1318 : vector<16xi32>
        %eq3A_1320 = arith.constant 0 : i32
        %eq3A_1321 = vector.broadcast %eq3A_1320 : i32 to vector<16xi32>
        %eq3A_1322 = arith.cmpi eq, %and3A_1319, %eq3A_1321 : vector<16xi32>
        %max3A_1323 = arith.maximumf %select_n3A_1303, %gather3A_1316 : vector<16xf32>
        %min3A_1324 = arith.minimumf %select_n3A_1303, %gather3A_1316 : vector<16xf32>
        %select_n3A_1325 = arith.select %eq3A_1322, %max3A_1323, %min3A_1324 : vector<16xi1>, vector<16xf32>
        %xor3A_1326 = arith.constant 1 : i32
        %xor3A_1327 = vector.broadcast %xor3A_1326 : i32 to vector<16xi32>
        %xor3A_1328 = arith.xori %iota3A, %xor3A_1327 : vector<16xi32>
        %lt3A_1329 = arith.constant 0 : i32
        %lt3A_1330 = vector.broadcast %lt3A_1329 : i32 to vector<16xi32>
        %lt3A_1331 = arith.cmpi slt, %xor3A_1328, %lt3A_1330 : vector<16xi32>
        %add3A_1332 = arith.constant 16 : i32
        %add3A_1333 = vector.broadcast %add3A_1332 : i32 to vector<16xi32>
        %add3A_1334 = arith.addi %xor3A_1328, %add3A_1333 : vector<16xi32>
        %select_n3A_1335 = arith.select %lt3A_1331, %add3A_1334, %xor3A_1328 : vector<16xi1>, vector<16xi32>
        %broadcast_in_dim3A_1336 = vector.shape_cast %select_n3A_1335 : vector<16xi32> to vector<16x1xi32>
        %gather3A_1337 = vector.shape_cast %broadcast_in_dim3A_1336 : vector<16x1xi32> to vector<16xi32>
        %gather3A_1338 = tpu.dynamic_gather %select_n3A_1325[%gather3A_1337] in [0] : vector<16xf32>, vector<16xi32> -> vector<16xf32>
        %and3A_1339 = arith.constant 1 : i32
        %and3A_1340 = vector.broadcast %and3A_1339 : i32 to vector<16xi32>
        %and3A_1341 = arith.andi %iota3A, %and3A_1340 : vector<16xi32>
        %eq3A_1342 = arith.constant 0 : i32
        %eq3A_1343 = vector.broadcast %eq3A_1342 : i32 to vector<16xi32>
        %eq3A_1344 = arith.cmpi eq, %and3A_1341, %eq3A_1343 : vector<16xi32>
        %max3A_1345 = arith.maximumf %select_n3A_1325, %gather3A_1338 : vector<16xf32>
        %min3A_1346 = arith.minimumf %select_n3A_1325, %gather3A_1338 : vector<16xf32>
        %select_n3A_1347 = arith.select %eq3A_1344, %max3A_1345, %min3A_1346 : vector<16xi1>, vector<16xf32>
        scf.yield %select_n3A_1258, %select_n3A_1347 : vector<16xf32>, vector<16xf32>
      }
      %while3A_170 = arith.constant 1 : i32
      %while3A_171:2 = scf.for %while3A_1045 = %while3A_167 to %while3A_163 step %while3A_170 iter_args(%while3A_1046 = %while3A_169#0, %while3A_1047 = %while3A_169#1) -> (vector<16xf32>, vector<16xf32>)  : i32 {
        %mul3A_1048 = arith.constant 16 : i32
        %mul3A_1049 = arith.muli %while3A_1045, %mul3A_1048 : i32
        %get3A = arith.index_cast %mul3A_1049 : i32 to index
        %get3A_1050 = tpu.vector_load %arg11[%get3A] {strides = array<i32>} : memref<8208xf32, #tpu.memory_space<vmem>>, vector<16xf32>,
        %masked_sort3A_1051 = arith.constant dense<true> : vector<16xi1>
        %masked_sort3A_1052, %masked_sort3A_1053, %masked_sort3A_1054 = tpu.sort %get3A_1050, %broadcast_in_dim3A_52 masked %masked_sort3A_1051 {descending = true} : (vector<16xf32>, vector<16xi32>, vector<16xi1>) -> (vector<16xi1>, vector<16xf32>, vector<16xi32>)
        %sub3A_1055 = arith.constant 15 : i32
        %sub3A_1056 = vector.broadcast %sub3A_1055 : i32 to vector<16xi32>
        %sub3A_1057 = arith.subi %sub3A_1056, %iota3A : vector<16xi32>
        %lt3A_1058 = arith.constant 0 : i32
        %lt3A_1059 = vector.broadcast %lt3A_1058 : i32 to vector<16xi32>
        %lt3A_1060 = arith.cmpi slt, %sub3A_1057, %lt3A_1059 : vector<16xi32>
        %add3A_1061 = arith.constant 16 : i32
        %add3A_1062 = vector.broadcast %add3A_1061 : i32 to vector<16xi32>
        %add3A_1063 = arith.addi %sub3A_1057, %add3A_1062 : vector<16xi32>
        %select_n3A_1064 = arith.select %lt3A_1060, %add3A_1063, %sub3A_1057 : vector<16xi1>, vector<16xi32>
        %broadcast_in_dim3A_1065 = vector.shape_cast %select_n3A_1064 : vector<16xi32> to vector<16x1xi32>
        %gather3A_1066 = vector.shape_cast %broadcast_in_dim3A_1065 : vector<16x1xi32> to vector<16xi32>
        %gather3A_1067 = tpu.dynamic_gather %masked_sort3A_1053[%gather3A_1066] in [0] : vector<16xf32>, vector<16xi32> -> vector<16xf32>
        %max3A_1068 = arith.maximumf %while3A_1047, %gather3A_1067 : vector<16xf32>
        %xor3A_1069 = arith.constant 8 : i32
        %xor3A_1070 = vector.broadcast %xor3A_1069 : i32 to vector<16xi32>
        %xor3A_1071 = arith.xori %iota3A, %xor3A_1070 : vector<16xi32>
        %lt3A_1072 = arith.constant 0 : i32
        %lt3A_1073 = vector.broadcast %lt3A_1072 : i32 to vector<16xi32>
        %lt3A_1074 = arith.cmpi slt, %xor3A_1071, %lt3A_1073 : vector<16xi32>
        %add3A_1075 = arith.constant 16 : i32
        %add3A_1076 = vector.broadcast %add3A_1075 : i32 to vector<16xi32>
        %add3A_1077 = arith.addi %xor3A_1071, %add3A_1076 : vector<16xi32>
        %select_n3A_1078 = arith.select %lt3A_1074, %add3A_1077, %xor3A_1071 : vector<16xi1>, vector<16xi32>
        %broadcast_in_dim3A_1079 = vector.shape_cast %select_n3A_1078 : vector<16xi32> to vector<16x1xi32>
        %gather3A_1080 = vector.shape_cast %broadcast_in_dim3A_1079 : vector<16x1xi32> to vector<16xi32>
        %gather3A_1081 = tpu.dynamic_gather %max3A_1068[%gather3A_1080] in [0] : vector<16xf32>, vector<16xi32> -> vector<16xf32>
        %and3A_1082 = arith.constant 8 : i32
        %and3A_1083 = vector.broadcast %and3A_1082 : i32 to vector<16xi32>
        %and3A_1084 = arith.andi %iota3A, %and3A_1083 : vector<16xi32>
        %eq3A_1085 = arith.constant 0 : i32
        %eq3A_1086 = vector.broadcast %eq3A_1085 : i32 to vector<16xi32>
        %eq3A_1087 = arith.cmpi eq, %and3A_1084, %eq3A_1086 : vector<16xi32>
        %max3A_1088 = arith.maximumf %max3A_1068, %gather3A_1081 : vector<16xf32>
        %min3A_1089 = arith.minimumf %max3A_1068, %gather3A_1081 : vector<16xf32>
        %select_n3A_1090 = arith.select %eq3A_1087, %max3A_1088, %min3A_1089 : vector<16xi1>, vector<16xf32>
        %xor3A_1091 = arith.constant 4 : i32
        %xor3A_1092 = vector.broadcast %xor3A_1091 : i32 to vector<16xi32>
        %xor3A_1093 = arith.xori %iota3A, %xor3A_1092 : vector<16xi32>
        %lt3A_1094 = arith.constant 0 : i32
        %lt3A_1095 = vector.broadcast %lt3A_1094 : i32 to vector<16xi32>
        %lt3A_1096 = arith.cmpi slt, %xor3A_1093, %lt3A_1095 : vector<16xi32>
        %add3A_1097 = arith.constant 16 : i32
        %add3A_1098 = vector.broadcast %add3A_1097 : i32 to vector<16xi32>
        %add3A_1099 = arith.addi %xor3A_1093, %add3A_1098 : vector<16xi32>
        %select_n3A_1100 = arith.select %lt3A_1096, %add3A_1099, %xor3A_1093 : vector<16xi1>, vector<16xi32>
        %broadcast_in_dim3A_1101 = vector.shape_cast %select_n3A_1100 : vector<16xi32> to vector<16x1xi32>
        %gather3A_1102 = vector.shape_cast %broadcast_in_dim3A_1101 : vector<16x1xi32> to vector<16xi32>
        %gather3A_1103 = tpu.dynamic_gather %select_n3A_1090[%gather3A_1102] in [0] : vector<16xf32>, vector<16xi32> -> vector<16xf32>
        %and3A_1104 = arith.constant 4 : i32
        %and3A_1105 = vector.broadcast %and3A_1104 : i32 to vector<16xi32>
        %and3A_1106 = arith.andi %iota3A, %and3A_1105 : vector<16xi32>
        %eq3A_1107 = arith.constant 0 : i32
        %eq3A_1108 = vector.broadcast %eq3A_1107 : i32 to vector<16xi32>
        %eq3A_1109 = arith.cmpi eq, %and3A_1106, %eq3A_1108 : vector<16xi32>
        %max3A_1110 = arith.maximumf %select_n3A_1090, %gather3A_1103 : vector<16xf32>
        %min3A_1111 = arith.minimumf %select_n3A_1090, %gather3A_1103 : vector<16xf32>
        %select_n3A_1112 = arith.select %eq3A_1109, %max3A_1110, %min3A_1111 : vector<16xi1>, vector<16xf32>
        %xor3A_1113 = arith.constant 2 : i32
        %xor3A_1114 = vector.broadcast %xor3A_1113 : i32 to vector<16xi32>
        %xor3A_1115 = arith.xori %iota3A, %xor3A_1114 : vector<16xi32>
        %lt3A_1116 = arith.constant 0 : i32
        %lt3A_1117 = vector.broadcast %lt3A_1116 : i32 to vector<16xi32>
        %lt3A_1118 = arith.cmpi slt, %xor3A_1115, %lt3A_1117 : vector<16xi32>
        %add3A_1119 = arith.constant 16 : i32
        %add3A_1120 = vector.broadcast %add3A_1119 : i32 to vector<16xi32>
        %add3A_1121 = arith.addi %xor3A_1115, %add3A_1120 : vector<16xi32>
        %select_n3A_1122 = arith.select %lt3A_1118, %add3A_1121, %xor3A_1115 : vector<16xi1>, vector<16xi32>
        %broadcast_in_dim3A_1123 = vector.shape_cast %select_n3A_1122 : vector<16xi32> to vector<16x1xi32>
        %gather3A_1124 = vector.shape_cast %broadcast_in_dim3A_1123 : vector<16x1xi32> to vector<16xi32>
        %gather3A_1125 = tpu.dynamic_gather %select_n3A_1112[%gather3A_1124] in [0] : vector<16xf32>, vector<16xi32> -> vector<16xf32>
        %and3A_1126 = arith.constant 2 : i32
        %and3A_1127 = vector.broadcast %and3A_1126 : i32 to vector<16xi32>
        %and3A_1128 = arith.andi %iota3A, %and3A_1127 : vector<16xi32>
        %eq3A_1129 = arith.constant 0 : i32
        %eq3A_1130 = vector.broadcast %eq3A_1129 : i32 to vector<16xi32>
        %eq3A_1131 = arith.cmpi eq, %and3A_1128, %eq3A_1130 : vector<16xi32>
        %max3A_1132 = arith.maximumf %select_n3A_1112, %gather3A_1125 : vector<16xf32>
        %min3A_1133 = arith.minimumf %select_n3A_1112, %gather3A_1125 : vector<16xf32>
        %select_n3A_1134 = arith.select %eq3A_1131, %max3A_1132, %min3A_1133 : vector<16xi1>, vector<16xf32>
        %xor3A_1135 = arith.constant 1 : i32
        %xor3A_1136 = vector.broadcast %xor3A_1135 : i32 to vector<16xi32>
        %xor3A_1137 = arith.xori %iota3A, %xor3A_1136 : vector<16xi32>
        %lt3A_1138 = arith.constant 0 : i32
        %lt3A_1139 = vector.broadcast %lt3A_1138 : i32 to vector<16xi32>
        %lt3A_1140 = arith.cmpi slt, %xor3A_1137, %lt3A_1139 : vector<16xi32>
        %add3A_1141 = arith.constant 16 : i32
        %add3A_1142 = vector.broadcast %add3A_1141 : i32 to vector<16xi32>
        %add3A_1143 = arith.addi %xor3A_1137, %add3A_1142 : vector<16xi32>
        %select_n3A_1144 = arith.select %lt3A_1140, %add3A_1143, %xor3A_1137 : vector<16xi1>, vector<16xi32>
        %broadcast_in_dim3A_1145 = vector.shape_cast %select_n3A_1144 : vector<16xi32> to vector<16x1xi32>
        %gather3A_1146 = vector.shape_cast %broadcast_in_dim3A_1145 : vector<16x1xi32> to vector<16xi32>
        %gather3A_1147 = tpu.dynamic_gather %select_n3A_1134[%gather3A_1146] in [0] : vector<16xf32>, vector<16xi32> -> vector<16xf32>
        %and3A_1148 = arith.constant 1 : i32
        %and3A_1149 = vector.broadcast %and3A_1148 : i32 to vector<16xi32>
        %and3A_1150 = arith.andi %iota3A, %and3A_1149 : vector<16xi32>
        %eq3A_1151 = arith.constant 0 : i32
        %eq3A_1152 = vector.broadcast %eq3A_1151 : i32 to vector<16xi32>
        %eq3A_1153 = arith.cmpi eq, %and3A_1150, %eq3A_1152 : vector<16xi32>
        %max3A_1154 = arith.maximumf %select_n3A_1134, %gather3A_1147 : vector<16xf32>
        %min3A_1155 = arith.minimumf %select_n3A_1134, %gather3A_1147 : vector<16xf32>
        %select_n3A_1156 = arith.select %eq3A_1153, %max3A_1154, %min3A_1155 : vector<16xi1>, vector<16xf32>
        %sub3A_1157 = arith.constant 15 : i32
        %sub3A_1158 = vector.broadcast %sub3A_1157 : i32 to vector<16xi32>
        %sub3A_1159 = arith.subi %sub3A_1158, %iota3A : vector<16xi32>
        %lt3A_1160 = arith.constant 0 : i32
        %lt3A_1161 = vector.broadcast %lt3A_1160 : i32 to vector<16xi32>
        %lt3A_1162 = arith.cmpi slt, %sub3A_1159, %lt3A_1161 : vector<16xi32>
        %add3A_1163 = arith.constant 16 : i32
        %add3A_1164 = vector.broadcast %add3A_1163 : i32 to vector<16xi32>
        %add3A_1165 = arith.addi %sub3A_1159, %add3A_1164 : vector<16xi32>
        %select_n3A_1166 = arith.select %lt3A_1162, %add3A_1165, %sub3A_1159 : vector<16xi1>, vector<16xi32>
        %broadcast_in_dim3A_1167 = vector.shape_cast %select_n3A_1166 : vector<16xi32> to vector<16x1xi32>
        %gather3A_1168 = vector.shape_cast %broadcast_in_dim3A_1167 : vector<16x1xi32> to vector<16xi32>
        %gather3A_1169 = tpu.dynamic_gather %select_n3A_1156[%gather3A_1168] in [0] : vector<16xf32>, vector<16xi32> -> vector<16xf32>
        %max3A_1170 = arith.maximumf %while3A_1046, %gather3A_1169 : vector<16xf32>
        %xor3A_1171 = arith.constant 8 : i32
        %xor3A_1172 = vector.broadcast %xor3A_1171 : i32 to vector<16xi32>
        %xor3A_1173 = arith.xori %iota3A, %xor3A_1172 : vector<16xi32>
        %lt3A_1174 = arith.constant 0 : i32
        %lt3A_1175 = vector.broadcast %lt3A_1174 : i32 to vector<16xi32>
        %lt3A_1176 = arith.cmpi slt, %xor3A_1173, %lt3A_1175 : vector<16xi32>
        %add3A_1177 = arith.constant 16 : i32
        %add3A_1178 = vector.broadcast %add3A_1177 : i32 to vector<16xi32>
        %add3A_1179 = arith.addi %xor3A_1173, %add3A_1178 : vector<16xi32>
        %select_n3A_1180 = arith.select %lt3A_1176, %add3A_1179, %xor3A_1173 : vector<16xi1>, vector<16xi32>
        %broadcast_in_dim3A_1181 = vector.shape_cast %select_n3A_1180 : vector<16xi32> to vector<16x1xi32>
        %gather3A_1182 = vector.shape_cast %broadcast_in_dim3A_1181 : vector<16x1xi32> to vector<16xi32>
        %gather3A_1183 = tpu.dynamic_gather %max3A_1170[%gather3A_1182] in [0] : vector<16xf32>, vector<16xi32> -> vector<16xf32>
        %and3A_1184 = arith.constant 8 : i32
        %and3A_1185 = vector.broadcast %and3A_1184 : i32 to vector<16xi32>
        %and3A_1186 = arith.andi %iota3A, %and3A_1185 : vector<16xi32>
        %eq3A_1187 = arith.constant 0 : i32
        %eq3A_1188 = vector.broadcast %eq3A_1187 : i32 to vector<16xi32>
        %eq3A_1189 = arith.cmpi eq, %and3A_1186, %eq3A_1188 : vector<16xi32>
        %max3A_1190 = arith.maximumf %max3A_1170, %gather3A_1183 : vector<16xf32>
        %min3A_1191 = arith.minimumf %max3A_1170, %gather3A_1183 : vector<16xf32>
        %select_n3A_1192 = arith.select %eq3A_1189, %max3A_1190, %min3A_1191 : vector<16xi1>, vector<16xf32>
        %xor3A_1193 = arith.constant 4 : i32
        %xor3A_1194 = vector.broadcast %xor3A_1193 : i32 to vector<16xi32>
        %xor3A_1195 = arith.xori %iota3A, %xor3A_1194 : vector<16xi32>
        %lt3A_1196 = arith.constant 0 : i32
        %lt3A_1197 = vector.broadcast %lt3A_1196 : i32 to vector<16xi32>
        %lt3A_1198 = arith.cmpi slt, %xor3A_1195, %lt3A_1197 : vector<16xi32>
        %add3A_1199 = arith.constant 16 : i32
        %add3A_1200 = vector.broadcast %add3A_1199 : i32 to vector<16xi32>
        %add3A_1201 = arith.addi %xor3A_1195, %add3A_1200 : vector<16xi32>
        %select_n3A_1202 = arith.select %lt3A_1198, %add3A_1201, %xor3A_1195 : vector<16xi1>, vector<16xi32>
        %broadcast_in_dim3A_1203 = vector.shape_cast %select_n3A_1202 : vector<16xi32> to vector<16x1xi32>
        %gather3A_1204 = vector.shape_cast %broadcast_in_dim3A_1203 : vector<16x1xi32> to vector<16xi32>
        %gather3A_1205 = tpu.dynamic_gather %select_n3A_1192[%gather3A_1204] in [0] : vector<16xf32>, vector<16xi32> -> vector<16xf32>
        %and3A_1206 = arith.constant 4 : i32
        %and3A_1207 = vector.broadcast %and3A_1206 : i32 to vector<16xi32>
        %and3A_1208 = arith.andi %iota3A, %and3A_1207 : vector<16xi32>
        %eq3A_1209 = arith.constant 0 : i32
        %eq3A_1210 = vector.broadcast %eq3A_1209 : i32 to vector<16xi32>
        %eq3A_1211 = arith.cmpi eq, %and3A_1208, %eq3A_1210 : vector<16xi32>
        %max3A_1212 = arith.maximumf %select_n3A_1192, %gather3A_1205 : vector<16xf32>
        %min3A_1213 = arith.minimumf %select_n3A_1192, %gather3A_1205 : vector<16xf32>
        %select_n3A_1214 = arith.select %eq3A_1211, %max3A_1212, %min3A_1213 : vector<16xi1>, vector<16xf32>
        %xor3A_1215 = arith.constant 2 : i32
        %xor3A_1216 = vector.broadcast %xor3A_1215 : i32 to vector<16xi32>
        %xor3A_1217 = arith.xori %iota3A, %xor3A_1216 : vector<16xi32>
        %lt3A_1218 = arith.constant 0 : i32
        %lt3A_1219 = vector.broadcast %lt3A_1218 : i32 to vector<16xi32>
        %lt3A_1220 = arith.cmpi slt, %xor3A_1217, %lt3A_1219 : vector<16xi32>
        %add3A_1221 = arith.constant 16 : i32
        %add3A_1222 = vector.broadcast %add3A_1221 : i32 to vector<16xi32>
        %add3A_1223 = arith.addi %xor3A_1217, %add3A_1222 : vector<16xi32>
        %select_n3A_1224 = arith.select %lt3A_1220, %add3A_1223, %xor3A_1217 : vector<16xi1>, vector<16xi32>
        %broadcast_in_dim3A_1225 = vector.shape_cast %select_n3A_1224 : vector<16xi32> to vector<16x1xi32>
        %gather3A_1226 = vector.shape_cast %broadcast_in_dim3A_1225 : vector<16x1xi32> to vector<16xi32>
        %gather3A_1227 = tpu.dynamic_gather %select_n3A_1214[%gather3A_1226] in [0] : vector<16xf32>, vector<16xi32> -> vector<16xf32>
        %and3A_1228 = arith.constant 2 : i32
        %and3A_1229 = vector.broadcast %and3A_1228 : i32 to vector<16xi32>
        %and3A_1230 = arith.andi %iota3A, %and3A_1229 : vector<16xi32>
        %eq3A_1231 = arith.constant 0 : i32
        %eq3A_1232 = vector.broadcast %eq3A_1231 : i32 to vector<16xi32>
        %eq3A_1233 = arith.cmpi eq, %and3A_1230, %eq3A_1232 : vector<16xi32>
        %max3A_1234 = arith.maximumf %select_n3A_1214, %gather3A_1227 : vector<16xf32>
        %min3A_1235 = arith.minimumf %select_n3A_1214, %gather3A_1227 : vector<16xf32>
        %select_n3A_1236 = arith.select %eq3A_1233, %max3A_1234, %min3A_1235 : vector<16xi1>, vector<16xf32>
        %xor3A_1237 = arith.constant 1 : i32
        %xor3A_1238 = vector.broadcast %xor3A_1237 : i32 to vector<16xi32>
        %xor3A_1239 = arith.xori %iota3A, %xor3A_1238 : vector<16xi32>
        %lt3A_1240 = arith.constant 0 : i32
        %lt3A_1241 = vector.broadcast %lt3A_1240 : i32 to vector<16xi32>
        %lt3A_1242 = arith.cmpi slt, %xor3A_1239, %lt3A_1241 : vector<16xi32>
        %add3A_1243 = arith.constant 16 : i32
        %add3A_1244 = vector.broadcast %add3A_1243 : i32 to vector<16xi32>
        %add3A_1245 = arith.addi %xor3A_1239, %add3A_1244 : vector<16xi32>
        %select_n3A_1246 = arith.select %lt3A_1242, %add3A_1245, %xor3A_1239 : vector<16xi1>, vector<16xi32>
        %broadcast_in_dim3A_1247 = vector.shape_cast %select_n3A_1246 : vector<16xi32> to vector<16x1xi32>
        %gather3A_1248 = vector.shape_cast %broadcast_in_dim3A_1247 : vector<16x1xi32> to vector<16xi32>
        %gather3A_1249 = tpu.dynamic_gather %select_n3A_1236[%gather3A_1248] in [0] : vector<16xf32>, vector<16xi32> -> vector<16xf32>
        %and3A_1250 = arith.constant 1 : i32
        %and3A_1251 = vector.broadcast %and3A_1250 : i32 to vector<16xi32>
        %and3A_1252 = arith.andi %iota3A, %and3A_1251 : vector<16xi32>
        %eq3A_1253 = arith.constant 0 : i32
        %eq3A_1254 = vector.broadcast %eq3A_1253 : i32 to vector<16xi32>
        %eq3A_1255 = arith.cmpi eq, %and3A_1252, %eq3A_1254 : vector<16xi32>
        %max3A_1256 = arith.maximumf %select_n3A_1236, %gather3A_1249 : vector<16xf32>
        %min3A_1257 = arith.minimumf %select_n3A_1236, %gather3A_1249 : vector<16xf32>
        %select_n3A_1258 = arith.select %eq3A_1255, %max3A_1256, %min3A_1257 : vector<16xi1>, vector<16xf32>
        %min3A_1259 = arith.minimumf %while3A_1046, %gather3A_1169 : vector<16xf32>
        %xor3A_1260 = arith.constant 8 : i32
        %xor3A_1261 = vector.broadcast %xor3A_1260 : i32 to vector<16xi32>
        %xor3A_1262 = arith.xori %iota3A, %xor3A_1261 : vector<16xi32>
        %lt3A_1263 = arith.constant 0 : i32
        %lt3A_1264 = vector.broadcast %lt3A_1263 : i32 to vector<16xi32>
        %lt3A_1265 = arith.cmpi slt, %xor3A_1262, %lt3A_1264 : vector<16xi32>
        %add3A_1266 = arith.constant 16 : i32
        %add3A_1267 = vector.broadcast %add3A_1266 : i32 to vector<16xi32>
        %add3A_1268 = arith.addi %xor3A_1262, %add3A_1267 : vector<16xi32>
        %select_n3A_1269 = arith.select %lt3A_1265, %add3A_1268, %xor3A_1262 : vector<16xi1>, vector<16xi32>
        %broadcast_in_dim3A_1270 = vector.shape_cast %select_n3A_1269 : vector<16xi32> to vector<16x1xi32>
        %gather3A_1271 = vector.shape_cast %broadcast_in_dim3A_1270 : vector<16x1xi32> to vector<16xi32>
        %gather3A_1272 = tpu.dynamic_gather %min3A_1259[%gather3A_1271] in [0] : vector<16xf32>, vector<16xi32> -> vector<16xf32>
        %and3A_1273 = arith.constant 8 : i32
        %and3A_1274 = vector.broadcast %and3A_1273 : i32 to vector<16xi32>
        %and3A_1275 = arith.andi %iota3A, %and3A_1274 : vector<16xi32>
        %eq3A_1276 = arith.constant 0 : i32
        %eq3A_1277 = vector.broadcast %eq3A_1276 : i32 to vector<16xi32>
        %eq3A_1278 = arith.cmpi eq, %and3A_1275, %eq3A_1277 : vector<16xi32>
        %max3A_1279 = arith.maximumf %min3A_1259, %gather3A_1272 : vector<16xf32>
        %min3A_1280 = arith.minimumf %min3A_1259, %gather3A_1272 : vector<16xf32>
        %select_n3A_1281 = arith.select %eq3A_1278, %max3A_1279, %min3A_1280 : vector<16xi1>, vector<16xf32>
        %xor3A_1282 = arith.constant 4 : i32
        %xor3A_1283 = vector.broadcast %xor3A_1282 : i32 to vector<16xi32>
        %xor3A_1284 = arith.xori %iota3A, %xor3A_1283 : vector<16xi32>
        %lt3A_1285 = arith.constant 0 : i32
        %lt3A_1286 = vector.broadcast %lt3A_1285 : i32 to vector<16xi32>
        %lt3A_1287 = arith.cmpi slt, %xor3A_1284, %lt3A_1286 : vector<16xi32>
        %add3A_1288 = arith.constant 16 : i32
        %add3A_1289 = vector.broadcast %add3A_1288 : i32 to vector<16xi32>
        %add3A_1290 = arith.addi %xor3A_1284, %add3A_1289 : vector<16xi32>
        %select_n3A_1291 = arith.select %lt3A_1287, %add3A_1290, %xor3A_1284 : vector<16xi1>, vector<16xi32>
        %broadcast_in_dim3A_1292 = vector.shape_cast %select_n3A_1291 : vector<16xi32> to vector<16x1xi32>
        %gather3A_1293 = vector.shape_cast %broadcast_in_dim3A_1292 : vector<16x1xi32> to vector<16xi32>
        %gather3A_1294 = tpu.dynamic_gather %select_n3A_1281[%gather3A_1293] in [0] : vector<16xf32>, vector<16xi32> -> vector<16xf32>
        %and3A_1295 = arith.constant 4 : i32
        %and3A_1296 = vector.broadcast %and3A_1295 : i32 to vector<16xi32>
        %and3A_1297 = arith.andi %iota3A, %and3A_1296 : vector<16xi32>
        %eq3A_1298 = arith.constant 0 : i32
        %eq3A_1299 = vector.broadcast %eq3A_1298 : i32 to vector<16xi32>
        %eq3A_1300 = arith.cmpi eq, %and3A_1297, %eq3A_1299 : vector<16xi32>
        %max3A_1301 = arith.maximumf %select_n3A_1281, %gather3A_1294 : vector<16xf32>
        %min3A_1302 = arith.minimumf %select_n3A_1281, %gather3A_1294 : vector<16xf32>
        %select_n3A_1303 = arith.select %eq3A_1300, %max3A_1301, %min3A_1302 : vector<16xi1>, vector<16xf32>
        %xor3A_1304 = arith.constant 2 : i32
        %xor3A_1305 = vector.broadcast %xor3A_1304 : i32 to vector<16xi32>
        %xor3A_1306 = arith.xori %iota3A, %xor3A_1305 : vector<16xi32>
        %lt3A_1307 = arith.constant 0 : i32
        %lt3A_1308 = vector.broadcast %lt3A_1307 : i32 to vector<16xi32>
        %lt3A_1309 = arith.cmpi slt, %xor3A_1306, %lt3A_1308 : vector<16xi32>
        %add3A_1310 = arith.constant 16 : i32
        %add3A_1311 = vector.broadcast %add3A_1310 : i32 to vector<16xi32>
        %add3A_1312 = arith.addi %xor3A_1306, %add3A_1311 : vector<16xi32>
        %select_n3A_1313 = arith.select %lt3A_1309, %add3A_1312, %xor3A_1306 : vector<16xi1>, vector<16xi32>
        %broadcast_in_dim3A_1314 = vector.shape_cast %select_n3A_1313 : vector<16xi32> to vector<16x1xi32>
        %gather3A_1315 = vector.shape_cast %broadcast_in_dim3A_1314 : vector<16x1xi32> to vector<16xi32>
        %gather3A_1316 = tpu.dynamic_gather %select_n3A_1303[%gather3A_1315] in [0] : vector<16xf32>, vector<16xi32> -> vector<16xf32>
        %and3A_1317 = arith.constant 2 : i32
        %and3A_1318 = vector.broadcast %and3A_1317 : i32 to vector<16xi32>
        %and3A_1319 = arith.andi %iota3A, %and3A_1318 : vector<16xi32>
        %eq3A_1320 = arith.constant 0 : i32
        %eq3A_1321 = vector.broadcast %eq3A_1320 : i32 to vector<16xi32>
        %eq3A_1322 = arith.cmpi eq, %and3A_1319, %eq3A_1321 : vector<16xi32>
        %max3A_1323 = arith.maximumf %select_n3A_1303, %gather3A_1316 : vector<16xf32>
        %min3A_1324 = arith.minimumf %select_n3A_1303, %gather3A_1316 : vector<16xf32>
        %select_n3A_1325 = arith.select %eq3A_1322, %max3A_1323, %min3A_1324 : vector<16xi1>, vector<16xf32>
        %xor3A_1326 = arith.constant 1 : i32
        %xor3A_1327 = vector.broadcast %xor3A_1326 : i32 to vector<16xi32>
        %xor3A_1328 = arith.xori %iota3A, %xor3A_1327 : vector<16xi32>
        %lt3A_1329 = arith.constant 0 : i32
        %lt3A_1330 = vector.broadcast %lt3A_1329 : i32 to vector<16xi32>
        %lt3A_1331 = arith.cmpi slt, %xor3A_1328, %lt3A_1330 : vector<16xi32>
        %add3A_1332 = arith.constant 16 : i32
        %add3A_1333 = vector.broadcast %add3A_1332 : i32 to vector<16xi32>
        %add3A_1334 = arith.addi %xor3A_1328, %add3A_1333 : vector<16xi32>
        %select_n3A_1335 = arith.select %lt3A_1331, %add3A_1334, %xor3A_1328 : vector<16xi1>, vector<16xi32>
        %broadcast_in_dim3A_1336 = vector.shape_cast %select_n3A_1335 : vector<16xi32> to vector<16x1xi32>
        %gather3A_1337 = vector.shape_cast %broadcast_in_dim3A_1336 : vector<16x1xi32> to vector<16xi32>
        %gather3A_1338 = tpu.dynamic_gather %select_n3A_1325[%gather3A_1337] in [0] : vector<16xf32>, vector<16xi32> -> vector<16xf32>
        %and3A_1339 = arith.constant 1 : i32
        %and3A_1340 = vector.broadcast %and3A_1339 : i32 to vector<16xi32>
        %and3A_1341 = arith.andi %iota3A, %and3A_1340 : vector<16xi32>
        %eq3A_1342 = arith.constant 0 : i32
        %eq3A_1343 = vector.broadcast %eq3A_1342 : i32 to vector<16xi32>
        %eq3A_1344 = arith.cmpi eq, %and3A_1341, %eq3A_1343 : vector<16xi32>
        %max3A_1345 = arith.maximumf %select_n3A_1325, %gather3A_1338 : vector<16xf32>
        %min3A_1346 = arith.minimumf %select_n3A_1325, %gather3A_1338 : vector<16xf32>
        %select_n3A_1347 = arith.select %eq3A_1344, %max3A_1345, %min3A_1346 : vector<16xi1>, vector<16xf32>
        scf.yield %select_n3A_1258, %select_n3A_1347 : vector<16xf32>, vector<16xf32>
      }
      %add3A_172 = arith.constant 15 : i32
      %add3A_173 = vector.broadcast %add3A_172 : i32 to vector<16xi32>
      %add3A_174 = arith.addi %broadcast_in_dim3A_52, %add3A_173 : vector<16xi32>
      %lt3A_175 = arith.constant 0 : i32
      %lt3A_176 = vector.broadcast %lt3A_175 : i32 to vector<16xi32>
      %lt3A_177 = arith.cmpi slt, %add3A_174, %lt3A_176 : vector<16xi32>
      %add3A_178 = arith.constant 16 : i32
      %add3A_179 = vector.broadcast %add3A_178 : i32 to vector<16xi32>
      %add3A_180 = arith.addi %add3A_174, %add3A_179 : vector<16xi32>
      %select_n3A_181 = arith.select %lt3A_177, %add3A_180, %add3A_174 : vector<16xi1>, vector<16xi32>
      %broadcast_in_dim3A_182 = vector.shape_cast %select_n3A_181 : vector<16xi32> to vector<16x1xi32>
      %gather3A_183 = vector.shape_cast %broadcast_in_dim3A_182 : vector<16x1xi32> to vector<16xi32>
      %gather3A_184 = tpu.dynamic_gather %while3A_171#1[%gather3A_183] in [0] : vector<16xf32>, vector<16xi32> -> vector<16xf32>
      %while3A_185 = arith.constant 0 : i32
      %while3A_186 = arith.constant 0 : i32
      %while3A_187 = arith.subi %min3A_160, %while3A_185 : i32
      %while3A_188 = arith.addi %while3A_185, %while3A_187 : i32
      %while3A_189 = arith.constant 1 : i32
      %while3A_190 = arith.divsi %while3A_187, %while3A_189 : i32
      %while3A_191 = arith.muli %while3A_190, %while3A_189 : i32
      %while3A_192 = arith.addi %while3A_185, %while3A_191 : i32
      %while3A_193 = arith.constant 1 : i32
      %while3A_194 = scf.for %while3A_1045 = %while3A_185 to %while3A_192 step %while3A_193 iter_args(%while3A_1046 = %while3A_186) -> (i32)  : i32 {
        %mul3A_1047 = arith.constant 16 : i32
        %mul3A_1048 = arith.muli %while3A_1045, %mul3A_1047 : i32
        %get3A = arith.index_cast %mul3A_1048 : i32 to index
        %get3A_1049 = tpu.vector_load %arg11[%get3A] {strides = array<i32>} : memref<8208xf32, #tpu.memory_space<vmem>>, vector<16xf32>,
        %mul3A_1050 = arith.constant 16 : i32
        %mul3A_1051 = arith.muli %while3A_1045, %mul3A_1050 : i32
        %get3A_1052 = arith.index_cast %mul3A_1051 : i32 to index
        %get3A_1053 = tpu.vector_load %arg12[%get3A_1052] {strides = array<i32>} : memref<8208xi32, #tpu.memory_space<vmem>>, vector<16xi32>,
        %ge3A = arith.cmpf oge, %get3A_1049, %gather3A_184 : vector<16xf32>
        %all_reduce_population_count3A = tpu.all_reduce %ge3A {dim = 0 : i64, kind = #tpu.reduction_kind<sum>} : vector<16xi1> -> vector<16xi32>
        %min3A_1054 = arith.constant 4080 : i32
        %min3A_1055 = arith.minsi %while3A_1046, %min3A_1054 : i32
        %swap3A_1056 = arith.index_cast %min3A_1055 : i32 to index
        %swap3A_1057 = tpu.vector_load %arg6[%swap3A_1056] masked %ge3A {strides = array<i32>} : memref<4096xf32, #tpu.memory_space<vmem>>, vector<16xf32>, vector<16xi1>
        tpu.vector_store %arg6[%swap3A_1056], %get3A_1049 masked %ge3A {strides = array<i32>} : memref<4096xf32, #tpu.memory_space<vmem>>, vector<16xf32>, vector<16xi1>
        %swap3A_1058 = arith.index_cast %min3A_1055 : i32 to index
        %swap3A_1059 = tpu.vector_load %arg7[%swap3A_1058] masked %ge3A {strides = array<i32>} : memref<4096xi32, #tpu.memory_space<vmem>>, vector<16xi32>, vector<16xi1>
        tpu.vector_store %arg7[%swap3A_1058], %get3A_1053 masked %ge3A {strides = array<i32>} : memref<4096xi32, #tpu.memory_space<vmem>>, vector<16xi32>, vector<16xi1>
        %slice3A_1060 = vector.extract_strided_slice %all_reduce_population_count3A {offsets = [0], sizes = [1], strides = [1]} : vector<16xi32> to vector<1xi32>
        %squeeze3A_1061 = vector.extract %slice3A_1060[0] : i32 from vector<1xi32>
        %add3A_1062 = arith.addi %while3A_1046, %squeeze3A_1061 : i32
        scf.yield %add3A_1062 : i32
      }
      %while3A_195 = arith.constant 1 : i32
      %while3A_196 = scf.for %while3A_1045 = %while3A_192 to %while3A_188 step %while3A_195 iter_args(%while3A_1046 = %while3A_194) -> (i32)  : i32 {
        %mul3A_1047 = arith.constant 16 : i32
        %mul3A_1048 = arith.muli %while3A_1045, %mul3A_1047 : i32
        %get3A = arith.index_cast %mul3A_1048 : i32 to index
        %get3A_1049 = tpu.vector_load %arg11[%get3A] {strides = array<i32>} : memref<8208xf32, #tpu.memory_space<vmem>>, vector<16xf32>,
        %mul3A_1050 = arith.constant 16 : i32
        %mul3A_1051 = arith.muli %while3A_1045, %mul3A_1050 : i32
        %get3A_1052 = arith.index_cast %mul3A_1051 : i32 to index
        %get3A_1053 = tpu.vector_load %arg12[%get3A_1052] {strides = array<i32>} : memref<8208xi32, #tpu.memory_space<vmem>>, vector<16xi32>,
        %ge3A = arith.cmpf oge, %get3A_1049, %gather3A_184 : vector<16xf32>
        %all_reduce_population_count3A = tpu.all_reduce %ge3A {dim = 0 : i64, kind = #tpu.reduction_kind<sum>} : vector<16xi1> -> vector<16xi32>
        %min3A_1054 = arith.constant 4080 : i32
        %min3A_1055 = arith.minsi %while3A_1046, %min3A_1054 : i32
        %swap3A_1056 = arith.index_cast %min3A_1055 : i32 to index
        %swap3A_1057 = tpu.vector_load %arg6[%swap3A_1056] masked %ge3A {strides = array<i32>} : memref<4096xf32, #tpu.memory_space<vmem>>, vector<16xf32>, vector<16xi1>
        tpu.vector_store %arg6[%swap3A_1056], %get3A_1049 masked %ge3A {strides = array<i32>} : memref<4096xf32, #tpu.memory_space<vmem>>, vector<16xf32>, vector<16xi1>
        %swap3A_1058 = arith.index_cast %min3A_1055 : i32 to index
        %swap3A_1059 = tpu.vector_load %arg7[%swap3A_1058] masked %ge3A {strides = array<i32>} : memref<4096xi32, #tpu.memory_space<vmem>>, vector<16xi32>, vector<16xi1>
        tpu.vector_store %arg7[%swap3A_1058], %get3A_1053 masked %ge3A {strides = array<i32>} : memref<4096xi32, #tpu.memory_space<vmem>>, vector<16xi32>, vector<16xi1>
        %slice3A_1060 = vector.extract_strided_slice %all_reduce_population_count3A {offsets = [0], sizes = [1], strides = [1]} : vector<16xi32> to vector<1xi32>
        %squeeze3A_1061 = vector.extract %slice3A_1060[0] : i32 from vector<1xi32>
        %add3A_1062 = arith.addi %while3A_1046, %squeeze3A_1061 : i32
        scf.yield %add3A_1062 : i32
      }
      %eq3A_197 = arith.constant 32 : i32
      %eq3A_198 = arith.cmpi eq, %while3A_196, %eq3A_197 : i32
      %le3A = arith.constant 8192 : i32
      %le3A_199 = arith.cmpi sle, %while3A_150, %le3A : i32
      %and3A = arith.andi %eq3A_198, %le3A_199 : i1
      %convert_element_type3A = arith.extui %and3A : i1 to i32
      %cond3A = arith.constant 0 : i32
      %cond3A_200 = arith.constant 0 : i32
      %cond3A_201 = arith.cmpi ne, %convert_element_type3A, %cond3A_200 : i32
      %cond3A_202:4 = scf.if %cond3A_201 -> (vector<16xf32>, vector<16xf32>, vector<16xi32>, vector<16xi32>) {
        %get3A = arith.constant 0 : index
        %get3A_1045 = tpu.vector_load %arg6[%get3A] {strides = array<i32>} : memref<4096xf32, #tpu.memory_space<vmem>>, vector<16xf32>,
        %get3A_1046 = arith.constant 16 : index
        %get3A_1047 = tpu.vector_load %arg6[%get3A_1046] {strides = array<i32>} : memref<4096xf32, #tpu.memory_space<vmem>>, vector<16xf32>,
        %get3A_1048 = arith.constant 0 : index
        %get3A_1049 = tpu.vector_load %arg7[%get3A_1048] {strides = array<i32>} : memref<4096xi32, #tpu.memory_space<vmem>>, vector<16xi32>,
        %get3A_1050 = arith.constant 16 : index
        %get3A_1051 = tpu.vector_load %arg7[%get3A_1050] {strides = array<i32>} : memref<4096xi32, #tpu.memory_space<vmem>>, vector<16xi32>,
        scf.yield %get3A_1045, %get3A_1047, %get3A_1049, %get3A_1051 : vector<16xf32>, vector<16xf32>, vector<16xi32>, vector<16xi32>
      } else {
        %le3A_1045 = arith.constant 8192 : i32
        %le3A_1046 = arith.cmpi sle, %while3A_150, %le3A_1045 : i32
        %convert_element_type3A_1047 = arith.extui %le3A_1046 : i1 to i32
        %cond3A_1048 = arith.constant 0 : i32
        %cond3A_1049 = arith.constant 0 : i32
        %cond3A_1050 = arith.cmpi ne, %convert_element_type3A_1047, %cond3A_1049 : i32
        %cond3A_1051:4 = scf.if %cond3A_1050 -> (vector<16xf32>, vector<16xf32>, vector<16xi32>, vector<16xi32>) {
          %le3A_1052 = arith.constant 128 : i32
          %le3A_1053 = arith.cmpi sle, %while3A_150, %le3A_1052 : i32
          %convert_element_type3A_1054 = arith.extui %le3A_1053 : i1 to i32
          %cond3A_1055 = arith.constant 0 : i32
          %cond3A_1056 = arith.constant 0 : i32
          %cond3A_1057 = arith.cmpi ne, %convert_element_type3A_1054, %cond3A_1056 : i32
          %cond3A_1058:4 = scf.if %cond3A_1057 -> (vector<16xf32>, vector<16xf32>, vector<16xi32>, vector<16xi32>) {
            %scan3A_1059 = arith.constant 0 : i32
            %scan3A_1060 = arith.constant 32 : i32
            %scan3A_1061 = arith.addi %scan3A_1059, %scan3A_1060 : i32
            %scan3A_1062 = arith.constant 1 : i32
            %scan3A_1063:4 = scf.for %scan3A_1065 = %scan3A_1059 to %scan3A_1061 step %scan3A_1062 iter_args(%scan3A_1066 = %broadcast_in_dim3A_54, %scan3A_1067 = %broadcast_in_dim3A_54, %scan3A_1068 = %broadcast_in_dim3A_52, %scan3A_1069 = %broadcast_in_dim3A_52) -> (vector<16xf32>, vector<16xf32>, vector<16xi32>, vector<16xi32>)  : i32 {
              %get3A = arith.constant 0 : index
              %get3A_1070 = tpu.vector_load %arg11[%get3A] {strides = array<i32>} : memref<8208xf32, #tpu.memory_space<vmem>>, vector<16xf32>,
              %get3A_1071 = arith.constant 16 : index
              %get3A_1072 = tpu.vector_load %arg11[%get3A_1071] {strides = array<i32>} : memref<8208xf32, #tpu.memory_space<vmem>>, vector<16xf32>,
              %get3A_1073 = arith.constant 32 : index
              %get3A_1074 = tpu.vector_load %arg11[%get3A_1073] {strides = array<i32>} : memref<8208xf32, #tpu.memory_space<vmem>>, vector<16xf32>,
              %get3A_1075 = arith.constant 48 : index
              %get3A_1076 = tpu.vector_load %arg11[%get3A_1075] {strides = array<i32>} : memref<8208xf32, #tpu.memory_space<vmem>>, vector<16xf32>,
              %get3A_1077 = arith.constant 64 : index
              %get3A_1078 = tpu.vector_load %arg11[%get3A_1077] {strides = array<i32>} : memref<8208xf32, #tpu.memory_space<vmem>>, vector<16xf32>,
              %get3A_1079 = arith.constant 80 : index
              %get3A_1080 = tpu.vector_load %arg11[%get3A_1079] {strides = array<i32>} : memref<8208xf32, #tpu.memory_space<vmem>>, vector<16xf32>,
              %get3A_1081 = arith.constant 96 : index
              %get3A_1082 = tpu.vector_load %arg11[%get3A_1081] {strides = array<i32>} : memref<8208xf32, #tpu.memory_space<vmem>>, vector<16xf32>,
              %get3A_1083 = arith.constant 112 : index
              %get3A_1084 = tpu.vector_load %arg11[%get3A_1083] {strides = array<i32>} : memref<8208xf32, #tpu.memory_space<vmem>>, vector<16xf32>,
              %max3A_1085 = arith.maximumf %get3A_1070, %get3A_1072 : vector<16xf32>
              %max3A_1086 = arith.maximumf %get3A_1074, %get3A_1076 : vector<16xf32>
              %max3A_1087 = arith.maximumf %get3A_1078, %get3A_1080 : vector<16xf32>
              %max3A_1088 = arith.maximumf %get3A_1082, %get3A_1084 : vector<16xf32>
              %max3A_1089 = arith.maximumf %max3A_1085, %max3A_1086 : vector<16xf32>
              %max3A_1090 = arith.maximumf %max3A_1087, %max3A_1088 : vector<16xf32>
              %max3A_1091 = arith.maximumf %max3A_1089, %max3A_1090 : vector<16xf32>
              %xor3A_1092 = arith.constant 8 : i32
              %xor3A_1093 = vector.broadcast %xor3A_1092 : i32 to vector<16xi32>
              %xor3A_1094 = arith.xori %iota3A, %xor3A_1093 : vector<16xi32>
              %lt3A_1095 = arith.constant 0 : i32
              %lt3A_1096 = vector.broadcast %lt3A_1095 : i32 to vector<16xi32>
              %lt3A_1097 = arith.cmpi slt, %xor3A_1094, %lt3A_1096 : vector<16xi32>
              %add3A_1098 = arith.constant 16 : i32
              %add3A_1099 = vector.broadcast %add3A_1098 : i32 to vector<16xi32>
              %add3A_1100 = arith.addi %xor3A_1094, %add3A_1099 : vector<16xi32>
              %select_n3A_1101 = arith.select %lt3A_1097, %add3A_1100, %xor3A_1094 : vector<16xi1>, vector<16xi32>
              %broadcast_in_dim3A_1102 = vector.shape_cast %select_n3A_1101 : vector<16xi32> to vector<16x1xi32>
              %gather3A_1103 = vector.shape_cast %broadcast_in_dim3A_1102 : vector<16x1xi32> to vector<16xi32>
              %gather3A_1104 = tpu.dynamic_gather %max3A_1091[%gather3A_1103] in [0] : vector<16xf32>, vector<16xi32> -> vector<16xf32>
              %max3A_1105 = arith.maximumf %max3A_1091, %gather3A_1104 : vector<16xf32>
              %xor3A_1106 = arith.constant 4 : i32
              %xor3A_1107 = vector.broadcast %xor3A_1106 : i32 to vector<16xi32>
              %xor3A_1108 = arith.xori %iota3A, %xor3A_1107 : vector<16xi32>
              %lt3A_1109 = arith.constant 0 : i32
              %lt3A_1110 = vector.broadcast %lt3A_1109 : i32 to vector<16xi32>
              %lt3A_1111 = arith.cmpi slt, %xor3A_1108, %lt3A_1110 : vector<16xi32>
              %add3A_1112 = arith.constant 16 : i32
              %add3A_1113 = vector.broadcast %add3A_1112 : i32 to vector<16xi32>
              %add3A_1114 = arith.addi %xor3A_1108, %add3A_1113 : vector<16xi32>
              %select_n3A_1115 = arith.select %lt3A_1111, %add3A_1114, %xor3A_1108 : vector<16xi1>, vector<16xi32>
              %broadcast_in_dim3A_1116 = vector.shape_cast %select_n3A_1115 : vector<16xi32> to vector<16x1xi32>
              %gather3A_1117 = vector.shape_cast %broadcast_in_dim3A_1116 : vector<16x1xi32> to vector<16xi32>
              %gather3A_1118 = tpu.dynamic_gather %max3A_1105[%gather3A_1117] in [0] : vector<16xf32>, vector<16xi32> -> vector<16xf32>
              %max3A_1119 = arith.maximumf %max3A_1105, %gather3A_1118 : vector<16xf32>
              %xor3A_1120 = arith.constant 2 : i32
              %xor3A_1121 = vector.broadcast %xor3A_1120 : i32 to vector<16xi32>
              %xor3A_1122 = arith.xori %iota3A, %xor3A_1121 : vector<16xi32>
              %lt3A_1123 = arith.constant 0 : i32
              %lt3A_1124 = vector.broadcast %lt3A_1123 : i32 to vector<16xi32>
              %lt3A_1125 = arith.cmpi slt, %xor3A_1122, %lt3A_1124 : vector<16xi32>
              %add3A_1126 = arith.constant 16 : i32
              %add3A_1127 = vector.broadcast %add3A_1126 : i32 to vector<16xi32>
              %add3A_1128 = arith.addi %xor3A_1122, %add3A_1127 : vector<16xi32>
              %select_n3A_1129 = arith.select %lt3A_1125, %add3A_1128, %xor3A_1122 : vector<16xi1>, vector<16xi32>
              %broadcast_in_dim3A_1130 = vector.shape_cast %select_n3A_1129 : vector<16xi32> to vector<16x1xi32>
              %gather3A_1131 = vector.shape_cast %broadcast_in_dim3A_1130 : vector<16x1xi32> to vector<16xi32>
              %gather3A_1132 = tpu.dynamic_gather %max3A_1119[%gather3A_1131] in [0] : vector<16xf32>, vector<16xi32> -> vector<16xf32>
              %max3A_1133 = arith.maximumf %max3A_1119, %gather3A_1132 : vector<16xf32>
              %xor3A_1134 = arith.constant 1 : i32
              %xor3A_1135 = vector.broadcast %xor3A_1134 : i32 to vector<16xi32>
              %xor3A_1136 = arith.xori %iota3A, %xor3A_1135 : vector<16xi32>
              %lt3A_1137 = arith.constant 0 : i32
              %lt3A_1138 = vector.broadcast %lt3A_1137 : i32 to vector<16xi32>
              %lt3A_1139 = arith.cmpi slt, %xor3A_1136, %lt3A_1138 : vector<16xi32>
              %add3A_1140 = arith.constant 16 : i32
              %add3A_1141 = vector.broadcast %add3A_1140 : i32 to vector<16xi32>
              %add3A_1142 = arith.addi %xor3A_1136, %add3A_1141 : vector<16xi32>
              %select_n3A_1143 = arith.select %lt3A_1139, %add3A_1142, %xor3A_1136 : vector<16xi1>, vector<16xi32>
              %broadcast_in_dim3A_1144 = vector.shape_cast %select_n3A_1143 : vector<16xi32> to vector<16x1xi32>
              %gather3A_1145 = vector.shape_cast %broadcast_in_dim3A_1144 : vector<16x1xi32> to vector<16xi32>
              %gather3A_1146 = tpu.dynamic_gather %max3A_1133[%gather3A_1145] in [0] : vector<16xf32>, vector<16xi32> -> vector<16xf32>
              %max3A_1147 = arith.maximumf %max3A_1133, %gather3A_1146 : vector<16xf32>
              %get3A_1148 = arith.constant 0 : index
              %get3A_1149 = tpu.vector_load %arg12[%get3A_1148] {strides = array<i32>} : memref<8208xi32, #tpu.memory_space<vmem>>, vector<16xi32>,
              %eq3A_1150 = arith.cmpf oeq, %get3A_1070, %max3A_1147 : vector<16xf32>
              %select_n3A_1151 = arith.select %eq3A_1150, %get3A_1149, %broadcast_in_dim3A_50 : vector<16xi1>, vector<16xi32>
              %get3A_1152 = arith.constant 16 : index
              %get3A_1153 = tpu.vector_load %arg12[%get3A_1152] {strides = array<i32>} : memref<8208xi32, #tpu.memory_space<vmem>>, vector<16xi32>,
              %eq3A_1154 = arith.cmpf oeq, %get3A_1072, %max3A_1147 : vector<16xf32>
              %select_n3A_1155 = arith.select %eq3A_1154, %get3A_1153, %broadcast_in_dim3A_50 : vector<16xi1>, vector<16xi32>
              %get3A_1156 = arith.constant 32 : index
              %get3A_1157 = tpu.vector_load %arg12[%get3A_1156] {strides = array<i32>} : memref<8208xi32, #tpu.memory_space<vmem>>, vector<16xi32>,
              %eq3A_1158 = arith.cmpf oeq, %get3A_1074, %max3A_1147 : vector<16xf32>
              %select_n3A_1159 = arith.select %eq3A_1158, %get3A_1157, %broadcast_in_dim3A_50 : vector<16xi1>, vector<16xi32>
              %get3A_1160 = arith.constant 48 : index
              %get3A_1161 = tpu.vector_load %arg12[%get3A_1160] {strides = array<i32>} : memref<8208xi32, #tpu.memory_space<vmem>>, vector<16xi32>,
              %eq3A_1162 = arith.cmpf oeq, %get3A_1076, %max3A_1147 : vector<16xf32>
              %select_n3A_1163 = arith.select %eq3A_1162, %get3A_1161, %broadcast_in_dim3A_50 : vector<16xi1>, vector<16xi32>
              %get3A_1164 = arith.constant 64 : index
              %get3A_1165 = tpu.vector_load %arg12[%get3A_1164] {strides = array<i32>} : memref<8208xi32, #tpu.memory_space<vmem>>, vector<16xi32>,
              %eq3A_1166 = arith.cmpf oeq, %get3A_1078, %max3A_1147 : vector<16xf32>
              %select_n3A_1167 = arith.select %eq3A_1166, %get3A_1165, %broadcast_in_dim3A_50 : vector<16xi1>, vector<16xi32>
              %get3A_1168 = arith.constant 80 : index
              %get3A_1169 = tpu.vector_load %arg12[%get3A_1168] {strides = array<i32>} : memref<8208xi32, #tpu.memory_space<vmem>>, vector<16xi32>,
              %eq3A_1170 = arith.cmpf oeq, %get3A_1080, %max3A_1147 : vector<16xf32>
              %select_n3A_1171 = arith.select %eq3A_1170, %get3A_1169, %broadcast_in_dim3A_50 : vector<16xi1>, vector<16xi32>
              %get3A_1172 = arith.constant 96 : index
              %get3A_1173 = tpu.vector_load %arg12[%get3A_1172] {strides = array<i32>} : memref<8208xi32, #tpu.memory_space<vmem>>, vector<16xi32>,
              %eq3A_1174 = arith.cmpf oeq, %get3A_1082, %max3A_1147 : vector<16xf32>
              %select_n3A_1175 = arith.select %eq3A_1174, %get3A_1173, %broadcast_in_dim3A_50 : vector<16xi1>, vector<16xi32>
              %get3A_1176 = arith.constant 112 : index
              %get3A_1177 = tpu.vector_load %arg12[%get3A_1176] {strides = array<i32>} : memref<8208xi32, #tpu.memory_space<vmem>>, vector<16xi32>,
              %eq3A_1178 = arith.cmpf oeq, %get3A_1084, %max3A_1147 : vector<16xf32>
              %select_n3A_1179 = arith.select %eq3A_1178, %get3A_1177, %broadcast_in_dim3A_50 : vector<16xi1>, vector<16xi32>
              %min3A_1180 = arith.minsi %select_n3A_1151, %select_n3A_1155 : vector<16xi32>
              %min3A_1181 = arith.minsi %select_n3A_1159, %select_n3A_1163 : vector<16xi32>
              %min3A_1182 = arith.minsi %select_n3A_1167, %select_n3A_1171 : vector<16xi32>
              %min3A_1183 = arith.minsi %select_n3A_1175, %select_n3A_1179 : vector<16xi32>
              %min3A_1184 = arith.minsi %min3A_1180, %min3A_1181 : vector<16xi32>
              %min3A_1185 = arith.minsi %min3A_1182, %min3A_1183 : vector<16xi32>
              %min3A_1186 = arith.minsi %min3A_1184, %min3A_1185 : vector<16xi32>
              %xor3A_1187 = arith.constant 8 : i32
              %xor3A_1188 = vector.broadcast %xor3A_1187 : i32 to vector<16xi32>
              %xor3A_1189 = arith.xori %iota3A, %xor3A_1188 : vector<16xi32>
              %lt3A_1190 = arith.constant 0 : i32
              %lt3A_1191 = vector.broadcast %lt3A_1190 : i32 to vector<16xi32>
              %lt3A_1192 = arith.cmpi slt, %xor3A_1189, %lt3A_1191 : vector<16xi32>
              %add3A_1193 = arith.constant 16 : i32
              %add3A_1194 = vector.broadcast %add3A_1193 : i32 to vector<16xi32>
              %add3A_1195 = arith.addi %xor3A_1189, %add3A_1194 : vector<16xi32>
              %select_n3A_1196 = arith.select %lt3A_1192, %add3A_1195, %xor3A_1189 : vector<16xi1>, vector<16xi32>
              %broadcast_in_dim3A_1197 = vector.shape_cast %select_n3A_1196 : vector<16xi32> to vector<16x1xi32>
              %gather3A_1198 = vector.shape_cast %broadcast_in_dim3A_1197 : vector<16x1xi32> to vector<16xi32>
              %gather3A_1199 = tpu.dynamic_gather %min3A_1186[%gather3A_1198] in [0] : vector<16xi32>, vector<16xi32> -> vector<16xi32>
              %min3A_1200 = arith.minsi %min3A_1186, %gather3A_1199 : vector<16xi32>
              %xor3A_1201 = arith.constant 4 : i32
              %xor3A_1202 = vector.broadcast %xor3A_1201 : i32 to vector<16xi32>
              %xor3A_1203 = arith.xori %iota3A, %xor3A_1202 : vector<16xi32>
              %lt3A_1204 = arith.constant 0 : i32
              %lt3A_1205 = vector.broadcast %lt3A_1204 : i32 to vector<16xi32>
              %lt3A_1206 = arith.cmpi slt, %xor3A_1203, %lt3A_1205 : vector<16xi32>
              %add3A_1207 = arith.constant 16 : i32
              %add3A_1208 = vector.broadcast %add3A_1207 : i32 to vector<16xi32>
              %add3A_1209 = arith.addi %xor3A_1203, %add3A_1208 : vector<16xi32>
              %select_n3A_1210 = arith.select %lt3A_1206, %add3A_1209, %xor3A_1203 : vector<16xi1>, vector<16xi32>
              %broadcast_in_dim3A_1211 = vector.shape_cast %select_n3A_1210 : vector<16xi32> to vector<16x1xi32>
              %gather3A_1212 = vector.shape_cast %broadcast_in_dim3A_1211 : vector<16x1xi32> to vector<16xi32>
              %gather3A_1213 = tpu.dynamic_gather %min3A_1200[%gather3A_1212] in [0] : vector<16xi32>, vector<16xi32> -> vector<16xi32>
              %min3A_1214 = arith.minsi %min3A_1200, %gather3A_1213 : vector<16xi32>
              %xor3A_1215 = arith.constant 2 : i32
              %xor3A_1216 = vector.broadcast %xor3A_1215 : i32 to vector<16xi32>
              %xor3A_1217 = arith.xori %iota3A, %xor3A_1216 : vector<16xi32>
              %lt3A_1218 = arith.constant 0 : i32
              %lt3A_1219 = vector.broadcast %lt3A_1218 : i32 to vector<16xi32>
              %lt3A_1220 = arith.cmpi slt, %xor3A_1217, %lt3A_1219 : vector<16xi32>
              %add3A_1221 = arith.constant 16 : i32
              %add3A_1222 = vector.broadcast %add3A_1221 : i32 to vector<16xi32>
              %add3A_1223 = arith.addi %xor3A_1217, %add3A_1222 : vector<16xi32>
              %select_n3A_1224 = arith.select %lt3A_1220, %add3A_1223, %xor3A_1217 : vector<16xi1>, vector<16xi32>
              %broadcast_in_dim3A_1225 = vector.shape_cast %select_n3A_1224 : vector<16xi32> to vector<16x1xi32>
              %gather3A_1226 = vector.shape_cast %broadcast_in_dim3A_1225 : vector<16x1xi32> to vector<16xi32>
              %gather3A_1227 = tpu.dynamic_gather %min3A_1214[%gather3A_1226] in [0] : vector<16xi32>, vector<16xi32> -> vector<16xi32>
              %min3A_1228 = arith.minsi %min3A_1214, %gather3A_1227 : vector<16xi32>
              %xor3A_1229 = arith.constant 1 : i32
              %xor3A_1230 = vector.broadcast %xor3A_1229 : i32 to vector<16xi32>
              %xor3A_1231 = arith.xori %iota3A, %xor3A_1230 : vector<16xi32>
              %lt3A_1232 = arith.constant 0 : i32
              %lt3A_1233 = vector.broadcast %lt3A_1232 : i32 to vector<16xi32>
              %lt3A_1234 = arith.cmpi slt, %xor3A_1231, %lt3A_1233 : vector<16xi32>
              %add3A_1235 = arith.constant 16 : i32
              %add3A_1236 = vector.broadcast %add3A_1235 : i32 to vector<16xi32>
              %add3A_1237 = arith.addi %xor3A_1231, %add3A_1236 : vector<16xi32>
              %select_n3A_1238 = arith.select %lt3A_1234, %add3A_1237, %xor3A_1231 : vector<16xi1>, vector<16xi32>
              %broadcast_in_dim3A_1239 = vector.shape_cast %select_n3A_1238 : vector<16xi32> to vector<16x1xi32>
              %gather3A_1240 = vector.shape_cast %broadcast_in_dim3A_1239 : vector<16x1xi32> to vector<16xi32>
              %gather3A_1241 = tpu.dynamic_gather %min3A_1228[%gather3A_1240] in [0] : vector<16xi32>, vector<16xi32> -> vector<16xi32>
              %min3A_1242 = arith.minsi %min3A_1228, %gather3A_1241 : vector<16xi32>
              %eq3A_1243 = arith.cmpi eq, %select_n3A_1151, %min3A_1242 : vector<16xi32>
              %add3A_1244 = arith.constant 0 : i32
              %add3A_1245 = vector.broadcast %add3A_1244 : i32 to vector<16xi32>
              %add3A_1246 = arith.addi %add3A_1245, %iota3A : vector<16xi32>
              %select_n3A_1247 = arith.select %eq3A_1243, %add3A_1246, %broadcast_in_dim3A_50 : vector<16xi1>, vector<16xi32>
              %eq3A_1248 = arith.cmpi eq, %select_n3A_1155, %min3A_1242 : vector<16xi32>
              %add3A_1249 = arith.constant 16 : i32
              %add3A_1250 = vector.broadcast %add3A_1249 : i32 to vector<16xi32>
              %add3A_1251 = arith.addi %add3A_1250, %iota3A : vector<16xi32>
              %select_n3A_1252 = arith.select %eq3A_1248, %add3A_1251, %broadcast_in_dim3A_50 : vector<16xi1>, vector<16xi32>
              %eq3A_1253 = arith.cmpi eq, %select_n3A_1159, %min3A_1242 : vector<16xi32>
              %add3A_1254 = arith.constant 32 : i32
              %add3A_1255 = vector.broadcast %add3A_1254 : i32 to vector<16xi32>
              %add3A_1256 = arith.addi %add3A_1255, %iota3A : vector<16xi32>
              %select_n3A_1257 = arith.select %eq3A_1253, %add3A_1256, %broadcast_in_dim3A_50 : vector<16xi1>, vector<16xi32>
              %eq3A_1258 = arith.cmpi eq, %select_n3A_1163, %min3A_1242 : vector<16xi32>
              %add3A_1259 = arith.constant 48 : i32
              %add3A_1260 = vector.broadcast %add3A_1259 : i32 to vector<16xi32>
              %add3A_1261 = arith.addi %add3A_1260, %iota3A : vector<16xi32>
              %select_n3A_1262 = arith.select %eq3A_1258, %add3A_1261, %broadcast_in_dim3A_50 : vector<16xi1>, vector<16xi32>
              %eq3A_1263 = arith.cmpi eq, %select_n3A_1167, %min3A_1242 : vector<16xi32>
              %add3A_1264 = arith.constant 64 : i32
              %add3A_1265 = vector.broadcast %add3A_1264 : i32 to vector<16xi32>
              %add3A_1266 = arith.addi %add3A_1265, %iota3A : vector<16xi32>
              %select_n3A_1267 = arith.select %eq3A_1263, %add3A_1266, %broadcast_in_dim3A_50 : vector<16xi1>, vector<16xi32>
              %eq3A_1268 = arith.cmpi eq, %select_n3A_1171, %min3A_1242 : vector<16xi32>
              %add3A_1269 = arith.constant 80 : i32
              %add3A_1270 = vector.broadcast %add3A_1269 : i32 to vector<16xi32>
              %add3A_1271 = arith.addi %add3A_1270, %iota3A : vector<16xi32>
              %select_n3A_1272 = arith.select %eq3A_1268, %add3A_1271, %broadcast_in_dim3A_50 : vector<16xi1>, vector<16xi32>
              %eq3A_1273 = arith.cmpi eq, %select_n3A_1175, %min3A_1242 : vector<16xi32>
              %add3A_1274 = arith.constant 96 : i32
              %add3A_1275 = vector.broadcast %add3A_1274 : i32 to vector<16xi32>
              %add3A_1276 = arith.addi %add3A_1275, %iota3A : vector<16xi32>
              %select_n3A_1277 = arith.select %eq3A_1273, %add3A_1276, %broadcast_in_dim3A_50 : vector<16xi1>, vector<16xi32>
              %eq3A_1278 = arith.cmpi eq, %select_n3A_1179, %min3A_1242 : vector<16xi32>
              %add3A_1279 = arith.constant 112 : i32
              %add3A_1280 = vector.broadcast %add3A_1279 : i32 to vector<16xi32>
              %add3A_1281 = arith.addi %add3A_1280, %iota3A : vector<16xi32>
              %select_n3A_1282 = arith.select %eq3A_1278, %add3A_1281, %broadcast_in_dim3A_50 : vector<16xi1>, vector<16xi32>
              %min3A_1283 = arith.minsi %select_n3A_1247, %select_n3A_1252 : vector<16xi32>
              %min3A_1284 = arith.minsi %select_n3A_1257, %select_n3A_1262 : vector<16xi32>
              %min3A_1285 = arith.minsi %select_n3A_1267, %select_n3A_1272 : vector<16xi32>
              %min3A_1286 = arith.minsi %select_n3A_1277, %select_n3A_1282 : vector<16xi32>
              %min3A_1287 = arith.minsi %min3A_1283, %min3A_1284 : vector<16xi32>
              %min3A_1288 = arith.minsi %min3A_1285, %min3A_1286 : vector<16xi32>
              %min3A_1289 = arith.minsi %min3A_1287, %min3A_1288 : vector<16xi32>
              %xor3A_1290 = arith.constant 8 : i32
              %xor3A_1291 = vector.broadcast %xor3A_1290 : i32 to vector<16xi32>
              %xor3A_1292 = arith.xori %iota3A, %xor3A_1291 : vector<16xi32>
              %lt3A_1293 = arith.constant 0 : i32
              %lt3A_1294 = vector.broadcast %lt3A_1293 : i32 to vector<16xi32>
              %lt3A_1295 = arith.cmpi slt, %xor3A_1292, %lt3A_1294 : vector<16xi32>
              %add3A_1296 = arith.constant 16 : i32
              %add3A_1297 = vector.broadcast %add3A_1296 : i32 to vector<16xi32>
              %add3A_1298 = arith.addi %xor3A_1292, %add3A_1297 : vector<16xi32>
              %select_n3A_1299 = arith.select %lt3A_1295, %add3A_1298, %xor3A_1292 : vector<16xi1>, vector<16xi32>
              %broadcast_in_dim3A_1300 = vector.shape_cast %select_n3A_1299 : vector<16xi32> to vector<16x1xi32>
              %gather3A_1301 = vector.shape_cast %broadcast_in_dim3A_1300 : vector<16x1xi32> to vector<16xi32>
              %gather3A_1302 = tpu.dynamic_gather %min3A_1289[%gather3A_1301] in [0] : vector<16xi32>, vector<16xi32> -> vector<16xi32>
              %min3A_1303 = arith.minsi %min3A_1289, %gather3A_1302 : vector<16xi32>
              %xor3A_1304 = arith.constant 4 : i32
              %xor3A_1305 = vector.broadcast %xor3A_1304 : i32 to vector<16xi32>
              %xor3A_1306 = arith.xori %iota3A, %xor3A_1305 : vector<16xi32>
              %lt3A_1307 = arith.constant 0 : i32
              %lt3A_1308 = vector.broadcast %lt3A_1307 : i32 to vector<16xi32>
              %lt3A_1309 = arith.cmpi slt, %xor3A_1306, %lt3A_1308 : vector<16xi32>
              %add3A_1310 = arith.constant 16 : i32
              %add3A_1311 = vector.broadcast %add3A_1310 : i32 to vector<16xi32>
              %add3A_1312 = arith.addi %xor3A_1306, %add3A_1311 : vector<16xi32>
              %select_n3A_1313 = arith.select %lt3A_1309, %add3A_1312, %xor3A_1306 : vector<16xi1>, vector<16xi32>
              %broadcast_in_dim3A_1314 = vector.shape_cast %select_n3A_1313 : vector<16xi32> to vector<16x1xi32>
              %gather3A_1315 = vector.shape_cast %broadcast_in_dim3A_1314 : vector<16x1xi32> to vector<16xi32>
              %gather3A_1316 = tpu.dynamic_gather %min3A_1303[%gather3A_1315] in [0] : vector<16xi32>, vector<16xi32> -> vector<16xi32>
              %min3A_1317 = arith.minsi %min3A_1303, %gather3A_1316 : vector<16xi32>
              %xor3A_1318 = arith.constant 2 : i32
              %xor3A_1319 = vector.broadcast %xor3A_1318 : i32 to vector<16xi32>
              %xor3A_1320 = arith.xori %iota3A, %xor3A_1319 : vector<16xi32>
              %lt3A_1321 = arith.constant 0 : i32
              %lt3A_1322 = vector.broadcast %lt3A_1321 : i32 to vector<16xi32>
              %lt3A_1323 = arith.cmpi slt, %xor3A_1320, %lt3A_1322 : vector<16xi32>
              %add3A_1324 = arith.constant 16 : i32
              %add3A_1325 = vector.broadcast %add3A_1324 : i32 to vector<16xi32>
              %add3A_1326 = arith.addi %xor3A_1320, %add3A_1325 : vector<16xi32>
              %select_n3A_1327 = arith.select %lt3A_1323, %add3A_1326, %xor3A_1320 : vector<16xi1>, vector<16xi32>
              %broadcast_in_dim3A_1328 = vector.shape_cast %select_n3A_1327 : vector<16xi32> to vector<16x1xi32>
              %gather3A_1329 = vector.shape_cast %broadcast_in_dim3A_1328 : vector<16x1xi32> to vector<16xi32>
              %gather3A_1330 = tpu.dynamic_gather %min3A_1317[%gather3A_1329] in [0] : vector<16xi32>, vector<16xi32> -> vector<16xi32>
              %min3A_1331 = arith.minsi %min3A_1317, %gather3A_1330 : vector<16xi32>
              %xor3A_1332 = arith.constant 1 : i32
              %xor3A_1333 = vector.broadcast %xor3A_1332 : i32 to vector<16xi32>
              %xor3A_1334 = arith.xori %iota3A, %xor3A_1333 : vector<16xi32>
              %lt3A_1335 = arith.constant 0 : i32
              %lt3A_1336 = vector.broadcast %lt3A_1335 : i32 to vector<16xi32>
              %lt3A_1337 = arith.cmpi slt, %xor3A_1334, %lt3A_1336 : vector<16xi32>
              %add3A_1338 = arith.constant 16 : i32
              %add3A_1339 = vector.broadcast %add3A_1338 : i32 to vector<16xi32>
              %add3A_1340 = arith.addi %xor3A_1334, %add3A_1339 : vector<16xi32>
              %select_n3A_1341 = arith.select %lt3A_1337, %add3A_1340, %xor3A_1334 : vector<16xi1>, vector<16xi32>
              %broadcast_in_dim3A_1342 = vector.shape_cast %select_n3A_1341 : vector<16xi32> to vector<16x1xi32>
              %gather3A_1343 = vector.shape_cast %broadcast_in_dim3A_1342 : vector<16x1xi32> to vector<16xi32>
              %gather3A_1344 = tpu.dynamic_gather %min3A_1331[%gather3A_1343] in [0] : vector<16xi32>, vector<16xi32> -> vector<16xi32>
              %min3A_1345 = arith.minsi %min3A_1331, %gather3A_1344 : vector<16xi32>
              tpu.vector_store_idx %arg11[%min3A_1345], %broadcast_in_dim3A_48 masked %eq3A_2 : memref<8208xf32, #tpu.memory_space<vmem>>[vector<16xi32>], vector<16xf32>, vector<16xi1>
              %eq3A_1346 = vector.broadcast %scan3A_1065 : i32 to vector<16xi32>
              %eq3A_1347 = arith.cmpi eq, %iota3A, %eq3A_1346 : vector<16xi32>
              %select_n3A_1348 = arith.select %eq3A_1347, %max3A_1147, %scan3A_1066 : vector<16xi1>, vector<16xf32>
              %sub3A_1349 = arith.constant 16 : i32
              %sub3A_1350 = arith.subi %scan3A_1065, %sub3A_1349 : i32
              %eq3A_1351 = vector.broadcast %sub3A_1350 : i32 to vector<16xi32>
              %eq3A_1352 = arith.cmpi eq, %iota3A, %eq3A_1351 : vector<16xi32>
              %select_n3A_1353 = arith.select %eq3A_1352, %max3A_1147, %scan3A_1067 : vector<16xi1>, vector<16xf32>
              %eq3A_1354 = vector.broadcast %scan3A_1065 : i32 to vector<16xi32>
              %eq3A_1355 = arith.cmpi eq, %iota3A, %eq3A_1354 : vector<16xi32>
              %select_n3A_1356 = arith.select %eq3A_1355, %min3A_1242, %scan3A_1068 : vector<16xi1>, vector<16xi32>
              %sub3A_1357 = arith.constant 16 : i32
              %sub3A_1358 = arith.subi %scan3A_1065, %sub3A_1357 : i32
              %eq3A_1359 = vector.broadcast %sub3A_1358 : i32 to vector<16xi32>
              %eq3A_1360 = arith.cmpi eq, %iota3A, %eq3A_1359 : vector<16xi32>
              %select_n3A_1361 = arith.select %eq3A_1360, %min3A_1242, %scan3A_1069 : vector<16xi1>, vector<16xi32>
              scf.yield %select_n3A_1348, %select_n3A_1353, %select_n3A_1356, %select_n3A_1361 : vector<16xf32>, vector<16xf32>, vector<16xi32>, vector<16xi32>
            }
            %scan3A_1064 = arith.constant 32 : i32
            scf.yield %scan3A_1063#0, %scan3A_1063#1, %scan3A_1063#2, %scan3A_1063#3 : vector<16xf32>, vector<16xf32>, vector<16xi32>, vector<16xi32>
          } else {
            %scan3A_1059 = arith.constant 0 : i32
            %scan3A_1060 = arith.constant 32 : i32
            %scan3A_1061 = arith.addi %scan3A_1059, %scan3A_1060 : i32
            %scan3A_1062 = arith.constant 1 : i32
            %scan3A_1063:4 = scf.for %scan3A_1065 = %scan3A_1059 to %scan3A_1061 step %scan3A_1062 iter_args(%scan3A_1066 = %broadcast_in_dim3A_54, %scan3A_1067 = %broadcast_in_dim3A_54, %scan3A_1068 = %broadcast_in_dim3A_52, %scan3A_1069 = %broadcast_in_dim3A_52) -> (vector<16xf32>, vector<16xf32>, vector<16xi32>, vector<16xi32>)  : i32 {
              %while3A_1070 = arith.constant 0 : i32
              %while3A_1071 = arith.subi %shift_right_logical3A_158, %while3A_1070 : i32
              %while3A_1072 = arith.addi %while3A_1070, %while3A_1071 : i32
              %while3A_1073 = arith.constant 1 : i32
              %while3A_1074 = arith.divsi %while3A_1071, %while3A_1073 : i32
              %while3A_1075 = arith.muli %while3A_1074, %while3A_1073 : i32
              %while3A_1076 = arith.addi %while3A_1070, %while3A_1075 : i32
              %while3A_1077 = arith.constant 1 : i32
              %while3A_1078 = scf.for %while3A_1287 = %while3A_1070 to %while3A_1076 step %while3A_1077 iter_args(%while3A_1288 = %broadcast_in_dim3A_48) -> (vector<16xf32>)  : i32 {
                %mul3A_1289 = arith.constant 16 : i32
                %mul3A_1290 = arith.muli %while3A_1287, %mul3A_1289 : i32
                %get3A = arith.index_cast %mul3A_1290 : i32 to index
                %get3A_1291 = tpu.vector_load %arg11[%get3A] {strides = array<i32>} : memref<8208xf32, #tpu.memory_space<vmem>>, vector<16xf32>,
                %max3A_1292 = arith.maximumf %while3A_1288, %get3A_1291 : vector<16xf32>
                scf.yield %max3A_1292 : vector<16xf32>
              }
              %while3A_1079 = arith.constant 1 : i32
              %while3A_1080 = scf.for %while3A_1287 = %while3A_1076 to %while3A_1072 step %while3A_1079 iter_args(%while3A_1288 = %while3A_1078) -> (vector<16xf32>)  : i32 {
                %mul3A_1289 = arith.constant 16 : i32
                %mul3A_1290 = arith.muli %while3A_1287, %mul3A_1289 : i32
                %get3A = arith.index_cast %mul3A_1290 : i32 to index
                %get3A_1291 = tpu.vector_load %arg11[%get3A] {strides = array<i32>} : memref<8208xf32, #tpu.memory_space<vmem>>, vector<16xf32>,
                %max3A_1292 = arith.maximumf %while3A_1288, %get3A_1291 : vector<16xf32>
                scf.yield %max3A_1292 : vector<16xf32>
              }
              %xor3A_1081 = arith.constant 8 : i32
              %xor3A_1082 = vector.broadcast %xor3A_1081 : i32 to vector<16xi32>
              %xor3A_1083 = arith.xori %iota3A, %xor3A_1082 : vector<16xi32>
              %lt3A_1084 = arith.constant 0 : i32
              %lt3A_1085 = vector.broadcast %lt3A_1084 : i32 to vector<16xi32>
              %lt3A_1086 = arith.cmpi slt, %xor3A_1083, %lt3A_1085 : vector<16xi32>
              %add3A_1087 = arith.constant 16 : i32
              %add3A_1088 = vector.broadcast %add3A_1087 : i32 to vector<16xi32>
              %add3A_1089 = arith.addi %xor3A_1083, %add3A_1088 : vector<16xi32>
              %select_n3A_1090 = arith.select %lt3A_1086, %add3A_1089, %xor3A_1083 : vector<16xi1>, vector<16xi32>
              %broadcast_in_dim3A_1091 = vector.shape_cast %select_n3A_1090 : vector<16xi32> to vector<16x1xi32>
              %gather3A_1092 = vector.shape_cast %broadcast_in_dim3A_1091 : vector<16x1xi32> to vector<16xi32>
              %gather3A_1093 = tpu.dynamic_gather %while3A_1080[%gather3A_1092] in [0] : vector<16xf32>, vector<16xi32> -> vector<16xf32>
              %max3A_1094 = arith.maximumf %while3A_1080, %gather3A_1093 : vector<16xf32>
              %xor3A_1095 = arith.constant 4 : i32
              %xor3A_1096 = vector.broadcast %xor3A_1095 : i32 to vector<16xi32>
              %xor3A_1097 = arith.xori %iota3A, %xor3A_1096 : vector<16xi32>
              %lt3A_1098 = arith.constant 0 : i32
              %lt3A_1099 = vector.broadcast %lt3A_1098 : i32 to vector<16xi32>
              %lt3A_1100 = arith.cmpi slt, %xor3A_1097, %lt3A_1099 : vector<16xi32>
              %add3A_1101 = arith.constant 16 : i32
              %add3A_1102 = vector.broadcast %add3A_1101 : i32 to vector<16xi32>
              %add3A_1103 = arith.addi %xor3A_1097, %add3A_1102 : vector<16xi32>
              %select_n3A_1104 = arith.select %lt3A_1100, %add3A_1103, %xor3A_1097 : vector<16xi1>, vector<16xi32>
              %broadcast_in_dim3A_1105 = vector.shape_cast %select_n3A_1104 : vector<16xi32> to vector<16x1xi32>
              %gather3A_1106 = vector.shape_cast %broadcast_in_dim3A_1105 : vector<16x1xi32> to vector<16xi32>
              %gather3A_1107 = tpu.dynamic_gather %max3A_1094[%gather3A_1106] in [0] : vector<16xf32>, vector<16xi32> -> vector<16xf32>
              %max3A_1108 = arith.maximumf %max3A_1094, %gather3A_1107 : vector<16xf32>
              %xor3A_1109 = arith.constant 2 : i32
              %xor3A_1110 = vector.broadcast %xor3A_1109 : i32 to vector<16xi32>
              %xor3A_1111 = arith.xori %iota3A, %xor3A_1110 : vector<16xi32>
              %lt3A_1112 = arith.constant 0 : i32
              %lt3A_1113 = vector.broadcast %lt3A_1112 : i32 to vector<16xi32>
              %lt3A_1114 = arith.cmpi slt, %xor3A_1111, %lt3A_1113 : vector<16xi32>
              %add3A_1115 = arith.constant 16 : i32
              %add3A_1116 = vector.broadcast %add3A_1115 : i32 to vector<16xi32>
              %add3A_1117 = arith.addi %xor3A_1111, %add3A_1116 : vector<16xi32>
              %select_n3A_1118 = arith.select %lt3A_1114, %add3A_1117, %xor3A_1111 : vector<16xi1>, vector<16xi32>
              %broadcast_in_dim3A_1119 = vector.shape_cast %select_n3A_1118 : vector<16xi32> to vector<16x1xi32>
              %gather3A_1120 = vector.shape_cast %broadcast_in_dim3A_1119 : vector<16x1xi32> to vector<16xi32>
              %gather3A_1121 = tpu.dynamic_gather %max3A_1108[%gather3A_1120] in [0] : vector<16xf32>, vector<16xi32> -> vector<16xf32>
              %max3A_1122 = arith.maximumf %max3A_1108, %gather3A_1121 : vector<16xf32>
              %xor3A_1123 = arith.constant 1 : i32
              %xor3A_1124 = vector.broadcast %xor3A_1123 : i32 to vector<16xi32>
              %xor3A_1125 = arith.xori %iota3A, %xor3A_1124 : vector<16xi32>
              %lt3A_1126 = arith.constant 0 : i32
              %lt3A_1127 = vector.broadcast %lt3A_1126 : i32 to vector<16xi32>
              %lt3A_1128 = arith.cmpi slt, %xor3A_1125, %lt3A_1127 : vector<16xi32>
              %add3A_1129 = arith.constant 16 : i32
              %add3A_1130 = vector.broadcast %add3A_1129 : i32 to vector<16xi32>
              %add3A_1131 = arith.addi %xor3A_1125, %add3A_1130 : vector<16xi32>
              %select_n3A_1132 = arith.select %lt3A_1128, %add3A_1131, %xor3A_1125 : vector<16xi1>, vector<16xi32>
              %broadcast_in_dim3A_1133 = vector.shape_cast %select_n3A_1132 : vector<16xi32> to vector<16x1xi32>
              %gather3A_1134 = vector.shape_cast %broadcast_in_dim3A_1133 : vector<16x1xi32> to vector<16xi32>
              %gather3A_1135 = tpu.dynamic_gather %max3A_1122[%gather3A_1134] in [0] : vector<16xf32>, vector<16xi32> -> vector<16xf32>
              %max3A_1136 = arith.maximumf %max3A_1122, %gather3A_1135 : vector<16xf32>
              %while3A_1137 = arith.constant 0 : i32
              %while3A_1138 = arith.subi %shift_right_logical3A_158, %while3A_1137 : i32
              %while3A_1139 = arith.addi %while3A_1137, %while3A_1138 : i32
              %while3A_1140 = arith.constant 1 : i32
              %while3A_1141 = arith.divsi %while3A_1138, %while3A_1140 : i32
              %while3A_1142 = arith.muli %while3A_1141, %while3A_1140 : i32
              %while3A_1143 = arith.addi %while3A_1137, %while3A_1142 : i32
              %while3A_1144 = arith.constant 1 : i32
              %while3A_1145 = scf.for %while3A_1287 = %while3A_1137 to %while3A_1143 step %while3A_1144 iter_args(%while3A_1288 = %broadcast_in_dim3A_50) -> (vector<16xi32>)  : i32 {
                %mul3A_1289 = arith.constant 16 : i32
                %mul3A_1290 = arith.muli %while3A_1287, %mul3A_1289 : i32
                %get3A = arith.index_cast %mul3A_1290 : i32 to index
                %get3A_1291 = tpu.vector_load %arg11[%get3A] {strides = array<i32>} : memref<8208xf32, #tpu.memory_space<vmem>>, vector<16xf32>,
                %mul3A_1292 = arith.constant 16 : i32
                %mul3A_1293 = arith.muli %while3A_1287, %mul3A_1292 : i32
                %get3A_1294 = arith.index_cast %mul3A_1293 : i32 to index
                %get3A_1295 = tpu.vector_load %arg12[%get3A_1294] {strides = array<i32>} : memref<8208xi32, #tpu.memory_space<vmem>>, vector<16xi32>,
                %eq3A_1296 = arith.cmpf oeq, %get3A_1291, %max3A_1136 : vector<16xf32>
                %select_n3A_1297 = arith.select %eq3A_1296, %get3A_1295, %broadcast_in_dim3A_50 : vector<16xi1>, vector<16xi32>
                %min3A_1298 = arith.minsi %while3A_1288, %select_n3A_1297 : vector<16xi32>
                scf.yield %min3A_1298 : vector<16xi32>
              }
              %while3A_1146 = arith.constant 1 : i32
              %while3A_1147 = scf.for %while3A_1287 = %while3A_1143 to %while3A_1139 step %while3A_1146 iter_args(%while3A_1288 = %while3A_1145) -> (vector<16xi32>)  : i32 {
                %mul3A_1289 = arith.constant 16 : i32
                %mul3A_1290 = arith.muli %while3A_1287, %mul3A_1289 : i32
                %get3A = arith.index_cast %mul3A_1290 : i32 to index
                %get3A_1291 = tpu.vector_load %arg11[%get3A] {strides = array<i32>} : memref<8208xf32, #tpu.memory_space<vmem>>, vector<16xf32>,
                %mul3A_1292 = arith.constant 16 : i32
                %mul3A_1293 = arith.muli %while3A_1287, %mul3A_1292 : i32
                %get3A_1294 = arith.index_cast %mul3A_1293 : i32 to index
                %get3A_1295 = tpu.vector_load %arg12[%get3A_1294] {strides = array<i32>} : memref<8208xi32, #tpu.memory_space<vmem>>, vector<16xi32>,
                %eq3A_1296 = arith.cmpf oeq, %get3A_1291, %max3A_1136 : vector<16xf32>
                %select_n3A_1297 = arith.select %eq3A_1296, %get3A_1295, %broadcast_in_dim3A_50 : vector<16xi1>, vector<16xi32>
                %min3A_1298 = arith.minsi %while3A_1288, %select_n3A_1297 : vector<16xi32>
                scf.yield %min3A_1298 : vector<16xi32>
              }
              %xor3A_1148 = arith.constant 8 : i32
              %xor3A_1149 = vector.broadcast %xor3A_1148 : i32 to vector<16xi32>
              %xor3A_1150 = arith.xori %iota3A, %xor3A_1149 : vector<16xi32>
              %lt3A_1151 = arith.constant 0 : i32
              %lt3A_1152 = vector.broadcast %lt3A_1151 : i32 to vector<16xi32>
              %lt3A_1153 = arith.cmpi slt, %xor3A_1150, %lt3A_1152 : vector<16xi32>
              %add3A_1154 = arith.constant 16 : i32
              %add3A_1155 = vector.broadcast %add3A_1154 : i32 to vector<16xi32>
              %add3A_1156 = arith.addi %xor3A_1150, %add3A_1155 : vector<16xi32>
              %select_n3A_1157 = arith.select %lt3A_1153, %add3A_1156, %xor3A_1150 : vector<16xi1>, vector<16xi32>
              %broadcast_in_dim3A_1158 = vector.shape_cast %select_n3A_1157 : vector<16xi32> to vector<16x1xi32>
              %gather3A_1159 = vector.shape_cast %broadcast_in_dim3A_1158 : vector<16x1xi32> to vector<16xi32>
              %gather3A_1160 = tpu.dynamic_gather %while3A_1147[%gather3A_1159] in [0] : vector<16xi32>, vector<16xi32> -> vector<16xi32>
              %min3A_1161 = arith.minsi %while3A_1147, %gather3A_1160 : vector<16xi32>
              %xor3A_1162 = arith.constant 4 : i32
              %xor3A_1163 = vector.broadcast %xor3A_1162 : i32 to vector<16xi32>
              %xor3A_1164 = arith.xori %iota3A, %xor3A_1163 : vector<16xi32>
              %lt3A_1165 = arith.constant 0 : i32
              %lt3A_1166 = vector.broadcast %lt3A_1165 : i32 to vector<16xi32>
              %lt3A_1167 = arith.cmpi slt, %xor3A_1164, %lt3A_1166 : vector<16xi32>
              %add3A_1168 = arith.constant 16 : i32
              %add3A_1169 = vector.broadcast %add3A_1168 : i32 to vector<16xi32>
              %add3A_1170 = arith.addi %xor3A_1164, %add3A_1169 : vector<16xi32>
              %select_n3A_1171 = arith.select %lt3A_1167, %add3A_1170, %xor3A_1164 : vector<16xi1>, vector<16xi32>
              %broadcast_in_dim3A_1172 = vector.shape_cast %select_n3A_1171 : vector<16xi32> to vector<16x1xi32>
              %gather3A_1173 = vector.shape_cast %broadcast_in_dim3A_1172 : vector<16x1xi32> to vector<16xi32>
              %gather3A_1174 = tpu.dynamic_gather %min3A_1161[%gather3A_1173] in [0] : vector<16xi32>, vector<16xi32> -> vector<16xi32>
              %min3A_1175 = arith.minsi %min3A_1161, %gather3A_1174 : vector<16xi32>
              %xor3A_1176 = arith.constant 2 : i32
              %xor3A_1177 = vector.broadcast %xor3A_1176 : i32 to vector<16xi32>
              %xor3A_1178 = arith.xori %iota3A, %xor3A_1177 : vector<16xi32>
              %lt3A_1179 = arith.constant 0 : i32
              %lt3A_1180 = vector.broadcast %lt3A_1179 : i32 to vector<16xi32>
              %lt3A_1181 = arith.cmpi slt, %xor3A_1178, %lt3A_1180 : vector<16xi32>
              %add3A_1182 = arith.constant 16 : i32
              %add3A_1183 = vector.broadcast %add3A_1182 : i32 to vector<16xi32>
              %add3A_1184 = arith.addi %xor3A_1178, %add3A_1183 : vector<16xi32>
              %select_n3A_1185 = arith.select %lt3A_1181, %add3A_1184, %xor3A_1178 : vector<16xi1>, vector<16xi32>
              %broadcast_in_dim3A_1186 = vector.shape_cast %select_n3A_1185 : vector<16xi32> to vector<16x1xi32>
              %gather3A_1187 = vector.shape_cast %broadcast_in_dim3A_1186 : vector<16x1xi32> to vector<16xi32>
              %gather3A_1188 = tpu.dynamic_gather %min3A_1175[%gather3A_1187] in [0] : vector<16xi32>, vector<16xi32> -> vector<16xi32>
              %min3A_1189 = arith.minsi %min3A_1175, %gather3A_1188 : vector<16xi32>
              %xor3A_1190 = arith.constant 1 : i32
              %xor3A_1191 = vector.broadcast %xor3A_1190 : i32 to vector<16xi32>
              %xor3A_1192 = arith.xori %iota3A, %xor3A_1191 : vector<16xi32>
              %lt3A_1193 = arith.constant 0 : i32
              %lt3A_1194 = vector.broadcast %lt3A_1193 : i32 to vector<16xi32>
              %lt3A_1195 = arith.cmpi slt, %xor3A_1192, %lt3A_1194 : vector<16xi32>
              %add3A_1196 = arith.constant 16 : i32
              %add3A_1197 = vector.broadcast %add3A_1196 : i32 to vector<16xi32>
              %add3A_1198 = arith.addi %xor3A_1192, %add3A_1197 : vector<16xi32>
              %select_n3A_1199 = arith.select %lt3A_1195, %add3A_1198, %xor3A_1192 : vector<16xi1>, vector<16xi32>
              %broadcast_in_dim3A_1200 = vector.shape_cast %select_n3A_1199 : vector<16xi32> to vector<16x1xi32>
              %gather3A_1201 = vector.shape_cast %broadcast_in_dim3A_1200 : vector<16x1xi32> to vector<16xi32>
              %gather3A_1202 = tpu.dynamic_gather %min3A_1189[%gather3A_1201] in [0] : vector<16xi32>, vector<16xi32> -> vector<16xi32>
              %min3A_1203 = arith.minsi %min3A_1189, %gather3A_1202 : vector<16xi32>
              %while3A_1204 = arith.constant 0 : i32
              %while3A_1205 = arith.subi %shift_right_logical3A_158, %while3A_1204 : i32
              %while3A_1206 = arith.addi %while3A_1204, %while3A_1205 : i32
              %while3A_1207 = arith.constant 1 : i32
              %while3A_1208 = arith.divsi %while3A_1205, %while3A_1207 : i32
              %while3A_1209 = arith.muli %while3A_1208, %while3A_1207 : i32
              %while3A_1210 = arith.addi %while3A_1204, %while3A_1209 : i32
              %while3A_1211 = arith.constant 1 : i32
              %while3A_1212 = scf.for %while3A_1287 = %while3A_1204 to %while3A_1210 step %while3A_1211 iter_args(%while3A_1288 = %broadcast_in_dim3A_50) -> (vector<16xi32>)  : i32 {
                %mul3A_1289 = arith.constant 16 : i32
                %mul3A_1290 = arith.muli %while3A_1287, %mul3A_1289 : i32
                %get3A = arith.index_cast %mul3A_1290 : i32 to index
                %get3A_1291 = tpu.vector_load %arg11[%get3A] {strides = array<i32>} : memref<8208xf32, #tpu.memory_space<vmem>>, vector<16xf32>,
                %mul3A_1292 = arith.constant 16 : i32
                %mul3A_1293 = arith.muli %while3A_1287, %mul3A_1292 : i32
                %get3A_1294 = arith.index_cast %mul3A_1293 : i32 to index
                %get3A_1295 = tpu.vector_load %arg12[%get3A_1294] {strides = array<i32>} : memref<8208xi32, #tpu.memory_space<vmem>>, vector<16xi32>,
                %eq3A_1296 = arith.cmpf oeq, %get3A_1291, %max3A_1136 : vector<16xf32>
                %eq3A_1297 = arith.cmpi eq, %get3A_1295, %min3A_1203 : vector<16xi32>
                %and3A_1298 = arith.andi %eq3A_1296, %eq3A_1297 : vector<16xi1>
                %mul3A_1299 = arith.constant 16 : i32
                %mul3A_1300 = arith.muli %while3A_1287, %mul3A_1299 : i32
                %add3A_1301 = vector.broadcast %mul3A_1300 : i32 to vector<16xi32>
                %add3A_1302 = arith.addi %add3A_1301, %iota3A : vector<16xi32>
                %select_n3A_1303 = arith.select %and3A_1298, %add3A_1302, %broadcast_in_dim3A_50 : vector<16xi1>, vector<16xi32>
                %min3A_1304 = arith.minsi %while3A_1288, %select_n3A_1303 : vector<16xi32>
                scf.yield %min3A_1304 : vector<16xi32>
              }
              %while3A_1213 = arith.constant 1 : i32
              %while3A_1214 = scf.for %while3A_1287 = %while3A_1210 to %while3A_1206 step %while3A_1213 iter_args(%while3A_1288 = %while3A_1212) -> (vector<16xi32>)  : i32 {
                %mul3A_1289 = arith.constant 16 : i32
                %mul3A_1290 = arith.muli %while3A_1287, %mul3A_1289 : i32
                %get3A = arith.index_cast %mul3A_1290 : i32 to index
                %get3A_1291 = tpu.vector_load %arg11[%get3A] {strides = array<i32>} : memref<8208xf32, #tpu.memory_space<vmem>>, vector<16xf32>,
                %mul3A_1292 = arith.constant 16 : i32
                %mul3A_1293 = arith.muli %while3A_1287, %mul3A_1292 : i32
                %get3A_1294 = arith.index_cast %mul3A_1293 : i32 to index
                %get3A_1295 = tpu.vector_load %arg12[%get3A_1294] {strides = array<i32>} : memref<8208xi32, #tpu.memory_space<vmem>>, vector<16xi32>,
                %eq3A_1296 = arith.cmpf oeq, %get3A_1291, %max3A_1136 : vector<16xf32>
                %eq3A_1297 = arith.cmpi eq, %get3A_1295, %min3A_1203 : vector<16xi32>
                %and3A_1298 = arith.andi %eq3A_1296, %eq3A_1297 : vector<16xi1>
                %mul3A_1299 = arith.constant 16 : i32
                %mul3A_1300 = arith.muli %while3A_1287, %mul3A_1299 : i32
                %add3A_1301 = vector.broadcast %mul3A_1300 : i32 to vector<16xi32>
                %add3A_1302 = arith.addi %add3A_1301, %iota3A : vector<16xi32>
                %select_n3A_1303 = arith.select %and3A_1298, %add3A_1302, %broadcast_in_dim3A_50 : vector<16xi1>, vector<16xi32>
                %min3A_1304 = arith.minsi %while3A_1288, %select_n3A_1303 : vector<16xi32>
                scf.yield %min3A_1304 : vector<16xi32>
              }
              %xor3A_1215 = arith.constant 8 : i32
              %xor3A_1216 = vector.broadcast %xor3A_1215 : i32 to vector<16xi32>
              %xor3A_1217 = arith.xori %iota3A, %xor3A_1216 : vector<16xi32>
              %lt3A_1218 = arith.constant 0 : i32
              %lt3A_1219 = vector.broadcast %lt3A_1218 : i32 to vector<16xi32>
              %lt3A_1220 = arith.cmpi slt, %xor3A_1217, %lt3A_1219 : vector<16xi32>
              %add3A_1221 = arith.constant 16 : i32
              %add3A_1222 = vector.broadcast %add3A_1221 : i32 to vector<16xi32>
              %add3A_1223 = arith.addi %xor3A_1217, %add3A_1222 : vector<16xi32>
              %select_n3A_1224 = arith.select %lt3A_1220, %add3A_1223, %xor3A_1217 : vector<16xi1>, vector<16xi32>
              %broadcast_in_dim3A_1225 = vector.shape_cast %select_n3A_1224 : vector<16xi32> to vector<16x1xi32>
              %gather3A_1226 = vector.shape_cast %broadcast_in_dim3A_1225 : vector<16x1xi32> to vector<16xi32>
              %gather3A_1227 = tpu.dynamic_gather %while3A_1214[%gather3A_1226] in [0] : vector<16xi32>, vector<16xi32> -> vector<16xi32>
              %min3A_1228 = arith.minsi %while3A_1214, %gather3A_1227 : vector<16xi32>
              %xor3A_1229 = arith.constant 4 : i32
              %xor3A_1230 = vector.broadcast %xor3A_1229 : i32 to vector<16xi32>
              %xor3A_1231 = arith.xori %iota3A, %xor3A_1230 : vector<16xi32>
              %lt3A_1232 = arith.constant 0 : i32
              %lt3A_1233 = vector.broadcast %lt3A_1232 : i32 to vector<16xi32>
              %lt3A_1234 = arith.cmpi slt, %xor3A_1231, %lt3A_1233 : vector<16xi32>
              %add3A_1235 = arith.constant 16 : i32
              %add3A_1236 = vector.broadcast %add3A_1235 : i32 to vector<16xi32>
              %add3A_1237 = arith.addi %xor3A_1231, %add3A_1236 : vector<16xi32>
              %select_n3A_1238 = arith.select %lt3A_1234, %add3A_1237, %xor3A_1231 : vector<16xi1>, vector<16xi32>
              %broadcast_in_dim3A_1239 = vector.shape_cast %select_n3A_1238 : vector<16xi32> to vector<16x1xi32>
              %gather3A_1240 = vector.shape_cast %broadcast_in_dim3A_1239 : vector<16x1xi32> to vector<16xi32>
              %gather3A_1241 = tpu.dynamic_gather %min3A_1228[%gather3A_1240] in [0] : vector<16xi32>, vector<16xi32> -> vector<16xi32>
              %min3A_1242 = arith.minsi %min3A_1228, %gather3A_1241 : vector<16xi32>
              %xor3A_1243 = arith.constant 2 : i32
              %xor3A_1244 = vector.broadcast %xor3A_1243 : i32 to vector<16xi32>
              %xor3A_1245 = arith.xori %iota3A, %xor3A_1244 : vector<16xi32>
              %lt3A_1246 = arith.constant 0 : i32
              %lt3A_1247 = vector.broadcast %lt3A_1246 : i32 to vector<16xi32>
              %lt3A_1248 = arith.cmpi slt, %xor3A_1245, %lt3A_1247 : vector<16xi32>
              %add3A_1249 = arith.constant 16 : i32
              %add3A_1250 = vector.broadcast %add3A_1249 : i32 to vector<16xi32>
              %add3A_1251 = arith.addi %xor3A_1245, %add3A_1250 : vector<16xi32>
              %select_n3A_1252 = arith.select %lt3A_1248, %add3A_1251, %xor3A_1245 : vector<16xi1>, vector<16xi32>
              %broadcast_in_dim3A_1253 = vector.shape_cast %select_n3A_1252 : vector<16xi32> to vector<16x1xi32>
              %gather3A_1254 = vector.shape_cast %broadcast_in_dim3A_1253 : vector<16x1xi32> to vector<16xi32>
              %gather3A_1255 = tpu.dynamic_gather %min3A_1242[%gather3A_1254] in [0] : vector<16xi32>, vector<16xi32> -> vector<16xi32>
              %min3A_1256 = arith.minsi %min3A_1242, %gather3A_1255 : vector<16xi32>
              %xor3A_1257 = arith.constant 1 : i32
              %xor3A_1258 = vector.broadcast %xor3A_1257 : i32 to vector<16xi32>
              %xor3A_1259 = arith.xori %iota3A, %xor3A_1258 : vector<16xi32>
              %lt3A_1260 = arith.constant 0 : i32
              %lt3A_1261 = vector.broadcast %lt3A_1260 : i32 to vector<16xi32>
              %lt3A_1262 = arith.cmpi slt, %xor3A_1259, %lt3A_1261 : vector<16xi32>
              %add3A_1263 = arith.constant 16 : i32
              %add3A_1264 = vector.broadcast %add3A_1263 : i32 to vector<16xi32>
              %add3A_1265 = arith.addi %xor3A_1259, %add3A_1264 : vector<16xi32>
              %select_n3A_1266 = arith.select %lt3A_1262, %add3A_1265, %xor3A_1259 : vector<16xi1>, vector<16xi32>
              %broadcast_in_dim3A_1267 = vector.shape_cast %select_n3A_1266 : vector<16xi32> to vector<16x1xi32>
              %gather3A_1268 = vector.shape_cast %broadcast_in_dim3A_1267 : vector<16x1xi32> to vector<16xi32>
              %gather3A_1269 = tpu.dynamic_gather %min3A_1256[%gather3A_1268] in [0] : vector<16xi32>, vector<16xi32> -> vector<16xi32>
              %min3A_1270 = arith.minsi %min3A_1256, %gather3A_1269 : vector<16xi32>
              tpu.vector_store_idx %arg11[%min3A_1270], %broadcast_in_dim3A_48 masked %eq3A_2 : memref<8208xf32, #tpu.memory_space<vmem>>[vector<16xi32>], vector<16xf32>, vector<16xi1>
              %eq3A_1271 = vector.broadcast %scan3A_1065 : i32 to vector<16xi32>
              %eq3A_1272 = arith.cmpi eq, %iota3A, %eq3A_1271 : vector<16xi32>
              %select_n3A_1273 = arith.select %eq3A_1272, %max3A_1136, %scan3A_1066 : vector<16xi1>, vector<16xf32>
              %sub3A_1274 = arith.constant 16 : i32
              %sub3A_1275 = arith.subi %scan3A_1065, %sub3A_1274 : i32
              %eq3A_1276 = vector.broadcast %sub3A_1275 : i32 to vector<16xi32>
              %eq3A_1277 = arith.cmpi eq, %iota3A, %eq3A_1276 : vector<16xi32>
              %select_n3A_1278 = arith.select %eq3A_1277, %max3A_1136, %scan3A_1067 : vector<16xi1>, vector<16xf32>
              %eq3A_1279 = vector.broadcast %scan3A_1065 : i32 to vector<16xi32>
              %eq3A_1280 = arith.cmpi eq, %iota3A, %eq3A_1279 : vector<16xi32>
              %select_n3A_1281 = arith.select %eq3A_1280, %min3A_1203, %scan3A_1068 : vector<16xi1>, vector<16xi32>
              %sub3A_1282 = arith.constant 16 : i32
              %sub3A_1283 = arith.subi %scan3A_1065, %sub3A_1282 : i32
              %eq3A_1284 = vector.broadcast %sub3A_1283 : i32 to vector<16xi32>
              %eq3A_1285 = arith.cmpi eq, %iota3A, %eq3A_1284 : vector<16xi32>
              %select_n3A_1286 = arith.select %eq3A_1285, %min3A_1203, %scan3A_1069 : vector<16xi1>, vector<16xi32>
              scf.yield %select_n3A_1273, %select_n3A_1278, %select_n3A_1281, %select_n3A_1286 : vector<16xf32>, vector<16xf32>, vector<16xi32>, vector<16xi32>
            }
            %scan3A_1064 = arith.constant 32 : i32
            scf.yield %scan3A_1063#0, %scan3A_1063#1, %scan3A_1063#2, %scan3A_1063#3 : vector<16xf32>, vector<16xf32>, vector<16xi32>, vector<16xi32>
          }
          scf.yield %cond3A_1058#0, %cond3A_1058#1, %cond3A_1058#2, %cond3A_1058#3 : vector<16xf32>, vector<16xf32>, vector<16xi32>, vector<16xi32>
        } else {
          %add3A_1052 = arith.constant 32768 : i32
          %add3A_1053 = vector.broadcast %add3A_1052 : i32 to vector<16xi32>
          %add3A_1054 = arith.addi %add3A_1053, %iota3A : vector<16xi32>
          tpu.vector_store_idx %arg4[%add3A_1054], %broadcast_in_dim3A_48 : memref<32784xf32, #tpu.memory_space<vmem>>[vector<16xi32>], vector<16xf32>,
          %scan3A_1055 = arith.constant 0 : i32
          %scan3A_1056 = arith.constant 32 : i32
          %scan3A_1057 = arith.addi %scan3A_1055, %scan3A_1056 : i32
          %scan3A_1058 = arith.constant 1 : i32
          %scan3A_1059:4 = scf.for %scan3A_1061 = %scan3A_1055 to %scan3A_1057 step %scan3A_1058 iter_args(%scan3A_1062 = %broadcast_in_dim3A_54, %scan3A_1063 = %broadcast_in_dim3A_54, %scan3A_1064 = %broadcast_in_dim3A_52, %scan3A_1065 = %broadcast_in_dim3A_52) -> (vector<16xf32>, vector<16xf32>, vector<16xi32>, vector<16xi32>)  : i32 {
            %scan3A_1066 = arith.constant 0 : i32
            %scan3A_1067 = arith.constant 2049 : i32
            %scan3A_1068 = arith.addi %scan3A_1066, %scan3A_1067 : i32
            %scan3A_1069 = arith.constant 1 : i32
            %scan3A_1070 = scf.for %scan3A_1206 = %scan3A_1066 to %scan3A_1068 step %scan3A_1069 iter_args(%scan3A_1207 = %broadcast_in_dim3A_48) -> (vector<16xf32>)  : i32 {
              %mul3A_1208 = arith.constant 16 : i32
              %mul3A_1209 = arith.muli %scan3A_1206, %mul3A_1208 : i32
              %get3A = arith.index_cast %mul3A_1209 : i32 to index
              %get3A_1210 = tpu.vector_load %arg4[%get3A] {strides = array<i32>} : memref<32784xf32, #tpu.memory_space<vmem>>, vector<16xf32>,
              %max3A_1211 = arith.maximumf %scan3A_1207, %get3A_1210 : vector<16xf32>
              scf.yield %max3A_1211 : vector<16xf32>
            }
            %scan3A_1071 = arith.constant 2049 : i32
            %xor3A_1072 = arith.constant 8 : i32
            %xor3A_1073 = vector.broadcast %xor3A_1072 : i32 to vector<16xi32>
            %xor3A_1074 = arith.xori %iota3A, %xor3A_1073 : vector<16xi32>
            %lt3A_1075 = arith.constant 0 : i32
            %lt3A_1076 = vector.broadcast %lt3A_1075 : i32 to vector<16xi32>
            %lt3A_1077 = arith.cmpi slt, %xor3A_1074, %lt3A_1076 : vector<16xi32>
            %add3A_1078 = arith.constant 16 : i32
            %add3A_1079 = vector.broadcast %add3A_1078 : i32 to vector<16xi32>
            %add3A_1080 = arith.addi %xor3A_1074, %add3A_1079 : vector<16xi32>
            %select_n3A_1081 = arith.select %lt3A_1077, %add3A_1080, %xor3A_1074 : vector<16xi1>, vector<16xi32>
            %broadcast_in_dim3A_1082 = vector.shape_cast %select_n3A_1081 : vector<16xi32> to vector<16x1xi32>
            %gather3A_1083 = vector.shape_cast %broadcast_in_dim3A_1082 : vector<16x1xi32> to vector<16xi32>
            %gather3A_1084 = tpu.dynamic_gather %scan3A_1070[%gather3A_1083] in [0] : vector<16xf32>, vector<16xi32> -> vector<16xf32>
            %max3A_1085 = arith.maximumf %scan3A_1070, %gather3A_1084 : vector<16xf32>
            %xor3A_1086 = arith.constant 4 : i32
            %xor3A_1087 = vector.broadcast %xor3A_1086 : i32 to vector<16xi32>
            %xor3A_1088 = arith.xori %iota3A, %xor3A_1087 : vector<16xi32>
            %lt3A_1089 = arith.constant 0 : i32
            %lt3A_1090 = vector.broadcast %lt3A_1089 : i32 to vector<16xi32>
            %lt3A_1091 = arith.cmpi slt, %xor3A_1088, %lt3A_1090 : vector<16xi32>
            %add3A_1092 = arith.constant 16 : i32
            %add3A_1093 = vector.broadcast %add3A_1092 : i32 to vector<16xi32>
            %add3A_1094 = arith.addi %xor3A_1088, %add3A_1093 : vector<16xi32>
            %select_n3A_1095 = arith.select %lt3A_1091, %add3A_1094, %xor3A_1088 : vector<16xi1>, vector<16xi32>
            %broadcast_in_dim3A_1096 = vector.shape_cast %select_n3A_1095 : vector<16xi32> to vector<16x1xi32>
            %gather3A_1097 = vector.shape_cast %broadcast_in_dim3A_1096 : vector<16x1xi32> to vector<16xi32>
            %gather3A_1098 = tpu.dynamic_gather %max3A_1085[%gather3A_1097] in [0] : vector<16xf32>, vector<16xi32> -> vector<16xf32>
            %max3A_1099 = arith.maximumf %max3A_1085, %gather3A_1098 : vector<16xf32>
            %xor3A_1100 = arith.constant 2 : i32
            %xor3A_1101 = vector.broadcast %xor3A_1100 : i32 to vector<16xi32>
            %xor3A_1102 = arith.xori %iota3A, %xor3A_1101 : vector<16xi32>
            %lt3A_1103 = arith.constant 0 : i32
            %lt3A_1104 = vector.broadcast %lt3A_1103 : i32 to vector<16xi32>
            %lt3A_1105 = arith.cmpi slt, %xor3A_1102, %lt3A_1104 : vector<16xi32>
            %add3A_1106 = arith.constant 16 : i32
            %add3A_1107 = vector.broadcast %add3A_1106 : i32 to vector<16xi32>
            %add3A_1108 = arith.addi %xor3A_1102, %add3A_1107 : vector<16xi32>
            %select_n3A_1109 = arith.select %lt3A_1105, %add3A_1108, %xor3A_1102 : vector<16xi1>, vector<16xi32>
            %broadcast_in_dim3A_1110 = vector.shape_cast %select_n3A_1109 : vector<16xi32> to vector<16x1xi32>
            %gather3A_1111 = vector.shape_cast %broadcast_in_dim3A_1110 : vector<16x1xi32> to vector<16xi32>
            %gather3A_1112 = tpu.dynamic_gather %max3A_1099[%gather3A_1111] in [0] : vector<16xf32>, vector<16xi32> -> vector<16xf32>
            %max3A_1113 = arith.maximumf %max3A_1099, %gather3A_1112 : vector<16xf32>
            %xor3A_1114 = arith.constant 1 : i32
            %xor3A_1115 = vector.broadcast %xor3A_1114 : i32 to vector<16xi32>
            %xor3A_1116 = arith.xori %iota3A, %xor3A_1115 : vector<16xi32>
            %lt3A_1117 = arith.constant 0 : i32
            %lt3A_1118 = vector.broadcast %lt3A_1117 : i32 to vector<16xi32>
            %lt3A_1119 = arith.cmpi slt, %xor3A_1116, %lt3A_1118 : vector<16xi32>
            %add3A_1120 = arith.constant 16 : i32
            %add3A_1121 = vector.broadcast %add3A_1120 : i32 to vector<16xi32>
            %add3A_1122 = arith.addi %xor3A_1116, %add3A_1121 : vector<16xi32>
            %select_n3A_1123 = arith.select %lt3A_1119, %add3A_1122, %xor3A_1116 : vector<16xi1>, vector<16xi32>
            %broadcast_in_dim3A_1124 = vector.shape_cast %select_n3A_1123 : vector<16xi32> to vector<16x1xi32>
            %gather3A_1125 = vector.shape_cast %broadcast_in_dim3A_1124 : vector<16x1xi32> to vector<16xi32>
            %gather3A_1126 = tpu.dynamic_gather %max3A_1113[%gather3A_1125] in [0] : vector<16xf32>, vector<16xi32> -> vector<16xf32>
            %max3A_1127 = arith.maximumf %max3A_1113, %gather3A_1126 : vector<16xf32>
            %scan3A_1128 = arith.constant 0 : i32
            %scan3A_1129 = arith.constant 2049 : i32
            %scan3A_1130 = arith.addi %scan3A_1128, %scan3A_1129 : i32
            %scan3A_1131 = arith.constant 1 : i32
            %scan3A_1132 = scf.for %scan3A_1206 = %scan3A_1128 to %scan3A_1130 step %scan3A_1131 iter_args(%scan3A_1207 = %broadcast_in_dim3A_50) -> (vector<16xi32>)  : i32 {
              %mul3A_1208 = arith.constant 16 : i32
              %mul3A_1209 = arith.muli %scan3A_1206, %mul3A_1208 : i32
              %get3A = arith.index_cast %mul3A_1209 : i32 to index
              %get3A_1210 = tpu.vector_load %arg4[%get3A] {strides = array<i32>} : memref<32784xf32, #tpu.memory_space<vmem>>, vector<16xf32>,
              %eq3A_1211 = arith.cmpf oeq, %get3A_1210, %max3A_1127 : vector<16xf32>
              %mul3A_1212 = arith.constant 16 : i32
              %mul3A_1213 = arith.muli %scan3A_1206, %mul3A_1212 : i32
              %add3A_1214 = vector.broadcast %mul3A_1213 : i32 to vector<16xi32>
              %add3A_1215 = arith.addi %add3A_1214, %iota3A : vector<16xi32>
              %select_n3A_1216 = arith.select %eq3A_1211, %add3A_1215, %broadcast_in_dim3A_50 : vector<16xi1>, vector<16xi32>
              %min3A_1217 = arith.minsi %scan3A_1207, %select_n3A_1216 : vector<16xi32>
              scf.yield %min3A_1217 : vector<16xi32>
            }
            %scan3A_1133 = arith.constant 2049 : i32
            %xor3A_1134 = arith.constant 8 : i32
            %xor3A_1135 = vector.broadcast %xor3A_1134 : i32 to vector<16xi32>
            %xor3A_1136 = arith.xori %iota3A, %xor3A_1135 : vector<16xi32>
            %lt3A_1137 = arith.constant 0 : i32
            %lt3A_1138 = vector.broadcast %lt3A_1137 : i32 to vector<16xi32>
            %lt3A_1139 = arith.cmpi slt, %xor3A_1136, %lt3A_1138 : vector<16xi32>
            %add3A_1140 = arith.constant 16 : i32
            %add3A_1141 = vector.broadcast %add3A_1140 : i32 to vector<16xi32>
            %add3A_1142 = arith.addi %xor3A_1136, %add3A_1141 : vector<16xi32>
            %select_n3A_1143 = arith.select %lt3A_1139, %add3A_1142, %xor3A_1136 : vector<16xi1>, vector<16xi32>
            %broadcast_in_dim3A_1144 = vector.shape_cast %select_n3A_1143 : vector<16xi32> to vector<16x1xi32>
            %gather3A_1145 = vector.shape_cast %broadcast_in_dim3A_1144 : vector<16x1xi32> to vector<16xi32>
            %gather3A_1146 = tpu.dynamic_gather %scan3A_1132[%gather3A_1145] in [0] : vector<16xi32>, vector<16xi32> -> vector<16xi32>
            %min3A_1147 = arith.minsi %scan3A_1132, %gather3A_1146 : vector<16xi32>
            %xor3A_1148 = arith.constant 4 : i32
            %xor3A_1149 = vector.broadcast %xor3A_1148 : i32 to vector<16xi32>
            %xor3A_1150 = arith.xori %iota3A, %xor3A_1149 : vector<16xi32>
            %lt3A_1151 = arith.constant 0 : i32
            %lt3A_1152 = vector.broadcast %lt3A_1151 : i32 to vector<16xi32>
            %lt3A_1153 = arith.cmpi slt, %xor3A_1150, %lt3A_1152 : vector<16xi32>
            %add3A_1154 = arith.constant 16 : i32
            %add3A_1155 = vector.broadcast %add3A_1154 : i32 to vector<16xi32>
            %add3A_1156 = arith.addi %xor3A_1150, %add3A_1155 : vector<16xi32>
            %select_n3A_1157 = arith.select %lt3A_1153, %add3A_1156, %xor3A_1150 : vector<16xi1>, vector<16xi32>
            %broadcast_in_dim3A_1158 = vector.shape_cast %select_n3A_1157 : vector<16xi32> to vector<16x1xi32>
            %gather3A_1159 = vector.shape_cast %broadcast_in_dim3A_1158 : vector<16x1xi32> to vector<16xi32>
            %gather3A_1160 = tpu.dynamic_gather %min3A_1147[%gather3A_1159] in [0] : vector<16xi32>, vector<16xi32> -> vector<16xi32>
            %min3A_1161 = arith.minsi %min3A_1147, %gather3A_1160 : vector<16xi32>
            %xor3A_1162 = arith.constant 2 : i32
            %xor3A_1163 = vector.broadcast %xor3A_1162 : i32 to vector<16xi32>
            %xor3A_1164 = arith.xori %iota3A, %xor3A_1163 : vector<16xi32>
            %lt3A_1165 = arith.constant 0 : i32
            %lt3A_1166 = vector.broadcast %lt3A_1165 : i32 to vector<16xi32>
            %lt3A_1167 = arith.cmpi slt, %xor3A_1164, %lt3A_1166 : vector<16xi32>
            %add3A_1168 = arith.constant 16 : i32
            %add3A_1169 = vector.broadcast %add3A_1168 : i32 to vector<16xi32>
            %add3A_1170 = arith.addi %xor3A_1164, %add3A_1169 : vector<16xi32>
            %select_n3A_1171 = arith.select %lt3A_1167, %add3A_1170, %xor3A_1164 : vector<16xi1>, vector<16xi32>
            %broadcast_in_dim3A_1172 = vector.shape_cast %select_n3A_1171 : vector<16xi32> to vector<16x1xi32>
            %gather3A_1173 = vector.shape_cast %broadcast_in_dim3A_1172 : vector<16x1xi32> to vector<16xi32>
            %gather3A_1174 = tpu.dynamic_gather %min3A_1161[%gather3A_1173] in [0] : vector<16xi32>, vector<16xi32> -> vector<16xi32>
            %min3A_1175 = arith.minsi %min3A_1161, %gather3A_1174 : vector<16xi32>
            %xor3A_1176 = arith.constant 1 : i32
            %xor3A_1177 = vector.broadcast %xor3A_1176 : i32 to vector<16xi32>
            %xor3A_1178 = arith.xori %iota3A, %xor3A_1177 : vector<16xi32>
            %lt3A_1179 = arith.constant 0 : i32
            %lt3A_1180 = vector.broadcast %lt3A_1179 : i32 to vector<16xi32>
            %lt3A_1181 = arith.cmpi slt, %xor3A_1178, %lt3A_1180 : vector<16xi32>
            %add3A_1182 = arith.constant 16 : i32
            %add3A_1183 = vector.broadcast %add3A_1182 : i32 to vector<16xi32>
            %add3A_1184 = arith.addi %xor3A_1178, %add3A_1183 : vector<16xi32>
            %select_n3A_1185 = arith.select %lt3A_1181, %add3A_1184, %xor3A_1178 : vector<16xi1>, vector<16xi32>
            %broadcast_in_dim3A_1186 = vector.shape_cast %select_n3A_1185 : vector<16xi32> to vector<16x1xi32>
            %gather3A_1187 = vector.shape_cast %broadcast_in_dim3A_1186 : vector<16x1xi32> to vector<16xi32>
            %gather3A_1188 = tpu.dynamic_gather %min3A_1175[%gather3A_1187] in [0] : vector<16xi32>, vector<16xi32> -> vector<16xi32>
            %min3A_1189 = arith.minsi %min3A_1175, %gather3A_1188 : vector<16xi32>
            tpu.vector_store_idx %arg4[%min3A_1189], %broadcast_in_dim3A_48 masked %eq3A_2 : memref<32784xf32, #tpu.memory_space<vmem>>[vector<16xi32>], vector<16xf32>, vector<16xi1>
            %eq3A_1190 = vector.broadcast %scan3A_1061 : i32 to vector<16xi32>
            %eq3A_1191 = arith.cmpi eq, %iota3A, %eq3A_1190 : vector<16xi32>
            %select_n3A_1192 = arith.select %eq3A_1191, %max3A_1127, %scan3A_1062 : vector<16xi1>, vector<16xf32>
            %sub3A_1193 = arith.constant 16 : i32
            %sub3A_1194 = arith.subi %scan3A_1061, %sub3A_1193 : i32
            %eq3A_1195 = vector.broadcast %sub3A_1194 : i32 to vector<16xi32>
            %eq3A_1196 = arith.cmpi eq, %iota3A, %eq3A_1195 : vector<16xi32>
            %select_n3A_1197 = arith.select %eq3A_1196, %max3A_1127, %scan3A_1063 : vector<16xi1>, vector<16xf32>
            %eq3A_1198 = vector.broadcast %scan3A_1061 : i32 to vector<16xi32>
            %eq3A_1199 = arith.cmpi eq, %iota3A, %eq3A_1198 : vector<16xi32>
            %select_n3A_1200 = arith.select %eq3A_1199, %min3A_1189, %scan3A_1064 : vector<16xi1>, vector<16xi32>
            %sub3A_1201 = arith.constant 16 : i32
            %sub3A_1202 = arith.subi %scan3A_1061, %sub3A_1201 : i32
            %eq3A_1203 = vector.broadcast %sub3A_1202 : i32 to vector<16xi32>
            %eq3A_1204 = arith.cmpi eq, %iota3A, %eq3A_1203 : vector<16xi32>
            %select_n3A_1205 = arith.select %eq3A_1204, %min3A_1189, %scan3A_1065 : vector<16xi1>, vector<16xi32>
            scf.yield %select_n3A_1192, %select_n3A_1197, %select_n3A_1200, %select_n3A_1205 : vector<16xf32>, vector<16xf32>, vector<16xi32>, vector<16xi32>
          }
          %scan3A_1060 = arith.constant 32 : i32
          scf.yield %scan3A_1059#0, %scan3A_1059#1, %scan3A_1059#2, %scan3A_1059#3 : vector<16xf32>, vector<16xf32>, vector<16xi32>, vector<16xi32>
        }
        scf.yield %cond3A_1051#0, %cond3A_1051#1, %cond3A_1051#2, %cond3A_1051#3 : vector<16xf32>, vector<16xf32>, vector<16xi32>, vector<16xi32>
      }
      %masked_sort3A = arith.constant dense<true> : vector<16xi1>
      %masked_sort3A_203 = arith.constant -2147483648 : i32
      %masked_sort3A_204 = vector.broadcast %masked_sort3A_203 : i32 to vector<16xi32>
      %masked_sort3A_205 = arith.xori %cond3A_202#2, %masked_sort3A_204 : vector<16xi32>
      %masked_sort3A_206, %masked_sort3A_207, %masked_sort3A_208 = tpu.sort %masked_sort3A_205, %cond3A_202#0 masked %masked_sort3A : (vector<16xi32>, vector<16xf32>, vector<16xi1>) -> (vector<16xi1>, vector<16xi32>, vector<16xf32>)
      %masked_sort3A_209 = arith.xori %masked_sort3A_207, %masked_sort3A_204 : vector<16xi32>
      %masked_sort3A_210 = arith.constant dense<true> : vector<16xi1>
      %masked_sort3A_211 = arith.constant -2147483648 : i32
      %masked_sort3A_212 = vector.broadcast %masked_sort3A_211 : i32 to vector<16xi32>
      %masked_sort3A_213 = arith.xori %cond3A_202#3, %masked_sort3A_212 : vector<16xi32>
      %masked_sort3A_214, %masked_sort3A_215, %masked_sort3A_216 = tpu.sort %masked_sort3A_213, %cond3A_202#1 masked %masked_sort3A_210 : (vector<16xi32>, vector<16xf32>, vector<16xi1>) -> (vector<16xi1>, vector<16xi32>, vector<16xf32>)
      %masked_sort3A_217 = arith.xori %masked_sort3A_215, %masked_sort3A_212 : vector<16xi32>
      %sub3A_218 = arith.constant 15 : i32
      %sub3A_219 = vector.broadcast %sub3A_218 : i32 to vector<16xi32>
      %sub3A_220 = arith.subi %sub3A_219, %iota3A : vector<16xi32>
      %lt3A_221 = arith.constant 0 : i32
      %lt3A_222 = vector.broadcast %lt3A_221 : i32 to vector<16xi32>
      %lt3A_223 = arith.cmpi slt, %sub3A_220, %lt3A_222 : vector<16xi32>
      %add3A_224 = arith.constant 16 : i32
      %add3A_225 = vector.broadcast %add3A_224 : i32 to vector<16xi32>
      %add3A_226 = arith.addi %sub3A_220, %add3A_225 : vector<16xi32>
      %select_n3A_227 = arith.select %lt3A_223, %add3A_226, %sub3A_220 : vector<16xi1>, vector<16xi32>
      %broadcast_in_dim3A_228 = vector.shape_cast %select_n3A_227 : vector<16xi32> to vector<16x1xi32>
      %gather3A_229 = vector.shape_cast %broadcast_in_dim3A_228 : vector<16x1xi32> to vector<16xi32>
      %gather3A_230 = tpu.dynamic_gather %masked_sort3A_217[%gather3A_229] in [0] : vector<16xi32>, vector<16xi32> -> vector<16xi32>
      %sub3A_231 = arith.constant 15 : i32
      %sub3A_232 = vector.broadcast %sub3A_231 : i32 to vector<16xi32>
      %sub3A_233 = arith.subi %sub3A_232, %iota3A : vector<16xi32>
      %lt3A_234 = arith.constant 0 : i32
      %lt3A_235 = vector.broadcast %lt3A_234 : i32 to vector<16xi32>
      %lt3A_236 = arith.cmpi slt, %sub3A_233, %lt3A_235 : vector<16xi32>
      %add3A_237 = arith.constant 16 : i32
      %add3A_238 = vector.broadcast %add3A_237 : i32 to vector<16xi32>
      %add3A_239 = arith.addi %sub3A_233, %add3A_238 : vector<16xi32>
      %select_n3A_240 = arith.select %lt3A_236, %add3A_239, %sub3A_233 : vector<16xi1>, vector<16xi32>
      %broadcast_in_dim3A_241 = vector.shape_cast %select_n3A_240 : vector<16xi32> to vector<16x1xi32>
      %gather3A_242 = vector.shape_cast %broadcast_in_dim3A_241 : vector<16x1xi32> to vector<16xi32>
      %gather3A_243 = tpu.dynamic_gather %masked_sort3A_216[%gather3A_242] in [0] : vector<16xf32>, vector<16xi32> -> vector<16xf32>
      %le3A_244 = arith.cmpi sle, %masked_sort3A_209, %gather3A_230 : vector<16xi32>
      %select_n3A_245 = arith.select %le3A_244, %masked_sort3A_209, %gather3A_230 : vector<16xi1>, vector<16xi32>
      %select_n3A_246 = arith.select %le3A_244, %masked_sort3A_208, %gather3A_243 : vector<16xi1>, vector<16xf32>
      %select_n3A_247 = arith.select %le3A_244, %gather3A_230, %masked_sort3A_209 : vector<16xi1>, vector<16xi32>
      %select_n3A_248 = arith.select %le3A_244, %gather3A_243, %masked_sort3A_208 : vector<16xi1>, vector<16xf32>
      %and3A_249 = arith.constant 8 : i32
      %and3A_250 = vector.broadcast %and3A_249 : i32 to vector<16xi32>
      %and3A_251 = arith.andi %iota3A, %and3A_250 : vector<16xi32>
      %eq3A_252 = arith.constant 0 : i32
      %eq3A_253 = vector.broadcast %eq3A_252 : i32 to vector<16xi32>
      %eq3A_254 = arith.cmpi eq, %and3A_251, %eq3A_253 : vector<16xi32>
      %xor3A_255 = arith.constant 8 : i32
      %xor3A_256 = vector.broadcast %xor3A_255 : i32 to vector<16xi32>
      %xor3A_257 = arith.xori %iota3A, %xor3A_256 : vector<16xi32>
      %lt3A_258 = arith.constant 0 : i32
      %lt3A_259 = vector.broadcast %lt3A_258 : i32 to vector<16xi32>
      %lt3A_260 = arith.cmpi slt, %xor3A_257, %lt3A_259 : vector<16xi32>
      %add3A_261 = arith.constant 16 : i32
      %add3A_262 = vector.broadcast %add3A_261 : i32 to vector<16xi32>
      %add3A_263 = arith.addi %xor3A_257, %add3A_262 : vector<16xi32>
      %select_n3A_264 = arith.select %lt3A_260, %add3A_263, %xor3A_257 : vector<16xi1>, vector<16xi32>
      %broadcast_in_dim3A_265 = vector.shape_cast %select_n3A_264 : vector<16xi32> to vector<16x1xi32>
      %gather3A_266 = vector.shape_cast %broadcast_in_dim3A_265 : vector<16x1xi32> to vector<16xi32>
      %gather3A_267 = tpu.dynamic_gather %select_n3A_245[%gather3A_266] in [0] : vector<16xi32>, vector<16xi32> -> vector<16xi32>
      %xor3A_268 = arith.constant 8 : i32
      %xor3A_269 = vector.broadcast %xor3A_268 : i32 to vector<16xi32>
      %xor3A_270 = arith.xori %iota3A, %xor3A_269 : vector<16xi32>
      %lt3A_271 = arith.constant 0 : i32
      %lt3A_272 = vector.broadcast %lt3A_271 : i32 to vector<16xi32>
      %lt3A_273 = arith.cmpi slt, %xor3A_270, %lt3A_272 : vector<16xi32>
      %add3A_274 = arith.constant 16 : i32
      %add3A_275 = vector.broadcast %add3A_274 : i32 to vector<16xi32>
      %add3A_276 = arith.addi %xor3A_270, %add3A_275 : vector<16xi32>
      %select_n3A_277 = arith.select %lt3A_273, %add3A_276, %xor3A_270 : vector<16xi1>, vector<16xi32>
      %broadcast_in_dim3A_278 = vector.shape_cast %select_n3A_277 : vector<16xi32> to vector<16x1xi32>
      %gather3A_279 = vector.shape_cast %broadcast_in_dim3A_278 : vector<16x1xi32> to vector<16xi32>
      %gather3A_280 = tpu.dynamic_gather %select_n3A_246[%gather3A_279] in [0] : vector<16xf32>, vector<16xi32> -> vector<16xf32>
      %min3A_281 = arith.minsi %select_n3A_245, %gather3A_267 : vector<16xi32>
      %max3A = arith.maxsi %select_n3A_245, %gather3A_267 : vector<16xi32>
      %select_n3A_282 = arith.select %eq3A_254, %min3A_281, %max3A : vector<16xi1>, vector<16xi32>
      %eq3A_283 = arith.cmpi eq, %select_n3A_282, %select_n3A_245 : vector<16xi32>
      %select_n3A_284 = arith.select %eq3A_283, %select_n3A_246, %gather3A_280 : vector<16xi1>, vector<16xf32>
      %xor3A_285 = arith.constant 8 : i32
      %xor3A_286 = vector.broadcast %xor3A_285 : i32 to vector<16xi32>
      %xor3A_287 = arith.xori %iota3A, %xor3A_286 : vector<16xi32>
      %lt3A_288 = arith.constant 0 : i32
      %lt3A_289 = vector.broadcast %lt3A_288 : i32 to vector<16xi32>
      %lt3A_290 = arith.cmpi slt, %xor3A_287, %lt3A_289 : vector<16xi32>
      %add3A_291 = arith.constant 16 : i32
      %add3A_292 = vector.broadcast %add3A_291 : i32 to vector<16xi32>
      %add3A_293 = arith.addi %xor3A_287, %add3A_292 : vector<16xi32>
      %select_n3A_294 = arith.select %lt3A_290, %add3A_293, %xor3A_287 : vector<16xi1>, vector<16xi32>
      %broadcast_in_dim3A_295 = vector.shape_cast %select_n3A_294 : vector<16xi32> to vector<16x1xi32>
      %gather3A_296 = vector.shape_cast %broadcast_in_dim3A_295 : vector<16x1xi32> to vector<16xi32>
      %gather3A_297 = tpu.dynamic_gather %select_n3A_247[%gather3A_296] in [0] : vector<16xi32>, vector<16xi32> -> vector<16xi32>
      %xor3A_298 = arith.constant 8 : i32
      %xor3A_299 = vector.broadcast %xor3A_298 : i32 to vector<16xi32>
      %xor3A_300 = arith.xori %iota3A, %xor3A_299 : vector<16xi32>
      %lt3A_301 = arith.constant 0 : i32
      %lt3A_302 = vector.broadcast %lt3A_301 : i32 to vector<16xi32>
      %lt3A_303 = arith.cmpi slt, %xor3A_300, %lt3A_302 : vector<16xi32>
      %add3A_304 = arith.constant 16 : i32
      %add3A_305 = vector.broadcast %add3A_304 : i32 to vector<16xi32>
      %add3A_306 = arith.addi %xor3A_300, %add3A_305 : vector<16xi32>
      %select_n3A_307 = arith.select %lt3A_303, %add3A_306, %xor3A_300 : vector<16xi1>, vector<16xi32>
      %broadcast_in_dim3A_308 = vector.shape_cast %select_n3A_307 : vector<16xi32> to vector<16x1xi32>
      %gather3A_309 = vector.shape_cast %broadcast_in_dim3A_308 : vector<16x1xi32> to vector<16xi32>
      %gather3A_310 = tpu.dynamic_gather %select_n3A_248[%gather3A_309] in [0] : vector<16xf32>, vector<16xi32> -> vector<16xf32>
      %min3A_311 = arith.minsi %select_n3A_247, %gather3A_297 : vector<16xi32>
      %max3A_312 = arith.maxsi %select_n3A_247, %gather3A_297 : vector<16xi32>
      %select_n3A_313 = arith.select %eq3A_254, %min3A_311, %max3A_312 : vector<16xi1>, vector<16xi32>
      %eq3A_314 = arith.cmpi eq, %select_n3A_313, %select_n3A_247 : vector<16xi32>
      %select_n3A_315 = arith.select %eq3A_314, %select_n3A_248, %gather3A_310 : vector<16xi1>, vector<16xf32>
      %and3A_316 = arith.constant 4 : i32
      %and3A_317 = vector.broadcast %and3A_316 : i32 to vector<16xi32>
      %and3A_318 = arith.andi %iota3A, %and3A_317 : vector<16xi32>
      %eq3A_319 = arith.constant 0 : i32
      %eq3A_320 = vector.broadcast %eq3A_319 : i32 to vector<16xi32>
      %eq3A_321 = arith.cmpi eq, %and3A_318, %eq3A_320 : vector<16xi32>
      %xor3A_322 = arith.constant 4 : i32
      %xor3A_323 = vector.broadcast %xor3A_322 : i32 to vector<16xi32>
      %xor3A_324 = arith.xori %iota3A, %xor3A_323 : vector<16xi32>
      %lt3A_325 = arith.constant 0 : i32
      %lt3A_326 = vector.broadcast %lt3A_325 : i32 to vector<16xi32>
      %lt3A_327 = arith.cmpi slt, %xor3A_324, %lt3A_326 : vector<16xi32>
      %add3A_328 = arith.constant 16 : i32
      %add3A_329 = vector.broadcast %add3A_328 : i32 to vector<16xi32>
      %add3A_330 = arith.addi %xor3A_324, %add3A_329 : vector<16xi32>
      %select_n3A_331 = arith.select %lt3A_327, %add3A_330, %xor3A_324 : vector<16xi1>, vector<16xi32>
      %broadcast_in_dim3A_332 = vector.shape_cast %select_n3A_331 : vector<16xi32> to vector<16x1xi32>
      %gather3A_333 = vector.shape_cast %broadcast_in_dim3A_332 : vector<16x1xi32> to vector<16xi32>
      %gather3A_334 = tpu.dynamic_gather %select_n3A_282[%gather3A_333] in [0] : vector<16xi32>, vector<16xi32> -> vector<16xi32>
      %xor3A_335 = arith.constant 4 : i32
      %xor3A_336 = vector.broadcast %xor3A_335 : i32 to vector<16xi32>
      %xor3A_337 = arith.xori %iota3A, %xor3A_336 : vector<16xi32>
      %lt3A_338 = arith.constant 0 : i32
      %lt3A_339 = vector.broadcast %lt3A_338 : i32 to vector<16xi32>
      %lt3A_340 = arith.cmpi slt, %xor3A_337, %lt3A_339 : vector<16xi32>
      %add3A_341 = arith.constant 16 : i32
      %add3A_342 = vector.broadcast %add3A_341 : i32 to vector<16xi32>
      %add3A_343 = arith.addi %xor3A_337, %add3A_342 : vector<16xi32>
      %select_n3A_344 = arith.select %lt3A_340, %add3A_343, %xor3A_337 : vector<16xi1>, vector<16xi32>
      %broadcast_in_dim3A_345 = vector.shape_cast %select_n3A_344 : vector<16xi32> to vector<16x1xi32>
      %gather3A_346 = vector.shape_cast %broadcast_in_dim3A_345 : vector<16x1xi32> to vector<16xi32>
      %gather3A_347 = tpu.dynamic_gather %select_n3A_284[%gather3A_346] in [0] : vector<16xf32>, vector<16xi32> -> vector<16xf32>
      %min3A_348 = arith.minsi %select_n3A_282, %gather3A_334 : vector<16xi32>
      %max3A_349 = arith.maxsi %select_n3A_282, %gather3A_334 : vector<16xi32>
      %select_n3A_350 = arith.select %eq3A_321, %min3A_348, %max3A_349 : vector<16xi1>, vector<16xi32>
      %eq3A_351 = arith.cmpi eq, %select_n3A_350, %select_n3A_282 : vector<16xi32>
      %select_n3A_352 = arith.select %eq3A_351, %select_n3A_284, %gather3A_347 : vector<16xi1>, vector<16xf32>
      %xor3A_353 = arith.constant 4 : i32
      %xor3A_354 = vector.broadcast %xor3A_353 : i32 to vector<16xi32>
      %xor3A_355 = arith.xori %iota3A, %xor3A_354 : vector<16xi32>
      %lt3A_356 = arith.constant 0 : i32
      %lt3A_357 = vector.broadcast %lt3A_356 : i32 to vector<16xi32>
      %lt3A_358 = arith.cmpi slt, %xor3A_355, %lt3A_357 : vector<16xi32>
      %add3A_359 = arith.constant 16 : i32
      %add3A_360 = vector.broadcast %add3A_359 : i32 to vector<16xi32>
      %add3A_361 = arith.addi %xor3A_355, %add3A_360 : vector<16xi32>
      %select_n3A_362 = arith.select %lt3A_358, %add3A_361, %xor3A_355 : vector<16xi1>, vector<16xi32>
      %broadcast_in_dim3A_363 = vector.shape_cast %select_n3A_362 : vector<16xi32> to vector<16x1xi32>
      %gather3A_364 = vector.shape_cast %broadcast_in_dim3A_363 : vector<16x1xi32> to vector<16xi32>
      %gather3A_365 = tpu.dynamic_gather %select_n3A_313[%gather3A_364] in [0] : vector<16xi32>, vector<16xi32> -> vector<16xi32>
      %xor3A_366 = arith.constant 4 : i32
      %xor3A_367 = vector.broadcast %xor3A_366 : i32 to vector<16xi32>
      %xor3A_368 = arith.xori %iota3A, %xor3A_367 : vector<16xi32>
      %lt3A_369 = arith.constant 0 : i32
      %lt3A_370 = vector.broadcast %lt3A_369 : i32 to vector<16xi32>
      %lt3A_371 = arith.cmpi slt, %xor3A_368, %lt3A_370 : vector<16xi32>
      %add3A_372 = arith.constant 16 : i32
      %add3A_373 = vector.broadcast %add3A_372 : i32 to vector<16xi32>
      %add3A_374 = arith.addi %xor3A_368, %add3A_373 : vector<16xi32>
      %select_n3A_375 = arith.select %lt3A_371, %add3A_374, %xor3A_368 : vector<16xi1>, vector<16xi32>
      %broadcast_in_dim3A_376 = vector.shape_cast %select_n3A_375 : vector<16xi32> to vector<16x1xi32>
      %gather3A_377 = vector.shape_cast %broadcast_in_dim3A_376 : vector<16x1xi32> to vector<16xi32>
      %gather3A_378 = tpu.dynamic_gather %select_n3A_315[%gather3A_377] in [0] : vector<16xf32>, vector<16xi32> -> vector<16xf32>
      %min3A_379 = arith.minsi %select_n3A_313, %gather3A_365 : vector<16xi32>
      %max3A_380 = arith.maxsi %select_n3A_313, %gather3A_365 : vector<16xi32>
      %select_n3A_381 = arith.select %eq3A_321, %min3A_379, %max3A_380 : vector<16xi1>, vector<16xi32>
      %eq3A_382 = arith.cmpi eq, %select_n3A_381, %select_n3A_313 : vector<16xi32>
      %select_n3A_383 = arith.select %eq3A_382, %select_n3A_315, %gather3A_378 : vector<16xi1>, vector<16xf32>
      %and3A_384 = arith.constant 2 : i32
      %and3A_385 = vector.broadcast %and3A_384 : i32 to vector<16xi32>
      %and3A_386 = arith.andi %iota3A, %and3A_385 : vector<16xi32>
      %eq3A_387 = arith.constant 0 : i32
      %eq3A_388 = vector.broadcast %eq3A_387 : i32 to vector<16xi32>
      %eq3A_389 = arith.cmpi eq, %and3A_386, %eq3A_388 : vector<16xi32>
      %xor3A_390 = arith.constant 2 : i32
      %xor3A_391 = vector.broadcast %xor3A_390 : i32 to vector<16xi32>
      %xor3A_392 = arith.xori %iota3A, %xor3A_391 : vector<16xi32>
      %lt3A_393 = arith.constant 0 : i32
      %lt3A_394 = vector.broadcast %lt3A_393 : i32 to vector<16xi32>
      %lt3A_395 = arith.cmpi slt, %xor3A_392, %lt3A_394 : vector<16xi32>
      %add3A_396 = arith.constant 16 : i32
      %add3A_397 = vector.broadcast %add3A_396 : i32 to vector<16xi32>
      %add3A_398 = arith.addi %xor3A_392, %add3A_397 : vector<16xi32>
      %select_n3A_399 = arith.select %lt3A_395, %add3A_398, %xor3A_392 : vector<16xi1>, vector<16xi32>
      %broadcast_in_dim3A_400 = vector.shape_cast %select_n3A_399 : vector<16xi32> to vector<16x1xi32>
      %gather3A_401 = vector.shape_cast %broadcast_in_dim3A_400 : vector<16x1xi32> to vector<16xi32>
      %gather3A_402 = tpu.dynamic_gather %select_n3A_350[%gather3A_401] in [0] : vector<16xi32>, vector<16xi32> -> vector<16xi32>
      %xor3A_403 = arith.constant 2 : i32
      %xor3A_404 = vector.broadcast %xor3A_403 : i32 to vector<16xi32>
      %xor3A_405 = arith.xori %iota3A, %xor3A_404 : vector<16xi32>
      %lt3A_406 = arith.constant 0 : i32
      %lt3A_407 = vector.broadcast %lt3A_406 : i32 to vector<16xi32>
      %lt3A_408 = arith.cmpi slt, %xor3A_405, %lt3A_407 : vector<16xi32>
      %add3A_409 = arith.constant 16 : i32
      %add3A_410 = vector.broadcast %add3A_409 : i32 to vector<16xi32>
      %add3A_411 = arith.addi %xor3A_405, %add3A_410 : vector<16xi32>
      %select_n3A_412 = arith.select %lt3A_408, %add3A_411, %xor3A_405 : vector<16xi1>, vector<16xi32>
      %broadcast_in_dim3A_413 = vector.shape_cast %select_n3A_412 : vector<16xi32> to vector<16x1xi32>
      %gather3A_414 = vector.shape_cast %broadcast_in_dim3A_413 : vector<16x1xi32> to vector<16xi32>
      %gather3A_415 = tpu.dynamic_gather %select_n3A_352[%gather3A_414] in [0] : vector<16xf32>, vector<16xi32> -> vector<16xf32>
      %min3A_416 = arith.minsi %select_n3A_350, %gather3A_402 : vector<16xi32>
      %max3A_417 = arith.maxsi %select_n3A_350, %gather3A_402 : vector<16xi32>
      %select_n3A_418 = arith.select %eq3A_389, %min3A_416, %max3A_417 : vector<16xi1>, vector<16xi32>
      %eq3A_419 = arith.cmpi eq, %select_n3A_418, %select_n3A_350 : vector<16xi32>
      %select_n3A_420 = arith.select %eq3A_419, %select_n3A_352, %gather3A_415 : vector<16xi1>, vector<16xf32>
      %xor3A_421 = arith.constant 2 : i32
      %xor3A_422 = vector.broadcast %xor3A_421 : i32 to vector<16xi32>
      %xor3A_423 = arith.xori %iota3A, %xor3A_422 : vector<16xi32>
      %lt3A_424 = arith.constant 0 : i32
      %lt3A_425 = vector.broadcast %lt3A_424 : i32 to vector<16xi32>
      %lt3A_426 = arith.cmpi slt, %xor3A_423, %lt3A_425 : vector<16xi32>
      %add3A_427 = arith.constant 16 : i32
      %add3A_428 = vector.broadcast %add3A_427 : i32 to vector<16xi32>
      %add3A_429 = arith.addi %xor3A_423, %add3A_428 : vector<16xi32>
      %select_n3A_430 = arith.select %lt3A_426, %add3A_429, %xor3A_423 : vector<16xi1>, vector<16xi32>
      %broadcast_in_dim3A_431 = vector.shape_cast %select_n3A_430 : vector<16xi32> to vector<16x1xi32>
      %gather3A_432 = vector.shape_cast %broadcast_in_dim3A_431 : vector<16x1xi32> to vector<16xi32>
      %gather3A_433 = tpu.dynamic_gather %select_n3A_381[%gather3A_432] in [0] : vector<16xi32>, vector<16xi32> -> vector<16xi32>
      %xor3A_434 = arith.constant 2 : i32
      %xor3A_435 = vector.broadcast %xor3A_434 : i32 to vector<16xi32>
      %xor3A_436 = arith.xori %iota3A, %xor3A_435 : vector<16xi32>
      %lt3A_437 = arith.constant 0 : i32
      %lt3A_438 = vector.broadcast %lt3A_437 : i32 to vector<16xi32>
      %lt3A_439 = arith.cmpi slt, %xor3A_436, %lt3A_438 : vector<16xi32>
      %add3A_440 = arith.constant 16 : i32
      %add3A_441 = vector.broadcast %add3A_440 : i32 to vector<16xi32>
      %add3A_442 = arith.addi %xor3A_436, %add3A_441 : vector<16xi32>
      %select_n3A_443 = arith.select %lt3A_439, %add3A_442, %xor3A_436 : vector<16xi1>, vector<16xi32>
      %broadcast_in_dim3A_444 = vector.shape_cast %select_n3A_443 : vector<16xi32> to vector<16x1xi32>
      %gather3A_445 = vector.shape_cast %broadcast_in_dim3A_444 : vector<16x1xi32> to vector<16xi32>
      %gather3A_446 = tpu.dynamic_gather %select_n3A_383[%gather3A_445] in [0] : vector<16xf32>, vector<16xi32> -> vector<16xf32>
      %min3A_447 = arith.minsi %select_n3A_381, %gather3A_433 : vector<16xi32>
      %max3A_448 = arith.maxsi %select_n3A_381, %gather3A_433 : vector<16xi32>
      %select_n3A_449 = arith.select %eq3A_389, %min3A_447, %max3A_448 : vector<16xi1>, vector<16xi32>
      %eq3A_450 = arith.cmpi eq, %select_n3A_449, %select_n3A_381 : vector<16xi32>
      %select_n3A_451 = arith.select %eq3A_450, %select_n3A_383, %gather3A_446 : vector<16xi1>, vector<16xf32>
      %and3A_452 = arith.constant 1 : i32
      %and3A_453 = vector.broadcast %and3A_452 : i32 to vector<16xi32>
      %and3A_454 = arith.andi %iota3A, %and3A_453 : vector<16xi32>
      %eq3A_455 = arith.constant 0 : i32
      %eq3A_456 = vector.broadcast %eq3A_455 : i32 to vector<16xi32>
      %eq3A_457 = arith.cmpi eq, %and3A_454, %eq3A_456 : vector<16xi32>
      %xor3A_458 = arith.constant 1 : i32
      %xor3A_459 = vector.broadcast %xor3A_458 : i32 to vector<16xi32>
      %xor3A_460 = arith.xori %iota3A, %xor3A_459 : vector<16xi32>
      %lt3A_461 = arith.constant 0 : i32
      %lt3A_462 = vector.broadcast %lt3A_461 : i32 to vector<16xi32>
      %lt3A_463 = arith.cmpi slt, %xor3A_460, %lt3A_462 : vector<16xi32>
      %add3A_464 = arith.constant 16 : i32
      %add3A_465 = vector.broadcast %add3A_464 : i32 to vector<16xi32>
      %add3A_466 = arith.addi %xor3A_460, %add3A_465 : vector<16xi32>
      %select_n3A_467 = arith.select %lt3A_463, %add3A_466, %xor3A_460 : vector<16xi1>, vector<16xi32>
      %broadcast_in_dim3A_468 = vector.shape_cast %select_n3A_467 : vector<16xi32> to vector<16x1xi32>
      %gather3A_469 = vector.shape_cast %broadcast_in_dim3A_468 : vector<16x1xi32> to vector<16xi32>
      %gather3A_470 = tpu.dynamic_gather %select_n3A_418[%gather3A_469] in [0] : vector<16xi32>, vector<16xi32> -> vector<16xi32>
      %xor3A_471 = arith.constant 1 : i32
      %xor3A_472 = vector.broadcast %xor3A_471 : i32 to vector<16xi32>
      %xor3A_473 = arith.xori %iota3A, %xor3A_472 : vector<16xi32>
      %lt3A_474 = arith.constant 0 : i32
      %lt3A_475 = vector.broadcast %lt3A_474 : i32 to vector<16xi32>
      %lt3A_476 = arith.cmpi slt, %xor3A_473, %lt3A_475 : vector<16xi32>
      %add3A_477 = arith.constant 16 : i32
      %add3A_478 = vector.broadcast %add3A_477 : i32 to vector<16xi32>
      %add3A_479 = arith.addi %xor3A_473, %add3A_478 : vector<16xi32>
      %select_n3A_480 = arith.select %lt3A_476, %add3A_479, %xor3A_473 : vector<16xi1>, vector<16xi32>
      %broadcast_in_dim3A_481 = vector.shape_cast %select_n3A_480 : vector<16xi32> to vector<16x1xi32>
      %gather3A_482 = vector.shape_cast %broadcast_in_dim3A_481 : vector<16x1xi32> to vector<16xi32>
      %gather3A_483 = tpu.dynamic_gather %select_n3A_420[%gather3A_482] in [0] : vector<16xf32>, vector<16xi32> -> vector<16xf32>
      %min3A_484 = arith.minsi %select_n3A_418, %gather3A_470 : vector<16xi32>
      %max3A_485 = arith.maxsi %select_n3A_418, %gather3A_470 : vector<16xi32>
      %select_n3A_486 = arith.select %eq3A_457, %min3A_484, %max3A_485 : vector<16xi1>, vector<16xi32>
      %eq3A_487 = arith.cmpi eq, %select_n3A_486, %select_n3A_418 : vector<16xi32>
      %select_n3A_488 = arith.select %eq3A_487, %select_n3A_420, %gather3A_483 : vector<16xi1>, vector<16xf32>
      %xor3A_489 = arith.constant 1 : i32
      %xor3A_490 = vector.broadcast %xor3A_489 : i32 to vector<16xi32>
      %xor3A_491 = arith.xori %iota3A, %xor3A_490 : vector<16xi32>
      %lt3A_492 = arith.constant 0 : i32
      %lt3A_493 = vector.broadcast %lt3A_492 : i32 to vector<16xi32>
      %lt3A_494 = arith.cmpi slt, %xor3A_491, %lt3A_493 : vector<16xi32>
      %add3A_495 = arith.constant 16 : i32
      %add3A_496 = vector.broadcast %add3A_495 : i32 to vector<16xi32>
      %add3A_497 = arith.addi %xor3A_491, %add3A_496 : vector<16xi32>
      %select_n3A_498 = arith.select %lt3A_494, %add3A_497, %xor3A_491 : vector<16xi1>, vector<16xi32>
      %broadcast_in_dim3A_499 = vector.shape_cast %select_n3A_498 : vector<16xi32> to vector<16x1xi32>
      %gather3A_500 = vector.shape_cast %broadcast_in_dim3A_499 : vector<16x1xi32> to vector<16xi32>
      %gather3A_501 = tpu.dynamic_gather %select_n3A_449[%gather3A_500] in [0] : vector<16xi32>, vector<16xi32> -> vector<16xi32>
      %xor3A_502 = arith.constant 1 : i32
      %xor3A_503 = vector.broadcast %xor3A_502 : i32 to vector<16xi32>
      %xor3A_504 = arith.xori %iota3A, %xor3A_503 : vector<16xi32>
      %lt3A_505 = arith.constant 0 : i32
      %lt3A_506 = vector.broadcast %lt3A_505 : i32 to vector<16xi32>
      %lt3A_507 = arith.cmpi slt, %xor3A_504, %lt3A_506 : vector<16xi32>
      %add3A_508 = arith.constant 16 : i32
      %add3A_509 = vector.broadcast %add3A_508 : i32 to vector<16xi32>
      %add3A_510 = arith.addi %xor3A_504, %add3A_509 : vector<16xi32>
      %select_n3A_511 = arith.select %lt3A_507, %add3A_510, %xor3A_504 : vector<16xi1>, vector<16xi32>
      %broadcast_in_dim3A_512 = vector.shape_cast %select_n3A_511 : vector<16xi32> to vector<16x1xi32>
      %gather3A_513 = vector.shape_cast %broadcast_in_dim3A_512 : vector<16x1xi32> to vector<16xi32>
      %gather3A_514 = tpu.dynamic_gather %select_n3A_451[%gather3A_513] in [0] : vector<16xf32>, vector<16xi32> -> vector<16xf32>
      %min3A_515 = arith.minsi %select_n3A_449, %gather3A_501 : vector<16xi32>
      %max3A_516 = arith.maxsi %select_n3A_449, %gather3A_501 : vector<16xi32>
      %select_n3A_517 = arith.select %eq3A_457, %min3A_515, %max3A_516 : vector<16xi1>, vector<16xi32>
      %eq3A_518 = arith.cmpi eq, %select_n3A_517, %select_n3A_449 : vector<16xi32>
      %select_n3A_519 = arith.select %eq3A_518, %select_n3A_451, %gather3A_514 : vector<16xi1>, vector<16xf32>
      %mul3A_520 = arith.constant 32 : i32
      %mul3A_521 = arith.muli %mul3A_25, %mul3A_520 : i32
      %add3A_522 = vector.broadcast %mul3A_521 : i32 to vector<16xi32>
      %add3A_523 = arith.addi %add3A_522, %iota3A : vector<16xi32>
      tpu.vector_store_idx %arg13[%add3A_523], %select_n3A_488 : memref<1024xf32, #tpu.memory_space<vmem>>[vector<16xi32>], vector<16xf32>,
      %add3A_524 = arith.constant 16 : i32
      %add3A_525 = arith.addi %mul3A_521, %add3A_524 : i32
      %add3A_526 = vector.broadcast %add3A_525 : i32 to vector<16xi32>
      %add3A_527 = arith.addi %add3A_526, %iota3A : vector<16xi32>
      tpu.vector_store_idx %arg13[%add3A_527], %select_n3A_519 : memref<1024xf32, #tpu.memory_space<vmem>>[vector<16xi32>], vector<16xf32>,
      %dma_wait3A_528 = arith.constant 0 : i32
      %dma_wait3A_529 = tpu.memref_slice %arg5[%dma_wait3A_528] : memref<32784xf32, #tpu.memory_space<vmem>> -> memref<32768xf32, #tpu.memory_space<vmem>>
      %dma_wait3A_530 = arith.constant 0 : i32
      %dma_wait3A_531 = tpu.memref_slice %arg2[%mul3A_4, %dma_wait3A_530] : memref<1024x32768xf32, #tpu.memory_space<hbm>> -> memref<1x32768xf32, #tpu.memory_space<hbm>>
      %dma_wait3A_532 = tpu.memref_squeeze %dma_wait3A_531 : memref<1x32768xf32, #tpu.memory_space<hbm>> -> memref<32768xf32, #tpu.memory_space<hbm>>
      %dma_wait3A_533 = arith.constant 0 : i32
      %dma_wait3A_534 = tpu.memref_slice %arg5[%dma_wait3A_533] : memref<32784xf32, #tpu.memory_space<vmem>> -> memref<32768xf32, #tpu.memory_space<vmem>>
      %dma_wait3A_535 = arith.constant 0 : i32
      %dma_wait3A_536 = tpu.memref_slice %arg2[%mul3A_4, %dma_wait3A_535] : memref<1024x32768xf32, #tpu.memory_space<hbm>> -> memref<1x32768xf32, #tpu.memory_space<hbm>>
      %dma_wait3A_537 = tpu.memref_squeeze %dma_wait3A_536 : memref<1x32768xf32, #tpu.memory_space<hbm>> -> memref<32768xf32, #tpu.memory_space<hbm>>
      tpu.wait_dma2 semaphore(%arg15 : memref<!tpu.dma_semaphore, #tpu.memory_space<semaphore_mem>>) src(%dma_wait3A_537 : memref<32768xf32, #tpu.memory_space<hbm>>) dst(%dma_wait3A_534 : memref<32768xf32, #tpu.memory_space<vmem>>)
      %add3A_538 = arith.constant 2 : i32
      %add3A_539 = arith.addi %mul3A_25, %add3A_538 : i32
      %lt3A_540 = arith.constant 32 : i32
      %lt3A_541 = arith.cmpi slt, %add3A_539, %lt3A_540 : i32
      %convert_element_type3A_542 = arith.extui %lt3A_541 : i1 to i32
      %cond3A_543 = arith.constant 0 : i32
      %cond3A_544 = arith.cmpi ne, %convert_element_type3A_542, %cond3A_543 : i32
      scf.if %cond3A_544 {
        %add3A_1045 = arith.addi %mul3A_4, %mul3A_25 : i32
        %add3A_1046 = arith.constant 2 : i32
        %add3A_1047 = arith.addi %add3A_1045, %add3A_1046 : i32
        %dma_start3A_1048 = arith.constant 0 : i32
        %dma_start3A_1049 = tpu.memref_slice %arg4[%dma_start3A_1048] : memref<32784xf32, #tpu.memory_space<vmem>> -> memref<32768xf32, #tpu.memory_space<vmem>>
        %dma_start3A_1050 = arith.constant 0 : i32
        %dma_start3A_1051 = tpu.memref_slice %arg2[%add3A_1047, %dma_start3A_1050] : memref<1024x32768xf32, #tpu.memory_space<hbm>> -> memref<1x32768xf32, #tpu.memory_space<hbm>>
        %dma_start3A_1052 = tpu.memref_squeeze %dma_start3A_1051 : memref<1x32768xf32, #tpu.memory_space<hbm>> -> memref<32768xf32, #tpu.memory_space<hbm>>
        %dma_start3A_1053 = arith.constant 0 : i32
        %dma_start3A_1054 = tpu.memref_slice %arg4[%dma_start3A_1053] : memref<32784xf32, #tpu.memory_space<vmem>> -> memref<32768xf32, #tpu.memory_space<vmem>>
        %dma_start3A_1055 = arith.constant 0 : i32
        %dma_start3A_1056 = tpu.memref_slice %arg2[%add3A_1047, %dma_start3A_1055] : memref<1024x32768xf32, #tpu.memory_space<hbm>> -> memref<1x32768xf32, #tpu.memory_space<hbm>>
        %dma_start3A_1057 = tpu.memref_squeeze %dma_start3A_1056 : memref<1x32768xf32, #tpu.memory_space<hbm>> -> memref<32768xf32, #tpu.memory_space<hbm>>
        tpu.enqueue_dma source(%dma_start3A_1057 : memref<32768xf32, #tpu.memory_space<hbm>>) target(%dma_start3A_1054 : memref<32768xf32, #tpu.memory_space<vmem>>) target_semaphore(%arg14 : memref<!tpu.dma_semaphore, #tpu.memory_space<semaphore_mem>>)
      } else {
      }
      %add3A_545 = arith.constant 1 : i32
      %add3A_546 = arith.addi %mul3A_25, %add3A_545 : i32
      %broadcast_in_dim3A_547 = arith.constant 0xFF800000 : f32
      %broadcast_in_dim3A_548 = vector.broadcast %broadcast_in_dim3A_547 : f32 to vector<16xf32>
      %broadcast_in_dim3A_549 = arith.constant 2147483647 : i32
      %broadcast_in_dim3A_550 = vector.broadcast %broadcast_in_dim3A_549 : i32 to vector<16xi32>
      %broadcast_in_dim3A_551 = arith.constant 0 : i32
      %broadcast_in_dim3A_552 = vector.broadcast %broadcast_in_dim3A_551 : i32 to vector<16xi32>
      %broadcast_in_dim3A_553 = arith.constant 0.000000e+00 : f32
      %broadcast_in_dim3A_554 = vector.broadcast %broadcast_in_dim3A_553 : f32 to vector<16xf32>
      %swap3A_555 = arith.constant 0 : index
      %swap3A_556 = tpu.vector_load %arg11[%swap3A_555] {strides = array<i32>} : memref<8208xf32, #tpu.memory_space<vmem>>, vector<16xf32>,
      tpu.vector_store %arg11[%swap3A_555], %broadcast_in_dim3A_548 {strides = array<i32>} : memref<8208xf32, #tpu.memory_space<vmem>>, vector<16xf32>,
      %swap3A_557 = arith.constant 16 : index
      %swap3A_558 = tpu.vector_load %arg11[%swap3A_557] {strides = array<i32>} : memref<8208xf32, #tpu.memory_space<vmem>>, vector<16xf32>,
      tpu.vector_store %arg11[%swap3A_557], %broadcast_in_dim3A_548 {strides = array<i32>} : memref<8208xf32, #tpu.memory_space<vmem>>, vector<16xf32>,
      %swap3A_559 = arith.constant 32 : index
      %swap3A_560 = tpu.vector_load %arg11[%swap3A_559] {strides = array<i32>} : memref<8208xf32, #tpu.memory_space<vmem>>, vector<16xf32>,
      tpu.vector_store %arg11[%swap3A_559], %broadcast_in_dim3A_548 {strides = array<i32>} : memref<8208xf32, #tpu.memory_space<vmem>>, vector<16xf32>,
      %swap3A_561 = arith.constant 48 : index
      %swap3A_562 = tpu.vector_load %arg11[%swap3A_561] {strides = array<i32>} : memref<8208xf32, #tpu.memory_space<vmem>>, vector<16xf32>,
      tpu.vector_store %arg11[%swap3A_561], %broadcast_in_dim3A_548 {strides = array<i32>} : memref<8208xf32, #tpu.memory_space<vmem>>, vector<16xf32>,
      %swap3A_563 = arith.constant 64 : index
      %swap3A_564 = tpu.vector_load %arg11[%swap3A_563] {strides = array<i32>} : memref<8208xf32, #tpu.memory_space<vmem>>, vector<16xf32>,
      tpu.vector_store %arg11[%swap3A_563], %broadcast_in_dim3A_548 {strides = array<i32>} : memref<8208xf32, #tpu.memory_space<vmem>>, vector<16xf32>,
      %swap3A_565 = arith.constant 80 : index
      %swap3A_566 = tpu.vector_load %arg11[%swap3A_565] {strides = array<i32>} : memref<8208xf32, #tpu.memory_space<vmem>>, vector<16xf32>,
      tpu.vector_store %arg11[%swap3A_565], %broadcast_in_dim3A_548 {strides = array<i32>} : memref<8208xf32, #tpu.memory_space<vmem>>, vector<16xf32>,
      %swap3A_567 = arith.constant 96 : index
      %swap3A_568 = tpu.vector_load %arg11[%swap3A_567] {strides = array<i32>} : memref<8208xf32, #tpu.memory_space<vmem>>, vector<16xf32>,
      tpu.vector_store %arg11[%swap3A_567], %broadcast_in_dim3A_548 {strides = array<i32>} : memref<8208xf32, #tpu.memory_space<vmem>>, vector<16xf32>,
      %swap3A_569 = arith.constant 112 : index
      %swap3A_570 = tpu.vector_load %arg11[%swap3A_569] {strides = array<i32>} : memref<8208xf32, #tpu.memory_space<vmem>>, vector<16xf32>,
      tpu.vector_store %arg11[%swap3A_569], %broadcast_in_dim3A_548 {strides = array<i32>} : memref<8208xf32, #tpu.memory_space<vmem>>, vector<16xf32>,
      %scan3A_571 = arith.constant 0 : i32
      %scan3A_572 = arith.constant 128 : i32
      %scan3A_573 = arith.addi %scan3A_571, %scan3A_572 : i32
      %scan3A_574 = arith.constant 1 : i32
      %scan3A_575:2 = scf.for %scan3A_1045 = %scan3A_571 to %scan3A_573 step %scan3A_574 iter_args(%scan3A_1046 = %broadcast_in_dim3A_548, %scan3A_1047 = %broadcast_in_dim3A_548) -> (vector<16xf32>, vector<16xf32>)  : i32 {
        %mul3A_1048 = arith.constant 2 : i32
        %mul3A_1049 = arith.muli %scan3A_1045, %mul3A_1048 : i32
        %mul3A_1050 = arith.constant 8 : i32
        %mul3A_1051 = arith.muli %mul3A_1049, %mul3A_1050 : i32
        %add3A_1052 = arith.constant 0 : i32
        %add3A_1053 = arith.addi %mul3A_1051, %add3A_1052 : i32
        %mul3A_1054 = arith.constant 16 : i32
        %mul3A_1055 = arith.muli %add3A_1053, %mul3A_1054 : i32
        %get3A = arith.index_cast %mul3A_1055 : i32 to index
        %get3A_1056 = tpu.vector_load %arg5[%get3A] {strides = array<i32>} : memref<32784xf32, #tpu.memory_space<vmem>>, vector<16xf32>,
        %mul3A_1057 = arith.constant 2 : i32
        %mul3A_1058 = arith.muli %scan3A_1045, %mul3A_1057 : i32
        %mul3A_1059 = arith.constant 8 : i32
        %mul3A_1060 = arith.muli %mul3A_1058, %mul3A_1059 : i32
        %add3A_1061 = arith.constant 1 : i32
        %add3A_1062 = arith.addi %mul3A_1060, %add3A_1061 : i32
        %mul3A_1063 = arith.constant 16 : i32
        %mul3A_1064 = arith.muli %add3A_1062, %mul3A_1063 : i32
        %get3A_1065 = arith.index_cast %mul3A_1064 : i32 to index
        %get3A_1066 = tpu.vector_load %arg5[%get3A_1065] {strides = array<i32>} : memref<32784xf32, #tpu.memory_space<vmem>>, vector<16xf32>,
        %mul3A_1067 = arith.constant 2 : i32
        %mul3A_1068 = arith.muli %scan3A_1045, %mul3A_1067 : i32
        %mul3A_1069 = arith.constant 8 : i32
        %mul3A_1070 = arith.muli %mul3A_1068, %mul3A_1069 : i32
        %add3A_1071 = arith.constant 2 : i32
        %add3A_1072 = arith.addi %mul3A_1070, %add3A_1071 : i32
        %mul3A_1073 = arith.constant 16 : i32
        %mul3A_1074 = arith.muli %add3A_1072, %mul3A_1073 : i32
        %get3A_1075 = arith.index_cast %mul3A_1074 : i32 to index
        %get3A_1076 = tpu.vector_load %arg5[%get3A_1075] {strides = array<i32>} : memref<32784xf32, #tpu.memory_space<vmem>>, vector<16xf32>,
        %mul3A_1077 = arith.constant 2 : i32
        %mul3A_1078 = arith.muli %scan3A_1045, %mul3A_1077 : i32
        %mul3A_1079 = arith.constant 8 : i32
        %mul3A_1080 = arith.muli %mul3A_1078, %mul3A_1079 : i32
        %add3A_1081 = arith.constant 3 : i32
        %add3A_1082 = arith.addi %mul3A_1080, %add3A_1081 : i32
        %mul3A_1083 = arith.constant 16 : i32
        %mul3A_1084 = arith.muli %add3A_1082, %mul3A_1083 : i32
        %get3A_1085 = arith.index_cast %mul3A_1084 : i32 to index
        %get3A_1086 = tpu.vector_load %arg5[%get3A_1085] {strides = array<i32>} : memref<32784xf32, #tpu.memory_space<vmem>>, vector<16xf32>,
        %mul3A_1087 = arith.constant 2 : i32
        %mul3A_1088 = arith.muli %scan3A_1045, %mul3A_1087 : i32
        %mul3A_1089 = arith.constant 8 : i32
        %mul3A_1090 = arith.muli %mul3A_1088, %mul3A_1089 : i32
        %add3A_1091 = arith.constant 4 : i32
        %add3A_1092 = arith.addi %mul3A_1090, %add3A_1091 : i32
        %mul3A_1093 = arith.constant 16 : i32
        %mul3A_1094 = arith.muli %add3A_1092, %mul3A_1093 : i32
        %get3A_1095 = arith.index_cast %mul3A_1094 : i32 to index
        %get3A_1096 = tpu.vector_load %arg5[%get3A_1095] {strides = array<i32>} : memref<32784xf32, #tpu.memory_space<vmem>>, vector<16xf32>,
        %mul3A_1097 = arith.constant 2 : i32
        %mul3A_1098 = arith.muli %scan3A_1045, %mul3A_1097 : i32
        %mul3A_1099 = arith.constant 8 : i32
        %mul3A_1100 = arith.muli %mul3A_1098, %mul3A_1099 : i32
        %add3A_1101 = arith.constant 5 : i32
        %add3A_1102 = arith.addi %mul3A_1100, %add3A_1101 : i32
        %mul3A_1103 = arith.constant 16 : i32
        %mul3A_1104 = arith.muli %add3A_1102, %mul3A_1103 : i32
        %get3A_1105 = arith.index_cast %mul3A_1104 : i32 to index
        %get3A_1106 = tpu.vector_load %arg5[%get3A_1105] {strides = array<i32>} : memref<32784xf32, #tpu.memory_space<vmem>>, vector<16xf32>,
        %mul3A_1107 = arith.constant 2 : i32
        %mul3A_1108 = arith.muli %scan3A_1045, %mul3A_1107 : i32
        %mul3A_1109 = arith.constant 8 : i32
        %mul3A_1110 = arith.muli %mul3A_1108, %mul3A_1109 : i32
        %add3A_1111 = arith.constant 6 : i32
        %add3A_1112 = arith.addi %mul3A_1110, %add3A_1111 : i32
        %mul3A_1113 = arith.constant 16 : i32
        %mul3A_1114 = arith.muli %add3A_1112, %mul3A_1113 : i32
        %get3A_1115 = arith.index_cast %mul3A_1114 : i32 to index
        %get3A_1116 = tpu.vector_load %arg5[%get3A_1115] {strides = array<i32>} : memref<32784xf32, #tpu.memory_space<vmem>>, vector<16xf32>,
        %mul3A_1117 = arith.constant 2 : i32
        %mul3A_1118 = arith.muli %scan3A_1045, %mul3A_1117 : i32
        %mul3A_1119 = arith.constant 8 : i32
        %mul3A_1120 = arith.muli %mul3A_1118, %mul3A_1119 : i32
        %add3A_1121 = arith.constant 7 : i32
        %add3A_1122 = arith.addi %mul3A_1120, %add3A_1121 : i32
        %mul3A_1123 = arith.constant 16 : i32
        %mul3A_1124 = arith.muli %add3A_1122, %mul3A_1123 : i32
        %get3A_1125 = arith.index_cast %mul3A_1124 : i32 to index
        %get3A_1126 = tpu.vector_load %arg5[%get3A_1125] {strides = array<i32>} : memref<32784xf32, #tpu.memory_space<vmem>>, vector<16xf32>,
        %mul3A_1127 = arith.constant 2 : i32
        %mul3A_1128 = arith.muli %scan3A_1045, %mul3A_1127 : i32
        %mul3A_1129 = arith.constant 8 : i32
        %mul3A_1130 = arith.muli %mul3A_1128, %mul3A_1129 : i32
        %add3A_1131 = arith.constant 8 : i32
        %add3A_1132 = arith.addi %mul3A_1130, %add3A_1131 : i32
        %mul3A_1133 = arith.constant 16 : i32
        %mul3A_1134 = arith.muli %add3A_1132, %mul3A_1133 : i32
        %get3A_1135 = arith.index_cast %mul3A_1134 : i32 to index
        %get3A_1136 = tpu.vector_load %arg5[%get3A_1135] {strides = array<i32>} : memref<32784xf32, #tpu.memory_space<vmem>>, vector<16xf32>,
        %mul3A_1137 = arith.constant 2 : i32
        %mul3A_1138 = arith.muli %scan3A_1045, %mul3A_1137 : i32
        %mul3A_1139 = arith.constant 8 : i32
        %mul3A_1140 = arith.muli %mul3A_1138, %mul3A_1139 : i32
        %add3A_1141 = arith.constant 9 : i32
        %add3A_1142 = arith.addi %mul3A_1140, %add3A_1141 : i32
        %mul3A_1143 = arith.constant 16 : i32
        %mul3A_1144 = arith.muli %add3A_1142, %mul3A_1143 : i32
        %get3A_1145 = arith.index_cast %mul3A_1144 : i32 to index
        %get3A_1146 = tpu.vector_load %arg5[%get3A_1145] {strides = array<i32>} : memref<32784xf32, #tpu.memory_space<vmem>>, vector<16xf32>,
        %mul3A_1147 = arith.constant 2 : i32
        %mul3A_1148 = arith.muli %scan3A_1045, %mul3A_1147 : i32
        %mul3A_1149 = arith.constant 8 : i32
        %mul3A_1150 = arith.muli %mul3A_1148, %mul3A_1149 : i32
        %add3A_1151 = arith.constant 10 : i32
        %add3A_1152 = arith.addi %mul3A_1150, %add3A_1151 : i32
        %mul3A_1153 = arith.constant 16 : i32
        %mul3A_1154 = arith.muli %add3A_1152, %mul3A_1153 : i32
        %get3A_1155 = arith.index_cast %mul3A_1154 : i32 to index
        %get3A_1156 = tpu.vector_load %arg5[%get3A_1155] {strides = array<i32>} : memref<32784xf32, #tpu.memory_space<vmem>>, vector<16xf32>,
        %mul3A_1157 = arith.constant 2 : i32
        %mul3A_1158 = arith.muli %scan3A_1045, %mul3A_1157 : i32
        %mul3A_1159 = arith.constant 8 : i32
        %mul3A_1160 = arith.muli %mul3A_1158, %mul3A_1159 : i32
        %add3A_1161 = arith.constant 11 : i32
        %add3A_1162 = arith.addi %mul3A_1160, %add3A_1161 : i32
        %mul3A_1163 = arith.constant 16 : i32
        %mul3A_1164 = arith.muli %add3A_1162, %mul3A_1163 : i32
        %get3A_1165 = arith.index_cast %mul3A_1164 : i32 to index
        %get3A_1166 = tpu.vector_load %arg5[%get3A_1165] {strides = array<i32>} : memref<32784xf32, #tpu.memory_space<vmem>>, vector<16xf32>,
        %mul3A_1167 = arith.constant 2 : i32
        %mul3A_1168 = arith.muli %scan3A_1045, %mul3A_1167 : i32
        %mul3A_1169 = arith.constant 8 : i32
        %mul3A_1170 = arith.muli %mul3A_1168, %mul3A_1169 : i32
        %add3A_1171 = arith.constant 12 : i32
        %add3A_1172 = arith.addi %mul3A_1170, %add3A_1171 : i32
        %mul3A_1173 = arith.constant 16 : i32
        %mul3A_1174 = arith.muli %add3A_1172, %mul3A_1173 : i32
        %get3A_1175 = arith.index_cast %mul3A_1174 : i32 to index
        %get3A_1176 = tpu.vector_load %arg5[%get3A_1175] {strides = array<i32>} : memref<32784xf32, #tpu.memory_space<vmem>>, vector<16xf32>,
        %mul3A_1177 = arith.constant 2 : i32
        %mul3A_1178 = arith.muli %scan3A_1045, %mul3A_1177 : i32
        %mul3A_1179 = arith.constant 8 : i32
        %mul3A_1180 = arith.muli %mul3A_1178, %mul3A_1179 : i32
        %add3A_1181 = arith.constant 13 : i32
        %add3A_1182 = arith.addi %mul3A_1180, %add3A_1181 : i32
        %mul3A_1183 = arith.constant 16 : i32
        %mul3A_1184 = arith.muli %add3A_1182, %mul3A_1183 : i32
        %get3A_1185 = arith.index_cast %mul3A_1184 : i32 to index
        %get3A_1186 = tpu.vector_load %arg5[%get3A_1185] {strides = array<i32>} : memref<32784xf32, #tpu.memory_space<vmem>>, vector<16xf32>,
        %mul3A_1187 = arith.constant 2 : i32
        %mul3A_1188 = arith.muli %scan3A_1045, %mul3A_1187 : i32
        %mul3A_1189 = arith.constant 8 : i32
        %mul3A_1190 = arith.muli %mul3A_1188, %mul3A_1189 : i32
        %add3A_1191 = arith.constant 14 : i32
        %add3A_1192 = arith.addi %mul3A_1190, %add3A_1191 : i32
        %mul3A_1193 = arith.constant 16 : i32
        %mul3A_1194 = arith.muli %add3A_1192, %mul3A_1193 : i32
        %get3A_1195 = arith.index_cast %mul3A_1194 : i32 to index
        %get3A_1196 = tpu.vector_load %arg5[%get3A_1195] {strides = array<i32>} : memref<32784xf32, #tpu.memory_space<vmem>>, vector<16xf32>,
        %mul3A_1197 = arith.constant 2 : i32
        %mul3A_1198 = arith.muli %scan3A_1045, %mul3A_1197 : i32
        %mul3A_1199 = arith.constant 8 : i32
        %mul3A_1200 = arith.muli %mul3A_1198, %mul3A_1199 : i32
        %add3A_1201 = arith.constant 15 : i32
        %add3A_1202 = arith.addi %mul3A_1200, %add3A_1201 : i32
        %mul3A_1203 = arith.constant 16 : i32
        %mul3A_1204 = arith.muli %add3A_1202, %mul3A_1203 : i32
        %get3A_1205 = arith.index_cast %mul3A_1204 : i32 to index
        %get3A_1206 = tpu.vector_load %arg5[%get3A_1205] {strides = array<i32>} : memref<32784xf32, #tpu.memory_space<vmem>>, vector<16xf32>,
        %max3A_1207 = arith.maximumf %get3A_1056, %get3A_1066 : vector<16xf32>
        %max3A_1208 = arith.maximumf %get3A_1076, %get3A_1086 : vector<16xf32>
        %max3A_1209 = arith.maximumf %get3A_1096, %get3A_1106 : vector<16xf32>
        %max3A_1210 = arith.maximumf %get3A_1116, %get3A_1126 : vector<16xf32>
        %max3A_1211 = arith.maximumf %max3A_1207, %max3A_1208 : vector<16xf32>
        %max3A_1212 = arith.maximumf %max3A_1209, %max3A_1210 : vector<16xf32>
        %max3A_1213 = arith.maximumf %max3A_1211, %max3A_1212 : vector<16xf32>
        %max3A_1214 = arith.maximumf %get3A_1136, %get3A_1146 : vector<16xf32>
        %max3A_1215 = arith.maximumf %get3A_1156, %get3A_1166 : vector<16xf32>
        %max3A_1216 = arith.maximumf %get3A_1176, %get3A_1186 : vector<16xf32>
        %max3A_1217 = arith.maximumf %get3A_1196, %get3A_1206 : vector<16xf32>
        %max3A_1218 = arith.maximumf %max3A_1214, %max3A_1215 : vector<16xf32>
        %max3A_1219 = arith.maximumf %max3A_1216, %max3A_1217 : vector<16xf32>
        %max3A_1220 = arith.maximumf %max3A_1218, %max3A_1219 : vector<16xf32>
        %mul3A_1221 = arith.constant 2 : i32
        %mul3A_1222 = arith.muli %mul3A_1221, %scan3A_1045 : i32
        %mul3A_1223 = arith.constant 16 : i32
        %mul3A_1224 = arith.muli %mul3A_1222, %mul3A_1223 : i32
        %swap3A_1225 = arith.index_cast %mul3A_1224 : i32 to index
        %swap3A_1226 = tpu.vector_load %arg6[%swap3A_1225] {strides = array<i32>} : memref<4096xf32, #tpu.memory_space<vmem>>, vector<16xf32>,
        tpu.vector_store %arg6[%swap3A_1225], %max3A_1213 {strides = array<i32>} : memref<4096xf32, #tpu.memory_space<vmem>>, vector<16xf32>,
        %mul3A_1227 = arith.constant 2 : i32
        %mul3A_1228 = arith.muli %mul3A_1227, %scan3A_1045 : i32
        %add3A_1229 = arith.constant 1 : i32
        %add3A_1230 = arith.addi %mul3A_1228, %add3A_1229 : i32
        %mul3A_1231 = arith.constant 16 : i32
        %mul3A_1232 = arith.muli %add3A_1230, %mul3A_1231 : i32
        %swap3A_1233 = arith.index_cast %mul3A_1232 : i32 to index
        %swap3A_1234 = tpu.vector_load %arg6[%swap3A_1233] {strides = array<i32>} : memref<4096xf32, #tpu.memory_space<vmem>>, vector<16xf32>,
        tpu.vector_store %arg6[%swap3A_1233], %max3A_1220 {strides = array<i32>} : memref<4096xf32, #tpu.memory_space<vmem>>, vector<16xf32>,
        %max3A_1235 = arith.maximumf %scan3A_1046, %max3A_1213 : vector<16xf32>
        %max3A_1236 = arith.maximumf %scan3A_1047, %max3A_1220 : vector<16xf32>
        scf.yield %max3A_1235, %max3A_1236 : vector<16xf32>, vector<16xf32>
      }
      %scan3A_576 = arith.constant 128 : i32
      %min3A_577 = arith.minimumf %scan3A_575#0, %scan3A_575#1 : vector<16xf32>
      %xor3A_578 = arith.constant 8 : i32
      %xor3A_579 = vector.broadcast %xor3A_578 : i32 to vector<16xi32>
      %xor3A_580 = arith.xori %iota3A, %xor3A_579 : vector<16xi32>
      %lt3A_581 = arith.constant 0 : i32
      %lt3A_582 = vector.broadcast %lt3A_581 : i32 to vector<16xi32>
      %lt3A_583 = arith.cmpi slt, %xor3A_580, %lt3A_582 : vector<16xi32>
      %add3A_584 = arith.constant 16 : i32
      %add3A_585 = vector.broadcast %add3A_584 : i32 to vector<16xi32>
      %add3A_586 = arith.addi %xor3A_580, %add3A_585 : vector<16xi32>
      %select_n3A_587 = arith.select %lt3A_583, %add3A_586, %xor3A_580 : vector<16xi1>, vector<16xi32>
      %broadcast_in_dim3A_588 = vector.shape_cast %select_n3A_587 : vector<16xi32> to vector<16x1xi32>
      %gather3A_589 = vector.shape_cast %broadcast_in_dim3A_588 : vector<16x1xi32> to vector<16xi32>
      %gather3A_590 = tpu.dynamic_gather %min3A_577[%gather3A_589] in [0] : vector<16xf32>, vector<16xi32> -> vector<16xf32>
      %min3A_591 = arith.minimumf %min3A_577, %gather3A_590 : vector<16xf32>
      %xor3A_592 = arith.constant 4 : i32
      %xor3A_593 = vector.broadcast %xor3A_592 : i32 to vector<16xi32>
      %xor3A_594 = arith.xori %iota3A, %xor3A_593 : vector<16xi32>
      %lt3A_595 = arith.constant 0 : i32
      %lt3A_596 = vector.broadcast %lt3A_595 : i32 to vector<16xi32>
      %lt3A_597 = arith.cmpi slt, %xor3A_594, %lt3A_596 : vector<16xi32>
      %add3A_598 = arith.constant 16 : i32
      %add3A_599 = vector.broadcast %add3A_598 : i32 to vector<16xi32>
      %add3A_600 = arith.addi %xor3A_594, %add3A_599 : vector<16xi32>
      %select_n3A_601 = arith.select %lt3A_597, %add3A_600, %xor3A_594 : vector<16xi1>, vector<16xi32>
      %broadcast_in_dim3A_602 = vector.shape_cast %select_n3A_601 : vector<16xi32> to vector<16x1xi32>
      %gather3A_603 = vector.shape_cast %broadcast_in_dim3A_602 : vector<16x1xi32> to vector<16xi32>
      %gather3A_604 = tpu.dynamic_gather %min3A_591[%gather3A_603] in [0] : vector<16xf32>, vector<16xi32> -> vector<16xf32>
      %min3A_605 = arith.minimumf %min3A_591, %gather3A_604 : vector<16xf32>
      %xor3A_606 = arith.constant 2 : i32
      %xor3A_607 = vector.broadcast %xor3A_606 : i32 to vector<16xi32>
      %xor3A_608 = arith.xori %iota3A, %xor3A_607 : vector<16xi32>
      %lt3A_609 = arith.constant 0 : i32
      %lt3A_610 = vector.broadcast %lt3A_609 : i32 to vector<16xi32>
      %lt3A_611 = arith.cmpi slt, %xor3A_608, %lt3A_610 : vector<16xi32>
      %add3A_612 = arith.constant 16 : i32
      %add3A_613 = vector.broadcast %add3A_612 : i32 to vector<16xi32>
      %add3A_614 = arith.addi %xor3A_608, %add3A_613 : vector<16xi32>
      %select_n3A_615 = arith.select %lt3A_611, %add3A_614, %xor3A_608 : vector<16xi1>, vector<16xi32>
      %broadcast_in_dim3A_616 = vector.shape_cast %select_n3A_615 : vector<16xi32> to vector<16x1xi32>
      %gather3A_617 = vector.shape_cast %broadcast_in_dim3A_616 : vector<16x1xi32> to vector<16xi32>
      %gather3A_618 = tpu.dynamic_gather %min3A_605[%gather3A_617] in [0] : vector<16xf32>, vector<16xi32> -> vector<16xf32>
      %min3A_619 = arith.minimumf %min3A_605, %gather3A_618 : vector<16xf32>
      %xor3A_620 = arith.constant 1 : i32
      %xor3A_621 = vector.broadcast %xor3A_620 : i32 to vector<16xi32>
      %xor3A_622 = arith.xori %iota3A, %xor3A_621 : vector<16xi32>
      %lt3A_623 = arith.constant 0 : i32
      %lt3A_624 = vector.broadcast %lt3A_623 : i32 to vector<16xi32>
      %lt3A_625 = arith.cmpi slt, %xor3A_622, %lt3A_624 : vector<16xi32>
      %add3A_626 = arith.constant 16 : i32
      %add3A_627 = vector.broadcast %add3A_626 : i32 to vector<16xi32>
      %add3A_628 = arith.addi %xor3A_622, %add3A_627 : vector<16xi32>
      %select_n3A_629 = arith.select %lt3A_625, %add3A_628, %xor3A_622 : vector<16xi1>, vector<16xi32>
      %broadcast_in_dim3A_630 = vector.shape_cast %select_n3A_629 : vector<16xi32> to vector<16x1xi32>
      %gather3A_631 = vector.shape_cast %broadcast_in_dim3A_630 : vector<16x1xi32> to vector<16xi32>
      %gather3A_632 = tpu.dynamic_gather %min3A_619[%gather3A_631] in [0] : vector<16xf32>, vector<16xi32> -> vector<16xf32>
      %min3A_633 = arith.minimumf %min3A_619, %gather3A_632 : vector<16xf32>
      %scan3A_634 = arith.constant 0 : i32
      %scan3A_635 = arith.constant 0 : i32
      %scan3A_636 = arith.constant 256 : i32
      %scan3A_637 = arith.addi %scan3A_635, %scan3A_636 : i32
      %scan3A_638 = arith.constant 1 : i32
      scf.for %scan3A_1045 = %scan3A_635 to %scan3A_637 step %scan3A_638  : i32 {
        %mul3A_1046 = arith.constant 16 : i32
        %mul3A_1047 = arith.muli %scan3A_1045, %mul3A_1046 : i32
        %get3A = arith.index_cast %mul3A_1047 : i32 to index
        %get3A_1048 = tpu.vector_load %arg6[%get3A] {strides = array<i32>} : memref<4096xf32, #tpu.memory_space<vmem>>, vector<16xf32>,
        %ge3A = arith.cmpf oge, %get3A_1048, %min3A_633 : vector<16xf32>
        %all_reduce_population_count3A = tpu.all_reduce %ge3A {dim = 0 : i64, kind = #tpu.reduction_kind<sum>} : vector<16xi1> -> vector<16xi32>
        %mul3A_1049 = arith.constant 16 : i32
        %mul3A_1050 = arith.muli %scan3A_1045, %mul3A_1049 : i32
        %mul3A_1051 = arith.constant 16 : i32
        %mul3A_1052 = arith.muli %scan3A_1045, %mul3A_1051 : i32
        %add3A_1053 = vector.broadcast %mul3A_1052 : i32 to vector<16xi32>
        %add3A_1054 = arith.addi %add3A_1053, %iota3A : vector<16xi32>
        %swap3A_1055 = arith.index_cast %mul3A_1050 : i32 to index
        %swap3A_1056 = tpu.vector_load %arg7[%swap3A_1055] masked %ge3A {strides = array<i32>} : memref<4096xi32, #tpu.memory_space<vmem>>, vector<16xi32>, vector<16xi1>
        tpu.vector_store %arg7[%swap3A_1055], %add3A_1054 masked %ge3A {strides = array<i32>} : memref<4096xi32, #tpu.memory_space<vmem>>, vector<16xi32>, vector<16xi1>
        %add3A_1057 = vector.broadcast %scan3A_1045 : i32 to vector<16xi32>
        %add3A_1058 = arith.addi %broadcast_in_dim3A_552, %add3A_1057 : vector<16xi32>
        tpu.vector_store_idx %arg8[%add3A_1058], %all_reduce_population_count3A masked %eq3A_2 : memref<256xi32, #tpu.memory_space<vmem>>[vector<16xi32>], vector<16xi32>, vector<16xi1>
      }
      %scan3A_639 = arith.constant 256 : i32
      %scan3A_640 = arith.constant 0 : i32
      %scan3A_641 = arith.constant 16 : i32
      %scan3A_642 = arith.addi %scan3A_640, %scan3A_641 : i32
      %scan3A_643 = arith.constant 1 : i32
      %scan3A_644 = scf.for %scan3A_1045 = %scan3A_640 to %scan3A_642 step %scan3A_643 iter_args(%scan3A_1046 = %broadcast_in_dim3A_552) -> (vector<16xi32>)  : i32 {
        %mul3A_1047 = arith.constant 16 : i32
        %mul3A_1048 = arith.muli %scan3A_1045, %mul3A_1047 : i32
        %get3A = arith.index_cast %mul3A_1048 : i32 to index
        %get3A_1049 = tpu.vector_load %arg8[%get3A] {strides = array<i32>} : memref<256xi32, #tpu.memory_space<vmem>>, vector<16xi32>,
        %gt3A = arith.constant 0 : i32
        %gt3A_1050 = vector.broadcast %gt3A : i32 to vector<16xi32>
        %gt3A_1051 = arith.cmpi sgt, %get3A_1049, %gt3A_1050 : vector<16xi32>
        %jit3A = arith.constant 1 : i32
        %jit3A_1052 = arith.constant 0 : i32
        %broadcast_in_dim3A_1053 = vector.broadcast %jit3A : i32 to vector<16xi32>
        %broadcast_in_dim3A_1054 = vector.broadcast %jit3A_1052 : i32 to vector<16xi32>
        %select_n3A_1055 = arith.select %gt3A_1051, %broadcast_in_dim3A_1053, %broadcast_in_dim3A_1054 : vector<16xi1>, vector<16xi32>
        %broadcast_in_dim3A_1056 = arith.constant true
        %broadcast_in_dim3A_1057 = vector.broadcast %broadcast_in_dim3A_1056 : i1 to vector<16xi1>
        %masked_cumsum3A = tpu.scan <sum>, %select_n3A_1055 masked %broadcast_in_dim3A_1057 : vector<16xi32>, vector<16xi1> -> vector<16xi32>
        %add3A_1058 = arith.addi %scan3A_1046, %masked_cumsum3A : vector<16xi32>
        %sub3A_1059 = arith.constant 1 : i32
        %sub3A_1060 = vector.broadcast %sub3A_1059 : i32 to vector<16xi32>
        %sub3A_1061 = arith.subi %add3A_1058, %sub3A_1060 : vector<16xi32>
        %mul3A_1062 = arith.constant 16 : i32
        %mul3A_1063 = arith.muli %scan3A_1045, %mul3A_1062 : i32
        %add3A_1064 = vector.broadcast %mul3A_1063 : i32 to vector<16xi32>
        %add3A_1065 = arith.addi %add3A_1064, %iota3A : vector<16xi32>
        %mul3A_1066 = arith.constant 32 : i32
        %mul3A_1067 = vector.broadcast %mul3A_1066 : i32 to vector<16xi32>
        %mul3A_1068 = arith.muli %add3A_1065, %mul3A_1067 : vector<16xi32>
        %add3A_1069 = arith.addi %mul3A_1068, %get3A_1049 : vector<16xi32>
        tpu.vector_store_idx %arg9[%sub3A_1061], %add3A_1069 masked %gt3A_1051 : memref<272xi32, #tpu.memory_space<vmem>>[vector<16xi32>], vector<16xi32>, vector<16xi1>
        %all_reduce_population_count3A = tpu.all_reduce %gt3A_1051 {dim = 0 : i64, kind = #tpu.reduction_kind<sum>} : vector<16xi1> -> vector<16xi32>
        %add3A_1070 = arith.addi %scan3A_1046, %all_reduce_population_count3A : vector<16xi32>
        scf.yield %add3A_1070 : vector<16xi32>
      }
      %scan3A_645 = arith.constant 16 : i32
      %slice3A_646 = vector.extract_strided_slice %scan3A_644 {offsets = [0], sizes = [1], strides = [1]} : vector<16xi32> to vector<1xi32>
      %squeeze3A_647 = vector.extract %slice3A_646[0] : i32 from vector<1xi32>
      %while3A_648 = arith.constant 0 : i32
      %while3A_649 = arith.constant 0 : i32
      %while3A_650 = arith.subi %squeeze3A_647, %while3A_648 : i32
      %while3A_651 = arith.addi %while3A_648, %while3A_650 : i32
      %while3A_652 = arith.constant 1 : i32
      %while3A_653 = arith.divsi %while3A_650, %while3A_652 : i32
      %while3A_654 = arith.muli %while3A_653, %while3A_652 : i32
      %while3A_655 = arith.addi %while3A_648, %while3A_654 : i32
      %while3A_656 = arith.constant 1 : i32
      %while3A_657 = scf.for %while3A_1045 = %while3A_648 to %while3A_655 step %while3A_656 iter_args(%while3A_1046 = %while3A_649) -> (i32)  : i32 {
        %get3A = arith.index_cast %while3A_1045 : i32 to index
        %get3A_1047 = tpu.vector_load %arg9[%get3A] {strides = array<i32>} : memref<272xi32, #tpu.memory_space<vmem>>, vector<16xi32>,
        %slice3A_1048 = vector.extract_strided_slice %get3A_1047 {offsets = [0], sizes = [1], strides = [1]} : vector<16xi32> to vector<1xi32>
        %squeeze3A_1049 = vector.extract %slice3A_1048[0] : i32 from vector<1xi32>
        %shift_right_logical3A_1050 = arith.constant 5 : i32
        %shift_right_logical3A_1051 = arith.shrui %squeeze3A_1049, %shift_right_logical3A_1050 : i32
        %and3A_1052 = arith.constant 31 : i32
        %and3A_1053 = arith.andi %squeeze3A_1049, %and3A_1052 : i32
        %mul3A_1054 = arith.constant 16 : i32
        %mul3A_1055 = arith.muli %shift_right_logical3A_1051, %mul3A_1054 : i32
        %get3A_1056 = arith.index_cast %mul3A_1055 : i32 to index
        %get3A_1057 = tpu.vector_load %arg7[%get3A_1056] {strides = array<i32>} : memref<4096xi32, #tpu.memory_space<vmem>>, vector<16xi32>,
        %add3A_1058 = arith.constant 1 : i32
        %add3A_1059 = arith.addi %and3A_1053, %add3A_1058 : i32
        %shift_right_logical3A_1060 = arith.constant 1 : i32
        %shift_right_logical3A_1061 = arith.shrui %add3A_1059, %shift_right_logical3A_1060 : i32
        %while3A_1062 = arith.constant 0 : i32
        %while3A_1063 = arith.subi %shift_right_logical3A_1061, %while3A_1062 : i32
        %while3A_1064 = arith.addi %while3A_1062, %while3A_1063 : i32
        %while3A_1065 = arith.constant 1 : i32
        %while3A_1066 = arith.divsi %while3A_1063, %while3A_1065 : i32
        %while3A_1067 = arith.muli %while3A_1066, %while3A_1065 : i32
        %while3A_1068 = arith.addi %while3A_1062, %while3A_1067 : i32
        %while3A_1069 = arith.constant 1 : i32
        %while3A_1070 = scf.for %while3A_1073 = %while3A_1062 to %while3A_1068 step %while3A_1069 iter_args(%while3A_1074 = %while3A_1046) -> (i32)  : i32 {
          %mul3A_1075 = arith.constant 2 : i32
          %mul3A_1076 = arith.muli %mul3A_1075, %while3A_1073 : i32
          %shift_right_logical3A_1077 = arith.constant 3 : i32
          %shift_right_logical3A_1078 = vector.broadcast %shift_right_logical3A_1077 : i32 to vector<16xi32>
          %shift_right_logical3A_1079 = arith.shrui %iota3A, %shift_right_logical3A_1078 : vector<16xi32>
          %add3A_1080 = vector.broadcast %mul3A_1076 : i32 to vector<16xi32>
          %add3A_1081 = arith.addi %add3A_1080, %shift_right_logical3A_1079 : vector<16xi32>
          %lt3A_1082 = vector.broadcast %and3A_1053 : i32 to vector<16xi32>
          %lt3A_1083 = arith.cmpi slt, %add3A_1081, %lt3A_1082 : vector<16xi32>
          %min3A_1084 = arith.constant 15 : i32
          %min3A_1085 = vector.broadcast %min3A_1084 : i32 to vector<16xi32>
          %min3A_1086 = arith.minsi %add3A_1081, %min3A_1085 : vector<16xi32>
          %lt3A_1087 = arith.constant 0 : i32
          %lt3A_1088 = vector.broadcast %lt3A_1087 : i32 to vector<16xi32>
          %lt3A_1089 = arith.cmpi slt, %min3A_1086, %lt3A_1088 : vector<16xi32>
          %add3A_1090 = arith.constant 16 : i32
          %add3A_1091 = vector.broadcast %add3A_1090 : i32 to vector<16xi32>
          %add3A_1092 = arith.addi %min3A_1086, %add3A_1091 : vector<16xi32>
          %select_n3A_1093 = arith.select %lt3A_1089, %add3A_1092, %min3A_1086 : vector<16xi1>, vector<16xi32>
          %broadcast_in_dim3A_1094 = vector.shape_cast %select_n3A_1093 : vector<16xi32> to vector<16x1xi32>
          %gather3A_1095 = vector.shape_cast %broadcast_in_dim3A_1094 : vector<16x1xi32> to vector<16xi32>
          %gather3A_1096 = tpu.dynamic_gather %get3A_1057[%gather3A_1095] in [0] : vector<16xi32>, vector<16xi32> -> vector<16xi32>
          %and3A_1097 = arith.constant 4095 : i32
          %and3A_1098 = vector.broadcast %and3A_1097 : i32 to vector<16xi32>
          %and3A_1099 = arith.andi %gather3A_1096, %and3A_1098 : vector<16xi32>
          %shift_right_logical3A_1100 = arith.constant 4 : i32
          %shift_right_logical3A_1101 = vector.broadcast %shift_right_logical3A_1100 : i32 to vector<16xi32>
          %shift_right_logical3A_1102 = arith.shrui %and3A_1099, %shift_right_logical3A_1101 : vector<16xi32>
          %mul3A_1103 = arith.constant 128 : i32
          %mul3A_1104 = vector.broadcast %mul3A_1103 : i32 to vector<16xi32>
          %mul3A_1105 = arith.muli %shift_right_logical3A_1102, %mul3A_1104 : vector<16xi32>
          %and3A_1106 = arith.constant 15 : i32
          %and3A_1107 = vector.broadcast %and3A_1106 : i32 to vector<16xi32>
          %and3A_1108 = arith.andi %and3A_1099, %and3A_1107 : vector<16xi32>
          %add3A_1109 = arith.addi %mul3A_1105, %and3A_1108 : vector<16xi32>
          %and3A_1110 = arith.constant 7 : i32
          %and3A_1111 = vector.broadcast %and3A_1110 : i32 to vector<16xi32>
          %and3A_1112 = arith.andi %iota3A, %and3A_1111 : vector<16xi32>
          %mul3A_1113 = arith.constant 16 : i32
          %mul3A_1114 = vector.broadcast %mul3A_1113 : i32 to vector<16xi32>
          %mul3A_1115 = arith.muli %and3A_1112, %mul3A_1114 : vector<16xi32>
          %add3A_1116 = arith.addi %add3A_1109, %mul3A_1115 : vector<16xi32>
          %gather3A_1117 = tpu.vector_load_idx %arg5[%add3A_1116] : memref<32784xf32, #tpu.memory_space<vmem>>[vector<16xi32>], vector<16xf32>,
          %ge3A = arith.cmpf oge, %gather3A_1117, %min3A_633 : vector<16xf32>
          %and3A_1118 = arith.andi %ge3A, %lt3A_1083 : vector<16xi1>
          %all_reduce_population_count3A = tpu.all_reduce %and3A_1118 {dim = 0 : i64, kind = #tpu.reduction_kind<sum>} : vector<16xi1> -> vector<16xi32>
          %min3A_1119 = arith.constant 8192 : i32
          %min3A_1120 = arith.minsi %while3A_1074, %min3A_1119 : i32
          %swap3A_1121 = arith.index_cast %min3A_1120 : i32 to index
          %swap3A_1122 = tpu.vector_load %arg11[%swap3A_1121] masked %and3A_1118 {strides = array<i32>} : memref<8208xf32, #tpu.memory_space<vmem>>, vector<16xf32>, vector<16xi1>
          tpu.vector_store %arg11[%swap3A_1121], %gather3A_1117 masked %and3A_1118 {strides = array<i32>} : memref<8208xf32, #tpu.memory_space<vmem>>, vector<16xf32>, vector<16xi1>
          %swap3A_1123 = arith.index_cast %min3A_1120 : i32 to index
          %swap3A_1124 = tpu.vector_load %arg12[%swap3A_1123] masked %and3A_1118 {strides = array<i32>} : memref<8208xi32, #tpu.memory_space<vmem>>, vector<16xi32>, vector<16xi1>
          tpu.vector_store %arg12[%swap3A_1123], %add3A_1116 masked %and3A_1118 {strides = array<i32>} : memref<8208xi32, #tpu.memory_space<vmem>>, vector<16xi32>, vector<16xi1>
          %slice3A_1125 = vector.extract_strided_slice %all_reduce_population_count3A {offsets = [0], sizes = [1], strides = [1]} : vector<16xi32> to vector<1xi32>
          %squeeze3A_1126 = vector.extract %slice3A_1125[0] : i32 from vector<1xi32>
          %add3A_1127 = arith.addi %while3A_1074, %squeeze3A_1126 : i32
          scf.yield %add3A_1127 : i32
        }
        %while3A_1071 = arith.constant 1 : i32
        %while3A_1072 = scf.for %while3A_1073 = %while3A_1068 to %while3A_1064 step %while3A_1071 iter_args(%while3A_1074 = %while3A_1070) -> (i32)  : i32 {
          %mul3A_1075 = arith.constant 2 : i32
          %mul3A_1076 = arith.muli %mul3A_1075, %while3A_1073 : i32
          %shift_right_logical3A_1077 = arith.constant 3 : i32
          %shift_right_logical3A_1078 = vector.broadcast %shift_right_logical3A_1077 : i32 to vector<16xi32>
          %shift_right_logical3A_1079 = arith.shrui %iota3A, %shift_right_logical3A_1078 : vector<16xi32>
          %add3A_1080 = vector.broadcast %mul3A_1076 : i32 to vector<16xi32>
          %add3A_1081 = arith.addi %add3A_1080, %shift_right_logical3A_1079 : vector<16xi32>
          %lt3A_1082 = vector.broadcast %and3A_1053 : i32 to vector<16xi32>
          %lt3A_1083 = arith.cmpi slt, %add3A_1081, %lt3A_1082 : vector<16xi32>
          %min3A_1084 = arith.constant 15 : i32
          %min3A_1085 = vector.broadcast %min3A_1084 : i32 to vector<16xi32>
          %min3A_1086 = arith.minsi %add3A_1081, %min3A_1085 : vector<16xi32>
          %lt3A_1087 = arith.constant 0 : i32
          %lt3A_1088 = vector.broadcast %lt3A_1087 : i32 to vector<16xi32>
          %lt3A_1089 = arith.cmpi slt, %min3A_1086, %lt3A_1088 : vector<16xi32>
          %add3A_1090 = arith.constant 16 : i32
          %add3A_1091 = vector.broadcast %add3A_1090 : i32 to vector<16xi32>
          %add3A_1092 = arith.addi %min3A_1086, %add3A_1091 : vector<16xi32>
          %select_n3A_1093 = arith.select %lt3A_1089, %add3A_1092, %min3A_1086 : vector<16xi1>, vector<16xi32>
          %broadcast_in_dim3A_1094 = vector.shape_cast %select_n3A_1093 : vector<16xi32> to vector<16x1xi32>
          %gather3A_1095 = vector.shape_cast %broadcast_in_dim3A_1094 : vector<16x1xi32> to vector<16xi32>
          %gather3A_1096 = tpu.dynamic_gather %get3A_1057[%gather3A_1095] in [0] : vector<16xi32>, vector<16xi32> -> vector<16xi32>
          %and3A_1097 = arith.constant 4095 : i32
          %and3A_1098 = vector.broadcast %and3A_1097 : i32 to vector<16xi32>
          %and3A_1099 = arith.andi %gather3A_1096, %and3A_1098 : vector<16xi32>
          %shift_right_logical3A_1100 = arith.constant 4 : i32
          %shift_right_logical3A_1101 = vector.broadcast %shift_right_logical3A_1100 : i32 to vector<16xi32>
          %shift_right_logical3A_1102 = arith.shrui %and3A_1099, %shift_right_logical3A_1101 : vector<16xi32>
          %mul3A_1103 = arith.constant 128 : i32
          %mul3A_1104 = vector.broadcast %mul3A_1103 : i32 to vector<16xi32>
          %mul3A_1105 = arith.muli %shift_right_logical3A_1102, %mul3A_1104 : vector<16xi32>
          %and3A_1106 = arith.constant 15 : i32
          %and3A_1107 = vector.broadcast %and3A_1106 : i32 to vector<16xi32>
          %and3A_1108 = arith.andi %and3A_1099, %and3A_1107 : vector<16xi32>
          %add3A_1109 = arith.addi %mul3A_1105, %and3A_1108 : vector<16xi32>
          %and3A_1110 = arith.constant 7 : i32
          %and3A_1111 = vector.broadcast %and3A_1110 : i32 to vector<16xi32>
          %and3A_1112 = arith.andi %iota3A, %and3A_1111 : vector<16xi32>
          %mul3A_1113 = arith.constant 16 : i32
          %mul3A_1114 = vector.broadcast %mul3A_1113 : i32 to vector<16xi32>
          %mul3A_1115 = arith.muli %and3A_1112, %mul3A_1114 : vector<16xi32>
          %add3A_1116 = arith.addi %add3A_1109, %mul3A_1115 : vector<16xi32>
          %gather3A_1117 = tpu.vector_load_idx %arg5[%add3A_1116] : memref<32784xf32, #tpu.memory_space<vmem>>[vector<16xi32>], vector<16xf32>,
          %ge3A = arith.cmpf oge, %gather3A_1117, %min3A_633 : vector<16xf32>
          %and3A_1118 = arith.andi %ge3A, %lt3A_1083 : vector<16xi1>
          %all_reduce_population_count3A = tpu.all_reduce %and3A_1118 {dim = 0 : i64, kind = #tpu.reduction_kind<sum>} : vector<16xi1> -> vector<16xi32>
          %min3A_1119 = arith.constant 8192 : i32
          %min3A_1120 = arith.minsi %while3A_1074, %min3A_1119 : i32
          %swap3A_1121 = arith.index_cast %min3A_1120 : i32 to index
          %swap3A_1122 = tpu.vector_load %arg11[%swap3A_1121] masked %and3A_1118 {strides = array<i32>} : memref<8208xf32, #tpu.memory_space<vmem>>, vector<16xf32>, vector<16xi1>
          tpu.vector_store %arg11[%swap3A_1121], %gather3A_1117 masked %and3A_1118 {strides = array<i32>} : memref<8208xf32, #tpu.memory_space<vmem>>, vector<16xf32>, vector<16xi1>
          %swap3A_1123 = arith.index_cast %min3A_1120 : i32 to index
          %swap3A_1124 = tpu.vector_load %arg12[%swap3A_1123] masked %and3A_1118 {strides = array<i32>} : memref<8208xi32, #tpu.memory_space<vmem>>, vector<16xi32>, vector<16xi1>
          tpu.vector_store %arg12[%swap3A_1123], %add3A_1116 masked %and3A_1118 {strides = array<i32>} : memref<8208xi32, #tpu.memory_space<vmem>>, vector<16xi32>, vector<16xi1>
          %slice3A_1125 = vector.extract_strided_slice %all_reduce_population_count3A {offsets = [0], sizes = [1], strides = [1]} : vector<16xi32> to vector<1xi32>
          %squeeze3A_1126 = vector.extract %slice3A_1125[0] : i32 from vector<1xi32>
          %add3A_1127 = arith.addi %while3A_1074, %squeeze3A_1126 : i32
          scf.yield %add3A_1127 : i32
        }
        scf.yield %while3A_1072 : i32
      }
      %while3A_658 = arith.constant 1 : i32
      %while3A_659 = scf.for %while3A_1045 = %while3A_655 to %while3A_651 step %while3A_658 iter_args(%while3A_1046 = %while3A_657) -> (i32)  : i32 {
        %get3A = arith.index_cast %while3A_1045 : i32 to index
        %get3A_1047 = tpu.vector_load %arg9[%get3A] {strides = array<i32>} : memref<272xi32, #tpu.memory_space<vmem>>, vector<16xi32>,
        %slice3A_1048 = vector.extract_strided_slice %get3A_1047 {offsets = [0], sizes = [1], strides = [1]} : vector<16xi32> to vector<1xi32>
        %squeeze3A_1049 = vector.extract %slice3A_1048[0] : i32 from vector<1xi32>
        %shift_right_logical3A_1050 = arith.constant 5 : i32
        %shift_right_logical3A_1051 = arith.shrui %squeeze3A_1049, %shift_right_logical3A_1050 : i32
        %and3A_1052 = arith.constant 31 : i32
        %and3A_1053 = arith.andi %squeeze3A_1049, %and3A_1052 : i32
        %mul3A_1054 = arith.constant 16 : i32
        %mul3A_1055 = arith.muli %shift_right_logical3A_1051, %mul3A_1054 : i32
        %get3A_1056 = arith.index_cast %mul3A_1055 : i32 to index
        %get3A_1057 = tpu.vector_load %arg7[%get3A_1056] {strides = array<i32>} : memref<4096xi32, #tpu.memory_space<vmem>>, vector<16xi32>,
        %add3A_1058 = arith.constant 1 : i32
        %add3A_1059 = arith.addi %and3A_1053, %add3A_1058 : i32
        %shift_right_logical3A_1060 = arith.constant 1 : i32
        %shift_right_logical3A_1061 = arith.shrui %add3A_1059, %shift_right_logical3A_1060 : i32
        %while3A_1062 = arith.constant 0 : i32
        %while3A_1063 = arith.subi %shift_right_logical3A_1061, %while3A_1062 : i32
        %while3A_1064 = arith.addi %while3A_1062, %while3A_1063 : i32
        %while3A_1065 = arith.constant 1 : i32
        %while3A_1066 = arith.divsi %while3A_1063, %while3A_1065 : i32
        %while3A_1067 = arith.muli %while3A_1066, %while3A_1065 : i32
        %while3A_1068 = arith.addi %while3A_1062, %while3A_1067 : i32
        %while3A_1069 = arith.constant 1 : i32
        %while3A_1070 = scf.for %while3A_1073 = %while3A_1062 to %while3A_1068 step %while3A_1069 iter_args(%while3A_1074 = %while3A_1046) -> (i32)  : i32 {
          %mul3A_1075 = arith.constant 2 : i32
          %mul3A_1076 = arith.muli %mul3A_1075, %while3A_1073 : i32
          %shift_right_logical3A_1077 = arith.constant 3 : i32
          %shift_right_logical3A_1078 = vector.broadcast %shift_right_logical3A_1077 : i32 to vector<16xi32>
          %shift_right_logical3A_1079 = arith.shrui %iota3A, %shift_right_logical3A_1078 : vector<16xi32>
          %add3A_1080 = vector.broadcast %mul3A_1076 : i32 to vector<16xi32>
          %add3A_1081 = arith.addi %add3A_1080, %shift_right_logical3A_1079 : vector<16xi32>
          %lt3A_1082 = vector.broadcast %and3A_1053 : i32 to vector<16xi32>
          %lt3A_1083 = arith.cmpi slt, %add3A_1081, %lt3A_1082 : vector<16xi32>
          %min3A_1084 = arith.constant 15 : i32
          %min3A_1085 = vector.broadcast %min3A_1084 : i32 to vector<16xi32>
          %min3A_1086 = arith.minsi %add3A_1081, %min3A_1085 : vector<16xi32>
          %lt3A_1087 = arith.constant 0 : i32
          %lt3A_1088 = vector.broadcast %lt3A_1087 : i32 to vector<16xi32>
          %lt3A_1089 = arith.cmpi slt, %min3A_1086, %lt3A_1088 : vector<16xi32>
          %add3A_1090 = arith.constant 16 : i32
          %add3A_1091 = vector.broadcast %add3A_1090 : i32 to vector<16xi32>
          %add3A_1092 = arith.addi %min3A_1086, %add3A_1091 : vector<16xi32>
          %select_n3A_1093 = arith.select %lt3A_1089, %add3A_1092, %min3A_1086 : vector<16xi1>, vector<16xi32>
          %broadcast_in_dim3A_1094 = vector.shape_cast %select_n3A_1093 : vector<16xi32> to vector<16x1xi32>
          %gather3A_1095 = vector.shape_cast %broadcast_in_dim3A_1094 : vector<16x1xi32> to vector<16xi32>
          %gather3A_1096 = tpu.dynamic_gather %get3A_1057[%gather3A_1095] in [0] : vector<16xi32>, vector<16xi32> -> vector<16xi32>
          %and3A_1097 = arith.constant 4095 : i32
          %and3A_1098 = vector.broadcast %and3A_1097 : i32 to vector<16xi32>
          %and3A_1099 = arith.andi %gather3A_1096, %and3A_1098 : vector<16xi32>
          %shift_right_logical3A_1100 = arith.constant 4 : i32
          %shift_right_logical3A_1101 = vector.broadcast %shift_right_logical3A_1100 : i32 to vector<16xi32>
          %shift_right_logical3A_1102 = arith.shrui %and3A_1099, %shift_right_logical3A_1101 : vector<16xi32>
          %mul3A_1103 = arith.constant 128 : i32
          %mul3A_1104 = vector.broadcast %mul3A_1103 : i32 to vector<16xi32>
          %mul3A_1105 = arith.muli %shift_right_logical3A_1102, %mul3A_1104 : vector<16xi32>
          %and3A_1106 = arith.constant 15 : i32
          %and3A_1107 = vector.broadcast %and3A_1106 : i32 to vector<16xi32>
          %and3A_1108 = arith.andi %and3A_1099, %and3A_1107 : vector<16xi32>
          %add3A_1109 = arith.addi %mul3A_1105, %and3A_1108 : vector<16xi32>
          %and3A_1110 = arith.constant 7 : i32
          %and3A_1111 = vector.broadcast %and3A_1110 : i32 to vector<16xi32>
          %and3A_1112 = arith.andi %iota3A, %and3A_1111 : vector<16xi32>
          %mul3A_1113 = arith.constant 16 : i32
          %mul3A_1114 = vector.broadcast %mul3A_1113 : i32 to vector<16xi32>
          %mul3A_1115 = arith.muli %and3A_1112, %mul3A_1114 : vector<16xi32>
          %add3A_1116 = arith.addi %add3A_1109, %mul3A_1115 : vector<16xi32>
          %gather3A_1117 = tpu.vector_load_idx %arg5[%add3A_1116] : memref<32784xf32, #tpu.memory_space<vmem>>[vector<16xi32>], vector<16xf32>,
          %ge3A = arith.cmpf oge, %gather3A_1117, %min3A_633 : vector<16xf32>
          %and3A_1118 = arith.andi %ge3A, %lt3A_1083 : vector<16xi1>
          %all_reduce_population_count3A = tpu.all_reduce %and3A_1118 {dim = 0 : i64, kind = #tpu.reduction_kind<sum>} : vector<16xi1> -> vector<16xi32>
          %min3A_1119 = arith.constant 8192 : i32
          %min3A_1120 = arith.minsi %while3A_1074, %min3A_1119 : i32
          %swap3A_1121 = arith.index_cast %min3A_1120 : i32 to index
          %swap3A_1122 = tpu.vector_load %arg11[%swap3A_1121] masked %and3A_1118 {strides = array<i32>} : memref<8208xf32, #tpu.memory_space<vmem>>, vector<16xf32>, vector<16xi1>
          tpu.vector_store %arg11[%swap3A_1121], %gather3A_1117 masked %and3A_1118 {strides = array<i32>} : memref<8208xf32, #tpu.memory_space<vmem>>, vector<16xf32>, vector<16xi1>
          %swap3A_1123 = arith.index_cast %min3A_1120 : i32 to index
          %swap3A_1124 = tpu.vector_load %arg12[%swap3A_1123] masked %and3A_1118 {strides = array<i32>} : memref<8208xi32, #tpu.memory_space<vmem>>, vector<16xi32>, vector<16xi1>
          tpu.vector_store %arg12[%swap3A_1123], %add3A_1116 masked %and3A_1118 {strides = array<i32>} : memref<8208xi32, #tpu.memory_space<vmem>>, vector<16xi32>, vector<16xi1>
          %slice3A_1125 = vector.extract_strided_slice %all_reduce_population_count3A {offsets = [0], sizes = [1], strides = [1]} : vector<16xi32> to vector<1xi32>
          %squeeze3A_1126 = vector.extract %slice3A_1125[0] : i32 from vector<1xi32>
          %add3A_1127 = arith.addi %while3A_1074, %squeeze3A_1126 : i32
          scf.yield %add3A_1127 : i32
        }
        %while3A_1071 = arith.constant 1 : i32
        %while3A_1072 = scf.for %while3A_1073 = %while3A_1068 to %while3A_1064 step %while3A_1071 iter_args(%while3A_1074 = %while3A_1070) -> (i32)  : i32 {
          %mul3A_1075 = arith.constant 2 : i32
          %mul3A_1076 = arith.muli %mul3A_1075, %while3A_1073 : i32
          %shift_right_logical3A_1077 = arith.constant 3 : i32
          %shift_right_logical3A_1078 = vector.broadcast %shift_right_logical3A_1077 : i32 to vector<16xi32>
          %shift_right_logical3A_1079 = arith.shrui %iota3A, %shift_right_logical3A_1078 : vector<16xi32>
          %add3A_1080 = vector.broadcast %mul3A_1076 : i32 to vector<16xi32>
          %add3A_1081 = arith.addi %add3A_1080, %shift_right_logical3A_1079 : vector<16xi32>
          %lt3A_1082 = vector.broadcast %and3A_1053 : i32 to vector<16xi32>
          %lt3A_1083 = arith.cmpi slt, %add3A_1081, %lt3A_1082 : vector<16xi32>
          %min3A_1084 = arith.constant 15 : i32
          %min3A_1085 = vector.broadcast %min3A_1084 : i32 to vector<16xi32>
          %min3A_1086 = arith.minsi %add3A_1081, %min3A_1085 : vector<16xi32>
          %lt3A_1087 = arith.constant 0 : i32
          %lt3A_1088 = vector.broadcast %lt3A_1087 : i32 to vector<16xi32>
          %lt3A_1089 = arith.cmpi slt, %min3A_1086, %lt3A_1088 : vector<16xi32>
          %add3A_1090 = arith.constant 16 : i32
          %add3A_1091 = vector.broadcast %add3A_1090 : i32 to vector<16xi32>
          %add3A_1092 = arith.addi %min3A_1086, %add3A_1091 : vector<16xi32>
          %select_n3A_1093 = arith.select %lt3A_1089, %add3A_1092, %min3A_1086 : vector<16xi1>, vector<16xi32>
          %broadcast_in_dim3A_1094 = vector.shape_cast %select_n3A_1093 : vector<16xi32> to vector<16x1xi32>
          %gather3A_1095 = vector.shape_cast %broadcast_in_dim3A_1094 : vector<16x1xi32> to vector<16xi32>
          %gather3A_1096 = tpu.dynamic_gather %get3A_1057[%gather3A_1095] in [0] : vector<16xi32>, vector<16xi32> -> vector<16xi32>
          %and3A_1097 = arith.constant 4095 : i32
          %and3A_1098 = vector.broadcast %and3A_1097 : i32 to vector<16xi32>
          %and3A_1099 = arith.andi %gather3A_1096, %and3A_1098 : vector<16xi32>
          %shift_right_logical3A_1100 = arith.constant 4 : i32
          %shift_right_logical3A_1101 = vector.broadcast %shift_right_logical3A_1100 : i32 to vector<16xi32>
          %shift_right_logical3A_1102 = arith.shrui %and3A_1099, %shift_right_logical3A_1101 : vector<16xi32>
          %mul3A_1103 = arith.constant 128 : i32
          %mul3A_1104 = vector.broadcast %mul3A_1103 : i32 to vector<16xi32>
          %mul3A_1105 = arith.muli %shift_right_logical3A_1102, %mul3A_1104 : vector<16xi32>
          %and3A_1106 = arith.constant 15 : i32
          %and3A_1107 = vector.broadcast %and3A_1106 : i32 to vector<16xi32>
          %and3A_1108 = arith.andi %and3A_1099, %and3A_1107 : vector<16xi32>
          %add3A_1109 = arith.addi %mul3A_1105, %and3A_1108 : vector<16xi32>
          %and3A_1110 = arith.constant 7 : i32
          %and3A_1111 = vector.broadcast %and3A_1110 : i32 to vector<16xi32>
          %and3A_1112 = arith.andi %iota3A, %and3A_1111 : vector<16xi32>
          %mul3A_1113 = arith.constant 16 : i32
          %mul3A_1114 = vector.broadcast %mul3A_1113 : i32 to vector<16xi32>
          %mul3A_1115 = arith.muli %and3A_1112, %mul3A_1114 : vector<16xi32>
          %add3A_1116 = arith.addi %add3A_1109, %mul3A_1115 : vector<16xi32>
          %gather3A_1117 = tpu.vector_load_idx %arg5[%add3A_1116] : memref<32784xf32, #tpu.memory_space<vmem>>[vector<16xi32>], vector<16xf32>,
          %ge3A = arith.cmpf oge, %gather3A_1117, %min3A_633 : vector<16xf32>
          %and3A_1118 = arith.andi %ge3A, %lt3A_1083 : vector<16xi1>
          %all_reduce_population_count3A = tpu.all_reduce %and3A_1118 {dim = 0 : i64, kind = #tpu.reduction_kind<sum>} : vector<16xi1> -> vector<16xi32>
          %min3A_1119 = arith.constant 8192 : i32
          %min3A_1120 = arith.minsi %while3A_1074, %min3A_1119 : i32
          %swap3A_1121 = arith.index_cast %min3A_1120 : i32 to index
          %swap3A_1122 = tpu.vector_load %arg11[%swap3A_1121] masked %and3A_1118 {strides = array<i32>} : memref<8208xf32, #tpu.memory_space<vmem>>, vector<16xf32>, vector<16xi1>
          tpu.vector_store %arg11[%swap3A_1121], %gather3A_1117 masked %and3A_1118 {strides = array<i32>} : memref<8208xf32, #tpu.memory_space<vmem>>, vector<16xf32>, vector<16xi1>
          %swap3A_1123 = arith.index_cast %min3A_1120 : i32 to index
          %swap3A_1124 = tpu.vector_load %arg12[%swap3A_1123] masked %and3A_1118 {strides = array<i32>} : memref<8208xi32, #tpu.memory_space<vmem>>, vector<16xi32>, vector<16xi1>
          tpu.vector_store %arg12[%swap3A_1123], %add3A_1116 masked %and3A_1118 {strides = array<i32>} : memref<8208xi32, #tpu.memory_space<vmem>>, vector<16xi32>, vector<16xi1>
          %slice3A_1125 = vector.extract_strided_slice %all_reduce_population_count3A {offsets = [0], sizes = [1], strides = [1]} : vector<16xi32> to vector<1xi32>
          %squeeze3A_1126 = vector.extract %slice3A_1125[0] : i32 from vector<1xi32>
          %add3A_1127 = arith.addi %while3A_1074, %squeeze3A_1126 : i32
          scf.yield %add3A_1127 : i32
        }
        scf.yield %while3A_1072 : i32
      }
      %min3A_660 = arith.constant 8192 : i32
      %min3A_661 = arith.minsi %while3A_659, %min3A_660 : i32
      %add3A_662 = vector.broadcast %min3A_661 : i32 to vector<16xi32>
      %add3A_663 = arith.addi %add3A_662, %iota3A : vector<16xi32>
      tpu.vector_store_idx %arg11[%add3A_663], %broadcast_in_dim3A_548 : memref<8208xf32, #tpu.memory_space<vmem>>[vector<16xi32>], vector<16xf32>,
      %add3A_664 = arith.constant 16 : i32
      %add3A_665 = arith.addi %while3A_659, %add3A_664 : i32
      %sub3A_666 = arith.constant 1 : i32
      %sub3A_667 = arith.subi %add3A_665, %sub3A_666 : i32
      %shift_right_logical3A_668 = arith.constant 4 : i32
      %shift_right_logical3A_669 = arith.shrui %sub3A_667, %shift_right_logical3A_668 : i32
      %min3A_670 = arith.constant 512 : i32
      %min3A_671 = arith.minsi %shift_right_logical3A_669, %min3A_670 : i32
      %while3A_672 = arith.constant 0 : i32
      %while3A_673 = arith.subi %min3A_671, %while3A_672 : i32
      %while3A_674 = arith.addi %while3A_672, %while3A_673 : i32
      %while3A_675 = arith.constant 1 : i32
      %while3A_676 = arith.divsi %while3A_673, %while3A_675 : i32
      %while3A_677 = arith.muli %while3A_676, %while3A_675 : i32
      %while3A_678 = arith.addi %while3A_672, %while3A_677 : i32
      %while3A_679 = arith.constant 1 : i32
      %while3A_680:2 = scf.for %while3A_1045 = %while3A_672 to %while3A_678 step %while3A_679 iter_args(%while3A_1046 = %broadcast_in_dim3A_548, %while3A_1047 = %broadcast_in_dim3A_548) -> (vector<16xf32>, vector<16xf32>)  : i32 {
        %mul3A_1048 = arith.constant 16 : i32
        %mul3A_1049 = arith.muli %while3A_1045, %mul3A_1048 : i32
        %get3A = arith.index_cast %mul3A_1049 : i32 to index
        %get3A_1050 = tpu.vector_load %arg11[%get3A] {strides = array<i32>} : memref<8208xf32, #tpu.memory_space<vmem>>, vector<16xf32>,
        %masked_sort3A_1051 = arith.constant dense<true> : vector<16xi1>
        %masked_sort3A_1052, %masked_sort3A_1053, %masked_sort3A_1054 = tpu.sort %get3A_1050, %broadcast_in_dim3A_552 masked %masked_sort3A_1051 {descending = true} : (vector<16xf32>, vector<16xi32>, vector<16xi1>) -> (vector<16xi1>, vector<16xf32>, vector<16xi32>)
        %sub3A_1055 = arith.constant 15 : i32
        %sub3A_1056 = vector.broadcast %sub3A_1055 : i32 to vector<16xi32>
        %sub3A_1057 = arith.subi %sub3A_1056, %iota3A : vector<16xi32>
        %lt3A_1058 = arith.constant 0 : i32
        %lt3A_1059 = vector.broadcast %lt3A_1058 : i32 to vector<16xi32>
        %lt3A_1060 = arith.cmpi slt, %sub3A_1057, %lt3A_1059 : vector<16xi32>
        %add3A_1061 = arith.constant 16 : i32
        %add3A_1062 = vector.broadcast %add3A_1061 : i32 to vector<16xi32>
        %add3A_1063 = arith.addi %sub3A_1057, %add3A_1062 : vector<16xi32>
        %select_n3A_1064 = arith.select %lt3A_1060, %add3A_1063, %sub3A_1057 : vector<16xi1>, vector<16xi32>
        %broadcast_in_dim3A_1065 = vector.shape_cast %select_n3A_1064 : vector<16xi32> to vector<16x1xi32>
        %gather3A_1066 = vector.shape_cast %broadcast_in_dim3A_1065 : vector<16x1xi32> to vector<16xi32>
        %gather3A_1067 = tpu.dynamic_gather %masked_sort3A_1053[%gather3A_1066] in [0] : vector<16xf32>, vector<16xi32> -> vector<16xf32>
        %max3A_1068 = arith.maximumf %while3A_1047, %gather3A_1067 : vector<16xf32>
        %xor3A_1069 = arith.constant 8 : i32
        %xor3A_1070 = vector.broadcast %xor3A_1069 : i32 to vector<16xi32>
        %xor3A_1071 = arith.xori %iota3A, %xor3A_1070 : vector<16xi32>
        %lt3A_1072 = arith.constant 0 : i32
        %lt3A_1073 = vector.broadcast %lt3A_1072 : i32 to vector<16xi32>
        %lt3A_1074 = arith.cmpi slt, %xor3A_1071, %lt3A_1073 : vector<16xi32>
        %add3A_1075 = arith.constant 16 : i32
        %add3A_1076 = vector.broadcast %add3A_1075 : i32 to vector<16xi32>
        %add3A_1077 = arith.addi %xor3A_1071, %add3A_1076 : vector<16xi32>
        %select_n3A_1078 = arith.select %lt3A_1074, %add3A_1077, %xor3A_1071 : vector<16xi1>, vector<16xi32>
        %broadcast_in_dim3A_1079 = vector.shape_cast %select_n3A_1078 : vector<16xi32> to vector<16x1xi32>
        %gather3A_1080 = vector.shape_cast %broadcast_in_dim3A_1079 : vector<16x1xi32> to vector<16xi32>
        %gather3A_1081 = tpu.dynamic_gather %max3A_1068[%gather3A_1080] in [0] : vector<16xf32>, vector<16xi32> -> vector<16xf32>
        %and3A_1082 = arith.constant 8 : i32
        %and3A_1083 = vector.broadcast %and3A_1082 : i32 to vector<16xi32>
        %and3A_1084 = arith.andi %iota3A, %and3A_1083 : vector<16xi32>
        %eq3A_1085 = arith.constant 0 : i32
        %eq3A_1086 = vector.broadcast %eq3A_1085 : i32 to vector<16xi32>
        %eq3A_1087 = arith.cmpi eq, %and3A_1084, %eq3A_1086 : vector<16xi32>
        %max3A_1088 = arith.maximumf %max3A_1068, %gather3A_1081 : vector<16xf32>
        %min3A_1089 = arith.minimumf %max3A_1068, %gather3A_1081 : vector<16xf32>
        %select_n3A_1090 = arith.select %eq3A_1087, %max3A_1088, %min3A_1089 : vector<16xi1>, vector<16xf32>
        %xor3A_1091 = arith.constant 4 : i32
        %xor3A_1092 = vector.broadcast %xor3A_1091 : i32 to vector<16xi32>
        %xor3A_1093 = arith.xori %iota3A, %xor3A_1092 : vector<16xi32>
        %lt3A_1094 = arith.constant 0 : i32
        %lt3A_1095 = vector.broadcast %lt3A_1094 : i32 to vector<16xi32>
        %lt3A_1096 = arith.cmpi slt, %xor3A_1093, %lt3A_1095 : vector<16xi32>
        %add3A_1097 = arith.constant 16 : i32
        %add3A_1098 = vector.broadcast %add3A_1097 : i32 to vector<16xi32>
        %add3A_1099 = arith.addi %xor3A_1093, %add3A_1098 : vector<16xi32>
        %select_n3A_1100 = arith.select %lt3A_1096, %add3A_1099, %xor3A_1093 : vector<16xi1>, vector<16xi32>
        %broadcast_in_dim3A_1101 = vector.shape_cast %select_n3A_1100 : vector<16xi32> to vector<16x1xi32>
        %gather3A_1102 = vector.shape_cast %broadcast_in_dim3A_1101 : vector<16x1xi32> to vector<16xi32>
        %gather3A_1103 = tpu.dynamic_gather %select_n3A_1090[%gather3A_1102] in [0] : vector<16xf32>, vector<16xi32> -> vector<16xf32>
        %and3A_1104 = arith.constant 4 : i32
        %and3A_1105 = vector.broadcast %and3A_1104 : i32 to vector<16xi32>
        %and3A_1106 = arith.andi %iota3A, %and3A_1105 : vector<16xi32>
        %eq3A_1107 = arith.constant 0 : i32
        %eq3A_1108 = vector.broadcast %eq3A_1107 : i32 to vector<16xi32>
        %eq3A_1109 = arith.cmpi eq, %and3A_1106, %eq3A_1108 : vector<16xi32>
        %max3A_1110 = arith.maximumf %select_n3A_1090, %gather3A_1103 : vector<16xf32>
        %min3A_1111 = arith.minimumf %select_n3A_1090, %gather3A_1103 : vector<16xf32>
        %select_n3A_1112 = arith.select %eq3A_1109, %max3A_1110, %min3A_1111 : vector<16xi1>, vector<16xf32>
        %xor3A_1113 = arith.constant 2 : i32
        %xor3A_1114 = vector.broadcast %xor3A_1113 : i32 to vector<16xi32>
        %xor3A_1115 = arith.xori %iota3A, %xor3A_1114 : vector<16xi32>
        %lt3A_1116 = arith.constant 0 : i32
        %lt3A_1117 = vector.broadcast %lt3A_1116 : i32 to vector<16xi32>
        %lt3A_1118 = arith.cmpi slt, %xor3A_1115, %lt3A_1117 : vector<16xi32>
        %add3A_1119 = arith.constant 16 : i32
        %add3A_1120 = vector.broadcast %add3A_1119 : i32 to vector<16xi32>
        %add3A_1121 = arith.addi %xor3A_1115, %add3A_1120 : vector<16xi32>
        %select_n3A_1122 = arith.select %lt3A_1118, %add3A_1121, %xor3A_1115 : vector<16xi1>, vector<16xi32>
        %broadcast_in_dim3A_1123 = vector.shape_cast %select_n3A_1122 : vector<16xi32> to vector<16x1xi32>
        %gather3A_1124 = vector.shape_cast %broadcast_in_dim3A_1123 : vector<16x1xi32> to vector<16xi32>
        %gather3A_1125 = tpu.dynamic_gather %select_n3A_1112[%gather3A_1124] in [0] : vector<16xf32>, vector<16xi32> -> vector<16xf32>
        %and3A_1126 = arith.constant 2 : i32
        %and3A_1127 = vector.broadcast %and3A_1126 : i32 to vector<16xi32>
        %and3A_1128 = arith.andi %iota3A, %and3A_1127 : vector<16xi32>
        %eq3A_1129 = arith.constant 0 : i32
        %eq3A_1130 = vector.broadcast %eq3A_1129 : i32 to vector<16xi32>
        %eq3A_1131 = arith.cmpi eq, %and3A_1128, %eq3A_1130 : vector<16xi32>
        %max3A_1132 = arith.maximumf %select_n3A_1112, %gather3A_1125 : vector<16xf32>
        %min3A_1133 = arith.minimumf %select_n3A_1112, %gather3A_1125 : vector<16xf32>
        %select_n3A_1134 = arith.select %eq3A_1131, %max3A_1132, %min3A_1133 : vector<16xi1>, vector<16xf32>
        %xor3A_1135 = arith.constant 1 : i32
        %xor3A_1136 = vector.broadcast %xor3A_1135 : i32 to vector<16xi32>
        %xor3A_1137 = arith.xori %iota3A, %xor3A_1136 : vector<16xi32>
        %lt3A_1138 = arith.constant 0 : i32
        %lt3A_1139 = vector.broadcast %lt3A_1138 : i32 to vector<16xi32>
        %lt3A_1140 = arith.cmpi slt, %xor3A_1137, %lt3A_1139 : vector<16xi32>
        %add3A_1141 = arith.constant 16 : i32
        %add3A_1142 = vector.broadcast %add3A_1141 : i32 to vector<16xi32>
        %add3A_1143 = arith.addi %xor3A_1137, %add3A_1142 : vector<16xi32>
        %select_n3A_1144 = arith.select %lt3A_1140, %add3A_1143, %xor3A_1137 : vector<16xi1>, vector<16xi32>
        %broadcast_in_dim3A_1145 = vector.shape_cast %select_n3A_1144 : vector<16xi32> to vector<16x1xi32>
        %gather3A_1146 = vector.shape_cast %broadcast_in_dim3A_1145 : vector<16x1xi32> to vector<16xi32>
        %gather3A_1147 = tpu.dynamic_gather %select_n3A_1134[%gather3A_1146] in [0] : vector<16xf32>, vector<16xi32> -> vector<16xf32>
        %and3A_1148 = arith.constant 1 : i32
        %and3A_1149 = vector.broadcast %and3A_1148 : i32 to vector<16xi32>
        %and3A_1150 = arith.andi %iota3A, %and3A_1149 : vector<16xi32>
        %eq3A_1151 = arith.constant 0 : i32
        %eq3A_1152 = vector.broadcast %eq3A_1151 : i32 to vector<16xi32>
        %eq3A_1153 = arith.cmpi eq, %and3A_1150, %eq3A_1152 : vector<16xi32>
        %max3A_1154 = arith.maximumf %select_n3A_1134, %gather3A_1147 : vector<16xf32>
        %min3A_1155 = arith.minimumf %select_n3A_1134, %gather3A_1147 : vector<16xf32>
        %select_n3A_1156 = arith.select %eq3A_1153, %max3A_1154, %min3A_1155 : vector<16xi1>, vector<16xf32>
        %sub3A_1157 = arith.constant 15 : i32
        %sub3A_1158 = vector.broadcast %sub3A_1157 : i32 to vector<16xi32>
        %sub3A_1159 = arith.subi %sub3A_1158, %iota3A : vector<16xi32>
        %lt3A_1160 = arith.constant 0 : i32
        %lt3A_1161 = vector.broadcast %lt3A_1160 : i32 to vector<16xi32>
        %lt3A_1162 = arith.cmpi slt, %sub3A_1159, %lt3A_1161 : vector<16xi32>
        %add3A_1163 = arith.constant 16 : i32
        %add3A_1164 = vector.broadcast %add3A_1163 : i32 to vector<16xi32>
        %add3A_1165 = arith.addi %sub3A_1159, %add3A_1164 : vector<16xi32>
        %select_n3A_1166 = arith.select %lt3A_1162, %add3A_1165, %sub3A_1159 : vector<16xi1>, vector<16xi32>
        %broadcast_in_dim3A_1167 = vector.shape_cast %select_n3A_1166 : vector<16xi32> to vector<16x1xi32>
        %gather3A_1168 = vector.shape_cast %broadcast_in_dim3A_1167 : vector<16x1xi32> to vector<16xi32>
        %gather3A_1169 = tpu.dynamic_gather %select_n3A_1156[%gather3A_1168] in [0] : vector<16xf32>, vector<16xi32> -> vector<16xf32>
        %max3A_1170 = arith.maximumf %while3A_1046, %gather3A_1169 : vector<16xf32>
        %xor3A_1171 = arith.constant 8 : i32
        %xor3A_1172 = vector.broadcast %xor3A_1171 : i32 to vector<16xi32>
        %xor3A_1173 = arith.xori %iota3A, %xor3A_1172 : vector<16xi32>
        %lt3A_1174 = arith.constant 0 : i32
        %lt3A_1175 = vector.broadcast %lt3A_1174 : i32 to vector<16xi32>
        %lt3A_1176 = arith.cmpi slt, %xor3A_1173, %lt3A_1175 : vector<16xi32>
        %add3A_1177 = arith.constant 16 : i32
        %add3A_1178 = vector.broadcast %add3A_1177 : i32 to vector<16xi32>
        %add3A_1179 = arith.addi %xor3A_1173, %add3A_1178 : vector<16xi32>
        %select_n3A_1180 = arith.select %lt3A_1176, %add3A_1179, %xor3A_1173 : vector<16xi1>, vector<16xi32>
        %broadcast_in_dim3A_1181 = vector.shape_cast %select_n3A_1180 : vector<16xi32> to vector<16x1xi32>
        %gather3A_1182 = vector.shape_cast %broadcast_in_dim3A_1181 : vector<16x1xi32> to vector<16xi32>
        %gather3A_1183 = tpu.dynamic_gather %max3A_1170[%gather3A_1182] in [0] : vector<16xf32>, vector<16xi32> -> vector<16xf32>
        %and3A_1184 = arith.constant 8 : i32
        %and3A_1185 = vector.broadcast %and3A_1184 : i32 to vector<16xi32>
        %and3A_1186 = arith.andi %iota3A, %and3A_1185 : vector<16xi32>
        %eq3A_1187 = arith.constant 0 : i32
        %eq3A_1188 = vector.broadcast %eq3A_1187 : i32 to vector<16xi32>
        %eq3A_1189 = arith.cmpi eq, %and3A_1186, %eq3A_1188 : vector<16xi32>
        %max3A_1190 = arith.maximumf %max3A_1170, %gather3A_1183 : vector<16xf32>
        %min3A_1191 = arith.minimumf %max3A_1170, %gather3A_1183 : vector<16xf32>
        %select_n3A_1192 = arith.select %eq3A_1189, %max3A_1190, %min3A_1191 : vector<16xi1>, vector<16xf32>
        %xor3A_1193 = arith.constant 4 : i32
        %xor3A_1194 = vector.broadcast %xor3A_1193 : i32 to vector<16xi32>
        %xor3A_1195 = arith.xori %iota3A, %xor3A_1194 : vector<16xi32>
        %lt3A_1196 = arith.constant 0 : i32
        %lt3A_1197 = vector.broadcast %lt3A_1196 : i32 to vector<16xi32>
        %lt3A_1198 = arith.cmpi slt, %xor3A_1195, %lt3A_1197 : vector<16xi32>
        %add3A_1199 = arith.constant 16 : i32
        %add3A_1200 = vector.broadcast %add3A_1199 : i32 to vector<16xi32>
        %add3A_1201 = arith.addi %xor3A_1195, %add3A_1200 : vector<16xi32>
        %select_n3A_1202 = arith.select %lt3A_1198, %add3A_1201, %xor3A_1195 : vector<16xi1>, vector<16xi32>
        %broadcast_in_dim3A_1203 = vector.shape_cast %select_n3A_1202 : vector<16xi32> to vector<16x1xi32>
        %gather3A_1204 = vector.shape_cast %broadcast_in_dim3A_1203 : vector<16x1xi32> to vector<16xi32>
        %gather3A_1205 = tpu.dynamic_gather %select_n3A_1192[%gather3A_1204] in [0] : vector<16xf32>, vector<16xi32> -> vector<16xf32>
        %and3A_1206 = arith.constant 4 : i32
        %and3A_1207 = vector.broadcast %and3A_1206 : i32 to vector<16xi32>
        %and3A_1208 = arith.andi %iota3A, %and3A_1207 : vector<16xi32>
        %eq3A_1209 = arith.constant 0 : i32
        %eq3A_1210 = vector.broadcast %eq3A_1209 : i32 to vector<16xi32>
        %eq3A_1211 = arith.cmpi eq, %and3A_1208, %eq3A_1210 : vector<16xi32>
        %max3A_1212 = arith.maximumf %select_n3A_1192, %gather3A_1205 : vector<16xf32>
        %min3A_1213 = arith.minimumf %select_n3A_1192, %gather3A_1205 : vector<16xf32>
        %select_n3A_1214 = arith.select %eq3A_1211, %max3A_1212, %min3A_1213 : vector<16xi1>, vector<16xf32>
        %xor3A_1215 = arith.constant 2 : i32
        %xor3A_1216 = vector.broadcast %xor3A_1215 : i32 to vector<16xi32>
        %xor3A_1217 = arith.xori %iota3A, %xor3A_1216 : vector<16xi32>
        %lt3A_1218 = arith.constant 0 : i32
        %lt3A_1219 = vector.broadcast %lt3A_1218 : i32 to vector<16xi32>
        %lt3A_1220 = arith.cmpi slt, %xor3A_1217, %lt3A_1219 : vector<16xi32>
        %add3A_1221 = arith.constant 16 : i32
        %add3A_1222 = vector.broadcast %add3A_1221 : i32 to vector<16xi32>
        %add3A_1223 = arith.addi %xor3A_1217, %add3A_1222 : vector<16xi32>
        %select_n3A_1224 = arith.select %lt3A_1220, %add3A_1223, %xor3A_1217 : vector<16xi1>, vector<16xi32>
        %broadcast_in_dim3A_1225 = vector.shape_cast %select_n3A_1224 : vector<16xi32> to vector<16x1xi32>
        %gather3A_1226 = vector.shape_cast %broadcast_in_dim3A_1225 : vector<16x1xi32> to vector<16xi32>
        %gather3A_1227 = tpu.dynamic_gather %select_n3A_1214[%gather3A_1226] in [0] : vector<16xf32>, vector<16xi32> -> vector<16xf32>
        %and3A_1228 = arith.constant 2 : i32
        %and3A_1229 = vector.broadcast %and3A_1228 : i32 to vector<16xi32>
        %and3A_1230 = arith.andi %iota3A, %and3A_1229 : vector<16xi32>
        %eq3A_1231 = arith.constant 0 : i32
        %eq3A_1232 = vector.broadcast %eq3A_1231 : i32 to vector<16xi32>
        %eq3A_1233 = arith.cmpi eq, %and3A_1230, %eq3A_1232 : vector<16xi32>
        %max3A_1234 = arith.maximumf %select_n3A_1214, %gather3A_1227 : vector<16xf32>
        %min3A_1235 = arith.minimumf %select_n3A_1214, %gather3A_1227 : vector<16xf32>
        %select_n3A_1236 = arith.select %eq3A_1233, %max3A_1234, %min3A_1235 : vector<16xi1>, vector<16xf32>
        %xor3A_1237 = arith.constant 1 : i32
        %xor3A_1238 = vector.broadcast %xor3A_1237 : i32 to vector<16xi32>
        %xor3A_1239 = arith.xori %iota3A, %xor3A_1238 : vector<16xi32>
        %lt3A_1240 = arith.constant 0 : i32
        %lt3A_1241 = vector.broadcast %lt3A_1240 : i32 to vector<16xi32>
        %lt3A_1242 = arith.cmpi slt, %xor3A_1239, %lt3A_1241 : vector<16xi32>
        %add3A_1243 = arith.constant 16 : i32
        %add3A_1244 = vector.broadcast %add3A_1243 : i32 to vector<16xi32>
        %add3A_1245 = arith.addi %xor3A_1239, %add3A_1244 : vector<16xi32>
        %select_n3A_1246 = arith.select %lt3A_1242, %add3A_1245, %xor3A_1239 : vector<16xi1>, vector<16xi32>
        %broadcast_in_dim3A_1247 = vector.shape_cast %select_n3A_1246 : vector<16xi32> to vector<16x1xi32>
        %gather3A_1248 = vector.shape_cast %broadcast_in_dim3A_1247 : vector<16x1xi32> to vector<16xi32>
        %gather3A_1249 = tpu.dynamic_gather %select_n3A_1236[%gather3A_1248] in [0] : vector<16xf32>, vector<16xi32> -> vector<16xf32>
        %and3A_1250 = arith.constant 1 : i32
        %and3A_1251 = vector.broadcast %and3A_1250 : i32 to vector<16xi32>
        %and3A_1252 = arith.andi %iota3A, %and3A_1251 : vector<16xi32>
        %eq3A_1253 = arith.constant 0 : i32
        %eq3A_1254 = vector.broadcast %eq3A_1253 : i32 to vector<16xi32>
        %eq3A_1255 = arith.cmpi eq, %and3A_1252, %eq3A_1254 : vector<16xi32>
        %max3A_1256 = arith.maximumf %select_n3A_1236, %gather3A_1249 : vector<16xf32>
        %min3A_1257 = arith.minimumf %select_n3A_1236, %gather3A_1249 : vector<16xf32>
        %select_n3A_1258 = arith.select %eq3A_1255, %max3A_1256, %min3A_1257 : vector<16xi1>, vector<16xf32>
        %min3A_1259 = arith.minimumf %while3A_1046, %gather3A_1169 : vector<16xf32>
        %xor3A_1260 = arith.constant 8 : i32
        %xor3A_1261 = vector.broadcast %xor3A_1260 : i32 to vector<16xi32>
        %xor3A_1262 = arith.xori %iota3A, %xor3A_1261 : vector<16xi32>
        %lt3A_1263 = arith.constant 0 : i32
        %lt3A_1264 = vector.broadcast %lt3A_1263 : i32 to vector<16xi32>
        %lt3A_1265 = arith.cmpi slt, %xor3A_1262, %lt3A_1264 : vector<16xi32>
        %add3A_1266 = arith.constant 16 : i32
        %add3A_1267 = vector.broadcast %add3A_1266 : i32 to vector<16xi32>
        %add3A_1268 = arith.addi %xor3A_1262, %add3A_1267 : vector<16xi32>
        %select_n3A_1269 = arith.select %lt3A_1265, %add3A_1268, %xor3A_1262 : vector<16xi1>, vector<16xi32>
        %broadcast_in_dim3A_1270 = vector.shape_cast %select_n3A_1269 : vector<16xi32> to vector<16x1xi32>
        %gather3A_1271 = vector.shape_cast %broadcast_in_dim3A_1270 : vector<16x1xi32> to vector<16xi32>
        %gather3A_1272 = tpu.dynamic_gather %min3A_1259[%gather3A_1271] in [0] : vector<16xf32>, vector<16xi32> -> vector<16xf32>
        %and3A_1273 = arith.constant 8 : i32
        %and3A_1274 = vector.broadcast %and3A_1273 : i32 to vector<16xi32>
        %and3A_1275 = arith.andi %iota3A, %and3A_1274 : vector<16xi32>
        %eq3A_1276 = arith.constant 0 : i32
        %eq3A_1277 = vector.broadcast %eq3A_1276 : i32 to vector<16xi32>
        %eq3A_1278 = arith.cmpi eq, %and3A_1275, %eq3A_1277 : vector<16xi32>
        %max3A_1279 = arith.maximumf %min3A_1259, %gather3A_1272 : vector<16xf32>
        %min3A_1280 = arith.minimumf %min3A_1259, %gather3A_1272 : vector<16xf32>
        %select_n3A_1281 = arith.select %eq3A_1278, %max3A_1279, %min3A_1280 : vector<16xi1>, vector<16xf32>
        %xor3A_1282 = arith.constant 4 : i32
        %xor3A_1283 = vector.broadcast %xor3A_1282 : i32 to vector<16xi32>
        %xor3A_1284 = arith.xori %iota3A, %xor3A_1283 : vector<16xi32>
        %lt3A_1285 = arith.constant 0 : i32
        %lt3A_1286 = vector.broadcast %lt3A_1285 : i32 to vector<16xi32>
        %lt3A_1287 = arith.cmpi slt, %xor3A_1284, %lt3A_1286 : vector<16xi32>
        %add3A_1288 = arith.constant 16 : i32
        %add3A_1289 = vector.broadcast %add3A_1288 : i32 to vector<16xi32>
        %add3A_1290 = arith.addi %xor3A_1284, %add3A_1289 : vector<16xi32>
        %select_n3A_1291 = arith.select %lt3A_1287, %add3A_1290, %xor3A_1284 : vector<16xi1>, vector<16xi32>
        %broadcast_in_dim3A_1292 = vector.shape_cast %select_n3A_1291 : vector<16xi32> to vector<16x1xi32>
        %gather3A_1293 = vector.shape_cast %broadcast_in_dim3A_1292 : vector<16x1xi32> to vector<16xi32>
        %gather3A_1294 = tpu.dynamic_gather %select_n3A_1281[%gather3A_1293] in [0] : vector<16xf32>, vector<16xi32> -> vector<16xf32>
        %and3A_1295 = arith.constant 4 : i32
        %and3A_1296 = vector.broadcast %and3A_1295 : i32 to vector<16xi32>
        %and3A_1297 = arith.andi %iota3A, %and3A_1296 : vector<16xi32>
        %eq3A_1298 = arith.constant 0 : i32
        %eq3A_1299 = vector.broadcast %eq3A_1298 : i32 to vector<16xi32>
        %eq3A_1300 = arith.cmpi eq, %and3A_1297, %eq3A_1299 : vector<16xi32>
        %max3A_1301 = arith.maximumf %select_n3A_1281, %gather3A_1294 : vector<16xf32>
        %min3A_1302 = arith.minimumf %select_n3A_1281, %gather3A_1294 : vector<16xf32>
        %select_n3A_1303 = arith.select %eq3A_1300, %max3A_1301, %min3A_1302 : vector<16xi1>, vector<16xf32>
        %xor3A_1304 = arith.constant 2 : i32
        %xor3A_1305 = vector.broadcast %xor3A_1304 : i32 to vector<16xi32>
        %xor3A_1306 = arith.xori %iota3A, %xor3A_1305 : vector<16xi32>
        %lt3A_1307 = arith.constant 0 : i32
        %lt3A_1308 = vector.broadcast %lt3A_1307 : i32 to vector<16xi32>
        %lt3A_1309 = arith.cmpi slt, %xor3A_1306, %lt3A_1308 : vector<16xi32>
        %add3A_1310 = arith.constant 16 : i32
        %add3A_1311 = vector.broadcast %add3A_1310 : i32 to vector<16xi32>
        %add3A_1312 = arith.addi %xor3A_1306, %add3A_1311 : vector<16xi32>
        %select_n3A_1313 = arith.select %lt3A_1309, %add3A_1312, %xor3A_1306 : vector<16xi1>, vector<16xi32>
        %broadcast_in_dim3A_1314 = vector.shape_cast %select_n3A_1313 : vector<16xi32> to vector<16x1xi32>
        %gather3A_1315 = vector.shape_cast %broadcast_in_dim3A_1314 : vector<16x1xi32> to vector<16xi32>
        %gather3A_1316 = tpu.dynamic_gather %select_n3A_1303[%gather3A_1315] in [0] : vector<16xf32>, vector<16xi32> -> vector<16xf32>
        %and3A_1317 = arith.constant 2 : i32
        %and3A_1318 = vector.broadcast %and3A_1317 : i32 to vector<16xi32>
        %and3A_1319 = arith.andi %iota3A, %and3A_1318 : vector<16xi32>
        %eq3A_1320 = arith.constant 0 : i32
        %eq3A_1321 = vector.broadcast %eq3A_1320 : i32 to vector<16xi32>
        %eq3A_1322 = arith.cmpi eq, %and3A_1319, %eq3A_1321 : vector<16xi32>
        %max3A_1323 = arith.maximumf %select_n3A_1303, %gather3A_1316 : vector<16xf32>
        %min3A_1324 = arith.minimumf %select_n3A_1303, %gather3A_1316 : vector<16xf32>
        %select_n3A_1325 = arith.select %eq3A_1322, %max3A_1323, %min3A_1324 : vector<16xi1>, vector<16xf32>
        %xor3A_1326 = arith.constant 1 : i32
        %xor3A_1327 = vector.broadcast %xor3A_1326 : i32 to vector<16xi32>
        %xor3A_1328 = arith.xori %iota3A, %xor3A_1327 : vector<16xi32>
        %lt3A_1329 = arith.constant 0 : i32
        %lt3A_1330 = vector.broadcast %lt3A_1329 : i32 to vector<16xi32>
        %lt3A_1331 = arith.cmpi slt, %xor3A_1328, %lt3A_1330 : vector<16xi32>
        %add3A_1332 = arith.constant 16 : i32
        %add3A_1333 = vector.broadcast %add3A_1332 : i32 to vector<16xi32>
        %add3A_1334 = arith.addi %xor3A_1328, %add3A_1333 : vector<16xi32>
        %select_n3A_1335 = arith.select %lt3A_1331, %add3A_1334, %xor3A_1328 : vector<16xi1>, vector<16xi32>
        %broadcast_in_dim3A_1336 = vector.shape_cast %select_n3A_1335 : vector<16xi32> to vector<16x1xi32>
        %gather3A_1337 = vector.shape_cast %broadcast_in_dim3A_1336 : vector<16x1xi32> to vector<16xi32>
        %gather3A_1338 = tpu.dynamic_gather %select_n3A_1325[%gather3A_1337] in [0] : vector<16xf32>, vector<16xi32> -> vector<16xf32>
        %and3A_1339 = arith.constant 1 : i32
        %and3A_1340 = vector.broadcast %and3A_1339 : i32 to vector<16xi32>
        %and3A_1341 = arith.andi %iota3A, %and3A_1340 : vector<16xi32>
        %eq3A_1342 = arith.constant 0 : i32
        %eq3A_1343 = vector.broadcast %eq3A_1342 : i32 to vector<16xi32>
        %eq3A_1344 = arith.cmpi eq, %and3A_1341, %eq3A_1343 : vector<16xi32>
        %max3A_1345 = arith.maximumf %select_n3A_1325, %gather3A_1338 : vector<16xf32>
        %min3A_1346 = arith.minimumf %select_n3A_1325, %gather3A_1338 : vector<16xf32>
        %select_n3A_1347 = arith.select %eq3A_1344, %max3A_1345, %min3A_1346 : vector<16xi1>, vector<16xf32>
        scf.yield %select_n3A_1258, %select_n3A_1347 : vector<16xf32>, vector<16xf32>
      }
      %while3A_681 = arith.constant 1 : i32
      %while3A_682:2 = scf.for %while3A_1045 = %while3A_678 to %while3A_674 step %while3A_681 iter_args(%while3A_1046 = %while3A_680#0, %while3A_1047 = %while3A_680#1) -> (vector<16xf32>, vector<16xf32>)  : i32 {
        %mul3A_1048 = arith.constant 16 : i32
        %mul3A_1049 = arith.muli %while3A_1045, %mul3A_1048 : i32
        %get3A = arith.index_cast %mul3A_1049 : i32 to index
        %get3A_1050 = tpu.vector_load %arg11[%get3A] {strides = array<i32>} : memref<8208xf32, #tpu.memory_space<vmem>>, vector<16xf32>,
        %masked_sort3A_1051 = arith.constant dense<true> : vector<16xi1>
        %masked_sort3A_1052, %masked_sort3A_1053, %masked_sort3A_1054 = tpu.sort %get3A_1050, %broadcast_in_dim3A_552 masked %masked_sort3A_1051 {descending = true} : (vector<16xf32>, vector<16xi32>, vector<16xi1>) -> (vector<16xi1>, vector<16xf32>, vector<16xi32>)
        %sub3A_1055 = arith.constant 15 : i32
        %sub3A_1056 = vector.broadcast %sub3A_1055 : i32 to vector<16xi32>
        %sub3A_1057 = arith.subi %sub3A_1056, %iota3A : vector<16xi32>
        %lt3A_1058 = arith.constant 0 : i32
        %lt3A_1059 = vector.broadcast %lt3A_1058 : i32 to vector<16xi32>
        %lt3A_1060 = arith.cmpi slt, %sub3A_1057, %lt3A_1059 : vector<16xi32>
        %add3A_1061 = arith.constant 16 : i32
        %add3A_1062 = vector.broadcast %add3A_1061 : i32 to vector<16xi32>
        %add3A_1063 = arith.addi %sub3A_1057, %add3A_1062 : vector<16xi32>
        %select_n3A_1064 = arith.select %lt3A_1060, %add3A_1063, %sub3A_1057 : vector<16xi1>, vector<16xi32>
        %broadcast_in_dim3A_1065 = vector.shape_cast %select_n3A_1064 : vector<16xi32> to vector<16x1xi32>
        %gather3A_1066 = vector.shape_cast %broadcast_in_dim3A_1065 : vector<16x1xi32> to vector<16xi32>
        %gather3A_1067 = tpu.dynamic_gather %masked_sort3A_1053[%gather3A_1066] in [0] : vector<16xf32>, vector<16xi32> -> vector<16xf32>
        %max3A_1068 = arith.maximumf %while3A_1047, %gather3A_1067 : vector<16xf32>
        %xor3A_1069 = arith.constant 8 : i32
        %xor3A_1070 = vector.broadcast %xor3A_1069 : i32 to vector<16xi32>
        %xor3A_1071 = arith.xori %iota3A, %xor3A_1070 : vector<16xi32>
        %lt3A_1072 = arith.constant 0 : i32
        %lt3A_1073 = vector.broadcast %lt3A_1072 : i32 to vector<16xi32>
        %lt3A_1074 = arith.cmpi slt, %xor3A_1071, %lt3A_1073 : vector<16xi32>
        %add3A_1075 = arith.constant 16 : i32
        %add3A_1076 = vector.broadcast %add3A_1075 : i32 to vector<16xi32>
        %add3A_1077 = arith.addi %xor3A_1071, %add3A_1076 : vector<16xi32>
        %select_n3A_1078 = arith.select %lt3A_1074, %add3A_1077, %xor3A_1071 : vector<16xi1>, vector<16xi32>
        %broadcast_in_dim3A_1079 = vector.shape_cast %select_n3A_1078 : vector<16xi32> to vector<16x1xi32>
        %gather3A_1080 = vector.shape_cast %broadcast_in_dim3A_1079 : vector<16x1xi32> to vector<16xi32>
        %gather3A_1081 = tpu.dynamic_gather %max3A_1068[%gather3A_1080] in [0] : vector<16xf32>, vector<16xi32> -> vector<16xf32>
        %and3A_1082 = arith.constant 8 : i32
        %and3A_1083 = vector.broadcast %and3A_1082 : i32 to vector<16xi32>
        %and3A_1084 = arith.andi %iota3A, %and3A_1083 : vector<16xi32>
        %eq3A_1085 = arith.constant 0 : i32
        %eq3A_1086 = vector.broadcast %eq3A_1085 : i32 to vector<16xi32>
        %eq3A_1087 = arith.cmpi eq, %and3A_1084, %eq3A_1086 : vector<16xi32>
        %max3A_1088 = arith.maximumf %max3A_1068, %gather3A_1081 : vector<16xf32>
        %min3A_1089 = arith.minimumf %max3A_1068, %gather3A_1081 : vector<16xf32>
        %select_n3A_1090 = arith.select %eq3A_1087, %max3A_1088, %min3A_1089 : vector<16xi1>, vector<16xf32>
        %xor3A_1091 = arith.constant 4 : i32
        %xor3A_1092 = vector.broadcast %xor3A_1091 : i32 to vector<16xi32>
        %xor3A_1093 = arith.xori %iota3A, %xor3A_1092 : vector<16xi32>
        %lt3A_1094 = arith.constant 0 : i32
        %lt3A_1095 = vector.broadcast %lt3A_1094 : i32 to vector<16xi32>
        %lt3A_1096 = arith.cmpi slt, %xor3A_1093, %lt3A_1095 : vector<16xi32>
        %add3A_1097 = arith.constant 16 : i32
        %add3A_1098 = vector.broadcast %add3A_1097 : i32 to vector<16xi32>
        %add3A_1099 = arith.addi %xor3A_1093, %add3A_1098 : vector<16xi32>
        %select_n3A_1100 = arith.select %lt3A_1096, %add3A_1099, %xor3A_1093 : vector<16xi1>, vector<16xi32>
        %broadcast_in_dim3A_1101 = vector.shape_cast %select_n3A_1100 : vector<16xi32> to vector<16x1xi32>
        %gather3A_1102 = vector.shape_cast %broadcast_in_dim3A_1101 : vector<16x1xi32> to vector<16xi32>
        %gather3A_1103 = tpu.dynamic_gather %select_n3A_1090[%gather3A_1102] in [0] : vector<16xf32>, vector<16xi32> -> vector<16xf32>
        %and3A_1104 = arith.constant 4 : i32
        %and3A_1105 = vector.broadcast %and3A_1104 : i32 to vector<16xi32>
        %and3A_1106 = arith.andi %iota3A, %and3A_1105 : vector<16xi32>
        %eq3A_1107 = arith.constant 0 : i32
        %eq3A_1108 = vector.broadcast %eq3A_1107 : i32 to vector<16xi32>
        %eq3A_1109 = arith.cmpi eq, %and3A_1106, %eq3A_1108 : vector<16xi32>
        %max3A_1110 = arith.maximumf %select_n3A_1090, %gather3A_1103 : vector<16xf32>
        %min3A_1111 = arith.minimumf %select_n3A_1090, %gather3A_1103 : vector<16xf32>
        %select_n3A_1112 = arith.select %eq3A_1109, %max3A_1110, %min3A_1111 : vector<16xi1>, vector<16xf32>
        %xor3A_1113 = arith.constant 2 : i32
        %xor3A_1114 = vector.broadcast %xor3A_1113 : i32 to vector<16xi32>
        %xor3A_1115 = arith.xori %iota3A, %xor3A_1114 : vector<16xi32>
        %lt3A_1116 = arith.constant 0 : i32
        %lt3A_1117 = vector.broadcast %lt3A_1116 : i32 to vector<16xi32>
        %lt3A_1118 = arith.cmpi slt, %xor3A_1115, %lt3A_1117 : vector<16xi32>
        %add3A_1119 = arith.constant 16 : i32
        %add3A_1120 = vector.broadcast %add3A_1119 : i32 to vector<16xi32>
        %add3A_1121 = arith.addi %xor3A_1115, %add3A_1120 : vector<16xi32>
        %select_n3A_1122 = arith.select %lt3A_1118, %add3A_1121, %xor3A_1115 : vector<16xi1>, vector<16xi32>
        %broadcast_in_dim3A_1123 = vector.shape_cast %select_n3A_1122 : vector<16xi32> to vector<16x1xi32>
        %gather3A_1124 = vector.shape_cast %broadcast_in_dim3A_1123 : vector<16x1xi32> to vector<16xi32>
        %gather3A_1125 = tpu.dynamic_gather %select_n3A_1112[%gather3A_1124] in [0] : vector<16xf32>, vector<16xi32> -> vector<16xf32>
        %and3A_1126 = arith.constant 2 : i32
        %and3A_1127 = vector.broadcast %and3A_1126 : i32 to vector<16xi32>
        %and3A_1128 = arith.andi %iota3A, %and3A_1127 : vector<16xi32>
        %eq3A_1129 = arith.constant 0 : i32
        %eq3A_1130 = vector.broadcast %eq3A_1129 : i32 to vector<16xi32>
        %eq3A_1131 = arith.cmpi eq, %and3A_1128, %eq3A_1130 : vector<16xi32>
        %max3A_1132 = arith.maximumf %select_n3A_1112, %gather3A_1125 : vector<16xf32>
        %min3A_1133 = arith.minimumf %select_n3A_1112, %gather3A_1125 : vector<16xf32>
        %select_n3A_1134 = arith.select %eq3A_1131, %max3A_1132, %min3A_1133 : vector<16xi1>, vector<16xf32>
        %xor3A_1135 = arith.constant 1 : i32
        %xor3A_1136 = vector.broadcast %xor3A_1135 : i32 to vector<16xi32>
        %xor3A_1137 = arith.xori %iota3A, %xor3A_1136 : vector<16xi32>
        %lt3A_1138 = arith.constant 0 : i32
        %lt3A_1139 = vector.broadcast %lt3A_1138 : i32 to vector<16xi32>
        %lt3A_1140 = arith.cmpi slt, %xor3A_1137, %lt3A_1139 : vector<16xi32>
        %add3A_1141 = arith.constant 16 : i32
        %add3A_1142 = vector.broadcast %add3A_1141 : i32 to vector<16xi32>
        %add3A_1143 = arith.addi %xor3A_1137, %add3A_1142 : vector<16xi32>
        %select_n3A_1144 = arith.select %lt3A_1140, %add3A_1143, %xor3A_1137 : vector<16xi1>, vector<16xi32>
        %broadcast_in_dim3A_1145 = vector.shape_cast %select_n3A_1144 : vector<16xi32> to vector<16x1xi32>
        %gather3A_1146 = vector.shape_cast %broadcast_in_dim3A_1145 : vector<16x1xi32> to vector<16xi32>
        %gather3A_1147 = tpu.dynamic_gather %select_n3A_1134[%gather3A_1146] in [0] : vector<16xf32>, vector<16xi32> -> vector<16xf32>
        %and3A_1148 = arith.constant 1 : i32
        %and3A_1149 = vector.broadcast %and3A_1148 : i32 to vector<16xi32>
        %and3A_1150 = arith.andi %iota3A, %and3A_1149 : vector<16xi32>
        %eq3A_1151 = arith.constant 0 : i32
        %eq3A_1152 = vector.broadcast %eq3A_1151 : i32 to vector<16xi32>
        %eq3A_1153 = arith.cmpi eq, %and3A_1150, %eq3A_1152 : vector<16xi32>
        %max3A_1154 = arith.maximumf %select_n3A_1134, %gather3A_1147 : vector<16xf32>
        %min3A_1155 = arith.minimumf %select_n3A_1134, %gather3A_1147 : vector<16xf32>
        %select_n3A_1156 = arith.select %eq3A_1153, %max3A_1154, %min3A_1155 : vector<16xi1>, vector<16xf32>
        %sub3A_1157 = arith.constant 15 : i32
        %sub3A_1158 = vector.broadcast %sub3A_1157 : i32 to vector<16xi32>
        %sub3A_1159 = arith.subi %sub3A_1158, %iota3A : vector<16xi32>
        %lt3A_1160 = arith.constant 0 : i32
        %lt3A_1161 = vector.broadcast %lt3A_1160 : i32 to vector<16xi32>
        %lt3A_1162 = arith.cmpi slt, %sub3A_1159, %lt3A_1161 : vector<16xi32>
        %add3A_1163 = arith.constant 16 : i32
        %add3A_1164 = vector.broadcast %add3A_1163 : i32 to vector<16xi32>
        %add3A_1165 = arith.addi %sub3A_1159, %add3A_1164 : vector<16xi32>
        %select_n3A_1166 = arith.select %lt3A_1162, %add3A_1165, %sub3A_1159 : vector<16xi1>, vector<16xi32>
        %broadcast_in_dim3A_1167 = vector.shape_cast %select_n3A_1166 : vector<16xi32> to vector<16x1xi32>
        %gather3A_1168 = vector.shape_cast %broadcast_in_dim3A_1167 : vector<16x1xi32> to vector<16xi32>
        %gather3A_1169 = tpu.dynamic_gather %select_n3A_1156[%gather3A_1168] in [0] : vector<16xf32>, vector<16xi32> -> vector<16xf32>
        %max3A_1170 = arith.maximumf %while3A_1046, %gather3A_1169 : vector<16xf32>
        %xor3A_1171 = arith.constant 8 : i32
        %xor3A_1172 = vector.broadcast %xor3A_1171 : i32 to vector<16xi32>
        %xor3A_1173 = arith.xori %iota3A, %xor3A_1172 : vector<16xi32>
        %lt3A_1174 = arith.constant 0 : i32
        %lt3A_1175 = vector.broadcast %lt3A_1174 : i32 to vector<16xi32>
        %lt3A_1176 = arith.cmpi slt, %xor3A_1173, %lt3A_1175 : vector<16xi32>
        %add3A_1177 = arith.constant 16 : i32
        %add3A_1178 = vector.broadcast %add3A_1177 : i32 to vector<16xi32>
        %add3A_1179 = arith.addi %xor3A_1173, %add3A_1178 : vector<16xi32>
        %select_n3A_1180 = arith.select %lt3A_1176, %add3A_1179, %xor3A_1173 : vector<16xi1>, vector<16xi32>
        %broadcast_in_dim3A_1181 = vector.shape_cast %select_n3A_1180 : vector<16xi32> to vector<16x1xi32>
        %gather3A_1182 = vector.shape_cast %broadcast_in_dim3A_1181 : vector<16x1xi32> to vector<16xi32>
        %gather3A_1183 = tpu.dynamic_gather %max3A_1170[%gather3A_1182] in [0] : vector<16xf32>, vector<16xi32> -> vector<16xf32>
        %and3A_1184 = arith.constant 8 : i32
        %and3A_1185 = vector.broadcast %and3A_1184 : i32 to vector<16xi32>
        %and3A_1186 = arith.andi %iota3A, %and3A_1185 : vector<16xi32>
        %eq3A_1187 = arith.constant 0 : i32
        %eq3A_1188 = vector.broadcast %eq3A_1187 : i32 to vector<16xi32>
        %eq3A_1189 = arith.cmpi eq, %and3A_1186, %eq3A_1188 : vector<16xi32>
        %max3A_1190 = arith.maximumf %max3A_1170, %gather3A_1183 : vector<16xf32>
        %min3A_1191 = arith.minimumf %max3A_1170, %gather3A_1183 : vector<16xf32>
        %select_n3A_1192 = arith.select %eq3A_1189, %max3A_1190, %min3A_1191 : vector<16xi1>, vector<16xf32>
        %xor3A_1193 = arith.constant 4 : i32
        %xor3A_1194 = vector.broadcast %xor3A_1193 : i32 to vector<16xi32>
        %xor3A_1195 = arith.xori %iota3A, %xor3A_1194 : vector<16xi32>
        %lt3A_1196 = arith.constant 0 : i32
        %lt3A_1197 = vector.broadcast %lt3A_1196 : i32 to vector<16xi32>
        %lt3A_1198 = arith.cmpi slt, %xor3A_1195, %lt3A_1197 : vector<16xi32>
        %add3A_1199 = arith.constant 16 : i32
        %add3A_1200 = vector.broadcast %add3A_1199 : i32 to vector<16xi32>
        %add3A_1201 = arith.addi %xor3A_1195, %add3A_1200 : vector<16xi32>
        %select_n3A_1202 = arith.select %lt3A_1198, %add3A_1201, %xor3A_1195 : vector<16xi1>, vector<16xi32>
        %broadcast_in_dim3A_1203 = vector.shape_cast %select_n3A_1202 : vector<16xi32> to vector<16x1xi32>
        %gather3A_1204 = vector.shape_cast %broadcast_in_dim3A_1203 : vector<16x1xi32> to vector<16xi32>
        %gather3A_1205 = tpu.dynamic_gather %select_n3A_1192[%gather3A_1204] in [0] : vector<16xf32>, vector<16xi32> -> vector<16xf32>
        %and3A_1206 = arith.constant 4 : i32
        %and3A_1207 = vector.broadcast %and3A_1206 : i32 to vector<16xi32>
        %and3A_1208 = arith.andi %iota3A, %and3A_1207 : vector<16xi32>
        %eq3A_1209 = arith.constant 0 : i32
        %eq3A_1210 = vector.broadcast %eq3A_1209 : i32 to vector<16xi32>
        %eq3A_1211 = arith.cmpi eq, %and3A_1208, %eq3A_1210 : vector<16xi32>
        %max3A_1212 = arith.maximumf %select_n3A_1192, %gather3A_1205 : vector<16xf32>
        %min3A_1213 = arith.minimumf %select_n3A_1192, %gather3A_1205 : vector<16xf32>
        %select_n3A_1214 = arith.select %eq3A_1211, %max3A_1212, %min3A_1213 : vector<16xi1>, vector<16xf32>
        %xor3A_1215 = arith.constant 2 : i32
        %xor3A_1216 = vector.broadcast %xor3A_1215 : i32 to vector<16xi32>
        %xor3A_1217 = arith.xori %iota3A, %xor3A_1216 : vector<16xi32>
        %lt3A_1218 = arith.constant 0 : i32
        %lt3A_1219 = vector.broadcast %lt3A_1218 : i32 to vector<16xi32>
        %lt3A_1220 = arith.cmpi slt, %xor3A_1217, %lt3A_1219 : vector<16xi32>
        %add3A_1221 = arith.constant 16 : i32
        %add3A_1222 = vector.broadcast %add3A_1221 : i32 to vector<16xi32>
        %add3A_1223 = arith.addi %xor3A_1217, %add3A_1222 : vector<16xi32>
        %select_n3A_1224 = arith.select %lt3A_1220, %add3A_1223, %xor3A_1217 : vector<16xi1>, vector<16xi32>
        %broadcast_in_dim3A_1225 = vector.shape_cast %select_n3A_1224 : vector<16xi32> to vector<16x1xi32>
        %gather3A_1226 = vector.shape_cast %broadcast_in_dim3A_1225 : vector<16x1xi32> to vector<16xi32>
        %gather3A_1227 = tpu.dynamic_gather %select_n3A_1214[%gather3A_1226] in [0] : vector<16xf32>, vector<16xi32> -> vector<16xf32>
        %and3A_1228 = arith.constant 2 : i32
        %and3A_1229 = vector.broadcast %and3A_1228 : i32 to vector<16xi32>
        %and3A_1230 = arith.andi %iota3A, %and3A_1229 : vector<16xi32>
        %eq3A_1231 = arith.constant 0 : i32
        %eq3A_1232 = vector.broadcast %eq3A_1231 : i32 to vector<16xi32>
        %eq3A_1233 = arith.cmpi eq, %and3A_1230, %eq3A_1232 : vector<16xi32>
        %max3A_1234 = arith.maximumf %select_n3A_1214, %gather3A_1227 : vector<16xf32>
        %min3A_1235 = arith.minimumf %select_n3A_1214, %gather3A_1227 : vector<16xf32>
        %select_n3A_1236 = arith.select %eq3A_1233, %max3A_1234, %min3A_1235 : vector<16xi1>, vector<16xf32>
        %xor3A_1237 = arith.constant 1 : i32
        %xor3A_1238 = vector.broadcast %xor3A_1237 : i32 to vector<16xi32>
        %xor3A_1239 = arith.xori %iota3A, %xor3A_1238 : vector<16xi32>
        %lt3A_1240 = arith.constant 0 : i32
        %lt3A_1241 = vector.broadcast %lt3A_1240 : i32 to vector<16xi32>
        %lt3A_1242 = arith.cmpi slt, %xor3A_1239, %lt3A_1241 : vector<16xi32>
        %add3A_1243 = arith.constant 16 : i32
        %add3A_1244 = vector.broadcast %add3A_1243 : i32 to vector<16xi32>
        %add3A_1245 = arith.addi %xor3A_1239, %add3A_1244 : vector<16xi32>
        %select_n3A_1246 = arith.select %lt3A_1242, %add3A_1245, %xor3A_1239 : vector<16xi1>, vector<16xi32>
        %broadcast_in_dim3A_1247 = vector.shape_cast %select_n3A_1246 : vector<16xi32> to vector<16x1xi32>
        %gather3A_1248 = vector.shape_cast %broadcast_in_dim3A_1247 : vector<16x1xi32> to vector<16xi32>
        %gather3A_1249 = tpu.dynamic_gather %select_n3A_1236[%gather3A_1248] in [0] : vector<16xf32>, vector<16xi32> -> vector<16xf32>
        %and3A_1250 = arith.constant 1 : i32
        %and3A_1251 = vector.broadcast %and3A_1250 : i32 to vector<16xi32>
        %and3A_1252 = arith.andi %iota3A, %and3A_1251 : vector<16xi32>
        %eq3A_1253 = arith.constant 0 : i32
        %eq3A_1254 = vector.broadcast %eq3A_1253 : i32 to vector<16xi32>
        %eq3A_1255 = arith.cmpi eq, %and3A_1252, %eq3A_1254 : vector<16xi32>
        %max3A_1256 = arith.maximumf %select_n3A_1236, %gather3A_1249 : vector<16xf32>
        %min3A_1257 = arith.minimumf %select_n3A_1236, %gather3A_1249 : vector<16xf32>
        %select_n3A_1258 = arith.select %eq3A_1255, %max3A_1256, %min3A_1257 : vector<16xi1>, vector<16xf32>
        %min3A_1259 = arith.minimumf %while3A_1046, %gather3A_1169 : vector<16xf32>
        %xor3A_1260 = arith.constant 8 : i32
        %xor3A_1261 = vector.broadcast %xor3A_1260 : i32 to vector<16xi32>
        %xor3A_1262 = arith.xori %iota3A, %xor3A_1261 : vector<16xi32>
        %lt3A_1263 = arith.constant 0 : i32
        %lt3A_1264 = vector.broadcast %lt3A_1263 : i32 to vector<16xi32>
        %lt3A_1265 = arith.cmpi slt, %xor3A_1262, %lt3A_1264 : vector<16xi32>
        %add3A_1266 = arith.constant 16 : i32
        %add3A_1267 = vector.broadcast %add3A_1266 : i32 to vector<16xi32>
        %add3A_1268 = arith.addi %xor3A_1262, %add3A_1267 : vector<16xi32>
        %select_n3A_1269 = arith.select %lt3A_1265, %add3A_1268, %xor3A_1262 : vector<16xi1>, vector<16xi32>
        %broadcast_in_dim3A_1270 = vector.shape_cast %select_n3A_1269 : vector<16xi32> to vector<16x1xi32>
        %gather3A_1271 = vector.shape_cast %broadcast_in_dim3A_1270 : vector<16x1xi32> to vector<16xi32>
        %gather3A_1272 = tpu.dynamic_gather %min3A_1259[%gather3A_1271] in [0] : vector<16xf32>, vector<16xi32> -> vector<16xf32>
        %and3A_1273 = arith.constant 8 : i32
        %and3A_1274 = vector.broadcast %and3A_1273 : i32 to vector<16xi32>
        %and3A_1275 = arith.andi %iota3A, %and3A_1274 : vector<16xi32>
        %eq3A_1276 = arith.constant 0 : i32
        %eq3A_1277 = vector.broadcast %eq3A_1276 : i32 to vector<16xi32>
        %eq3A_1278 = arith.cmpi eq, %and3A_1275, %eq3A_1277 : vector<16xi32>
        %max3A_1279 = arith.maximumf %min3A_1259, %gather3A_1272 : vector<16xf32>
        %min3A_1280 = arith.minimumf %min3A_1259, %gather3A_1272 : vector<16xf32>
        %select_n3A_1281 = arith.select %eq3A_1278, %max3A_1279, %min3A_1280 : vector<16xi1>, vector<16xf32>
        %xor3A_1282 = arith.constant 4 : i32
        %xor3A_1283 = vector.broadcast %xor3A_1282 : i32 to vector<16xi32>
        %xor3A_1284 = arith.xori %iota3A, %xor3A_1283 : vector<16xi32>
        %lt3A_1285 = arith.constant 0 : i32
        %lt3A_1286 = vector.broadcast %lt3A_1285 : i32 to vector<16xi32>
        %lt3A_1287 = arith.cmpi slt, %xor3A_1284, %lt3A_1286 : vector<16xi32>
        %add3A_1288 = arith.constant 16 : i32
        %add3A_1289 = vector.broadcast %add3A_1288 : i32 to vector<16xi32>
        %add3A_1290 = arith.addi %xor3A_1284, %add3A_1289 : vector<16xi32>
        %select_n3A_1291 = arith.select %lt3A_1287, %add3A_1290, %xor3A_1284 : vector<16xi1>, vector<16xi32>
        %broadcast_in_dim3A_1292 = vector.shape_cast %select_n3A_1291 : vector<16xi32> to vector<16x1xi32>
        %gather3A_1293 = vector.shape_cast %broadcast_in_dim3A_1292 : vector<16x1xi32> to vector<16xi32>
        %gather3A_1294 = tpu.dynamic_gather %select_n3A_1281[%gather3A_1293] in [0] : vector<16xf32>, vector<16xi32> -> vector<16xf32>
        %and3A_1295 = arith.constant 4 : i32
        %and3A_1296 = vector.broadcast %and3A_1295 : i32 to vector<16xi32>
        %and3A_1297 = arith.andi %iota3A, %and3A_1296 : vector<16xi32>
        %eq3A_1298 = arith.constant 0 : i32
        %eq3A_1299 = vector.broadcast %eq3A_1298 : i32 to vector<16xi32>
        %eq3A_1300 = arith.cmpi eq, %and3A_1297, %eq3A_1299 : vector<16xi32>
        %max3A_1301 = arith.maximumf %select_n3A_1281, %gather3A_1294 : vector<16xf32>
        %min3A_1302 = arith.minimumf %select_n3A_1281, %gather3A_1294 : vector<16xf32>
        %select_n3A_1303 = arith.select %eq3A_1300, %max3A_1301, %min3A_1302 : vector<16xi1>, vector<16xf32>
        %xor3A_1304 = arith.constant 2 : i32
        %xor3A_1305 = vector.broadcast %xor3A_1304 : i32 to vector<16xi32>
        %xor3A_1306 = arith.xori %iota3A, %xor3A_1305 : vector<16xi32>
        %lt3A_1307 = arith.constant 0 : i32
        %lt3A_1308 = vector.broadcast %lt3A_1307 : i32 to vector<16xi32>
        %lt3A_1309 = arith.cmpi slt, %xor3A_1306, %lt3A_1308 : vector<16xi32>
        %add3A_1310 = arith.constant 16 : i32
        %add3A_1311 = vector.broadcast %add3A_1310 : i32 to vector<16xi32>
        %add3A_1312 = arith.addi %xor3A_1306, %add3A_1311 : vector<16xi32>
        %select_n3A_1313 = arith.select %lt3A_1309, %add3A_1312, %xor3A_1306 : vector<16xi1>, vector<16xi32>
        %broadcast_in_dim3A_1314 = vector.shape_cast %select_n3A_1313 : vector<16xi32> to vector<16x1xi32>
        %gather3A_1315 = vector.shape_cast %broadcast_in_dim3A_1314 : vector<16x1xi32> to vector<16xi32>
        %gather3A_1316 = tpu.dynamic_gather %select_n3A_1303[%gather3A_1315] in [0] : vector<16xf32>, vector<16xi32> -> vector<16xf32>
        %and3A_1317 = arith.constant 2 : i32
        %and3A_1318 = vector.broadcast %and3A_1317 : i32 to vector<16xi32>
        %and3A_1319 = arith.andi %iota3A, %and3A_1318 : vector<16xi32>
        %eq3A_1320 = arith.constant 0 : i32
        %eq3A_1321 = vector.broadcast %eq3A_1320 : i32 to vector<16xi32>
        %eq3A_1322 = arith.cmpi eq, %and3A_1319, %eq3A_1321 : vector<16xi32>
        %max3A_1323 = arith.maximumf %select_n3A_1303, %gather3A_1316 : vector<16xf32>
        %min3A_1324 = arith.minimumf %select_n3A_1303, %gather3A_1316 : vector<16xf32>
        %select_n3A_1325 = arith.select %eq3A_1322, %max3A_1323, %min3A_1324 : vector<16xi1>, vector<16xf32>
        %xor3A_1326 = arith.constant 1 : i32
        %xor3A_1327 = vector.broadcast %xor3A_1326 : i32 to vector<16xi32>
        %xor3A_1328 = arith.xori %iota3A, %xor3A_1327 : vector<16xi32>
        %lt3A_1329 = arith.constant 0 : i32
        %lt3A_1330 = vector.broadcast %lt3A_1329 : i32 to vector<16xi32>
        %lt3A_1331 = arith.cmpi slt, %xor3A_1328, %lt3A_1330 : vector<16xi32>
        %add3A_1332 = arith.constant 16 : i32
        %add3A_1333 = vector.broadcast %add3A_1332 : i32 to vector<16xi32>
        %add3A_1334 = arith.addi %xor3A_1328, %add3A_1333 : vector<16xi32>
        %select_n3A_1335 = arith.select %lt3A_1331, %add3A_1334, %xor3A_1328 : vector<16xi1>, vector<16xi32>
        %broadcast_in_dim3A_1336 = vector.shape_cast %select_n3A_1335 : vector<16xi32> to vector<16x1xi32>
        %gather3A_1337 = vector.shape_cast %broadcast_in_dim3A_1336 : vector<16x1xi32> to vector<16xi32>
        %gather3A_1338 = tpu.dynamic_gather %select_n3A_1325[%gather3A_1337] in [0] : vector<16xf32>, vector<16xi32> -> vector<16xf32>
        %and3A_1339 = arith.constant 1 : i32
        %and3A_1340 = vector.broadcast %and3A_1339 : i32 to vector<16xi32>
        %and3A_1341 = arith.andi %iota3A, %and3A_1340 : vector<16xi32>
        %eq3A_1342 = arith.constant 0 : i32
        %eq3A_1343 = vector.broadcast %eq3A_1342 : i32 to vector<16xi32>
        %eq3A_1344 = arith.cmpi eq, %and3A_1341, %eq3A_1343 : vector<16xi32>
        %max3A_1345 = arith.maximumf %select_n3A_1325, %gather3A_1338 : vector<16xf32>
        %min3A_1346 = arith.minimumf %select_n3A_1325, %gather3A_1338 : vector<16xf32>
        %select_n3A_1347 = arith.select %eq3A_1344, %max3A_1345, %min3A_1346 : vector<16xi1>, vector<16xf32>
        scf.yield %select_n3A_1258, %select_n3A_1347 : vector<16xf32>, vector<16xf32>
      }
      %add3A_683 = arith.constant 15 : i32
      %add3A_684 = vector.broadcast %add3A_683 : i32 to vector<16xi32>
      %add3A_685 = arith.addi %broadcast_in_dim3A_552, %add3A_684 : vector<16xi32>
      %lt3A_686 = arith.constant 0 : i32
      %lt3A_687 = vector.broadcast %lt3A_686 : i32 to vector<16xi32>
      %lt3A_688 = arith.cmpi slt, %add3A_685, %lt3A_687 : vector<16xi32>
      %add3A_689 = arith.constant 16 : i32
      %add3A_690 = vector.broadcast %add3A_689 : i32 to vector<16xi32>
      %add3A_691 = arith.addi %add3A_685, %add3A_690 : vector<16xi32>
      %select_n3A_692 = arith.select %lt3A_688, %add3A_691, %add3A_685 : vector<16xi1>, vector<16xi32>
      %broadcast_in_dim3A_693 = vector.shape_cast %select_n3A_692 : vector<16xi32> to vector<16x1xi32>
      %gather3A_694 = vector.shape_cast %broadcast_in_dim3A_693 : vector<16x1xi32> to vector<16xi32>
      %gather3A_695 = tpu.dynamic_gather %while3A_682#1[%gather3A_694] in [0] : vector<16xf32>, vector<16xi32> -> vector<16xf32>
      %while3A_696 = arith.constant 0 : i32
      %while3A_697 = arith.constant 0 : i32
      %while3A_698 = arith.subi %min3A_671, %while3A_696 : i32
      %while3A_699 = arith.addi %while3A_696, %while3A_698 : i32
      %while3A_700 = arith.constant 1 : i32
      %while3A_701 = arith.divsi %while3A_698, %while3A_700 : i32
      %while3A_702 = arith.muli %while3A_701, %while3A_700 : i32
      %while3A_703 = arith.addi %while3A_696, %while3A_702 : i32
      %while3A_704 = arith.constant 1 : i32
      %while3A_705 = scf.for %while3A_1045 = %while3A_696 to %while3A_703 step %while3A_704 iter_args(%while3A_1046 = %while3A_697) -> (i32)  : i32 {
        %mul3A_1047 = arith.constant 16 : i32
        %mul3A_1048 = arith.muli %while3A_1045, %mul3A_1047 : i32
        %get3A = arith.index_cast %mul3A_1048 : i32 to index
        %get3A_1049 = tpu.vector_load %arg11[%get3A] {strides = array<i32>} : memref<8208xf32, #tpu.memory_space<vmem>>, vector<16xf32>,
        %mul3A_1050 = arith.constant 16 : i32
        %mul3A_1051 = arith.muli %while3A_1045, %mul3A_1050 : i32
        %get3A_1052 = arith.index_cast %mul3A_1051 : i32 to index
        %get3A_1053 = tpu.vector_load %arg12[%get3A_1052] {strides = array<i32>} : memref<8208xi32, #tpu.memory_space<vmem>>, vector<16xi32>,
        %ge3A = arith.cmpf oge, %get3A_1049, %gather3A_695 : vector<16xf32>
        %all_reduce_population_count3A = tpu.all_reduce %ge3A {dim = 0 : i64, kind = #tpu.reduction_kind<sum>} : vector<16xi1> -> vector<16xi32>
        %min3A_1054 = arith.constant 4080 : i32
        %min3A_1055 = arith.minsi %while3A_1046, %min3A_1054 : i32
        %swap3A_1056 = arith.index_cast %min3A_1055 : i32 to index
        %swap3A_1057 = tpu.vector_load %arg6[%swap3A_1056] masked %ge3A {strides = array<i32>} : memref<4096xf32, #tpu.memory_space<vmem>>, vector<16xf32>, vector<16xi1>
        tpu.vector_store %arg6[%swap3A_1056], %get3A_1049 masked %ge3A {strides = array<i32>} : memref<4096xf32, #tpu.memory_space<vmem>>, vector<16xf32>, vector<16xi1>
        %swap3A_1058 = arith.index_cast %min3A_1055 : i32 to index
        %swap3A_1059 = tpu.vector_load %arg7[%swap3A_1058] masked %ge3A {strides = array<i32>} : memref<4096xi32, #tpu.memory_space<vmem>>, vector<16xi32>, vector<16xi1>
        tpu.vector_store %arg7[%swap3A_1058], %get3A_1053 masked %ge3A {strides = array<i32>} : memref<4096xi32, #tpu.memory_space<vmem>>, vector<16xi32>, vector<16xi1>
        %slice3A_1060 = vector.extract_strided_slice %all_reduce_population_count3A {offsets = [0], sizes = [1], strides = [1]} : vector<16xi32> to vector<1xi32>
        %squeeze3A_1061 = vector.extract %slice3A_1060[0] : i32 from vector<1xi32>
        %add3A_1062 = arith.addi %while3A_1046, %squeeze3A_1061 : i32
        scf.yield %add3A_1062 : i32
      }
      %while3A_706 = arith.constant 1 : i32
      %while3A_707 = scf.for %while3A_1045 = %while3A_703 to %while3A_699 step %while3A_706 iter_args(%while3A_1046 = %while3A_705) -> (i32)  : i32 {
        %mul3A_1047 = arith.constant 16 : i32
        %mul3A_1048 = arith.muli %while3A_1045, %mul3A_1047 : i32
        %get3A = arith.index_cast %mul3A_1048 : i32 to index
        %get3A_1049 = tpu.vector_load %arg11[%get3A] {strides = array<i32>} : memref<8208xf32, #tpu.memory_space<vmem>>, vector<16xf32>,
        %mul3A_1050 = arith.constant 16 : i32
        %mul3A_1051 = arith.muli %while3A_1045, %mul3A_1050 : i32
        %get3A_1052 = arith.index_cast %mul3A_1051 : i32 to index
        %get3A_1053 = tpu.vector_load %arg12[%get3A_1052] {strides = array<i32>} : memref<8208xi32, #tpu.memory_space<vmem>>, vector<16xi32>,
        %ge3A = arith.cmpf oge, %get3A_1049, %gather3A_695 : vector<16xf32>
        %all_reduce_population_count3A = tpu.all_reduce %ge3A {dim = 0 : i64, kind = #tpu.reduction_kind<sum>} : vector<16xi1> -> vector<16xi32>
        %min3A_1054 = arith.constant 4080 : i32
        %min3A_1055 = arith.minsi %while3A_1046, %min3A_1054 : i32
        %swap3A_1056 = arith.index_cast %min3A_1055 : i32 to index
        %swap3A_1057 = tpu.vector_load %arg6[%swap3A_1056] masked %ge3A {strides = array<i32>} : memref<4096xf32, #tpu.memory_space<vmem>>, vector<16xf32>, vector<16xi1>
        tpu.vector_store %arg6[%swap3A_1056], %get3A_1049 masked %ge3A {strides = array<i32>} : memref<4096xf32, #tpu.memory_space<vmem>>, vector<16xf32>, vector<16xi1>
        %swap3A_1058 = arith.index_cast %min3A_1055 : i32 to index
        %swap3A_1059 = tpu.vector_load %arg7[%swap3A_1058] masked %ge3A {strides = array<i32>} : memref<4096xi32, #tpu.memory_space<vmem>>, vector<16xi32>, vector<16xi1>
        tpu.vector_store %arg7[%swap3A_1058], %get3A_1053 masked %ge3A {strides = array<i32>} : memref<4096xi32, #tpu.memory_space<vmem>>, vector<16xi32>, vector<16xi1>
        %slice3A_1060 = vector.extract_strided_slice %all_reduce_population_count3A {offsets = [0], sizes = [1], strides = [1]} : vector<16xi32> to vector<1xi32>
        %squeeze3A_1061 = vector.extract %slice3A_1060[0] : i32 from vector<1xi32>
        %add3A_1062 = arith.addi %while3A_1046, %squeeze3A_1061 : i32
        scf.yield %add3A_1062 : i32
      }
      %eq3A_708 = arith.constant 32 : i32
      %eq3A_709 = arith.cmpi eq, %while3A_707, %eq3A_708 : i32
      %le3A_710 = arith.constant 8192 : i32
      %le3A_711 = arith.cmpi sle, %while3A_659, %le3A_710 : i32
      %and3A_712 = arith.andi %eq3A_709, %le3A_711 : i1
      %convert_element_type3A_713 = arith.extui %and3A_712 : i1 to i32
      %cond3A_714 = arith.constant 0 : i32
      %cond3A_715 = arith.constant 0 : i32
      %cond3A_716 = arith.cmpi ne, %convert_element_type3A_713, %cond3A_715 : i32
      %cond3A_717:4 = scf.if %cond3A_716 -> (vector<16xf32>, vector<16xf32>, vector<16xi32>, vector<16xi32>) {
        %get3A = arith.constant 0 : index
        %get3A_1045 = tpu.vector_load %arg6[%get3A] {strides = array<i32>} : memref<4096xf32, #tpu.memory_space<vmem>>, vector<16xf32>,
        %get3A_1046 = arith.constant 16 : index
        %get3A_1047 = tpu.vector_load %arg6[%get3A_1046] {strides = array<i32>} : memref<4096xf32, #tpu.memory_space<vmem>>, vector<16xf32>,
        %get3A_1048 = arith.constant 0 : index
        %get3A_1049 = tpu.vector_load %arg7[%get3A_1048] {strides = array<i32>} : memref<4096xi32, #tpu.memory_space<vmem>>, vector<16xi32>,
        %get3A_1050 = arith.constant 16 : index
        %get3A_1051 = tpu.vector_load %arg7[%get3A_1050] {strides = array<i32>} : memref<4096xi32, #tpu.memory_space<vmem>>, vector<16xi32>,
        scf.yield %get3A_1045, %get3A_1047, %get3A_1049, %get3A_1051 : vector<16xf32>, vector<16xf32>, vector<16xi32>, vector<16xi32>
      } else {
        %le3A_1045 = arith.constant 8192 : i32
        %le3A_1046 = arith.cmpi sle, %while3A_659, %le3A_1045 : i32
        %convert_element_type3A_1047 = arith.extui %le3A_1046 : i1 to i32
        %cond3A_1048 = arith.constant 0 : i32
        %cond3A_1049 = arith.constant 0 : i32
        %cond3A_1050 = arith.cmpi ne, %convert_element_type3A_1047, %cond3A_1049 : i32
        %cond3A_1051:4 = scf.if %cond3A_1050 -> (vector<16xf32>, vector<16xf32>, vector<16xi32>, vector<16xi32>) {
          %le3A_1052 = arith.constant 128 : i32
          %le3A_1053 = arith.cmpi sle, %while3A_659, %le3A_1052 : i32
          %convert_element_type3A_1054 = arith.extui %le3A_1053 : i1 to i32
          %cond3A_1055 = arith.constant 0 : i32
          %cond3A_1056 = arith.constant 0 : i32
          %cond3A_1057 = arith.cmpi ne, %convert_element_type3A_1054, %cond3A_1056 : i32
          %cond3A_1058:4 = scf.if %cond3A_1057 -> (vector<16xf32>, vector<16xf32>, vector<16xi32>, vector<16xi32>) {
            %scan3A_1059 = arith.constant 0 : i32
            %scan3A_1060 = arith.constant 32 : i32
            %scan3A_1061 = arith.addi %scan3A_1059, %scan3A_1060 : i32
            %scan3A_1062 = arith.constant 1 : i32
            %scan3A_1063:4 = scf.for %scan3A_1065 = %scan3A_1059 to %scan3A_1061 step %scan3A_1062 iter_args(%scan3A_1066 = %broadcast_in_dim3A_554, %scan3A_1067 = %broadcast_in_dim3A_554, %scan3A_1068 = %broadcast_in_dim3A_552, %scan3A_1069 = %broadcast_in_dim3A_552) -> (vector<16xf32>, vector<16xf32>, vector<16xi32>, vector<16xi32>)  : i32 {
              %get3A = arith.constant 0 : index
              %get3A_1070 = tpu.vector_load %arg11[%get3A] {strides = array<i32>} : memref<8208xf32, #tpu.memory_space<vmem>>, vector<16xf32>,
              %get3A_1071 = arith.constant 16 : index
              %get3A_1072 = tpu.vector_load %arg11[%get3A_1071] {strides = array<i32>} : memref<8208xf32, #tpu.memory_space<vmem>>, vector<16xf32>,
              %get3A_1073 = arith.constant 32 : index
              %get3A_1074 = tpu.vector_load %arg11[%get3A_1073] {strides = array<i32>} : memref<8208xf32, #tpu.memory_space<vmem>>, vector<16xf32>,
              %get3A_1075 = arith.constant 48 : index
              %get3A_1076 = tpu.vector_load %arg11[%get3A_1075] {strides = array<i32>} : memref<8208xf32, #tpu.memory_space<vmem>>, vector<16xf32>,
              %get3A_1077 = arith.constant 64 : index
              %get3A_1078 = tpu.vector_load %arg11[%get3A_1077] {strides = array<i32>} : memref<8208xf32, #tpu.memory_space<vmem>>, vector<16xf32>,
              %get3A_1079 = arith.constant 80 : index
              %get3A_1080 = tpu.vector_load %arg11[%get3A_1079] {strides = array<i32>} : memref<8208xf32, #tpu.memory_space<vmem>>, vector<16xf32>,
              %get3A_1081 = arith.constant 96 : index
              %get3A_1082 = tpu.vector_load %arg11[%get3A_1081] {strides = array<i32>} : memref<8208xf32, #tpu.memory_space<vmem>>, vector<16xf32>,
              %get3A_1083 = arith.constant 112 : index
              %get3A_1084 = tpu.vector_load %arg11[%get3A_1083] {strides = array<i32>} : memref<8208xf32, #tpu.memory_space<vmem>>, vector<16xf32>,
              %max3A_1085 = arith.maximumf %get3A_1070, %get3A_1072 : vector<16xf32>
              %max3A_1086 = arith.maximumf %get3A_1074, %get3A_1076 : vector<16xf32>
              %max3A_1087 = arith.maximumf %get3A_1078, %get3A_1080 : vector<16xf32>
              %max3A_1088 = arith.maximumf %get3A_1082, %get3A_1084 : vector<16xf32>
              %max3A_1089 = arith.maximumf %max3A_1085, %max3A_1086 : vector<16xf32>
              %max3A_1090 = arith.maximumf %max3A_1087, %max3A_1088 : vector<16xf32>
              %max3A_1091 = arith.maximumf %max3A_1089, %max3A_1090 : vector<16xf32>
              %xor3A_1092 = arith.constant 8 : i32
              %xor3A_1093 = vector.broadcast %xor3A_1092 : i32 to vector<16xi32>
              %xor3A_1094 = arith.xori %iota3A, %xor3A_1093 : vector<16xi32>
              %lt3A_1095 = arith.constant 0 : i32
              %lt3A_1096 = vector.broadcast %lt3A_1095 : i32 to vector<16xi32>
              %lt3A_1097 = arith.cmpi slt, %xor3A_1094, %lt3A_1096 : vector<16xi32>
              %add3A_1098 = arith.constant 16 : i32
              %add3A_1099 = vector.broadcast %add3A_1098 : i32 to vector<16xi32>
              %add3A_1100 = arith.addi %xor3A_1094, %add3A_1099 : vector<16xi32>
              %select_n3A_1101 = arith.select %lt3A_1097, %add3A_1100, %xor3A_1094 : vector<16xi1>, vector<16xi32>
              %broadcast_in_dim3A_1102 = vector.shape_cast %select_n3A_1101 : vector<16xi32> to vector<16x1xi32>
              %gather3A_1103 = vector.shape_cast %broadcast_in_dim3A_1102 : vector<16x1xi32> to vector<16xi32>
              %gather3A_1104 = tpu.dynamic_gather %max3A_1091[%gather3A_1103] in [0] : vector<16xf32>, vector<16xi32> -> vector<16xf32>
              %max3A_1105 = arith.maximumf %max3A_1091, %gather3A_1104 : vector<16xf32>
              %xor3A_1106 = arith.constant 4 : i32
              %xor3A_1107 = vector.broadcast %xor3A_1106 : i32 to vector<16xi32>
              %xor3A_1108 = arith.xori %iota3A, %xor3A_1107 : vector<16xi32>
              %lt3A_1109 = arith.constant 0 : i32
              %lt3A_1110 = vector.broadcast %lt3A_1109 : i32 to vector<16xi32>
              %lt3A_1111 = arith.cmpi slt, %xor3A_1108, %lt3A_1110 : vector<16xi32>
              %add3A_1112 = arith.constant 16 : i32
              %add3A_1113 = vector.broadcast %add3A_1112 : i32 to vector<16xi32>
              %add3A_1114 = arith.addi %xor3A_1108, %add3A_1113 : vector<16xi32>
              %select_n3A_1115 = arith.select %lt3A_1111, %add3A_1114, %xor3A_1108 : vector<16xi1>, vector<16xi32>
              %broadcast_in_dim3A_1116 = vector.shape_cast %select_n3A_1115 : vector<16xi32> to vector<16x1xi32>
              %gather3A_1117 = vector.shape_cast %broadcast_in_dim3A_1116 : vector<16x1xi32> to vector<16xi32>
              %gather3A_1118 = tpu.dynamic_gather %max3A_1105[%gather3A_1117] in [0] : vector<16xf32>, vector<16xi32> -> vector<16xf32>
              %max3A_1119 = arith.maximumf %max3A_1105, %gather3A_1118 : vector<16xf32>
              %xor3A_1120 = arith.constant 2 : i32
              %xor3A_1121 = vector.broadcast %xor3A_1120 : i32 to vector<16xi32>
              %xor3A_1122 = arith.xori %iota3A, %xor3A_1121 : vector<16xi32>
              %lt3A_1123 = arith.constant 0 : i32
              %lt3A_1124 = vector.broadcast %lt3A_1123 : i32 to vector<16xi32>
              %lt3A_1125 = arith.cmpi slt, %xor3A_1122, %lt3A_1124 : vector<16xi32>
              %add3A_1126 = arith.constant 16 : i32
              %add3A_1127 = vector.broadcast %add3A_1126 : i32 to vector<16xi32>
              %add3A_1128 = arith.addi %xor3A_1122, %add3A_1127 : vector<16xi32>
              %select_n3A_1129 = arith.select %lt3A_1125, %add3A_1128, %xor3A_1122 : vector<16xi1>, vector<16xi32>
              %broadcast_in_dim3A_1130 = vector.shape_cast %select_n3A_1129 : vector<16xi32> to vector<16x1xi32>
              %gather3A_1131 = vector.shape_cast %broadcast_in_dim3A_1130 : vector<16x1xi32> to vector<16xi32>
              %gather3A_1132 = tpu.dynamic_gather %max3A_1119[%gather3A_1131] in [0] : vector<16xf32>, vector<16xi32> -> vector<16xf32>
              %max3A_1133 = arith.maximumf %max3A_1119, %gather3A_1132 : vector<16xf32>
              %xor3A_1134 = arith.constant 1 : i32
              %xor3A_1135 = vector.broadcast %xor3A_1134 : i32 to vector<16xi32>
              %xor3A_1136 = arith.xori %iota3A, %xor3A_1135 : vector<16xi32>
              %lt3A_1137 = arith.constant 0 : i32
              %lt3A_1138 = vector.broadcast %lt3A_1137 : i32 to vector<16xi32>
              %lt3A_1139 = arith.cmpi slt, %xor3A_1136, %lt3A_1138 : vector<16xi32>
              %add3A_1140 = arith.constant 16 : i32
              %add3A_1141 = vector.broadcast %add3A_1140 : i32 to vector<16xi32>
              %add3A_1142 = arith.addi %xor3A_1136, %add3A_1141 : vector<16xi32>
              %select_n3A_1143 = arith.select %lt3A_1139, %add3A_1142, %xor3A_1136 : vector<16xi1>, vector<16xi32>
              %broadcast_in_dim3A_1144 = vector.shape_cast %select_n3A_1143 : vector<16xi32> to vector<16x1xi32>
              %gather3A_1145 = vector.shape_cast %broadcast_in_dim3A_1144 : vector<16x1xi32> to vector<16xi32>
              %gather3A_1146 = tpu.dynamic_gather %max3A_1133[%gather3A_1145] in [0] : vector<16xf32>, vector<16xi32> -> vector<16xf32>
              %max3A_1147 = arith.maximumf %max3A_1133, %gather3A_1146 : vector<16xf32>
              %get3A_1148 = arith.constant 0 : index
              %get3A_1149 = tpu.vector_load %arg12[%get3A_1148] {strides = array<i32>} : memref<8208xi32, #tpu.memory_space<vmem>>, vector<16xi32>,
              %eq3A_1150 = arith.cmpf oeq, %get3A_1070, %max3A_1147 : vector<16xf32>
              %select_n3A_1151 = arith.select %eq3A_1150, %get3A_1149, %broadcast_in_dim3A_550 : vector<16xi1>, vector<16xi32>
              %get3A_1152 = arith.constant 16 : index
              %get3A_1153 = tpu.vector_load %arg12[%get3A_1152] {strides = array<i32>} : memref<8208xi32, #tpu.memory_space<vmem>>, vector<16xi32>,
              %eq3A_1154 = arith.cmpf oeq, %get3A_1072, %max3A_1147 : vector<16xf32>
              %select_n3A_1155 = arith.select %eq3A_1154, %get3A_1153, %broadcast_in_dim3A_550 : vector<16xi1>, vector<16xi32>
              %get3A_1156 = arith.constant 32 : index
              %get3A_1157 = tpu.vector_load %arg12[%get3A_1156] {strides = array<i32>} : memref<8208xi32, #tpu.memory_space<vmem>>, vector<16xi32>,
              %eq3A_1158 = arith.cmpf oeq, %get3A_1074, %max3A_1147 : vector<16xf32>
              %select_n3A_1159 = arith.select %eq3A_1158, %get3A_1157, %broadcast_in_dim3A_550 : vector<16xi1>, vector<16xi32>
              %get3A_1160 = arith.constant 48 : index
              %get3A_1161 = tpu.vector_load %arg12[%get3A_1160] {strides = array<i32>} : memref<8208xi32, #tpu.memory_space<vmem>>, vector<16xi32>,
              %eq3A_1162 = arith.cmpf oeq, %get3A_1076, %max3A_1147 : vector<16xf32>
              %select_n3A_1163 = arith.select %eq3A_1162, %get3A_1161, %broadcast_in_dim3A_550 : vector<16xi1>, vector<16xi32>
              %get3A_1164 = arith.constant 64 : index
              %get3A_1165 = tpu.vector_load %arg12[%get3A_1164] {strides = array<i32>} : memref<8208xi32, #tpu.memory_space<vmem>>, vector<16xi32>,
              %eq3A_1166 = arith.cmpf oeq, %get3A_1078, %max3A_1147 : vector<16xf32>
              %select_n3A_1167 = arith.select %eq3A_1166, %get3A_1165, %broadcast_in_dim3A_550 : vector<16xi1>, vector<16xi32>
              %get3A_1168 = arith.constant 80 : index
              %get3A_1169 = tpu.vector_load %arg12[%get3A_1168] {strides = array<i32>} : memref<8208xi32, #tpu.memory_space<vmem>>, vector<16xi32>,
              %eq3A_1170 = arith.cmpf oeq, %get3A_1080, %max3A_1147 : vector<16xf32>
              %select_n3A_1171 = arith.select %eq3A_1170, %get3A_1169, %broadcast_in_dim3A_550 : vector<16xi1>, vector<16xi32>
              %get3A_1172 = arith.constant 96 : index
              %get3A_1173 = tpu.vector_load %arg12[%get3A_1172] {strides = array<i32>} : memref<8208xi32, #tpu.memory_space<vmem>>, vector<16xi32>,
              %eq3A_1174 = arith.cmpf oeq, %get3A_1082, %max3A_1147 : vector<16xf32>
              %select_n3A_1175 = arith.select %eq3A_1174, %get3A_1173, %broadcast_in_dim3A_550 : vector<16xi1>, vector<16xi32>
              %get3A_1176 = arith.constant 112 : index
              %get3A_1177 = tpu.vector_load %arg12[%get3A_1176] {strides = array<i32>} : memref<8208xi32, #tpu.memory_space<vmem>>, vector<16xi32>,
              %eq3A_1178 = arith.cmpf oeq, %get3A_1084, %max3A_1147 : vector<16xf32>
              %select_n3A_1179 = arith.select %eq3A_1178, %get3A_1177, %broadcast_in_dim3A_550 : vector<16xi1>, vector<16xi32>
              %min3A_1180 = arith.minsi %select_n3A_1151, %select_n3A_1155 : vector<16xi32>
              %min3A_1181 = arith.minsi %select_n3A_1159, %select_n3A_1163 : vector<16xi32>
              %min3A_1182 = arith.minsi %select_n3A_1167, %select_n3A_1171 : vector<16xi32>
              %min3A_1183 = arith.minsi %select_n3A_1175, %select_n3A_1179 : vector<16xi32>
              %min3A_1184 = arith.minsi %min3A_1180, %min3A_1181 : vector<16xi32>
              %min3A_1185 = arith.minsi %min3A_1182, %min3A_1183 : vector<16xi32>
              %min3A_1186 = arith.minsi %min3A_1184, %min3A_1185 : vector<16xi32>
              %xor3A_1187 = arith.constant 8 : i32
              %xor3A_1188 = vector.broadcast %xor3A_1187 : i32 to vector<16xi32>
              %xor3A_1189 = arith.xori %iota3A, %xor3A_1188 : vector<16xi32>
              %lt3A_1190 = arith.constant 0 : i32
              %lt3A_1191 = vector.broadcast %lt3A_1190 : i32 to vector<16xi32>
              %lt3A_1192 = arith.cmpi slt, %xor3A_1189, %lt3A_1191 : vector<16xi32>
              %add3A_1193 = arith.constant 16 : i32
              %add3A_1194 = vector.broadcast %add3A_1193 : i32 to vector<16xi32>
              %add3A_1195 = arith.addi %xor3A_1189, %add3A_1194 : vector<16xi32>
              %select_n3A_1196 = arith.select %lt3A_1192, %add3A_1195, %xor3A_1189 : vector<16xi1>, vector<16xi32>
              %broadcast_in_dim3A_1197 = vector.shape_cast %select_n3A_1196 : vector<16xi32> to vector<16x1xi32>
              %gather3A_1198 = vector.shape_cast %broadcast_in_dim3A_1197 : vector<16x1xi32> to vector<16xi32>
              %gather3A_1199 = tpu.dynamic_gather %min3A_1186[%gather3A_1198] in [0] : vector<16xi32>, vector<16xi32> -> vector<16xi32>
              %min3A_1200 = arith.minsi %min3A_1186, %gather3A_1199 : vector<16xi32>
              %xor3A_1201 = arith.constant 4 : i32
              %xor3A_1202 = vector.broadcast %xor3A_1201 : i32 to vector<16xi32>
              %xor3A_1203 = arith.xori %iota3A, %xor3A_1202 : vector<16xi32>
              %lt3A_1204 = arith.constant 0 : i32
              %lt3A_1205 = vector.broadcast %lt3A_1204 : i32 to vector<16xi32>
              %lt3A_1206 = arith.cmpi slt, %xor3A_1203, %lt3A_1205 : vector<16xi32>
              %add3A_1207 = arith.constant 16 : i32
              %add3A_1208 = vector.broadcast %add3A_1207 : i32 to vector<16xi32>
              %add3A_1209 = arith.addi %xor3A_1203, %add3A_1208 : vector<16xi32>
              %select_n3A_1210 = arith.select %lt3A_1206, %add3A_1209, %xor3A_1203 : vector<16xi1>, vector<16xi32>
              %broadcast_in_dim3A_1211 = vector.shape_cast %select_n3A_1210 : vector<16xi32> to vector<16x1xi32>
              %gather3A_1212 = vector.shape_cast %broadcast_in_dim3A_1211 : vector<16x1xi32> to vector<16xi32>
              %gather3A_1213 = tpu.dynamic_gather %min3A_1200[%gather3A_1212] in [0] : vector<16xi32>, vector<16xi32> -> vector<16xi32>
              %min3A_1214 = arith.minsi %min3A_1200, %gather3A_1213 : vector<16xi32>
              %xor3A_1215 = arith.constant 2 : i32
              %xor3A_1216 = vector.broadcast %xor3A_1215 : i32 to vector<16xi32>
              %xor3A_1217 = arith.xori %iota3A, %xor3A_1216 : vector<16xi32>
              %lt3A_1218 = arith.constant 0 : i32
              %lt3A_1219 = vector.broadcast %lt3A_1218 : i32 to vector<16xi32>
              %lt3A_1220 = arith.cmpi slt, %xor3A_1217, %lt3A_1219 : vector<16xi32>
              %add3A_1221 = arith.constant 16 : i32
              %add3A_1222 = vector.broadcast %add3A_1221 : i32 to vector<16xi32>
              %add3A_1223 = arith.addi %xor3A_1217, %add3A_1222 : vector<16xi32>
              %select_n3A_1224 = arith.select %lt3A_1220, %add3A_1223, %xor3A_1217 : vector<16xi1>, vector<16xi32>
              %broadcast_in_dim3A_1225 = vector.shape_cast %select_n3A_1224 : vector<16xi32> to vector<16x1xi32>
              %gather3A_1226 = vector.shape_cast %broadcast_in_dim3A_1225 : vector<16x1xi32> to vector<16xi32>
              %gather3A_1227 = tpu.dynamic_gather %min3A_1214[%gather3A_1226] in [0] : vector<16xi32>, vector<16xi32> -> vector<16xi32>
              %min3A_1228 = arith.minsi %min3A_1214, %gather3A_1227 : vector<16xi32>
              %xor3A_1229 = arith.constant 1 : i32
              %xor3A_1230 = vector.broadcast %xor3A_1229 : i32 to vector<16xi32>
              %xor3A_1231 = arith.xori %iota3A, %xor3A_1230 : vector<16xi32>
              %lt3A_1232 = arith.constant 0 : i32
              %lt3A_1233 = vector.broadcast %lt3A_1232 : i32 to vector<16xi32>
              %lt3A_1234 = arith.cmpi slt, %xor3A_1231, %lt3A_1233 : vector<16xi32>
              %add3A_1235 = arith.constant 16 : i32
              %add3A_1236 = vector.broadcast %add3A_1235 : i32 to vector<16xi32>
              %add3A_1237 = arith.addi %xor3A_1231, %add3A_1236 : vector<16xi32>
              %select_n3A_1238 = arith.select %lt3A_1234, %add3A_1237, %xor3A_1231 : vector<16xi1>, vector<16xi32>
              %broadcast_in_dim3A_1239 = vector.shape_cast %select_n3A_1238 : vector<16xi32> to vector<16x1xi32>
              %gather3A_1240 = vector.shape_cast %broadcast_in_dim3A_1239 : vector<16x1xi32> to vector<16xi32>
              %gather3A_1241 = tpu.dynamic_gather %min3A_1228[%gather3A_1240] in [0] : vector<16xi32>, vector<16xi32> -> vector<16xi32>
              %min3A_1242 = arith.minsi %min3A_1228, %gather3A_1241 : vector<16xi32>
              %eq3A_1243 = arith.cmpi eq, %select_n3A_1151, %min3A_1242 : vector<16xi32>
              %add3A_1244 = arith.constant 0 : i32
              %add3A_1245 = vector.broadcast %add3A_1244 : i32 to vector<16xi32>
              %add3A_1246 = arith.addi %add3A_1245, %iota3A : vector<16xi32>
              %select_n3A_1247 = arith.select %eq3A_1243, %add3A_1246, %broadcast_in_dim3A_550 : vector<16xi1>, vector<16xi32>
              %eq3A_1248 = arith.cmpi eq, %select_n3A_1155, %min3A_1242 : vector<16xi32>
              %add3A_1249 = arith.constant 16 : i32
              %add3A_1250 = vector.broadcast %add3A_1249 : i32 to vector<16xi32>
              %add3A_1251 = arith.addi %add3A_1250, %iota3A : vector<16xi32>
              %select_n3A_1252 = arith.select %eq3A_1248, %add3A_1251, %broadcast_in_dim3A_550 : vector<16xi1>, vector<16xi32>
              %eq3A_1253 = arith.cmpi eq, %select_n3A_1159, %min3A_1242 : vector<16xi32>
              %add3A_1254 = arith.constant 32 : i32
              %add3A_1255 = vector.broadcast %add3A_1254 : i32 to vector<16xi32>
              %add3A_1256 = arith.addi %add3A_1255, %iota3A : vector<16xi32>
              %select_n3A_1257 = arith.select %eq3A_1253, %add3A_1256, %broadcast_in_dim3A_550 : vector<16xi1>, vector<16xi32>
              %eq3A_1258 = arith.cmpi eq, %select_n3A_1163, %min3A_1242 : vector<16xi32>
              %add3A_1259 = arith.constant 48 : i32
              %add3A_1260 = vector.broadcast %add3A_1259 : i32 to vector<16xi32>
              %add3A_1261 = arith.addi %add3A_1260, %iota3A : vector<16xi32>
              %select_n3A_1262 = arith.select %eq3A_1258, %add3A_1261, %broadcast_in_dim3A_550 : vector<16xi1>, vector<16xi32>
              %eq3A_1263 = arith.cmpi eq, %select_n3A_1167, %min3A_1242 : vector<16xi32>
              %add3A_1264 = arith.constant 64 : i32
              %add3A_1265 = vector.broadcast %add3A_1264 : i32 to vector<16xi32>
              %add3A_1266 = arith.addi %add3A_1265, %iota3A : vector<16xi32>
              %select_n3A_1267 = arith.select %eq3A_1263, %add3A_1266, %broadcast_in_dim3A_550 : vector<16xi1>, vector<16xi32>
              %eq3A_1268 = arith.cmpi eq, %select_n3A_1171, %min3A_1242 : vector<16xi32>
              %add3A_1269 = arith.constant 80 : i32
              %add3A_1270 = vector.broadcast %add3A_1269 : i32 to vector<16xi32>
              %add3A_1271 = arith.addi %add3A_1270, %iota3A : vector<16xi32>
              %select_n3A_1272 = arith.select %eq3A_1268, %add3A_1271, %broadcast_in_dim3A_550 : vector<16xi1>, vector<16xi32>
              %eq3A_1273 = arith.cmpi eq, %select_n3A_1175, %min3A_1242 : vector<16xi32>
              %add3A_1274 = arith.constant 96 : i32
              %add3A_1275 = vector.broadcast %add3A_1274 : i32 to vector<16xi32>
              %add3A_1276 = arith.addi %add3A_1275, %iota3A : vector<16xi32>
              %select_n3A_1277 = arith.select %eq3A_1273, %add3A_1276, %broadcast_in_dim3A_550 : vector<16xi1>, vector<16xi32>
              %eq3A_1278 = arith.cmpi eq, %select_n3A_1179, %min3A_1242 : vector<16xi32>
              %add3A_1279 = arith.constant 112 : i32
              %add3A_1280 = vector.broadcast %add3A_1279 : i32 to vector<16xi32>
              %add3A_1281 = arith.addi %add3A_1280, %iota3A : vector<16xi32>
              %select_n3A_1282 = arith.select %eq3A_1278, %add3A_1281, %broadcast_in_dim3A_550 : vector<16xi1>, vector<16xi32>
              %min3A_1283 = arith.minsi %select_n3A_1247, %select_n3A_1252 : vector<16xi32>
              %min3A_1284 = arith.minsi %select_n3A_1257, %select_n3A_1262 : vector<16xi32>
              %min3A_1285 = arith.minsi %select_n3A_1267, %select_n3A_1272 : vector<16xi32>
              %min3A_1286 = arith.minsi %select_n3A_1277, %select_n3A_1282 : vector<16xi32>
              %min3A_1287 = arith.minsi %min3A_1283, %min3A_1284 : vector<16xi32>
              %min3A_1288 = arith.minsi %min3A_1285, %min3A_1286 : vector<16xi32>
              %min3A_1289 = arith.minsi %min3A_1287, %min3A_1288 : vector<16xi32>
              %xor3A_1290 = arith.constant 8 : i32
              %xor3A_1291 = vector.broadcast %xor3A_1290 : i32 to vector<16xi32>
              %xor3A_1292 = arith.xori %iota3A, %xor3A_1291 : vector<16xi32>
              %lt3A_1293 = arith.constant 0 : i32
              %lt3A_1294 = vector.broadcast %lt3A_1293 : i32 to vector<16xi32>
              %lt3A_1295 = arith.cmpi slt, %xor3A_1292, %lt3A_1294 : vector<16xi32>
              %add3A_1296 = arith.constant 16 : i32
              %add3A_1297 = vector.broadcast %add3A_1296 : i32 to vector<16xi32>
              %add3A_1298 = arith.addi %xor3A_1292, %add3A_1297 : vector<16xi32>
              %select_n3A_1299 = arith.select %lt3A_1295, %add3A_1298, %xor3A_1292 : vector<16xi1>, vector<16xi32>
              %broadcast_in_dim3A_1300 = vector.shape_cast %select_n3A_1299 : vector<16xi32> to vector<16x1xi32>
              %gather3A_1301 = vector.shape_cast %broadcast_in_dim3A_1300 : vector<16x1xi32> to vector<16xi32>
              %gather3A_1302 = tpu.dynamic_gather %min3A_1289[%gather3A_1301] in [0] : vector<16xi32>, vector<16xi32> -> vector<16xi32>
              %min3A_1303 = arith.minsi %min3A_1289, %gather3A_1302 : vector<16xi32>
              %xor3A_1304 = arith.constant 4 : i32
              %xor3A_1305 = vector.broadcast %xor3A_1304 : i32 to vector<16xi32>
              %xor3A_1306 = arith.xori %iota3A, %xor3A_1305 : vector<16xi32>
              %lt3A_1307 = arith.constant 0 : i32
              %lt3A_1308 = vector.broadcast %lt3A_1307 : i32 to vector<16xi32>
              %lt3A_1309 = arith.cmpi slt, %xor3A_1306, %lt3A_1308 : vector<16xi32>
              %add3A_1310 = arith.constant 16 : i32
              %add3A_1311 = vector.broadcast %add3A_1310 : i32 to vector<16xi32>
              %add3A_1312 = arith.addi %xor3A_1306, %add3A_1311 : vector<16xi32>
              %select_n3A_1313 = arith.select %lt3A_1309, %add3A_1312, %xor3A_1306 : vector<16xi1>, vector<16xi32>
              %broadcast_in_dim3A_1314 = vector.shape_cast %select_n3A_1313 : vector<16xi32> to vector<16x1xi32>
              %gather3A_1315 = vector.shape_cast %broadcast_in_dim3A_1314 : vector<16x1xi32> to vector<16xi32>
              %gather3A_1316 = tpu.dynamic_gather %min3A_1303[%gather3A_1315] in [0] : vector<16xi32>, vector<16xi32> -> vector<16xi32>
              %min3A_1317 = arith.minsi %min3A_1303, %gather3A_1316 : vector<16xi32>
              %xor3A_1318 = arith.constant 2 : i32
              %xor3A_1319 = vector.broadcast %xor3A_1318 : i32 to vector<16xi32>
              %xor3A_1320 = arith.xori %iota3A, %xor3A_1319 : vector<16xi32>
              %lt3A_1321 = arith.constant 0 : i32
              %lt3A_1322 = vector.broadcast %lt3A_1321 : i32 to vector<16xi32>
              %lt3A_1323 = arith.cmpi slt, %xor3A_1320, %lt3A_1322 : vector<16xi32>
              %add3A_1324 = arith.constant 16 : i32
              %add3A_1325 = vector.broadcast %add3A_1324 : i32 to vector<16xi32>
              %add3A_1326 = arith.addi %xor3A_1320, %add3A_1325 : vector<16xi32>
              %select_n3A_1327 = arith.select %lt3A_1323, %add3A_1326, %xor3A_1320 : vector<16xi1>, vector<16xi32>
              %broadcast_in_dim3A_1328 = vector.shape_cast %select_n3A_1327 : vector<16xi32> to vector<16x1xi32>
              %gather3A_1329 = vector.shape_cast %broadcast_in_dim3A_1328 : vector<16x1xi32> to vector<16xi32>
              %gather3A_1330 = tpu.dynamic_gather %min3A_1317[%gather3A_1329] in [0] : vector<16xi32>, vector<16xi32> -> vector<16xi32>
              %min3A_1331 = arith.minsi %min3A_1317, %gather3A_1330 : vector<16xi32>
              %xor3A_1332 = arith.constant 1 : i32
              %xor3A_1333 = vector.broadcast %xor3A_1332 : i32 to vector<16xi32>
              %xor3A_1334 = arith.xori %iota3A, %xor3A_1333 : vector<16xi32>
              %lt3A_1335 = arith.constant 0 : i32
              %lt3A_1336 = vector.broadcast %lt3A_1335 : i32 to vector<16xi32>
              %lt3A_1337 = arith.cmpi slt, %xor3A_1334, %lt3A_1336 : vector<16xi32>
              %add3A_1338 = arith.constant 16 : i32
              %add3A_1339 = vector.broadcast %add3A_1338 : i32 to vector<16xi32>
              %add3A_1340 = arith.addi %xor3A_1334, %add3A_1339 : vector<16xi32>
              %select_n3A_1341 = arith.select %lt3A_1337, %add3A_1340, %xor3A_1334 : vector<16xi1>, vector<16xi32>
              %broadcast_in_dim3A_1342 = vector.shape_cast %select_n3A_1341 : vector<16xi32> to vector<16x1xi32>
              %gather3A_1343 = vector.shape_cast %broadcast_in_dim3A_1342 : vector<16x1xi32> to vector<16xi32>
              %gather3A_1344 = tpu.dynamic_gather %min3A_1331[%gather3A_1343] in [0] : vector<16xi32>, vector<16xi32> -> vector<16xi32>
              %min3A_1345 = arith.minsi %min3A_1331, %gather3A_1344 : vector<16xi32>
              tpu.vector_store_idx %arg11[%min3A_1345], %broadcast_in_dim3A_548 masked %eq3A_2 : memref<8208xf32, #tpu.memory_space<vmem>>[vector<16xi32>], vector<16xf32>, vector<16xi1>
              %eq3A_1346 = vector.broadcast %scan3A_1065 : i32 to vector<16xi32>
              %eq3A_1347 = arith.cmpi eq, %iota3A, %eq3A_1346 : vector<16xi32>
              %select_n3A_1348 = arith.select %eq3A_1347, %max3A_1147, %scan3A_1066 : vector<16xi1>, vector<16xf32>
              %sub3A_1349 = arith.constant 16 : i32
              %sub3A_1350 = arith.subi %scan3A_1065, %sub3A_1349 : i32
              %eq3A_1351 = vector.broadcast %sub3A_1350 : i32 to vector<16xi32>
              %eq3A_1352 = arith.cmpi eq, %iota3A, %eq3A_1351 : vector<16xi32>
              %select_n3A_1353 = arith.select %eq3A_1352, %max3A_1147, %scan3A_1067 : vector<16xi1>, vector<16xf32>
              %eq3A_1354 = vector.broadcast %scan3A_1065 : i32 to vector<16xi32>
              %eq3A_1355 = arith.cmpi eq, %iota3A, %eq3A_1354 : vector<16xi32>
              %select_n3A_1356 = arith.select %eq3A_1355, %min3A_1242, %scan3A_1068 : vector<16xi1>, vector<16xi32>
              %sub3A_1357 = arith.constant 16 : i32
              %sub3A_1358 = arith.subi %scan3A_1065, %sub3A_1357 : i32
              %eq3A_1359 = vector.broadcast %sub3A_1358 : i32 to vector<16xi32>
              %eq3A_1360 = arith.cmpi eq, %iota3A, %eq3A_1359 : vector<16xi32>
              %select_n3A_1361 = arith.select %eq3A_1360, %min3A_1242, %scan3A_1069 : vector<16xi1>, vector<16xi32>
              scf.yield %select_n3A_1348, %select_n3A_1353, %select_n3A_1356, %select_n3A_1361 : vector<16xf32>, vector<16xf32>, vector<16xi32>, vector<16xi32>
            }
            %scan3A_1064 = arith.constant 32 : i32
            scf.yield %scan3A_1063#0, %scan3A_1063#1, %scan3A_1063#2, %scan3A_1063#3 : vector<16xf32>, vector<16xf32>, vector<16xi32>, vector<16xi32>
          } else {
            %scan3A_1059 = arith.constant 0 : i32
            %scan3A_1060 = arith.constant 32 : i32
            %scan3A_1061 = arith.addi %scan3A_1059, %scan3A_1060 : i32
            %scan3A_1062 = arith.constant 1 : i32
            %scan3A_1063:4 = scf.for %scan3A_1065 = %scan3A_1059 to %scan3A_1061 step %scan3A_1062 iter_args(%scan3A_1066 = %broadcast_in_dim3A_554, %scan3A_1067 = %broadcast_in_dim3A_554, %scan3A_1068 = %broadcast_in_dim3A_552, %scan3A_1069 = %broadcast_in_dim3A_552) -> (vector<16xf32>, vector<16xf32>, vector<16xi32>, vector<16xi32>)  : i32 {
              %while3A_1070 = arith.constant 0 : i32
              %while3A_1071 = arith.subi %shift_right_logical3A_669, %while3A_1070 : i32
              %while3A_1072 = arith.addi %while3A_1070, %while3A_1071 : i32
              %while3A_1073 = arith.constant 1 : i32
              %while3A_1074 = arith.divsi %while3A_1071, %while3A_1073 : i32
              %while3A_1075 = arith.muli %while3A_1074, %while3A_1073 : i32
              %while3A_1076 = arith.addi %while3A_1070, %while3A_1075 : i32
              %while3A_1077 = arith.constant 1 : i32
              %while3A_1078 = scf.for %while3A_1287 = %while3A_1070 to %while3A_1076 step %while3A_1077 iter_args(%while3A_1288 = %broadcast_in_dim3A_548) -> (vector<16xf32>)  : i32 {
                %mul3A_1289 = arith.constant 16 : i32
                %mul3A_1290 = arith.muli %while3A_1287, %mul3A_1289 : i32
                %get3A = arith.index_cast %mul3A_1290 : i32 to index
                %get3A_1291 = tpu.vector_load %arg11[%get3A] {strides = array<i32>} : memref<8208xf32, #tpu.memory_space<vmem>>, vector<16xf32>,
                %max3A_1292 = arith.maximumf %while3A_1288, %get3A_1291 : vector<16xf32>
                scf.yield %max3A_1292 : vector<16xf32>
              }
              %while3A_1079 = arith.constant 1 : i32
              %while3A_1080 = scf.for %while3A_1287 = %while3A_1076 to %while3A_1072 step %while3A_1079 iter_args(%while3A_1288 = %while3A_1078) -> (vector<16xf32>)  : i32 {
                %mul3A_1289 = arith.constant 16 : i32
                %mul3A_1290 = arith.muli %while3A_1287, %mul3A_1289 : i32
                %get3A = arith.index_cast %mul3A_1290 : i32 to index
                %get3A_1291 = tpu.vector_load %arg11[%get3A] {strides = array<i32>} : memref<8208xf32, #tpu.memory_space<vmem>>, vector<16xf32>,
                %max3A_1292 = arith.maximumf %while3A_1288, %get3A_1291 : vector<16xf32>
                scf.yield %max3A_1292 : vector<16xf32>
              }
              %xor3A_1081 = arith.constant 8 : i32
              %xor3A_1082 = vector.broadcast %xor3A_1081 : i32 to vector<16xi32>
              %xor3A_1083 = arith.xori %iota3A, %xor3A_1082 : vector<16xi32>
              %lt3A_1084 = arith.constant 0 : i32
              %lt3A_1085 = vector.broadcast %lt3A_1084 : i32 to vector<16xi32>
              %lt3A_1086 = arith.cmpi slt, %xor3A_1083, %lt3A_1085 : vector<16xi32>
              %add3A_1087 = arith.constant 16 : i32
              %add3A_1088 = vector.broadcast %add3A_1087 : i32 to vector<16xi32>
              %add3A_1089 = arith.addi %xor3A_1083, %add3A_1088 : vector<16xi32>
              %select_n3A_1090 = arith.select %lt3A_1086, %add3A_1089, %xor3A_1083 : vector<16xi1>, vector<16xi32>
              %broadcast_in_dim3A_1091 = vector.shape_cast %select_n3A_1090 : vector<16xi32> to vector<16x1xi32>
              %gather3A_1092 = vector.shape_cast %broadcast_in_dim3A_1091 : vector<16x1xi32> to vector<16xi32>
              %gather3A_1093 = tpu.dynamic_gather %while3A_1080[%gather3A_1092] in [0] : vector<16xf32>, vector<16xi32> -> vector<16xf32>
              %max3A_1094 = arith.maximumf %while3A_1080, %gather3A_1093 : vector<16xf32>
              %xor3A_1095 = arith.constant 4 : i32
              %xor3A_1096 = vector.broadcast %xor3A_1095 : i32 to vector<16xi32>
              %xor3A_1097 = arith.xori %iota3A, %xor3A_1096 : vector<16xi32>
              %lt3A_1098 = arith.constant 0 : i32
              %lt3A_1099 = vector.broadcast %lt3A_1098 : i32 to vector<16xi32>
              %lt3A_1100 = arith.cmpi slt, %xor3A_1097, %lt3A_1099 : vector<16xi32>
              %add3A_1101 = arith.constant 16 : i32
              %add3A_1102 = vector.broadcast %add3A_1101 : i32 to vector<16xi32>
              %add3A_1103 = arith.addi %xor3A_1097, %add3A_1102 : vector<16xi32>
              %select_n3A_1104 = arith.select %lt3A_1100, %add3A_1103, %xor3A_1097 : vector<16xi1>, vector<16xi32>
              %broadcast_in_dim3A_1105 = vector.shape_cast %select_n3A_1104 : vector<16xi32> to vector<16x1xi32>
              %gather3A_1106 = vector.shape_cast %broadcast_in_dim3A_1105 : vector<16x1xi32> to vector<16xi32>
              %gather3A_1107 = tpu.dynamic_gather %max3A_1094[%gather3A_1106] in [0] : vector<16xf32>, vector<16xi32> -> vector<16xf32>
              %max3A_1108 = arith.maximumf %max3A_1094, %gather3A_1107 : vector<16xf32>
              %xor3A_1109 = arith.constant 2 : i32
              %xor3A_1110 = vector.broadcast %xor3A_1109 : i32 to vector<16xi32>
              %xor3A_1111 = arith.xori %iota3A, %xor3A_1110 : vector<16xi32>
              %lt3A_1112 = arith.constant 0 : i32
              %lt3A_1113 = vector.broadcast %lt3A_1112 : i32 to vector<16xi32>
              %lt3A_1114 = arith.cmpi slt, %xor3A_1111, %lt3A_1113 : vector<16xi32>
              %add3A_1115 = arith.constant 16 : i32
              %add3A_1116 = vector.broadcast %add3A_1115 : i32 to vector<16xi32>
              %add3A_1117 = arith.addi %xor3A_1111, %add3A_1116 : vector<16xi32>
              %select_n3A_1118 = arith.select %lt3A_1114, %add3A_1117, %xor3A_1111 : vector<16xi1>, vector<16xi32>
              %broadcast_in_dim3A_1119 = vector.shape_cast %select_n3A_1118 : vector<16xi32> to vector<16x1xi32>
              %gather3A_1120 = vector.shape_cast %broadcast_in_dim3A_1119 : vector<16x1xi32> to vector<16xi32>
              %gather3A_1121 = tpu.dynamic_gather %max3A_1108[%gather3A_1120] in [0] : vector<16xf32>, vector<16xi32> -> vector<16xf32>
              %max3A_1122 = arith.maximumf %max3A_1108, %gather3A_1121 : vector<16xf32>
              %xor3A_1123 = arith.constant 1 : i32
              %xor3A_1124 = vector.broadcast %xor3A_1123 : i32 to vector<16xi32>
              %xor3A_1125 = arith.xori %iota3A, %xor3A_1124 : vector<16xi32>
              %lt3A_1126 = arith.constant 0 : i32
              %lt3A_1127 = vector.broadcast %lt3A_1126 : i32 to vector<16xi32>
              %lt3A_1128 = arith.cmpi slt, %xor3A_1125, %lt3A_1127 : vector<16xi32>
              %add3A_1129 = arith.constant 16 : i32
              %add3A_1130 = vector.broadcast %add3A_1129 : i32 to vector<16xi32>
              %add3A_1131 = arith.addi %xor3A_1125, %add3A_1130 : vector<16xi32>
              %select_n3A_1132 = arith.select %lt3A_1128, %add3A_1131, %xor3A_1125 : vector<16xi1>, vector<16xi32>
              %broadcast_in_dim3A_1133 = vector.shape_cast %select_n3A_1132 : vector<16xi32> to vector<16x1xi32>
              %gather3A_1134 = vector.shape_cast %broadcast_in_dim3A_1133 : vector<16x1xi32> to vector<16xi32>
              %gather3A_1135 = tpu.dynamic_gather %max3A_1122[%gather3A_1134] in [0] : vector<16xf32>, vector<16xi32> -> vector<16xf32>
              %max3A_1136 = arith.maximumf %max3A_1122, %gather3A_1135 : vector<16xf32>
              %while3A_1137 = arith.constant 0 : i32
              %while3A_1138 = arith.subi %shift_right_logical3A_669, %while3A_1137 : i32
              %while3A_1139 = arith.addi %while3A_1137, %while3A_1138 : i32
              %while3A_1140 = arith.constant 1 : i32
              %while3A_1141 = arith.divsi %while3A_1138, %while3A_1140 : i32
              %while3A_1142 = arith.muli %while3A_1141, %while3A_1140 : i32
              %while3A_1143 = arith.addi %while3A_1137, %while3A_1142 : i32
              %while3A_1144 = arith.constant 1 : i32
              %while3A_1145 = scf.for %while3A_1287 = %while3A_1137 to %while3A_1143 step %while3A_1144 iter_args(%while3A_1288 = %broadcast_in_dim3A_550) -> (vector<16xi32>)  : i32 {
                %mul3A_1289 = arith.constant 16 : i32
                %mul3A_1290 = arith.muli %while3A_1287, %mul3A_1289 : i32
                %get3A = arith.index_cast %mul3A_1290 : i32 to index
                %get3A_1291 = tpu.vector_load %arg11[%get3A] {strides = array<i32>} : memref<8208xf32, #tpu.memory_space<vmem>>, vector<16xf32>,
                %mul3A_1292 = arith.constant 16 : i32
                %mul3A_1293 = arith.muli %while3A_1287, %mul3A_1292 : i32
                %get3A_1294 = arith.index_cast %mul3A_1293 : i32 to index
                %get3A_1295 = tpu.vector_load %arg12[%get3A_1294] {strides = array<i32>} : memref<8208xi32, #tpu.memory_space<vmem>>, vector<16xi32>,
                %eq3A_1296 = arith.cmpf oeq, %get3A_1291, %max3A_1136 : vector<16xf32>
                %select_n3A_1297 = arith.select %eq3A_1296, %get3A_1295, %broadcast_in_dim3A_550 : vector<16xi1>, vector<16xi32>
                %min3A_1298 = arith.minsi %while3A_1288, %select_n3A_1297 : vector<16xi32>
                scf.yield %min3A_1298 : vector<16xi32>
              }
              %while3A_1146 = arith.constant 1 : i32
              %while3A_1147 = scf.for %while3A_1287 = %while3A_1143 to %while3A_1139 step %while3A_1146 iter_args(%while3A_1288 = %while3A_1145) -> (vector<16xi32>)  : i32 {
                %mul3A_1289 = arith.constant 16 : i32
                %mul3A_1290 = arith.muli %while3A_1287, %mul3A_1289 : i32
                %get3A = arith.index_cast %mul3A_1290 : i32 to index
                %get3A_1291 = tpu.vector_load %arg11[%get3A] {strides = array<i32>} : memref<8208xf32, #tpu.memory_space<vmem>>, vector<16xf32>,
                %mul3A_1292 = arith.constant 16 : i32
                %mul3A_1293 = arith.muli %while3A_1287, %mul3A_1292 : i32
                %get3A_1294 = arith.index_cast %mul3A_1293 : i32 to index
                %get3A_1295 = tpu.vector_load %arg12[%get3A_1294] {strides = array<i32>} : memref<8208xi32, #tpu.memory_space<vmem>>, vector<16xi32>,
                %eq3A_1296 = arith.cmpf oeq, %get3A_1291, %max3A_1136 : vector<16xf32>
                %select_n3A_1297 = arith.select %eq3A_1296, %get3A_1295, %broadcast_in_dim3A_550 : vector<16xi1>, vector<16xi32>
                %min3A_1298 = arith.minsi %while3A_1288, %select_n3A_1297 : vector<16xi32>
                scf.yield %min3A_1298 : vector<16xi32>
              }
              %xor3A_1148 = arith.constant 8 : i32
              %xor3A_1149 = vector.broadcast %xor3A_1148 : i32 to vector<16xi32>
              %xor3A_1150 = arith.xori %iota3A, %xor3A_1149 : vector<16xi32>
              %lt3A_1151 = arith.constant 0 : i32
              %lt3A_1152 = vector.broadcast %lt3A_1151 : i32 to vector<16xi32>
              %lt3A_1153 = arith.cmpi slt, %xor3A_1150, %lt3A_1152 : vector<16xi32>
              %add3A_1154 = arith.constant 16 : i32
              %add3A_1155 = vector.broadcast %add3A_1154 : i32 to vector<16xi32>
              %add3A_1156 = arith.addi %xor3A_1150, %add3A_1155 : vector<16xi32>
              %select_n3A_1157 = arith.select %lt3A_1153, %add3A_1156, %xor3A_1150 : vector<16xi1>, vector<16xi32>
              %broadcast_in_dim3A_1158 = vector.shape_cast %select_n3A_1157 : vector<16xi32> to vector<16x1xi32>
              %gather3A_1159 = vector.shape_cast %broadcast_in_dim3A_1158 : vector<16x1xi32> to vector<16xi32>
              %gather3A_1160 = tpu.dynamic_gather %while3A_1147[%gather3A_1159] in [0] : vector<16xi32>, vector<16xi32> -> vector<16xi32>
              %min3A_1161 = arith.minsi %while3A_1147, %gather3A_1160 : vector<16xi32>
              %xor3A_1162 = arith.constant 4 : i32
              %xor3A_1163 = vector.broadcast %xor3A_1162 : i32 to vector<16xi32>
              %xor3A_1164 = arith.xori %iota3A, %xor3A_1163 : vector<16xi32>
              %lt3A_1165 = arith.constant 0 : i32
              %lt3A_1166 = vector.broadcast %lt3A_1165 : i32 to vector<16xi32>
              %lt3A_1167 = arith.cmpi slt, %xor3A_1164, %lt3A_1166 : vector<16xi32>
              %add3A_1168 = arith.constant 16 : i32
              %add3A_1169 = vector.broadcast %add3A_1168 : i32 to vector<16xi32>
              %add3A_1170 = arith.addi %xor3A_1164, %add3A_1169 : vector<16xi32>
              %select_n3A_1171 = arith.select %lt3A_1167, %add3A_1170, %xor3A_1164 : vector<16xi1>, vector<16xi32>
              %broadcast_in_dim3A_1172 = vector.shape_cast %select_n3A_1171 : vector<16xi32> to vector<16x1xi32>
              %gather3A_1173 = vector.shape_cast %broadcast_in_dim3A_1172 : vector<16x1xi32> to vector<16xi32>
              %gather3A_1174 = tpu.dynamic_gather %min3A_1161[%gather3A_1173] in [0] : vector<16xi32>, vector<16xi32> -> vector<16xi32>
              %min3A_1175 = arith.minsi %min3A_1161, %gather3A_1174 : vector<16xi32>
              %xor3A_1176 = arith.constant 2 : i32
              %xor3A_1177 = vector.broadcast %xor3A_1176 : i32 to vector<16xi32>
              %xor3A_1178 = arith.xori %iota3A, %xor3A_1177 : vector<16xi32>
              %lt3A_1179 = arith.constant 0 : i32
              %lt3A_1180 = vector.broadcast %lt3A_1179 : i32 to vector<16xi32>
              %lt3A_1181 = arith.cmpi slt, %xor3A_1178, %lt3A_1180 : vector<16xi32>
              %add3A_1182 = arith.constant 16 : i32
              %add3A_1183 = vector.broadcast %add3A_1182 : i32 to vector<16xi32>
              %add3A_1184 = arith.addi %xor3A_1178, %add3A_1183 : vector<16xi32>
              %select_n3A_1185 = arith.select %lt3A_1181, %add3A_1184, %xor3A_1178 : vector<16xi1>, vector<16xi32>
              %broadcast_in_dim3A_1186 = vector.shape_cast %select_n3A_1185 : vector<16xi32> to vector<16x1xi32>
              %gather3A_1187 = vector.shape_cast %broadcast_in_dim3A_1186 : vector<16x1xi32> to vector<16xi32>
              %gather3A_1188 = tpu.dynamic_gather %min3A_1175[%gather3A_1187] in [0] : vector<16xi32>, vector<16xi32> -> vector<16xi32>
              %min3A_1189 = arith.minsi %min3A_1175, %gather3A_1188 : vector<16xi32>
              %xor3A_1190 = arith.constant 1 : i32
              %xor3A_1191 = vector.broadcast %xor3A_1190 : i32 to vector<16xi32>
              %xor3A_1192 = arith.xori %iota3A, %xor3A_1191 : vector<16xi32>
              %lt3A_1193 = arith.constant 0 : i32
              %lt3A_1194 = vector.broadcast %lt3A_1193 : i32 to vector<16xi32>
              %lt3A_1195 = arith.cmpi slt, %xor3A_1192, %lt3A_1194 : vector<16xi32>
              %add3A_1196 = arith.constant 16 : i32
              %add3A_1197 = vector.broadcast %add3A_1196 : i32 to vector<16xi32>
              %add3A_1198 = arith.addi %xor3A_1192, %add3A_1197 : vector<16xi32>
              %select_n3A_1199 = arith.select %lt3A_1195, %add3A_1198, %xor3A_1192 : vector<16xi1>, vector<16xi32>
              %broadcast_in_dim3A_1200 = vector.shape_cast %select_n3A_1199 : vector<16xi32> to vector<16x1xi32>
              %gather3A_1201 = vector.shape_cast %broadcast_in_dim3A_1200 : vector<16x1xi32> to vector<16xi32>
              %gather3A_1202 = tpu.dynamic_gather %min3A_1189[%gather3A_1201] in [0] : vector<16xi32>, vector<16xi32> -> vector<16xi32>
              %min3A_1203 = arith.minsi %min3A_1189, %gather3A_1202 : vector<16xi32>
              %while3A_1204 = arith.constant 0 : i32
              %while3A_1205 = arith.subi %shift_right_logical3A_669, %while3A_1204 : i32
              %while3A_1206 = arith.addi %while3A_1204, %while3A_1205 : i32
              %while3A_1207 = arith.constant 1 : i32
              %while3A_1208 = arith.divsi %while3A_1205, %while3A_1207 : i32
              %while3A_1209 = arith.muli %while3A_1208, %while3A_1207 : i32
              %while3A_1210 = arith.addi %while3A_1204, %while3A_1209 : i32
              %while3A_1211 = arith.constant 1 : i32
              %while3A_1212 = scf.for %while3A_1287 = %while3A_1204 to %while3A_1210 step %while3A_1211 iter_args(%while3A_1288 = %broadcast_in_dim3A_550) -> (vector<16xi32>)  : i32 {
                %mul3A_1289 = arith.constant 16 : i32
                %mul3A_1290 = arith.muli %while3A_1287, %mul3A_1289 : i32
                %get3A = arith.index_cast %mul3A_1290 : i32 to index
                %get3A_1291 = tpu.vector_load %arg11[%get3A] {strides = array<i32>} : memref<8208xf32, #tpu.memory_space<vmem>>, vector<16xf32>,
                %mul3A_1292 = arith.constant 16 : i32
                %mul3A_1293 = arith.muli %while3A_1287, %mul3A_1292 : i32
                %get3A_1294 = arith.index_cast %mul3A_1293 : i32 to index
                %get3A_1295 = tpu.vector_load %arg12[%get3A_1294] {strides = array<i32>} : memref<8208xi32, #tpu.memory_space<vmem>>, vector<16xi32>,
                %eq3A_1296 = arith.cmpf oeq, %get3A_1291, %max3A_1136 : vector<16xf32>
                %eq3A_1297 = arith.cmpi eq, %get3A_1295, %min3A_1203 : vector<16xi32>
                %and3A_1298 = arith.andi %eq3A_1296, %eq3A_1297 : vector<16xi1>
                %mul3A_1299 = arith.constant 16 : i32
                %mul3A_1300 = arith.muli %while3A_1287, %mul3A_1299 : i32
                %add3A_1301 = vector.broadcast %mul3A_1300 : i32 to vector<16xi32>
                %add3A_1302 = arith.addi %add3A_1301, %iota3A : vector<16xi32>
                %select_n3A_1303 = arith.select %and3A_1298, %add3A_1302, %broadcast_in_dim3A_550 : vector<16xi1>, vector<16xi32>
                %min3A_1304 = arith.minsi %while3A_1288, %select_n3A_1303 : vector<16xi32>
                scf.yield %min3A_1304 : vector<16xi32>
              }
              %while3A_1213 = arith.constant 1 : i32
              %while3A_1214 = scf.for %while3A_1287 = %while3A_1210 to %while3A_1206 step %while3A_1213 iter_args(%while3A_1288 = %while3A_1212) -> (vector<16xi32>)  : i32 {
                %mul3A_1289 = arith.constant 16 : i32
                %mul3A_1290 = arith.muli %while3A_1287, %mul3A_1289 : i32
                %get3A = arith.index_cast %mul3A_1290 : i32 to index
                %get3A_1291 = tpu.vector_load %arg11[%get3A] {strides = array<i32>} : memref<8208xf32, #tpu.memory_space<vmem>>, vector<16xf32>,
                %mul3A_1292 = arith.constant 16 : i32
                %mul3A_1293 = arith.muli %while3A_1287, %mul3A_1292 : i32
                %get3A_1294 = arith.index_cast %mul3A_1293 : i32 to index
                %get3A_1295 = tpu.vector_load %arg12[%get3A_1294] {strides = array<i32>} : memref<8208xi32, #tpu.memory_space<vmem>>, vector<16xi32>,
                %eq3A_1296 = arith.cmpf oeq, %get3A_1291, %max3A_1136 : vector<16xf32>
                %eq3A_1297 = arith.cmpi eq, %get3A_1295, %min3A_1203 : vector<16xi32>
                %and3A_1298 = arith.andi %eq3A_1296, %eq3A_1297 : vector<16xi1>
                %mul3A_1299 = arith.constant 16 : i32
                %mul3A_1300 = arith.muli %while3A_1287, %mul3A_1299 : i32
                %add3A_1301 = vector.broadcast %mul3A_1300 : i32 to vector<16xi32>
                %add3A_1302 = arith.addi %add3A_1301, %iota3A : vector<16xi32>
                %select_n3A_1303 = arith.select %and3A_1298, %add3A_1302, %broadcast_in_dim3A_550 : vector<16xi1>, vector<16xi32>
                %min3A_1304 = arith.minsi %while3A_1288, %select_n3A_1303 : vector<16xi32>
                scf.yield %min3A_1304 : vector<16xi32>
              }
              %xor3A_1215 = arith.constant 8 : i32
              %xor3A_1216 = vector.broadcast %xor3A_1215 : i32 to vector<16xi32>
              %xor3A_1217 = arith.xori %iota3A, %xor3A_1216 : vector<16xi32>
              %lt3A_1218 = arith.constant 0 : i32
              %lt3A_1219 = vector.broadcast %lt3A_1218 : i32 to vector<16xi32>
              %lt3A_1220 = arith.cmpi slt, %xor3A_1217, %lt3A_1219 : vector<16xi32>
              %add3A_1221 = arith.constant 16 : i32
              %add3A_1222 = vector.broadcast %add3A_1221 : i32 to vector<16xi32>
              %add3A_1223 = arith.addi %xor3A_1217, %add3A_1222 : vector<16xi32>
              %select_n3A_1224 = arith.select %lt3A_1220, %add3A_1223, %xor3A_1217 : vector<16xi1>, vector<16xi32>
              %broadcast_in_dim3A_1225 = vector.shape_cast %select_n3A_1224 : vector<16xi32> to vector<16x1xi32>
              %gather3A_1226 = vector.shape_cast %broadcast_in_dim3A_1225 : vector<16x1xi32> to vector<16xi32>
              %gather3A_1227 = tpu.dynamic_gather %while3A_1214[%gather3A_1226] in [0] : vector<16xi32>, vector<16xi32> -> vector<16xi32>
              %min3A_1228 = arith.minsi %while3A_1214, %gather3A_1227 : vector<16xi32>
              %xor3A_1229 = arith.constant 4 : i32
              %xor3A_1230 = vector.broadcast %xor3A_1229 : i32 to vector<16xi32>
              %xor3A_1231 = arith.xori %iota3A, %xor3A_1230 : vector<16xi32>
              %lt3A_1232 = arith.constant 0 : i32
              %lt3A_1233 = vector.broadcast %lt3A_1232 : i32 to vector<16xi32>
              %lt3A_1234 = arith.cmpi slt, %xor3A_1231, %lt3A_1233 : vector<16xi32>
              %add3A_1235 = arith.constant 16 : i32
              %add3A_1236 = vector.broadcast %add3A_1235 : i32 to vector<16xi32>
              %add3A_1237 = arith.addi %xor3A_1231, %add3A_1236 : vector<16xi32>
              %select_n3A_1238 = arith.select %lt3A_1234, %add3A_1237, %xor3A_1231 : vector<16xi1>, vector<16xi32>
              %broadcast_in_dim3A_1239 = vector.shape_cast %select_n3A_1238 : vector<16xi32> to vector<16x1xi32>
              %gather3A_1240 = vector.shape_cast %broadcast_in_dim3A_1239 : vector<16x1xi32> to vector<16xi32>
              %gather3A_1241 = tpu.dynamic_gather %min3A_1228[%gather3A_1240] in [0] : vector<16xi32>, vector<16xi32> -> vector<16xi32>
              %min3A_1242 = arith.minsi %min3A_1228, %gather3A_1241 : vector<16xi32>
              %xor3A_1243 = arith.constant 2 : i32
              %xor3A_1244 = vector.broadcast %xor3A_1243 : i32 to vector<16xi32>
              %xor3A_1245 = arith.xori %iota3A, %xor3A_1244 : vector<16xi32>
              %lt3A_1246 = arith.constant 0 : i32
              %lt3A_1247 = vector.broadcast %lt3A_1246 : i32 to vector<16xi32>
              %lt3A_1248 = arith.cmpi slt, %xor3A_1245, %lt3A_1247 : vector<16xi32>
              %add3A_1249 = arith.constant 16 : i32
              %add3A_1250 = vector.broadcast %add3A_1249 : i32 to vector<16xi32>
              %add3A_1251 = arith.addi %xor3A_1245, %add3A_1250 : vector<16xi32>
              %select_n3A_1252 = arith.select %lt3A_1248, %add3A_1251, %xor3A_1245 : vector<16xi1>, vector<16xi32>
              %broadcast_in_dim3A_1253 = vector.shape_cast %select_n3A_1252 : vector<16xi32> to vector<16x1xi32>
              %gather3A_1254 = vector.shape_cast %broadcast_in_dim3A_1253 : vector<16x1xi32> to vector<16xi32>
              %gather3A_1255 = tpu.dynamic_gather %min3A_1242[%gather3A_1254] in [0] : vector<16xi32>, vector<16xi32> -> vector<16xi32>
              %min3A_1256 = arith.minsi %min3A_1242, %gather3A_1255 : vector<16xi32>
              %xor3A_1257 = arith.constant 1 : i32
              %xor3A_1258 = vector.broadcast %xor3A_1257 : i32 to vector<16xi32>
              %xor3A_1259 = arith.xori %iota3A, %xor3A_1258 : vector<16xi32>
              %lt3A_1260 = arith.constant 0 : i32
              %lt3A_1261 = vector.broadcast %lt3A_1260 : i32 to vector<16xi32>
              %lt3A_1262 = arith.cmpi slt, %xor3A_1259, %lt3A_1261 : vector<16xi32>
              %add3A_1263 = arith.constant 16 : i32
              %add3A_1264 = vector.broadcast %add3A_1263 : i32 to vector<16xi32>
              %add3A_1265 = arith.addi %xor3A_1259, %add3A_1264 : vector<16xi32>
              %select_n3A_1266 = arith.select %lt3A_1262, %add3A_1265, %xor3A_1259 : vector<16xi1>, vector<16xi32>
              %broadcast_in_dim3A_1267 = vector.shape_cast %select_n3A_1266 : vector<16xi32> to vector<16x1xi32>
              %gather3A_1268 = vector.shape_cast %broadcast_in_dim3A_1267 : vector<16x1xi32> to vector<16xi32>
              %gather3A_1269 = tpu.dynamic_gather %min3A_1256[%gather3A_1268] in [0] : vector<16xi32>, vector<16xi32> -> vector<16xi32>
              %min3A_1270 = arith.minsi %min3A_1256, %gather3A_1269 : vector<16xi32>
              tpu.vector_store_idx %arg11[%min3A_1270], %broadcast_in_dim3A_548 masked %eq3A_2 : memref<8208xf32, #tpu.memory_space<vmem>>[vector<16xi32>], vector<16xf32>, vector<16xi1>
              %eq3A_1271 = vector.broadcast %scan3A_1065 : i32 to vector<16xi32>
              %eq3A_1272 = arith.cmpi eq, %iota3A, %eq3A_1271 : vector<16xi32>
              %select_n3A_1273 = arith.select %eq3A_1272, %max3A_1136, %scan3A_1066 : vector<16xi1>, vector<16xf32>
              %sub3A_1274 = arith.constant 16 : i32
              %sub3A_1275 = arith.subi %scan3A_1065, %sub3A_1274 : i32
              %eq3A_1276 = vector.broadcast %sub3A_1275 : i32 to vector<16xi32>
              %eq3A_1277 = arith.cmpi eq, %iota3A, %eq3A_1276 : vector<16xi32>
              %select_n3A_1278 = arith.select %eq3A_1277, %max3A_1136, %scan3A_1067 : vector<16xi1>, vector<16xf32>
              %eq3A_1279 = vector.broadcast %scan3A_1065 : i32 to vector<16xi32>
              %eq3A_1280 = arith.cmpi eq, %iota3A, %eq3A_1279 : vector<16xi32>
              %select_n3A_1281 = arith.select %eq3A_1280, %min3A_1203, %scan3A_1068 : vector<16xi1>, vector<16xi32>
              %sub3A_1282 = arith.constant 16 : i32
              %sub3A_1283 = arith.subi %scan3A_1065, %sub3A_1282 : i32
              %eq3A_1284 = vector.broadcast %sub3A_1283 : i32 to vector<16xi32>
              %eq3A_1285 = arith.cmpi eq, %iota3A, %eq3A_1284 : vector<16xi32>
              %select_n3A_1286 = arith.select %eq3A_1285, %min3A_1203, %scan3A_1069 : vector<16xi1>, vector<16xi32>
              scf.yield %select_n3A_1273, %select_n3A_1278, %select_n3A_1281, %select_n3A_1286 : vector<16xf32>, vector<16xf32>, vector<16xi32>, vector<16xi32>
            }
            %scan3A_1064 = arith.constant 32 : i32
            scf.yield %scan3A_1063#0, %scan3A_1063#1, %scan3A_1063#2, %scan3A_1063#3 : vector<16xf32>, vector<16xf32>, vector<16xi32>, vector<16xi32>
          }
          scf.yield %cond3A_1058#0, %cond3A_1058#1, %cond3A_1058#2, %cond3A_1058#3 : vector<16xf32>, vector<16xf32>, vector<16xi32>, vector<16xi32>
        } else {
          %add3A_1052 = arith.constant 32768 : i32
          %add3A_1053 = vector.broadcast %add3A_1052 : i32 to vector<16xi32>
          %add3A_1054 = arith.addi %add3A_1053, %iota3A : vector<16xi32>
          tpu.vector_store_idx %arg5[%add3A_1054], %broadcast_in_dim3A_548 : memref<32784xf32, #tpu.memory_space<vmem>>[vector<16xi32>], vector<16xf32>,
          %scan3A_1055 = arith.constant 0 : i32
          %scan3A_1056 = arith.constant 32 : i32
          %scan3A_1057 = arith.addi %scan3A_1055, %scan3A_1056 : i32
          %scan3A_1058 = arith.constant 1 : i32
          %scan3A_1059:4 = scf.for %scan3A_1061 = %scan3A_1055 to %scan3A_1057 step %scan3A_1058 iter_args(%scan3A_1062 = %broadcast_in_dim3A_554, %scan3A_1063 = %broadcast_in_dim3A_554, %scan3A_1064 = %broadcast_in_dim3A_552, %scan3A_1065 = %broadcast_in_dim3A_552) -> (vector<16xf32>, vector<16xf32>, vector<16xi32>, vector<16xi32>)  : i32 {
            %scan3A_1066 = arith.constant 0 : i32
            %scan3A_1067 = arith.constant 2049 : i32
            %scan3A_1068 = arith.addi %scan3A_1066, %scan3A_1067 : i32
            %scan3A_1069 = arith.constant 1 : i32
            %scan3A_1070 = scf.for %scan3A_1206 = %scan3A_1066 to %scan3A_1068 step %scan3A_1069 iter_args(%scan3A_1207 = %broadcast_in_dim3A_548) -> (vector<16xf32>)  : i32 {
              %mul3A_1208 = arith.constant 16 : i32
              %mul3A_1209 = arith.muli %scan3A_1206, %mul3A_1208 : i32
              %get3A = arith.index_cast %mul3A_1209 : i32 to index
              %get3A_1210 = tpu.vector_load %arg5[%get3A] {strides = array<i32>} : memref<32784xf32, #tpu.memory_space<vmem>>, vector<16xf32>,
              %max3A_1211 = arith.maximumf %scan3A_1207, %get3A_1210 : vector<16xf32>
              scf.yield %max3A_1211 : vector<16xf32>
            }
            %scan3A_1071 = arith.constant 2049 : i32
            %xor3A_1072 = arith.constant 8 : i32
            %xor3A_1073 = vector.broadcast %xor3A_1072 : i32 to vector<16xi32>
            %xor3A_1074 = arith.xori %iota3A, %xor3A_1073 : vector<16xi32>
            %lt3A_1075 = arith.constant 0 : i32
            %lt3A_1076 = vector.broadcast %lt3A_1075 : i32 to vector<16xi32>
            %lt3A_1077 = arith.cmpi slt, %xor3A_1074, %lt3A_1076 : vector<16xi32>
            %add3A_1078 = arith.constant 16 : i32
            %add3A_1079 = vector.broadcast %add3A_1078 : i32 to vector<16xi32>
            %add3A_1080 = arith.addi %xor3A_1074, %add3A_1079 : vector<16xi32>
            %select_n3A_1081 = arith.select %lt3A_1077, %add3A_1080, %xor3A_1074 : vector<16xi1>, vector<16xi32>
            %broadcast_in_dim3A_1082 = vector.shape_cast %select_n3A_1081 : vector<16xi32> to vector<16x1xi32>
            %gather3A_1083 = vector.shape_cast %broadcast_in_dim3A_1082 : vector<16x1xi32> to vector<16xi32>
            %gather3A_1084 = tpu.dynamic_gather %scan3A_1070[%gather3A_1083] in [0] : vector<16xf32>, vector<16xi32> -> vector<16xf32>
            %max3A_1085 = arith.maximumf %scan3A_1070, %gather3A_1084 : vector<16xf32>
            %xor3A_1086 = arith.constant 4 : i32
            %xor3A_1087 = vector.broadcast %xor3A_1086 : i32 to vector<16xi32>
            %xor3A_1088 = arith.xori %iota3A, %xor3A_1087 : vector<16xi32>
            %lt3A_1089 = arith.constant 0 : i32
            %lt3A_1090 = vector.broadcast %lt3A_1089 : i32 to vector<16xi32>
            %lt3A_1091 = arith.cmpi slt, %xor3A_1088, %lt3A_1090 : vector<16xi32>
            %add3A_1092 = arith.constant 16 : i32
            %add3A_1093 = vector.broadcast %add3A_1092 : i32 to vector<16xi32>
            %add3A_1094 = arith.addi %xor3A_1088, %add3A_1093 : vector<16xi32>
            %select_n3A_1095 = arith.select %lt3A_1091, %add3A_1094, %xor3A_1088 : vector<16xi1>, vector<16xi32>
            %broadcast_in_dim3A_1096 = vector.shape_cast %select_n3A_1095 : vector<16xi32> to vector<16x1xi32>
            %gather3A_1097 = vector.shape_cast %broadcast_in_dim3A_1096 : vector<16x1xi32> to vector<16xi32>
            %gather3A_1098 = tpu.dynamic_gather %max3A_1085[%gather3A_1097] in [0] : vector<16xf32>, vector<16xi32> -> vector<16xf32>
            %max3A_1099 = arith.maximumf %max3A_1085, %gather3A_1098 : vector<16xf32>
            %xor3A_1100 = arith.constant 2 : i32
            %xor3A_1101 = vector.broadcast %xor3A_1100 : i32 to vector<16xi32>
            %xor3A_1102 = arith.xori %iota3A, %xor3A_1101 : vector<16xi32>
            %lt3A_1103 = arith.constant 0 : i32
            %lt3A_1104 = vector.broadcast %lt3A_1103 : i32 to vector<16xi32>
            %lt3A_1105 = arith.cmpi slt, %xor3A_1102, %lt3A_1104 : vector<16xi32>
            %add3A_1106 = arith.constant 16 : i32
            %add3A_1107 = vector.broadcast %add3A_1106 : i32 to vector<16xi32>
            %add3A_1108 = arith.addi %xor3A_1102, %add3A_1107 : vector<16xi32>
            %select_n3A_1109 = arith.select %lt3A_1105, %add3A_1108, %xor3A_1102 : vector<16xi1>, vector<16xi32>
            %broadcast_in_dim3A_1110 = vector.shape_cast %select_n3A_1109 : vector<16xi32> to vector<16x1xi32>
            %gather3A_1111 = vector.shape_cast %broadcast_in_dim3A_1110 : vector<16x1xi32> to vector<16xi32>
            %gather3A_1112 = tpu.dynamic_gather %max3A_1099[%gather3A_1111] in [0] : vector<16xf32>, vector<16xi32> -> vector<16xf32>
            %max3A_1113 = arith.maximumf %max3A_1099, %gather3A_1112 : vector<16xf32>
            %xor3A_1114 = arith.constant 1 : i32
            %xor3A_1115 = vector.broadcast %xor3A_1114 : i32 to vector<16xi32>
            %xor3A_1116 = arith.xori %iota3A, %xor3A_1115 : vector<16xi32>
            %lt3A_1117 = arith.constant 0 : i32
            %lt3A_1118 = vector.broadcast %lt3A_1117 : i32 to vector<16xi32>
            %lt3A_1119 = arith.cmpi slt, %xor3A_1116, %lt3A_1118 : vector<16xi32>
            %add3A_1120 = arith.constant 16 : i32
            %add3A_1121 = vector.broadcast %add3A_1120 : i32 to vector<16xi32>
            %add3A_1122 = arith.addi %xor3A_1116, %add3A_1121 : vector<16xi32>
            %select_n3A_1123 = arith.select %lt3A_1119, %add3A_1122, %xor3A_1116 : vector<16xi1>, vector<16xi32>
            %broadcast_in_dim3A_1124 = vector.shape_cast %select_n3A_1123 : vector<16xi32> to vector<16x1xi32>
            %gather3A_1125 = vector.shape_cast %broadcast_in_dim3A_1124 : vector<16x1xi32> to vector<16xi32>
            %gather3A_1126 = tpu.dynamic_gather %max3A_1113[%gather3A_1125] in [0] : vector<16xf32>, vector<16xi32> -> vector<16xf32>
            %max3A_1127 = arith.maximumf %max3A_1113, %gather3A_1126 : vector<16xf32>
            %scan3A_1128 = arith.constant 0 : i32
            %scan3A_1129 = arith.constant 2049 : i32
            %scan3A_1130 = arith.addi %scan3A_1128, %scan3A_1129 : i32
            %scan3A_1131 = arith.constant 1 : i32
            %scan3A_1132 = scf.for %scan3A_1206 = %scan3A_1128 to %scan3A_1130 step %scan3A_1131 iter_args(%scan3A_1207 = %broadcast_in_dim3A_550) -> (vector<16xi32>)  : i32 {
              %mul3A_1208 = arith.constant 16 : i32
              %mul3A_1209 = arith.muli %scan3A_1206, %mul3A_1208 : i32
              %get3A = arith.index_cast %mul3A_1209 : i32 to index
              %get3A_1210 = tpu.vector_load %arg5[%get3A] {strides = array<i32>} : memref<32784xf32, #tpu.memory_space<vmem>>, vector<16xf32>,
              %eq3A_1211 = arith.cmpf oeq, %get3A_1210, %max3A_1127 : vector<16xf32>
              %mul3A_1212 = arith.constant 16 : i32
              %mul3A_1213 = arith.muli %scan3A_1206, %mul3A_1212 : i32
              %add3A_1214 = vector.broadcast %mul3A_1213 : i32 to vector<16xi32>
              %add3A_1215 = arith.addi %add3A_1214, %iota3A : vector<16xi32>
              %select_n3A_1216 = arith.select %eq3A_1211, %add3A_1215, %broadcast_in_dim3A_550 : vector<16xi1>, vector<16xi32>
              %min3A_1217 = arith.minsi %scan3A_1207, %select_n3A_1216 : vector<16xi32>
              scf.yield %min3A_1217 : vector<16xi32>
            }
            %scan3A_1133 = arith.constant 2049 : i32
            %xor3A_1134 = arith.constant 8 : i32
            %xor3A_1135 = vector.broadcast %xor3A_1134 : i32 to vector<16xi32>
            %xor3A_1136 = arith.xori %iota3A, %xor3A_1135 : vector<16xi32>
            %lt3A_1137 = arith.constant 0 : i32
            %lt3A_1138 = vector.broadcast %lt3A_1137 : i32 to vector<16xi32>
            %lt3A_1139 = arith.cmpi slt, %xor3A_1136, %lt3A_1138 : vector<16xi32>
            %add3A_1140 = arith.constant 16 : i32
            %add3A_1141 = vector.broadcast %add3A_1140 : i32 to vector<16xi32>
            %add3A_1142 = arith.addi %xor3A_1136, %add3A_1141 : vector<16xi32>
            %select_n3A_1143 = arith.select %lt3A_1139, %add3A_1142, %xor3A_1136 : vector<16xi1>, vector<16xi32>
            %broadcast_in_dim3A_1144 = vector.shape_cast %select_n3A_1143 : vector<16xi32> to vector<16x1xi32>
            %gather3A_1145 = vector.shape_cast %broadcast_in_dim3A_1144 : vector<16x1xi32> to vector<16xi32>
            %gather3A_1146 = tpu.dynamic_gather %scan3A_1132[%gather3A_1145] in [0] : vector<16xi32>, vector<16xi32> -> vector<16xi32>
            %min3A_1147 = arith.minsi %scan3A_1132, %gather3A_1146 : vector<16xi32>
            %xor3A_1148 = arith.constant 4 : i32
            %xor3A_1149 = vector.broadcast %xor3A_1148 : i32 to vector<16xi32>
            %xor3A_1150 = arith.xori %iota3A, %xor3A_1149 : vector<16xi32>
            %lt3A_1151 = arith.constant 0 : i32
            %lt3A_1152 = vector.broadcast %lt3A_1151 : i32 to vector<16xi32>
            %lt3A_1153 = arith.cmpi slt, %xor3A_1150, %lt3A_1152 : vector<16xi32>
            %add3A_1154 = arith.constant 16 : i32
            %add3A_1155 = vector.broadcast %add3A_1154 : i32 to vector<16xi32>
            %add3A_1156 = arith.addi %xor3A_1150, %add3A_1155 : vector<16xi32>
            %select_n3A_1157 = arith.select %lt3A_1153, %add3A_1156, %xor3A_1150 : vector<16xi1>, vector<16xi32>
            %broadcast_in_dim3A_1158 = vector.shape_cast %select_n3A_1157 : vector<16xi32> to vector<16x1xi32>
            %gather3A_1159 = vector.shape_cast %broadcast_in_dim3A_1158 : vector<16x1xi32> to vector<16xi32>
            %gather3A_1160 = tpu.dynamic_gather %min3A_1147[%gather3A_1159] in [0] : vector<16xi32>, vector<16xi32> -> vector<16xi32>
            %min3A_1161 = arith.minsi %min3A_1147, %gather3A_1160 : vector<16xi32>
            %xor3A_1162 = arith.constant 2 : i32
            %xor3A_1163 = vector.broadcast %xor3A_1162 : i32 to vector<16xi32>
            %xor3A_1164 = arith.xori %iota3A, %xor3A_1163 : vector<16xi32>
            %lt3A_1165 = arith.constant 0 : i32
            %lt3A_1166 = vector.broadcast %lt3A_1165 : i32 to vector<16xi32>
            %lt3A_1167 = arith.cmpi slt, %xor3A_1164, %lt3A_1166 : vector<16xi32>
            %add3A_1168 = arith.constant 16 : i32
            %add3A_1169 = vector.broadcast %add3A_1168 : i32 to vector<16xi32>
            %add3A_1170 = arith.addi %xor3A_1164, %add3A_1169 : vector<16xi32>
            %select_n3A_1171 = arith.select %lt3A_1167, %add3A_1170, %xor3A_1164 : vector<16xi1>, vector<16xi32>
            %broadcast_in_dim3A_1172 = vector.shape_cast %select_n3A_1171 : vector<16xi32> to vector<16x1xi32>
            %gather3A_1173 = vector.shape_cast %broadcast_in_dim3A_1172 : vector<16x1xi32> to vector<16xi32>
            %gather3A_1174 = tpu.dynamic_gather %min3A_1161[%gather3A_1173] in [0] : vector<16xi32>, vector<16xi32> -> vector<16xi32>
            %min3A_1175 = arith.minsi %min3A_1161, %gather3A_1174 : vector<16xi32>
            %xor3A_1176 = arith.constant 1 : i32
            %xor3A_1177 = vector.broadcast %xor3A_1176 : i32 to vector<16xi32>
            %xor3A_1178 = arith.xori %iota3A, %xor3A_1177 : vector<16xi32>
            %lt3A_1179 = arith.constant 0 : i32
            %lt3A_1180 = vector.broadcast %lt3A_1179 : i32 to vector<16xi32>
            %lt3A_1181 = arith.cmpi slt, %xor3A_1178, %lt3A_1180 : vector<16xi32>
            %add3A_1182 = arith.constant 16 : i32
            %add3A_1183 = vector.broadcast %add3A_1182 : i32 to vector<16xi32>
            %add3A_1184 = arith.addi %xor3A_1178, %add3A_1183 : vector<16xi32>
            %select_n3A_1185 = arith.select %lt3A_1181, %add3A_1184, %xor3A_1178 : vector<16xi1>, vector<16xi32>
            %broadcast_in_dim3A_1186 = vector.shape_cast %select_n3A_1185 : vector<16xi32> to vector<16x1xi32>
            %gather3A_1187 = vector.shape_cast %broadcast_in_dim3A_1186 : vector<16x1xi32> to vector<16xi32>
            %gather3A_1188 = tpu.dynamic_gather %min3A_1175[%gather3A_1187] in [0] : vector<16xi32>, vector<16xi32> -> vector<16xi32>
            %min3A_1189 = arith.minsi %min3A_1175, %gather3A_1188 : vector<16xi32>
            tpu.vector_store_idx %arg5[%min3A_1189], %broadcast_in_dim3A_548 masked %eq3A_2 : memref<32784xf32, #tpu.memory_space<vmem>>[vector<16xi32>], vector<16xf32>, vector<16xi1>
            %eq3A_1190 = vector.broadcast %scan3A_1061 : i32 to vector<16xi32>
            %eq3A_1191 = arith.cmpi eq, %iota3A, %eq3A_1190 : vector<16xi32>
            %select_n3A_1192 = arith.select %eq3A_1191, %max3A_1127, %scan3A_1062 : vector<16xi1>, vector<16xf32>
            %sub3A_1193 = arith.constant 16 : i32
            %sub3A_1194 = arith.subi %scan3A_1061, %sub3A_1193 : i32
            %eq3A_1195 = vector.broadcast %sub3A_1194 : i32 to vector<16xi32>
            %eq3A_1196 = arith.cmpi eq, %iota3A, %eq3A_1195 : vector<16xi32>
            %select_n3A_1197 = arith.select %eq3A_1196, %max3A_1127, %scan3A_1063 : vector<16xi1>, vector<16xf32>
            %eq3A_1198 = vector.broadcast %scan3A_1061 : i32 to vector<16xi32>
            %eq3A_1199 = arith.cmpi eq, %iota3A, %eq3A_1198 : vector<16xi32>
            %select_n3A_1200 = arith.select %eq3A_1199, %min3A_1189, %scan3A_1064 : vector<16xi1>, vector<16xi32>
            %sub3A_1201 = arith.constant 16 : i32
            %sub3A_1202 = arith.subi %scan3A_1061, %sub3A_1201 : i32
            %eq3A_1203 = vector.broadcast %sub3A_1202 : i32 to vector<16xi32>
            %eq3A_1204 = arith.cmpi eq, %iota3A, %eq3A_1203 : vector<16xi32>
            %select_n3A_1205 = arith.select %eq3A_1204, %min3A_1189, %scan3A_1065 : vector<16xi1>, vector<16xi32>
            scf.yield %select_n3A_1192, %select_n3A_1197, %select_n3A_1200, %select_n3A_1205 : vector<16xf32>, vector<16xf32>, vector<16xi32>, vector<16xi32>
          }
          %scan3A_1060 = arith.constant 32 : i32
          scf.yield %scan3A_1059#0, %scan3A_1059#1, %scan3A_1059#2, %scan3A_1059#3 : vector<16xf32>, vector<16xf32>, vector<16xi32>, vector<16xi32>
        }
        scf.yield %cond3A_1051#0, %cond3A_1051#1, %cond3A_1051#2, %cond3A_1051#3 : vector<16xf32>, vector<16xf32>, vector<16xi32>, vector<16xi32>
      }
      %masked_sort3A_718 = arith.constant dense<true> : vector<16xi1>
      %masked_sort3A_719 = arith.constant -2147483648 : i32
      %masked_sort3A_720 = vector.broadcast %masked_sort3A_719 : i32 to vector<16xi32>
      %masked_sort3A_721 = arith.xori %cond3A_717#2, %masked_sort3A_720 : vector<16xi32>
      %masked_sort3A_722, %masked_sort3A_723, %masked_sort3A_724 = tpu.sort %masked_sort3A_721, %cond3A_717#0 masked %masked_sort3A_718 : (vector<16xi32>, vector<16xf32>, vector<16xi1>) -> (vector<16xi1>, vector<16xi32>, vector<16xf32>)
      %masked_sort3A_725 = arith.xori %masked_sort3A_723, %masked_sort3A_720 : vector<16xi32>
      %masked_sort3A_726 = arith.constant dense<true> : vector<16xi1>
      %masked_sort3A_727 = arith.constant -2147483648 : i32
      %masked_sort3A_728 = vector.broadcast %masked_sort3A_727 : i32 to vector<16xi32>
      %masked_sort3A_729 = arith.xori %cond3A_717#3, %masked_sort3A_728 : vector<16xi32>
      %masked_sort3A_730, %masked_sort3A_731, %masked_sort3A_732 = tpu.sort %masked_sort3A_729, %cond3A_717#1 masked %masked_sort3A_726 : (vector<16xi32>, vector<16xf32>, vector<16xi1>) -> (vector<16xi1>, vector<16xi32>, vector<16xf32>)
      %masked_sort3A_733 = arith.xori %masked_sort3A_731, %masked_sort3A_728 : vector<16xi32>
      %sub3A_734 = arith.constant 15 : i32
      %sub3A_735 = vector.broadcast %sub3A_734 : i32 to vector<16xi32>
      %sub3A_736 = arith.subi %sub3A_735, %iota3A : vector<16xi32>
      %lt3A_737 = arith.constant 0 : i32
      %lt3A_738 = vector.broadcast %lt3A_737 : i32 to vector<16xi32>
      %lt3A_739 = arith.cmpi slt, %sub3A_736, %lt3A_738 : vector<16xi32>
      %add3A_740 = arith.constant 16 : i32
      %add3A_741 = vector.broadcast %add3A_740 : i32 to vector<16xi32>
      %add3A_742 = arith.addi %sub3A_736, %add3A_741 : vector<16xi32>
      %select_n3A_743 = arith.select %lt3A_739, %add3A_742, %sub3A_736 : vector<16xi1>, vector<16xi32>
      %broadcast_in_dim3A_744 = vector.shape_cast %select_n3A_743 : vector<16xi32> to vector<16x1xi32>
      %gather3A_745 = vector.shape_cast %broadcast_in_dim3A_744 : vector<16x1xi32> to vector<16xi32>
      %gather3A_746 = tpu.dynamic_gather %masked_sort3A_733[%gather3A_745] in [0] : vector<16xi32>, vector<16xi32> -> vector<16xi32>
      %sub3A_747 = arith.constant 15 : i32
      %sub3A_748 = vector.broadcast %sub3A_747 : i32 to vector<16xi32>
      %sub3A_749 = arith.subi %sub3A_748, %iota3A : vector<16xi32>
      %lt3A_750 = arith.constant 0 : i32
      %lt3A_751 = vector.broadcast %lt3A_750 : i32 to vector<16xi32>
      %lt3A_752 = arith.cmpi slt, %sub3A_749, %lt3A_751 : vector<16xi32>
      %add3A_753 = arith.constant 16 : i32
      %add3A_754 = vector.broadcast %add3A_753 : i32 to vector<16xi32>
      %add3A_755 = arith.addi %sub3A_749, %add3A_754 : vector<16xi32>
      %select_n3A_756 = arith.select %lt3A_752, %add3A_755, %sub3A_749 : vector<16xi1>, vector<16xi32>
      %broadcast_in_dim3A_757 = vector.shape_cast %select_n3A_756 : vector<16xi32> to vector<16x1xi32>
      %gather3A_758 = vector.shape_cast %broadcast_in_dim3A_757 : vector<16x1xi32> to vector<16xi32>
      %gather3A_759 = tpu.dynamic_gather %masked_sort3A_732[%gather3A_758] in [0] : vector<16xf32>, vector<16xi32> -> vector<16xf32>
      %le3A_760 = arith.cmpi sle, %masked_sort3A_725, %gather3A_746 : vector<16xi32>
      %select_n3A_761 = arith.select %le3A_760, %masked_sort3A_725, %gather3A_746 : vector<16xi1>, vector<16xi32>
      %select_n3A_762 = arith.select %le3A_760, %masked_sort3A_724, %gather3A_759 : vector<16xi1>, vector<16xf32>
      %select_n3A_763 = arith.select %le3A_760, %gather3A_746, %masked_sort3A_725 : vector<16xi1>, vector<16xi32>
      %select_n3A_764 = arith.select %le3A_760, %gather3A_759, %masked_sort3A_724 : vector<16xi1>, vector<16xf32>
      %and3A_765 = arith.constant 8 : i32
      %and3A_766 = vector.broadcast %and3A_765 : i32 to vector<16xi32>
      %and3A_767 = arith.andi %iota3A, %and3A_766 : vector<16xi32>
      %eq3A_768 = arith.constant 0 : i32
      %eq3A_769 = vector.broadcast %eq3A_768 : i32 to vector<16xi32>
      %eq3A_770 = arith.cmpi eq, %and3A_767, %eq3A_769 : vector<16xi32>
      %xor3A_771 = arith.constant 8 : i32
      %xor3A_772 = vector.broadcast %xor3A_771 : i32 to vector<16xi32>
      %xor3A_773 = arith.xori %iota3A, %xor3A_772 : vector<16xi32>
      %lt3A_774 = arith.constant 0 : i32
      %lt3A_775 = vector.broadcast %lt3A_774 : i32 to vector<16xi32>
      %lt3A_776 = arith.cmpi slt, %xor3A_773, %lt3A_775 : vector<16xi32>
      %add3A_777 = arith.constant 16 : i32
      %add3A_778 = vector.broadcast %add3A_777 : i32 to vector<16xi32>
      %add3A_779 = arith.addi %xor3A_773, %add3A_778 : vector<16xi32>
      %select_n3A_780 = arith.select %lt3A_776, %add3A_779, %xor3A_773 : vector<16xi1>, vector<16xi32>
      %broadcast_in_dim3A_781 = vector.shape_cast %select_n3A_780 : vector<16xi32> to vector<16x1xi32>
      %gather3A_782 = vector.shape_cast %broadcast_in_dim3A_781 : vector<16x1xi32> to vector<16xi32>
      %gather3A_783 = tpu.dynamic_gather %select_n3A_761[%gather3A_782] in [0] : vector<16xi32>, vector<16xi32> -> vector<16xi32>
      %xor3A_784 = arith.constant 8 : i32
      %xor3A_785 = vector.broadcast %xor3A_784 : i32 to vector<16xi32>
      %xor3A_786 = arith.xori %iota3A, %xor3A_785 : vector<16xi32>
      %lt3A_787 = arith.constant 0 : i32
      %lt3A_788 = vector.broadcast %lt3A_787 : i32 to vector<16xi32>
      %lt3A_789 = arith.cmpi slt, %xor3A_786, %lt3A_788 : vector<16xi32>
      %add3A_790 = arith.constant 16 : i32
      %add3A_791 = vector.broadcast %add3A_790 : i32 to vector<16xi32>
      %add3A_792 = arith.addi %xor3A_786, %add3A_791 : vector<16xi32>
      %select_n3A_793 = arith.select %lt3A_789, %add3A_792, %xor3A_786 : vector<16xi1>, vector<16xi32>
      %broadcast_in_dim3A_794 = vector.shape_cast %select_n3A_793 : vector<16xi32> to vector<16x1xi32>
      %gather3A_795 = vector.shape_cast %broadcast_in_dim3A_794 : vector<16x1xi32> to vector<16xi32>
      %gather3A_796 = tpu.dynamic_gather %select_n3A_762[%gather3A_795] in [0] : vector<16xf32>, vector<16xi32> -> vector<16xf32>
      %min3A_797 = arith.minsi %select_n3A_761, %gather3A_783 : vector<16xi32>
      %max3A_798 = arith.maxsi %select_n3A_761, %gather3A_783 : vector<16xi32>
      %select_n3A_799 = arith.select %eq3A_770, %min3A_797, %max3A_798 : vector<16xi1>, vector<16xi32>
      %eq3A_800 = arith.cmpi eq, %select_n3A_799, %select_n3A_761 : vector<16xi32>
      %select_n3A_801 = arith.select %eq3A_800, %select_n3A_762, %gather3A_796 : vector<16xi1>, vector<16xf32>
      %xor3A_802 = arith.constant 8 : i32
      %xor3A_803 = vector.broadcast %xor3A_802 : i32 to vector<16xi32>
      %xor3A_804 = arith.xori %iota3A, %xor3A_803 : vector<16xi32>
      %lt3A_805 = arith.constant 0 : i32
      %lt3A_806 = vector.broadcast %lt3A_805 : i32 to vector<16xi32>
      %lt3A_807 = arith.cmpi slt, %xor3A_804, %lt3A_806 : vector<16xi32>
      %add3A_808 = arith.constant 16 : i32
      %add3A_809 = vector.broadcast %add3A_808 : i32 to vector<16xi32>
      %add3A_810 = arith.addi %xor3A_804, %add3A_809 : vector<16xi32>
      %select_n3A_811 = arith.select %lt3A_807, %add3A_810, %xor3A_804 : vector<16xi1>, vector<16xi32>
      %broadcast_in_dim3A_812 = vector.shape_cast %select_n3A_811 : vector<16xi32> to vector<16x1xi32>
      %gather3A_813 = vector.shape_cast %broadcast_in_dim3A_812 : vector<16x1xi32> to vector<16xi32>
      %gather3A_814 = tpu.dynamic_gather %select_n3A_763[%gather3A_813] in [0] : vector<16xi32>, vector<16xi32> -> vector<16xi32>
      %xor3A_815 = arith.constant 8 : i32
      %xor3A_816 = vector.broadcast %xor3A_815 : i32 to vector<16xi32>
      %xor3A_817 = arith.xori %iota3A, %xor3A_816 : vector<16xi32>
      %lt3A_818 = arith.constant 0 : i32
      %lt3A_819 = vector.broadcast %lt3A_818 : i32 to vector<16xi32>
      %lt3A_820 = arith.cmpi slt, %xor3A_817, %lt3A_819 : vector<16xi32>
      %add3A_821 = arith.constant 16 : i32
      %add3A_822 = vector.broadcast %add3A_821 : i32 to vector<16xi32>
      %add3A_823 = arith.addi %xor3A_817, %add3A_822 : vector<16xi32>
      %select_n3A_824 = arith.select %lt3A_820, %add3A_823, %xor3A_817 : vector<16xi1>, vector<16xi32>
      %broadcast_in_dim3A_825 = vector.shape_cast %select_n3A_824 : vector<16xi32> to vector<16x1xi32>
      %gather3A_826 = vector.shape_cast %broadcast_in_dim3A_825 : vector<16x1xi32> to vector<16xi32>
      %gather3A_827 = tpu.dynamic_gather %select_n3A_764[%gather3A_826] in [0] : vector<16xf32>, vector<16xi32> -> vector<16xf32>
      %min3A_828 = arith.minsi %select_n3A_763, %gather3A_814 : vector<16xi32>
      %max3A_829 = arith.maxsi %select_n3A_763, %gather3A_814 : vector<16xi32>
      %select_n3A_830 = arith.select %eq3A_770, %min3A_828, %max3A_829 : vector<16xi1>, vector<16xi32>
      %eq3A_831 = arith.cmpi eq, %select_n3A_830, %select_n3A_763 : vector<16xi32>
      %select_n3A_832 = arith.select %eq3A_831, %select_n3A_764, %gather3A_827 : vector<16xi1>, vector<16xf32>
      %and3A_833 = arith.constant 4 : i32
      %and3A_834 = vector.broadcast %and3A_833 : i32 to vector<16xi32>
      %and3A_835 = arith.andi %iota3A, %and3A_834 : vector<16xi32>
      %eq3A_836 = arith.constant 0 : i32
      %eq3A_837 = vector.broadcast %eq3A_836 : i32 to vector<16xi32>
      %eq3A_838 = arith.cmpi eq, %and3A_835, %eq3A_837 : vector<16xi32>
      %xor3A_839 = arith.constant 4 : i32
      %xor3A_840 = vector.broadcast %xor3A_839 : i32 to vector<16xi32>
      %xor3A_841 = arith.xori %iota3A, %xor3A_840 : vector<16xi32>
      %lt3A_842 = arith.constant 0 : i32
      %lt3A_843 = vector.broadcast %lt3A_842 : i32 to vector<16xi32>
      %lt3A_844 = arith.cmpi slt, %xor3A_841, %lt3A_843 : vector<16xi32>
      %add3A_845 = arith.constant 16 : i32
      %add3A_846 = vector.broadcast %add3A_845 : i32 to vector<16xi32>
      %add3A_847 = arith.addi %xor3A_841, %add3A_846 : vector<16xi32>
      %select_n3A_848 = arith.select %lt3A_844, %add3A_847, %xor3A_841 : vector<16xi1>, vector<16xi32>
      %broadcast_in_dim3A_849 = vector.shape_cast %select_n3A_848 : vector<16xi32> to vector<16x1xi32>
      %gather3A_850 = vector.shape_cast %broadcast_in_dim3A_849 : vector<16x1xi32> to vector<16xi32>
      %gather3A_851 = tpu.dynamic_gather %select_n3A_799[%gather3A_850] in [0] : vector<16xi32>, vector<16xi32> -> vector<16xi32>
      %xor3A_852 = arith.constant 4 : i32
      %xor3A_853 = vector.broadcast %xor3A_852 : i32 to vector<16xi32>
      %xor3A_854 = arith.xori %iota3A, %xor3A_853 : vector<16xi32>
      %lt3A_855 = arith.constant 0 : i32
      %lt3A_856 = vector.broadcast %lt3A_855 : i32 to vector<16xi32>
      %lt3A_857 = arith.cmpi slt, %xor3A_854, %lt3A_856 : vector<16xi32>
      %add3A_858 = arith.constant 16 : i32
      %add3A_859 = vector.broadcast %add3A_858 : i32 to vector<16xi32>
      %add3A_860 = arith.addi %xor3A_854, %add3A_859 : vector<16xi32>
      %select_n3A_861 = arith.select %lt3A_857, %add3A_860, %xor3A_854 : vector<16xi1>, vector<16xi32>
      %broadcast_in_dim3A_862 = vector.shape_cast %select_n3A_861 : vector<16xi32> to vector<16x1xi32>
      %gather3A_863 = vector.shape_cast %broadcast_in_dim3A_862 : vector<16x1xi32> to vector<16xi32>
      %gather3A_864 = tpu.dynamic_gather %select_n3A_801[%gather3A_863] in [0] : vector<16xf32>, vector<16xi32> -> vector<16xf32>
      %min3A_865 = arith.minsi %select_n3A_799, %gather3A_851 : vector<16xi32>
      %max3A_866 = arith.maxsi %select_n3A_799, %gather3A_851 : vector<16xi32>
      %select_n3A_867 = arith.select %eq3A_838, %min3A_865, %max3A_866 : vector<16xi1>, vector<16xi32>
      %eq3A_868 = arith.cmpi eq, %select_n3A_867, %select_n3A_799 : vector<16xi32>
      %select_n3A_869 = arith.select %eq3A_868, %select_n3A_801, %gather3A_864 : vector<16xi1>, vector<16xf32>
      %xor3A_870 = arith.constant 4 : i32
      %xor3A_871 = vector.broadcast %xor3A_870 : i32 to vector<16xi32>
      %xor3A_872 = arith.xori %iota3A, %xor3A_871 : vector<16xi32>
      %lt3A_873 = arith.constant 0 : i32
      %lt3A_874 = vector.broadcast %lt3A_873 : i32 to vector<16xi32>
      %lt3A_875 = arith.cmpi slt, %xor3A_872, %lt3A_874 : vector<16xi32>
      %add3A_876 = arith.constant 16 : i32
      %add3A_877 = vector.broadcast %add3A_876 : i32 to vector<16xi32>
      %add3A_878 = arith.addi %xor3A_872, %add3A_877 : vector<16xi32>
      %select_n3A_879 = arith.select %lt3A_875, %add3A_878, %xor3A_872 : vector<16xi1>, vector<16xi32>
      %broadcast_in_dim3A_880 = vector.shape_cast %select_n3A_879 : vector<16xi32> to vector<16x1xi32>
      %gather3A_881 = vector.shape_cast %broadcast_in_dim3A_880 : vector<16x1xi32> to vector<16xi32>
      %gather3A_882 = tpu.dynamic_gather %select_n3A_830[%gather3A_881] in [0] : vector<16xi32>, vector<16xi32> -> vector<16xi32>
      %xor3A_883 = arith.constant 4 : i32
      %xor3A_884 = vector.broadcast %xor3A_883 : i32 to vector<16xi32>
      %xor3A_885 = arith.xori %iota3A, %xor3A_884 : vector<16xi32>
      %lt3A_886 = arith.constant 0 : i32
      %lt3A_887 = vector.broadcast %lt3A_886 : i32 to vector<16xi32>
      %lt3A_888 = arith.cmpi slt, %xor3A_885, %lt3A_887 : vector<16xi32>
      %add3A_889 = arith.constant 16 : i32
      %add3A_890 = vector.broadcast %add3A_889 : i32 to vector<16xi32>
      %add3A_891 = arith.addi %xor3A_885, %add3A_890 : vector<16xi32>
      %select_n3A_892 = arith.select %lt3A_888, %add3A_891, %xor3A_885 : vector<16xi1>, vector<16xi32>
      %broadcast_in_dim3A_893 = vector.shape_cast %select_n3A_892 : vector<16xi32> to vector<16x1xi32>
      %gather3A_894 = vector.shape_cast %broadcast_in_dim3A_893 : vector<16x1xi32> to vector<16xi32>
      %gather3A_895 = tpu.dynamic_gather %select_n3A_832[%gather3A_894] in [0] : vector<16xf32>, vector<16xi32> -> vector<16xf32>
      %min3A_896 = arith.minsi %select_n3A_830, %gather3A_882 : vector<16xi32>
      %max3A_897 = arith.maxsi %select_n3A_830, %gather3A_882 : vector<16xi32>
      %select_n3A_898 = arith.select %eq3A_838, %min3A_896, %max3A_897 : vector<16xi1>, vector<16xi32>
      %eq3A_899 = arith.cmpi eq, %select_n3A_898, %select_n3A_830 : vector<16xi32>
      %select_n3A_900 = arith.select %eq3A_899, %select_n3A_832, %gather3A_895 : vector<16xi1>, vector<16xf32>
      %and3A_901 = arith.constant 2 : i32
      %and3A_902 = vector.broadcast %and3A_901 : i32 to vector<16xi32>
      %and3A_903 = arith.andi %iota3A, %and3A_902 : vector<16xi32>
      %eq3A_904 = arith.constant 0 : i32
      %eq3A_905 = vector.broadcast %eq3A_904 : i32 to vector<16xi32>
      %eq3A_906 = arith.cmpi eq, %and3A_903, %eq3A_905 : vector<16xi32>
      %xor3A_907 = arith.constant 2 : i32
      %xor3A_908 = vector.broadcast %xor3A_907 : i32 to vector<16xi32>
      %xor3A_909 = arith.xori %iota3A, %xor3A_908 : vector<16xi32>
      %lt3A_910 = arith.constant 0 : i32
      %lt3A_911 = vector.broadcast %lt3A_910 : i32 to vector<16xi32>
      %lt3A_912 = arith.cmpi slt, %xor3A_909, %lt3A_911 : vector<16xi32>
      %add3A_913 = arith.constant 16 : i32
      %add3A_914 = vector.broadcast %add3A_913 : i32 to vector<16xi32>
      %add3A_915 = arith.addi %xor3A_909, %add3A_914 : vector<16xi32>
      %select_n3A_916 = arith.select %lt3A_912, %add3A_915, %xor3A_909 : vector<16xi1>, vector<16xi32>
      %broadcast_in_dim3A_917 = vector.shape_cast %select_n3A_916 : vector<16xi32> to vector<16x1xi32>
      %gather3A_918 = vector.shape_cast %broadcast_in_dim3A_917 : vector<16x1xi32> to vector<16xi32>
      %gather3A_919 = tpu.dynamic_gather %select_n3A_867[%gather3A_918] in [0] : vector<16xi32>, vector<16xi32> -> vector<16xi32>
      %xor3A_920 = arith.constant 2 : i32
      %xor3A_921 = vector.broadcast %xor3A_920 : i32 to vector<16xi32>
      %xor3A_922 = arith.xori %iota3A, %xor3A_921 : vector<16xi32>
      %lt3A_923 = arith.constant 0 : i32
      %lt3A_924 = vector.broadcast %lt3A_923 : i32 to vector<16xi32>
      %lt3A_925 = arith.cmpi slt, %xor3A_922, %lt3A_924 : vector<16xi32>
      %add3A_926 = arith.constant 16 : i32
      %add3A_927 = vector.broadcast %add3A_926 : i32 to vector<16xi32>
      %add3A_928 = arith.addi %xor3A_922, %add3A_927 : vector<16xi32>
      %select_n3A_929 = arith.select %lt3A_925, %add3A_928, %xor3A_922 : vector<16xi1>, vector<16xi32>
      %broadcast_in_dim3A_930 = vector.shape_cast %select_n3A_929 : vector<16xi32> to vector<16x1xi32>
      %gather3A_931 = vector.shape_cast %broadcast_in_dim3A_930 : vector<16x1xi32> to vector<16xi32>
      %gather3A_932 = tpu.dynamic_gather %select_n3A_869[%gather3A_931] in [0] : vector<16xf32>, vector<16xi32> -> vector<16xf32>
      %min3A_933 = arith.minsi %select_n3A_867, %gather3A_919 : vector<16xi32>
      %max3A_934 = arith.maxsi %select_n3A_867, %gather3A_919 : vector<16xi32>
      %select_n3A_935 = arith.select %eq3A_906, %min3A_933, %max3A_934 : vector<16xi1>, vector<16xi32>
      %eq3A_936 = arith.cmpi eq, %select_n3A_935, %select_n3A_867 : vector<16xi32>
      %select_n3A_937 = arith.select %eq3A_936, %select_n3A_869, %gather3A_932 : vector<16xi1>, vector<16xf32>
      %xor3A_938 = arith.constant 2 : i32
      %xor3A_939 = vector.broadcast %xor3A_938 : i32 to vector<16xi32>
      %xor3A_940 = arith.xori %iota3A, %xor3A_939 : vector<16xi32>
      %lt3A_941 = arith.constant 0 : i32
      %lt3A_942 = vector.broadcast %lt3A_941 : i32 to vector<16xi32>
      %lt3A_943 = arith.cmpi slt, %xor3A_940, %lt3A_942 : vector<16xi32>
      %add3A_944 = arith.constant 16 : i32
      %add3A_945 = vector.broadcast %add3A_944 : i32 to vector<16xi32>
      %add3A_946 = arith.addi %xor3A_940, %add3A_945 : vector<16xi32>
      %select_n3A_947 = arith.select %lt3A_943, %add3A_946, %xor3A_940 : vector<16xi1>, vector<16xi32>
      %broadcast_in_dim3A_948 = vector.shape_cast %select_n3A_947 : vector<16xi32> to vector<16x1xi32>
      %gather3A_949 = vector.shape_cast %broadcast_in_dim3A_948 : vector<16x1xi32> to vector<16xi32>
      %gather3A_950 = tpu.dynamic_gather %select_n3A_898[%gather3A_949] in [0] : vector<16xi32>, vector<16xi32> -> vector<16xi32>
      %xor3A_951 = arith.constant 2 : i32
      %xor3A_952 = vector.broadcast %xor3A_951 : i32 to vector<16xi32>
      %xor3A_953 = arith.xori %iota3A, %xor3A_952 : vector<16xi32>
      %lt3A_954 = arith.constant 0 : i32
      %lt3A_955 = vector.broadcast %lt3A_954 : i32 to vector<16xi32>
      %lt3A_956 = arith.cmpi slt, %xor3A_953, %lt3A_955 : vector<16xi32>
      %add3A_957 = arith.constant 16 : i32
      %add3A_958 = vector.broadcast %add3A_957 : i32 to vector<16xi32>
      %add3A_959 = arith.addi %xor3A_953, %add3A_958 : vector<16xi32>
      %select_n3A_960 = arith.select %lt3A_956, %add3A_959, %xor3A_953 : vector<16xi1>, vector<16xi32>
      %broadcast_in_dim3A_961 = vector.shape_cast %select_n3A_960 : vector<16xi32> to vector<16x1xi32>
      %gather3A_962 = vector.shape_cast %broadcast_in_dim3A_961 : vector<16x1xi32> to vector<16xi32>
      %gather3A_963 = tpu.dynamic_gather %select_n3A_900[%gather3A_962] in [0] : vector<16xf32>, vector<16xi32> -> vector<16xf32>
      %min3A_964 = arith.minsi %select_n3A_898, %gather3A_950 : vector<16xi32>
      %max3A_965 = arith.maxsi %select_n3A_898, %gather3A_950 : vector<16xi32>
      %select_n3A_966 = arith.select %eq3A_906, %min3A_964, %max3A_965 : vector<16xi1>, vector<16xi32>
      %eq3A_967 = arith.cmpi eq, %select_n3A_966, %select_n3A_898 : vector<16xi32>
      %select_n3A_968 = arith.select %eq3A_967, %select_n3A_900, %gather3A_963 : vector<16xi1>, vector<16xf32>
      %and3A_969 = arith.constant 1 : i32
      %and3A_970 = vector.broadcast %and3A_969 : i32 to vector<16xi32>
      %and3A_971 = arith.andi %iota3A, %and3A_970 : vector<16xi32>
      %eq3A_972 = arith.constant 0 : i32
      %eq3A_973 = vector.broadcast %eq3A_972 : i32 to vector<16xi32>
      %eq3A_974 = arith.cmpi eq, %and3A_971, %eq3A_973 : vector<16xi32>
      %xor3A_975 = arith.constant 1 : i32
      %xor3A_976 = vector.broadcast %xor3A_975 : i32 to vector<16xi32>
      %xor3A_977 = arith.xori %iota3A, %xor3A_976 : vector<16xi32>
      %lt3A_978 = arith.constant 0 : i32
      %lt3A_979 = vector.broadcast %lt3A_978 : i32 to vector<16xi32>
      %lt3A_980 = arith.cmpi slt, %xor3A_977, %lt3A_979 : vector<16xi32>
      %add3A_981 = arith.constant 16 : i32
      %add3A_982 = vector.broadcast %add3A_981 : i32 to vector<16xi32>
      %add3A_983 = arith.addi %xor3A_977, %add3A_982 : vector<16xi32>
      %select_n3A_984 = arith.select %lt3A_980, %add3A_983, %xor3A_977 : vector<16xi1>, vector<16xi32>
      %broadcast_in_dim3A_985 = vector.shape_cast %select_n3A_984 : vector<16xi32> to vector<16x1xi32>
      %gather3A_986 = vector.shape_cast %broadcast_in_dim3A_985 : vector<16x1xi32> to vector<16xi32>
      %gather3A_987 = tpu.dynamic_gather %select_n3A_935[%gather3A_986] in [0] : vector<16xi32>, vector<16xi32> -> vector<16xi32>
      %xor3A_988 = arith.constant 1 : i32
      %xor3A_989 = vector.broadcast %xor3A_988 : i32 to vector<16xi32>
      %xor3A_990 = arith.xori %iota3A, %xor3A_989 : vector<16xi32>
      %lt3A_991 = arith.constant 0 : i32
      %lt3A_992 = vector.broadcast %lt3A_991 : i32 to vector<16xi32>
      %lt3A_993 = arith.cmpi slt, %xor3A_990, %lt3A_992 : vector<16xi32>
      %add3A_994 = arith.constant 16 : i32
      %add3A_995 = vector.broadcast %add3A_994 : i32 to vector<16xi32>
      %add3A_996 = arith.addi %xor3A_990, %add3A_995 : vector<16xi32>
      %select_n3A_997 = arith.select %lt3A_993, %add3A_996, %xor3A_990 : vector<16xi1>, vector<16xi32>
      %broadcast_in_dim3A_998 = vector.shape_cast %select_n3A_997 : vector<16xi32> to vector<16x1xi32>
      %gather3A_999 = vector.shape_cast %broadcast_in_dim3A_998 : vector<16x1xi32> to vector<16xi32>
      %gather3A_1000 = tpu.dynamic_gather %select_n3A_937[%gather3A_999] in [0] : vector<16xf32>, vector<16xi32> -> vector<16xf32>
      %min3A_1001 = arith.minsi %select_n3A_935, %gather3A_987 : vector<16xi32>
      %max3A_1002 = arith.maxsi %select_n3A_935, %gather3A_987 : vector<16xi32>
      %select_n3A_1003 = arith.select %eq3A_974, %min3A_1001, %max3A_1002 : vector<16xi1>, vector<16xi32>
      %eq3A_1004 = arith.cmpi eq, %select_n3A_1003, %select_n3A_935 : vector<16xi32>
      %select_n3A_1005 = arith.select %eq3A_1004, %select_n3A_937, %gather3A_1000 : vector<16xi1>, vector<16xf32>
      %xor3A_1006 = arith.constant 1 : i32
      %xor3A_1007 = vector.broadcast %xor3A_1006 : i32 to vector<16xi32>
      %xor3A_1008 = arith.xori %iota3A, %xor3A_1007 : vector<16xi32>
      %lt3A_1009 = arith.constant 0 : i32
      %lt3A_1010 = vector.broadcast %lt3A_1009 : i32 to vector<16xi32>
      %lt3A_1011 = arith.cmpi slt, %xor3A_1008, %lt3A_1010 : vector<16xi32>
      %add3A_1012 = arith.constant 16 : i32
      %add3A_1013 = vector.broadcast %add3A_1012 : i32 to vector<16xi32>
      %add3A_1014 = arith.addi %xor3A_1008, %add3A_1013 : vector<16xi32>
      %select_n3A_1015 = arith.select %lt3A_1011, %add3A_1014, %xor3A_1008 : vector<16xi1>, vector<16xi32>
      %broadcast_in_dim3A_1016 = vector.shape_cast %select_n3A_1015 : vector<16xi32> to vector<16x1xi32>
      %gather3A_1017 = vector.shape_cast %broadcast_in_dim3A_1016 : vector<16x1xi32> to vector<16xi32>
      %gather3A_1018 = tpu.dynamic_gather %select_n3A_966[%gather3A_1017] in [0] : vector<16xi32>, vector<16xi32> -> vector<16xi32>
      %xor3A_1019 = arith.constant 1 : i32
      %xor3A_1020 = vector.broadcast %xor3A_1019 : i32 to vector<16xi32>
      %xor3A_1021 = arith.xori %iota3A, %xor3A_1020 : vector<16xi32>
      %lt3A_1022 = arith.constant 0 : i32
      %lt3A_1023 = vector.broadcast %lt3A_1022 : i32 to vector<16xi32>
      %lt3A_1024 = arith.cmpi slt, %xor3A_1021, %lt3A_1023 : vector<16xi32>
      %add3A_1025 = arith.constant 16 : i32
      %add3A_1026 = vector.broadcast %add3A_1025 : i32 to vector<16xi32>
      %add3A_1027 = arith.addi %xor3A_1021, %add3A_1026 : vector<16xi32>
      %select_n3A_1028 = arith.select %lt3A_1024, %add3A_1027, %xor3A_1021 : vector<16xi1>, vector<16xi32>
      %broadcast_in_dim3A_1029 = vector.shape_cast %select_n3A_1028 : vector<16xi32> to vector<16x1xi32>
      %gather3A_1030 = vector.shape_cast %broadcast_in_dim3A_1029 : vector<16x1xi32> to vector<16xi32>
      %gather3A_1031 = tpu.dynamic_gather %select_n3A_968[%gather3A_1030] in [0] : vector<16xf32>, vector<16xi32> -> vector<16xf32>
      %min3A_1032 = arith.minsi %select_n3A_966, %gather3A_1018 : vector<16xi32>
      %max3A_1033 = arith.maxsi %select_n3A_966, %gather3A_1018 : vector<16xi32>
      %select_n3A_1034 = arith.select %eq3A_974, %min3A_1032, %max3A_1033 : vector<16xi1>, vector<16xi32>
      %eq3A_1035 = arith.cmpi eq, %select_n3A_1034, %select_n3A_966 : vector<16xi32>
      %select_n3A_1036 = arith.select %eq3A_1035, %select_n3A_968, %gather3A_1031 : vector<16xi1>, vector<16xf32>
      %mul3A_1037 = arith.constant 32 : i32
      %mul3A_1038 = arith.muli %add3A_546, %mul3A_1037 : i32
      %add3A_1039 = vector.broadcast %mul3A_1038 : i32 to vector<16xi32>
      %add3A_1040 = arith.addi %add3A_1039, %iota3A : vector<16xi32>
      tpu.vector_store_idx %arg13[%add3A_1040], %select_n3A_1005 : memref<1024xf32, #tpu.memory_space<vmem>>[vector<16xi32>], vector<16xf32>,
      %add3A_1041 = arith.constant 16 : i32
      %add3A_1042 = arith.addi %mul3A_1038, %add3A_1041 : i32
      %add3A_1043 = vector.broadcast %add3A_1042 : i32 to vector<16xi32>
      %add3A_1044 = arith.addi %add3A_1043, %iota3A : vector<16xi32>
      tpu.vector_store_idx %arg13[%add3A_1044], %select_n3A_1036 : memref<1024xf32, #tpu.memory_space<vmem>>[vector<16xi32>], vector<16xf32>,
    }
    %scan3A_18 = arith.constant 16 : i32
    %mul3A_19 = arith.constant 32 : i32
    %mul3A_20 = arith.muli %add3A, %mul3A_19 : i32
    %mul3A_21 = arith.constant 32 : i32
    %mul3A_22 = arith.muli %mul3A_20, %mul3A_21 : i32
    "tpu.region"() ({
      %run_scoped3A = tpu.sem_alloc : memref<!tpu.dma_semaphore, #tpu.memory_space<semaphore_mem>>
      %dma_start3A_23 = tpu.memref_slice %arg3[%mul3A_22] : memref<32768xf32, #tpu.memory_space<hbm>> -> memref<1024xf32, #tpu.memory_space<hbm>>
      %dma_start3A_24 = tpu.memref_slice %arg3[%mul3A_22] : memref<32768xf32, #tpu.memory_space<hbm>> -> memref<1024xf32, #tpu.memory_space<hbm>>
      tpu.enqueue_dma source(%arg13 : memref<1024xf32, #tpu.memory_space<vmem>>) target(%dma_start3A_24 : memref<1024xf32, #tpu.memory_space<hbm>>) target_semaphore(%run_scoped3A : memref<!tpu.dma_semaphore, #tpu.memory_space<semaphore_mem>>)
      %dma_wait3A = tpu.memref_slice %arg3[%mul3A_22] : memref<32768xf32, #tpu.memory_space<hbm>> -> memref<1024xf32, #tpu.memory_space<hbm>>
      %dma_wait3A_25 = tpu.memref_slice %arg3[%mul3A_22] : memref<32768xf32, #tpu.memory_space<hbm>> -> memref<1024xf32, #tpu.memory_space<hbm>>
      tpu.wait_dma2 semaphore(%run_scoped3A : memref<!tpu.dma_semaphore, #tpu.memory_space<semaphore_mem>>) src(%arg13 : memref<1024xf32, #tpu.memory_space<vmem>>) dst(%dma_wait3A_25 : memref<1024xf32, #tpu.memory_space<hbm>>)
      tpu.yield
    }) : () -> ()
    return
  }
}

</mosaic_0001>

<sc_bundles>
// kernel: kernel.3.cloned.1.call-start
scs
__scs_entry_jumppad:
0x0: {  	(pc) =	sbr.rel $0x88, $3  }
0x1: {  	(tag) =	ssettag $0x0;
	lr =	simm.s32 $0x1  }
0x2: {  	[smem:$0x3FA0] =	sst lr;
	_ =	strace $0xD0000000  }
0x3: {  	_ = 	snop  }
0x4: {  	_ = 	snop  }
0x5: {  	_ = 	snop  }
0x6: {  	_ = 	snop  }
0x7: {  	_ = 	snop  }
__scs_overlays_trampoline_lowered:
0x8: {  	[smem:$0x3FAF] =	sst s0  }
0x9: {  	[smem:$0x3FB0] =	sst s1  }
0xa: {  	[smem:$0x3FB1] =	sst s2  }
0xb: {  	[smem:$0x3FB2] =	sst s3  }
0xc: {  	[smem:$0x3FB3] =	sst s4  }
0xd: {  	[smem:$0x3FB4] =	sst s5  }
0xe: {  	[smem:$0x3FB5] =	sst s6  }
0xf: {  	[smem:$0x3FB6] =	sst s7  }
0x10: {  	[smem:$0x3FB7] =	sst s8  }
0x11: {  	[smem:$0x3FB8] =	sst s9;
	s0 =	simm.s32 @!p0 $0x0  }
0x12: {  	s1 =	sld [smem:$0x3F9E];
	s0 =	simm.s32 @p0 $0x1  }
0x13: {  	[smem:$0x3FB9] =	sst s0;
	s0 =	simm.s32 @!p1 $0x0  }
0x14: {  	s2 =	sld [smem:$0x3F9D];
	s0 =	simm.s32 @p1 $0x1  }
0x15: {  	[smem:$0x3FBA] =	sst s0;
	s0 =	simm.s32 @!p2 $0x0  }
0x16: {  	s3 =	sld [smem:$0x3FDB];
	s0 =	simm.s32 @p2 $0x1  }
0x17: {  	s4 =	simm.s32 $0x1BF5;
	[smem:$0x3FBC] =	sst s0  }
0x18: {  	s0 =	sld [smem:$0x3F9F];
	_ =	swait.ge [sflag:s4], $0x0  }
0x19: {  	s7 =	sld [smem:$0x3FA0]  }
0x1a: {  	s8 =	sadd.s32 $0xFFFFE003, lr  }
0x1b: {  	s9 =	sadd.s32 $0xFFFFFEF7, lr;
	s5 =	simm.s32 $0xFFFFFFFF;
	p2 =	slt.u32 s8, $0xFFFFF086  }
0x1c: {  	p1 =	slt.u32 s9, $0xF7A;
	s5 =	simm.s32 @!p2 $0x0  }
0x1d: {  	s5 =	simm.s32 @p1 $0x1;
	p0 =	seq.s32 s7, s2  }
0x1e: {  	s7 =	smul.u32 @!p0 $0xF7A, s2;
	p2 =	seq.s32 @!p0 s5, $0x0  }
0x1f: {  	s9 =	smul.u32 $0xF7A, s1;
	s8 =	simm.s32 @!p0 $0x1BF5;
	p2 =	por !p2, p0  }
0x20: {  	[sflag:s8] =	ssyncset.s32 @!p0 $0xFFFFF086;
	s6 =	sadd.s32 @!p0 s3, s7;
	s7 =	simm.s32 @!p0 $0x108  }
0x21: {  	s3 =	sadd.s32 s3, s9;
	s6 =	sadd.s32 @!p0 $0x88, s6;
	s7 =	simm.s32 @p2 $0x1082  }
0x22: {  	[simem:s7], [sflag:s8] =	dma.local @!p0 [hbm:s6], $0xF7A  }
0x23: {  	s9 =	sor.u32 $0xD0000000, s2;
	s6 =	simm.s32 $0x108;
	_ =	swait.ge @!p0 [sflag:s8], $0x0  }
0x24: {  	s3 =	sadd.s32 $0x88, s3;
	s6 =	simm.s32 @!p1 $0x1082;
	[sflag:s4] =	ssyncset.s32 $0xFFFFF086  }
0x25: {  	[simem:s6], [sflag:s4] =	dma.local [hbm:s3], $0xF7A  }
0x26: {  	[smem:$0x3FA0] =	sst s1;
	(tag) =	ssettag s2;
	_ =	strace s9  }
0x27: {  	s1 =	sld [smem:$0x3FB0]  }
0x28: {  	s2 =	sld [smem:$0x3FB1]  }
0x29: {  	s4 =	sld [smem:$0x3FB3]  }
0x2a: {  	p0 =	seq.s32 s5, $0x0;
	s5 =	sld [smem:$0x3FB4]  }
0x2b: {  	s6 =	sld [smem:$0x3FB5]  }
0x2c: {  	s7 =	sld [smem:$0x3FB6]  }
0x2d: {  	s3 =	simm.s32 $0x108;
	s8 =	sld [smem:$0x3FB7]  }
0x2e: {  	s3 =	simm.s32 @!p0 $0x1082;
	s9 =	sld [smem:$0x3FB8]  }
0x2f: {  	lr =	sadd.s32 s0, s3;
	s0 =	sld [smem:$0x3FAF]  }
0x30: {  	s3 =	sld [smem:$0x3FB2]  }
0x31: {  	[smem:$0x3FBB] =	sst s10  }
0x32: {  	s10 =	sld [smem:$0x3FB9];
	_ =	sdelay $0x3  }
0x33: {  	p0 =	seq.s32 s10, $0x1;
	s10 =	sld [smem:$0x3FBB];
	_ =	sdelay $0x3  }
0x34: {  	[smem:$0x3FBB] =	sst s10  }
0x35: {  	s10 =	sld [smem:$0x3FBA];
	_ =	sdelay $0x3  }
0x36: {  	p1 =	seq.s32 s10, $0x1;
	s10 =	sld [smem:$0x3FBB];
	_ =	sdelay $0x3  }
0x37: {  	[smem:$0x3FBB] =	sst s10  }
0x38: {  	s10 =	sld [smem:$0x3FBC]  }
0x39: {  	_ = 	snop;
	(pc) =	sbr.ind lr, $3  }
0x3a: {  	_ = 	snop  }
0x3b: {  	_ = 	snop  }
0x3c: {  	p2 =	seq.s32 s10, $0x1;
	s10 =	sld [smem:$0x3FBB]  }
0x3d: {  	_ =	shalt  }
0x3e: {  	_ =	shalt  }
0x3f: {  	_ =	shalt  }
0x40: {  	_ =	shalt  }
0x41: {  	_ =	shalt  }
0x42: {  	_ =	shalt  }
0x43: {  	_ =	shalt  }
0x44: {  	_ =	shalt  }
0x45: {  	_ =	shalt  }
0x46: {  	_ =	shalt  }
0x47: {  	_ =	shalt  }
0x48: {  	_ =	shalt  }
0x49: {  	_ =	shalt  }
0x4a: {  	_ =	shalt  }
0x4b: {  	_ =	shalt  }
0x4c: {  	_ =	shalt  }
0x4d: {  	_ =	shalt  }
0x4e: {  	_ =	shalt  }
0x4f: {  	_ =	shalt  }
0x50: {  	_ =	shalt  }
0x51: {  	_ =	shalt  }
0x52: {  	_ =	shalt  }
0x53: {  	_ =	shalt  }
0x54: {  	_ =	shalt  }
0x55: {  	_ =	shalt  }
0x56: {  	_ =	shalt  }
0x57: {  	_ =	shalt  }
0x58: {  	_ =	shalt  }
0x59: {  	_ =	shalt  }
0x5a: {  	_ =	shalt  }
0x5b: {  	_ =	shalt  }
0x5c: {  	_ =	shalt  }
0x5d: {  	_ =	shalt  }
0x5e: {  	_ =	shalt  }
0x5f: {  	_ =	shalt  }
0x60: {  	_ =	shalt  }
0x61: {  	_ =	shalt  }
0x62: {  	_ =	shalt  }
0x63: {  	_ =	shalt  }
0x64: {  	_ =	shalt  }
0x65: {  	_ =	shalt  }
0x66: {  	_ =	shalt  }
0x67: {  	_ =	shalt  }
0x68: {  	_ =	shalt  }
0x69: {  	_ =	shalt  }
0x6a: {  	_ =	shalt  }
0x6b: {  	_ =	shalt  }
0x6c: {  	_ =	shalt  }
0x6d: {  	_ =	shalt  }
0x6e: {  	_ =	shalt  }
0x6f: {  	_ =	shalt  }
0x70: {  	_ =	shalt  }
0x71: {  	_ =	shalt  }
0x72: {  	_ =	shalt  }
0x73: {  	_ =	shalt  }
0x74: {  	_ =	shalt  }
0x75: {  	_ =	shalt  }
0x76: {  	_ =	shalt  }
0x77: {  	_ =	shalt  }
0x78: {  	_ =	shalt  }
0x79: {  	_ =	shalt  }
0x7a: {  	_ =	shalt  }
0x7b: {  	_ =	shalt  }
0x7c: {  	_ =	shalt  }
0x7d: {  	_ =	shalt  }
0x7e: {  	_ =	shalt  }
0x7f: {  	_ =	shalt  }
0x80: {  	_ =	shalt  }
0x81: {  	_ =	shalt  }
0x82: {  	_ =	shalt  }
0x83: {  	_ =	shalt  }
0x84: {  	_ =	shalt  }
0x85: {  	_ =	shalt  }
0x86: {  	_ =	shalt  }
0x87: {  	_ =	shalt  }
.Lfunc_end0:
.L_simem_size_0:
called_computation_lowered:
.L_overlay_start_0:
0x88: {  	s2 =	sld [smem:$0x3FD9]  }
0x89: {  	s3 =	sld [smem:$0x3FFE];
	_ =	sdelay $0x1  }
0x8a: {  	s1 =	srdreg.scid  }
0x8b: {  	s0 =	sand.u32 $0x1, s1  }
0x8c: {  	s17 =	sshll.u32 s0, $0xA;
	s2 =	sadd.s32 s3, s2  }
0x8d: {  	s2 =	sadd.s32 s2, s17  }
0x8e: {  	[smem:$0x3FC7] =	sst s2  }
0x8f: {  	_ = 	snop  }
0x90: {  	s2 =	sld [smem:$0x3FC9];
	(tm) =	ssettm $0x1  }
0x91: {  	s18 =	sld [smem:$0x3FFB];
	_ =	sdelay $0x3  }
0x92: {  	_ =	strace s18  }
0x93: {  	s3 =	sld [smem:$0x3FFC];
	_ =	sdelay $0x3  }
0x94: {  	_ =	strace s3  }
0x95: {  	s3 =	sld [smem:$0x3FFD];
	_ =	sdelay $0x3  }
0x96: {  	_ =	strace s3  }
0x97: {  	_ =	strace $0x8FFFFFFF  }
0x98: {  	s19 =	sld [smem:$0x3FDB];
	_ =	sdelay $0x1  }
0x99: {  	s4 =	simm.s32 $_scs_section_size  }
0x9a: {  	s5 =	simm.s32 $_size__tile_overlayer_lowered;
	s6 =	simm.s32 $_tile_overlayer_lowered  }
0x9b: {  	s22 =	simm.s32 $0x1BFF;
	s21 =	sshll.u32 s6, $0x1;
	s3 =	sadd.s32 s4, s19  }
0x9c: {  	s7 =	simm.s32 $0x0;
	s20 =	sshll.u32 s5, $0x1;
	s5 =	sadd.s32 s21, s3  }
0x9d: {  	[timem:s7], [sflag:s22] =	dma.local [hbm:s5], s20  }
0x9e: {  	_ =	swait.ge [sflag:s22], s20  }
0x9f: {  	s4 =	ssub.s32 $0x0, s20;
	[sflag:s22] =	ssyncset.done $0x0  }
0xa0: {  	[sflag:s22] =	ssyncadd.s32 s4;
	_ =	sdelay $0x1  }
0xa1: {  	s23 =	simm.s32 $0x1B8B  }
0xa2: {  	_ =	swait.ge [sflag:s23], $0x1  }
0xa3: {  	[sflag:s23] =	ssyncset.done $0x0  }
0xa4: {  	s25 =	simm.s32 $0x1B8E;
	s24 =	sld [smem:$0x3FFE];
	[sflag:s23] =	ssyncadd.s32 $0xFFFFFFFF  }
0xa5: {  	s26 =	simm.s32 $execute0_lowered;
	[smem:$0x3FD2] =	sst s25  }
0xa6: {  	s5 =	sshll.u32 s26, $0x1;
	_ =	strace $0x80000046;
	[dreg:$0x1] =	wrdreg $0xFFFFFFFF  }
0xa7: {  	s28 =	simm.s32 $_size_execute0_lowered;
	s3 =	sadd.s32 s3, s5;
	[dreg:$0x0] =	wrdreg $0x0  }
0xa8: {  	s5 =	sshll.u32 s28, $0x1;
	[dreg:$0x2] =	wrdreg s3  }
0xa9: {  	[dreg:$0x3] =	wrdreg s5  }
0xaa: {  	[dreg:$0x4] =	wrdreg $0xC0  }
0xab: {  	_ =	task [dreg:s7], $0x5FFFF  }
0xac: {  	[dreg:$0x1] =	wrdreg $0xFFFFFFFF  }
0xad: {  	[dreg:$0x0] =	wrdreg $0x60  }
0xae: {  	[dreg:$0x2] =	wrdreg s2  }
0xaf: {  	[dreg:$0x3] =	wrdreg s24  }
0xb0: {  	[dreg:$0x4] =	wrdreg $0x9  }
0xb1: {  	_ =	task.clear_ibuf [dreg:s7], $0x5FFFF;
	_ =	strace $0x90000046  }
0xb2: {  	s29 =	simm.s32 $0x9;
	_ =	strace $0x80000048  }
0xb3: {  	_ =	swait.ge [sflag:s29], $0x1  }
0xb4: {  	[sflag:s29] =	ssyncadd.s32 $0xFFFFFFFF  }
0xb5: {  	_ =	strace $0x90000048  }
0xb6: {  	_ =	sfence  }
0xb7: {  	s30 =	sld [smem:$0x0];
	_ =	sdelay $0x2  }
0xb8: {  	s31 =	sshll.u32 s1, $0xD;
	s1 =	sshrl.u32 s1, $0x2  }
0xb9: {  	s3 =	sand.u32 $0x4000, s31;
	s1 =	sadd.s32 s1, s30  }
0xba: {  	s0 =	sor.u32 s3, s0;
	s1 =	sshll.u32 s1, $0x11  }
0xbb: {  	s0 =	sor.u32 s1, s0  }
0xbc: {  	s0 =	sadd.s32 $0x8F2B, s0  }
0xbd: {  	[sflag:s0] =	ssyncadd.remote.s32 $0x1  }
0xbe: {  	_ =	sfence.sel $0xFFFF  }
0xbf: {  	[dreg:$0x0] =	wrdreg $0xFFFFFFFF;
	(pc) =	sbr.abs _section_cstart, $3  }
0xc0: {  	[dreg:$0x1] =	wrdreg $0xFFFFFFFF  }
0xc1: {  	_ =	task.clear_ibuf [dreg:s7], $0x2FFFF;
	_ =	strace $0x9FFFFFFF  }
0xc2: {  	(tm) =	ssettm $0x7FFFFFFF  }
0xc3: {  	_ =	shalt  }
tec
execute0_lowered:
.L_overlay_start_1:
0x0: {  	(tag) =	ssettag $0x1  }
0x1: {  	v0 =	vimm.s32 $0xFEDCBA98;
	v1 =	vimm.s32 $0x76543210;
	v2 =	vimm.s32 $0xBA98FEDC  }
0x2: {  	v3 =	vimm.s32 $0x32107654;
	v4 =	vimm.s32 $0xDCFE98BA;
	v5 =	vimm.s32 $0x54761032  }
0x3: {  	v6 =	vimm.s32 $0xEFCDAB89;
	v7 =	vimm.s32 $0x67452301;
	vm0 =	vcmask $0x2F20  }
0x4: {  	vm1 =	vcmask $0x1710;
	vm2 =	vcmask $0x700;
	vm3 =	vcmask $0xF00  }
0x5: {  	v19 =	vimm.f32 $-Inf;
	v20 =	vimm.s32 $0xF;
	v0 =	vunpack.c.l.s4.s8 v0  }
0x6: {  	v1 =	vunpack.c.l.s4.s8 v1;
	v2 =	vunpack.c.l.s4.s8 v2;
	v3 =	vunpack.c.l.s4.s8 v3  }
0x7: {  	v4 =	vunpack.c.l.s4.s8 v4;
	v5 =	vunpack.c.l.s4.s8 v5;
	v6 =	vunpack.c.l.s4.s8 v6  }
0x8: {  	v7 =	vunpack.c.l.s4.s8 v7;
	vm1 =	vmor vm2, vm1;
	vm2 =	vcmask $0x2720  }
0x9: {  	vm0 =	vmor vm3, vm0;
	vm3 =	vcmask $0x300;
	vm1 =	vmor vm1, vm2  }
0xa: {  	vm2 =	vcmask $0x3730;
	v0 =	vunpack.c.0.s8.s32 v0;
	v1 =	vunpack.c.0.s8.s32 v1  }
0xb: {  	v2 =	vunpack.c.0.s8.s32 v2;
	v3 =	vunpack.c.0.s8.s32 v3;
	v4 =	vunpack.c.0.s8.s32 v4  }
0xc: {  	s0 =	rddreg [dreg:$0x0];
	v5 =	vunpack.c.0.s8.s32 v5;
	vm1 =	vmor vm1, vm2;
	vm2 =	vcmask $0xB08  }
0xd: {  	s4 =	rddreg [dreg:$0x1];
	v6 =	vunpack.c.0.s8.s32 v6;
	vm2 =	vmor vm3, vm2;
	vm3 =	vcmask $0x1310  }
0xe: {  	s1 =	rddreg [dreg:$0x2];
	v7 =	vunpack.c.0.s8.s32 v7;
	v0 =	vand.u32 $0xF, v0;
	vm2 =	vmor vm2, vm3  }
0xf: {  	s5 =	srdreg.scid;
	s2 =	stileid.u32;
	vm3 =	vcmask $0x1B18;
	v0 =	vcombine.low v0, v1;
	v1 =	vcombine.low v3, v2  }
0x10: {  	s3 =	simm.s32 $0x0;
	s10 =	simm.s32 $0x1;
	s11 =	simm.s32 $0x8080;
	v2 =	vcombine.low v5, v4;
	v3 =	vcombine.low v7, v6;
	v4 =	vlaneseq.u32  }
0x11: {  	s12 =	simm.s32 $0x12200;
	s13 =	simm.s32 $0x12380;
	s14 =	simm.s32 $0x16480;
	v5 =	vimm.s32 $0x0;
	vm2 =	vmor vm2, vm3;
	vm3 =	vcmask $0x2320  }
0x12: {  	s15 =	simm.s32 $0x2;
	s16 =	simm.s32 $0x3;
	s17 =	simm.s32 $0x0;
	v6 =	vmul.u32 $0x20, v4;
	v8 =	vand.u32 $0x7, v4;
	v7 =	vshrl.u32 v4, $0x3  }
0x13: {  	s5 =	sand.u32 $0x1, s5;
	s6 =	sshll.u32 s2, $0x1;
	[smem:$0x7FF] =	sst s3;
	v12 =	vor.u32 $0x30, v4;
	v13 =	vor.u32 $0x70, v4;
	v14 =	vor.u32 $0x20, v4  }
.Ltmp0:
0x14: {  	s6 =	sor.u32 s5, s6;
	s5 =	ssub.s32 $0x2, s5;
	v15 =	vor.u32 $0x60, v4;
	v16 =	vor.u32 $0x10, v4;
	vm2 =	vmor vm2, vm3;
	(pc) =	sbr.rel .LBB2_1-.Ltmp0, $4  }
0x15: {  	_ =	strace $0x80000047;
	s7 =	sshll.u32 s6, $0x7;
	s31 =	sshrl.u32 s5, $0x1;
	vm3 =	vcmask $0x2B28;
	v17 =	vor.u32 $0x50, v4;
	v18 =	vor.u32 $0x40, v4  }
0x16: {  	s8 =	sshll.u32 s6, $0x11;
	s7 =	sadd.s32 s7, s4;
	s9 =	ssub.s32 s5, s31;
	v8 =	vmul.u32 $0x10, v8;
	vm2 =	vmor vm2, vm3;
	vm3 =	vcmask $0x3330  }
0x17: {  	s4 =	sshll.u32 s6, $0x5;
	s5 =	sadd.s32 s0, s8;
	s8 =	simm.s32 $0x80;
	v9 =	vand.u32 $0xF, v1;
	vm2 =	vmor vm2, vm3;
	vm3 =	vcmask $0x3B38  }
0x18: {  	s6 =	sadd.s32 $0x400, s7;
	s7 =	smax.u32 s9, $0x1;
	s9 =	simm.s32 $0x400;
	v10 =	vand.u32 $0xF, v2;
	v11 =	vand.u32 $0xF, v3;
	vm2 =	vmor vm2, vm3  }
.LBB2_119:
0x19: {  	s17 =	sadd.s32 $0x1, s17  }
0x1a: {  	p0 =	sne.s32 s17, s7  }
.Ltmp1:
0x1b: {  	_ = 	snop;
	(pc) =	sbr.rel @!p0 .LBB2_120-.Ltmp1, $4  }
0x1c: {  	[hbm4b:s6+s3] =	stream.linear.scatter [tilespmem:s14], [sflag:$0x3], $0x400, $0x38;
	[tilespmem:$0x16880] =	vst v63  }
0x1d: {  	_ =	swait.ge [sflag:s16], $0x400  }
0x1e: {  	[sflag:s16] =	ssyncset.done $0x0  }
0x1f: {  	[sflag:s16] =	ssyncadd.s32 $0xFFFFFC00  }
.LBB2_1:
.Ltmp2:
0x20: {  	(pc) =	sbr.rel .LBB2_2-.Ltmp2, $3  }
0x21: {  	_ =	sdelay $0x1  }
0x22: {  	[tilespmem:s3], [sflag:$0x1] =	stream.strided.gather [hbm4b:s5+s8], $0x8000, s9, s8, $0x38;
	[tilespmem:$0x16880] =	vst v63  }
0x23: {  	s18 =	simm.s32 $0x0  }
.LBB2_95:
0x24: {  	v26 =	vld [tilespmem:$0x10100]  }
0x25: {  	v22 =	vld [tilespmem:$0x10110]  }
0x26: {  	v27 =	vld [tilespmem:$0x11100]  }
0x27: {  	v23 =	vld [tilespmem:$0x11110]  }
.LBB2_118:
0x28: {  	_ =	sdelay $0x2  }
0x29: {  	v24 =	vxor.u32 $0x80000000, v27  }
0x2a: {  	(xrf1) =	vsort.ascd.msk.u32 $0xffff, v24, v26;
	v23 =	vxor.u32 $0x80000000, v23  }
0x2b: {  	(xrf1) =	vsort.ascd.msk.u32 $0xffff, v23, v22;
	_ =	sdelay $0xc  }
0x2c: {  	v22, v23, _ =	vpop (xrf1)  }
0x2d: {  	v40, v25, _ =	vpop (xrf1)  }
0x2e: {  	v24 =	vxor.u32 $0x80000000, v40  }
0x2f: {  	v24 =	vperm.xlane v24, v21  }
0x30: {  	v22 =	vxor.u32 $0x80000000, v22  }
0x31: {  	vm4 =	vgt.s32 v22, v24  }
0x32: {  	v41 =	vsel vm4, v24, v22  }
0x33: {  	v42 =	vperm.xlane v41, v0;
	_ =	sdelay $0x1  }
0x34: {  	v21 =	vperm.xlane v25, v21;
	v22 =	vsel vm4, v22, v24;
	vm5 =	vlt.s32 v41, v42  }
0x35: {  	s19 =	sor.u32 $0x20, s20;
	v45 =	vperm.xlane v22, v0;
	v43 =	vsel vm5, v41, v42;
	v44 =	vsel vm5, v42, v41  }
0x36: {  	v60 =	vor.u32 s19, v4;
	v46 =	vsel vm4, v21, v23;
	v24 =	vsel vm3, v43, v44  }
0x37: {  	v21 =	vsel vm4, v23, v21;
	vm11 =	vlt.s32 v22, v45;
	v28 =	vperm.xlane v24, v9  }
0x38: {  	v29 =	vperm.xlane v46, v0;
	v23 =	vsel vm11, v22, v45;
	v27 =	vsel vm11, v45, v22  }
0x39: {  	v23 =	vsel vm3, v23, v27;
	vm12 =	veq.s32 v24, v41;
	vm3 =	vlt.s32 v24, v28  }
0x3a: {  	v47 =	vperm.xlane v21, v0;
	v25 =	vsel vm12, v46, v29;
	v48 =	vsel vm3, v24, v28  }
0x3b: {  	s31 =	sor.u32 $0x30, s20;
	v28 =	vsel vm3, v28, v24;
	vm3 =	veq.s32 v23, v22;
	v22 =	vperm.xlane v23, v9  }
0x3c: {  	v61 =	vor.u32 s31, v4;
	v50 =	vperm.xlane v25, v9;
	v49 =	vsel vm0, v48, v28  }
0x3d: {  	v21 =	vsel vm3, v21, v47;
	vm3 =	veq.s32 v49, v24;
	vm13 =	vlt.s32 v23, v22  }
0x3e: {  	v28 =	vperm.xlane v49, v10;
	v51 =	vsel vm13, v23, v22;
	v22 =	vsel vm13, v22, v23  }
0x3f: {  	v52 =	vperm.xlane v21, v9;
	v25 =	vsel vm3, v25, v50;
	v22 =	vsel vm0, v51, v22  }
0x40: {  	vm14 =	vlt.s32 v49, v28;
	vm3 =	veq.s32 v22, v23;
	v23 =	vperm.xlane v22, v10  }
0x41: {  	v55 =	vperm.xlane v25, v10;
	v53 =	vsel vm14, v49, v28;
	v54 =	vsel vm14, v28, v49  }
0x42: {  	v21 =	vsel vm3, v21, v52;
	v24 =	vsel vm1, v53, v54;
	vm3 =	vlt.s32 v22, v23  }
0x43: {  	vm15 =	veq.s32 v24, v49;
	v56 =	vsel vm3, v22, v23;
	v23 =	vsel vm3, v23, v22  }
0x44: {  	v57 =	vperm.xlane v21, v10;
	v58 =	vperm.xlane v24, v11;
	v23 =	vsel vm1, v56, v23  }
0x45: {  	v25 =	vsel vm15, v25, v55;
	vm3 =	veq.s32 v23, v22;
	v22 =	vperm.xlane v23, v11  }
0x46: {  	s18 =	sadd.s32 $0x1, s18;
	v30 =	vperm.xlane v25, v11;
	v21 =	vsel vm3, v21, v57;
	vm3 =	vlt.s32 v24, v58  }
0x47: {  	p0 =	sne.s32 s18, $0x10;
	v59 =	vsel vm3, v24, v58;
	v26 =	vsel vm3, v58, v24;
	vm3 =	vlt.s32 v23, v22  }
.Ltmp3:
0x48: {  	v26 =	vsel vm2, v59, v26;
	v62 =	vsel vm3, v23, v22;
	v22 =	vsel vm3, v22, v23;
	(pc) =	sbr.rel @!p0 .LBB2_119-.Ltmp3, $4  }
0x49: {  	v63 =	vperm.xlane v21, v11;
	vm3 =	veq.s32 v26, v24;
	v22 =	vsel vm2, v62, v22  }
0x4a: {  	v25 =	vsel vm3, v25, v30;
	vm3 =	veq.s32 v22, v23  }
0x4b: {  	v21 =	vsel vm3, v21, v63;
	[tilespmem:v60+s14+$0x0] =	vst.idx.msk $0xffff, v25  }
0x4c: {  	[tilespmem:v61+s14+$0x0] =	vst.idx.msk $0xffff, v21  }
.LBB2_2:
0x4d: {  	s19 =	sshll.u32 s18, $0x1  }
0x4e: {  	s20 =	sshll.u32 s18, $0x5;
	s19 =	sadd.s32 s4, s19  }
0x4f: {  	s20 =	sand.u32 $0x60, s20;
	s21 =	sshll.u32 s19, $0xC  }
0x50: {  	_ =	swait.ge [sflag:s10], $0x8000;
	s20 =	sadd.s32 s20, s0;
	s21 =	sand.u32 $0xFFF8000, s21  }
0x51: {  	[sflag:s10] =	ssyncset.done $0x0;
	s20 =	sadd.s32 s21, s20  }
0x52: {  	[sflag:s10] =	ssyncadd.s32 $0xFFFF8000;
	s21 =	simm.s32 $0x80;
	s20 =	sadd.s32 $0x10, s20  }
0x53: {  	v21 =	vimm.f32 $-Inf;
	[tilespmem:s11], [sflag:$0x2] =	stream.strided.gather [hbm4b:s20+s21], $0x8000, s9, s21, $0x38;
	[tilespmem:$0x16880] =	vst v63  }
0x54: {  	[tilespmem:$0x12380] =	vst v21  }
0x55: {  	[tilespmem:$0x12390] =	vst v21  }
0x56: {  	[tilespmem:$0x123A0] =	vst v21  }
0x57: {  	[tilespmem:$0x123B0] =	vst v21  }
0x58: {  	[tilespmem:$0x123C0] =	vst v21  }
0x59: {  	[tilespmem:$0x123D0] =	vst v21  }
0x5a: {  	[tilespmem:$0x123E0] =	vst v21  }
0x5b: {  	[tilespmem:$0x123F0] =	vst v21  }
0x5c: {  	v23 =	vld [tilespmem:s21+$0x60]  }
0x5d: {  	v24 =	vld [tilespmem:s21+$0x50]  }
0x5e: {  	v25 =	vld [tilespmem:s21+$0x40]  }
0x5f: {  	v26 =	vld [tilespmem:s21+$0x30]  }
0x60: {  	v27 =	vld [tilespmem:s21+$0x20]  }
0x61: {  	v29 =	vld [tilespmem:s21+$0x10]  }
0x62: {  	v30 =	vld [tilespmem:s21+$0x0]  }
0x63: {  	s22 =	simm.s32 $0x80;
	v22 =	vimm.f32 $-Inf;
	s20 =	simm.s32 $0x0;
	v28 =	vld [tilespmem:s21+$0x70]  }
.LBB2_3:
0x64: {  	p0 =	sne.s32 s22, $0x3F80;
	v31 =	vld [tilespmem:s21+$0xFFFFFFE0]  }
0x65: {  	v32 =	vld [tilespmem:s21+$0xFFFFFFC0]  }
0x66: {  	v33 =	vld [tilespmem:s21+$0xFFFFFFD0]  }
0x67: {  	v34 =	vld [tilespmem:s21+$0xFFFFFFA0];
	v29 =	vmax.f32 v30, v29  }
0x68: {  	v24 =	vmax.f32 v25, v24;
	v26 =	vmax.f32 v27, v26;
	v30 =	vld [tilespmem:s21+$0xFFFFFFB0];
	v23 =	vmax.f32 v23, v28  }
0x69: {  	v26 =	vmax.f32 v29, v26;
	v25 =	vld [tilespmem:s21+$0xFFFFFF80];
	v23 =	vmax.f32 v24, v23  }
0x6a: {  	s23 =	sshra.s32 s20, $0x2;
	s20 =	smov.u32 s22;
	v24 =	vld [tilespmem:s21+$0xFFFFFF90];
	v23 =	vmax.f32 v26, v23  }
0x6b: {  	v26 =	vld [tilespmem:s21+$0xFFFFFFF0];
	[tilespmem:s23+$0x10110] =	vst v23;
	v21 =	vmax.f32 v21, v23;
	_ =	sdelay $0x3  }
0x6c: {  	v23 =	vmax.f32 v25, v24  }
0x6d: {  	v24 =	vmax.f32 v34, v30;
	v25 =	vmax.f32 v32, v33;
	v26 =	vmax.f32 v31, v26  }
0x6e: {  	v23 =	vmax.f32 v23, v24;
	v24 =	vmax.f32 v25, v26  }
0x6f: {  	v23 =	vmax.f32 v23, v24  }
0x70: {  	s21 =	sadd.s32 $0x100, s21;
	[tilespmem:s23+$0x10100] =	vst v23;
	v22 =	vmax.f32 v22, v23  }
0x71: {  	v23 =	vld [tilespmem:s21+$0x60]  }
0x72: {  	v24 =	vld [tilespmem:s21+$0x50]  }
0x73: {  	v25 =	vld [tilespmem:s21+$0x40]  }
.Ltmp4:
0x74: {  	v26 =	vld [tilespmem:s21+$0x30];
	(pc) =	sbr.rel @p0 .LBB2_3-.Ltmp4, $4  }
0x75: {  	v27 =	vld [tilespmem:s21+$0x20]  }
0x76: {  	v29 =	vld [tilespmem:s21+$0x10]  }
0x77: {  	v30 =	vld [tilespmem:s21+$0x0]  }
0x78: {  	s22 =	sadd.s32 $0x80, s22;
	v28 =	vld [tilespmem:s21+$0x70]  }
0x79: {  	v31 =	vld [tilespmem:s21+$0xFFFFFFE0]  }
0x7a: {  	v32 =	vld [tilespmem:s21+$0xFFFFFFC0]  }
0x7b: {  	v33 =	vld [tilespmem:s21+$0xFFFFFFD0]  }
0x7c: {  	v34 =	vld [tilespmem:s21+$0xFFFFFFA0]  }
0x7d: {  	v35 =	vld [tilespmem:s21+$0xFFFFFFB0]  }
0x7e: {  	v36 =	vld [tilespmem:s21+$0xFFFFFF80]  }
0x7f: {  	v37 =	vld [tilespmem:s21+$0xFFFFFF90]  }
0x80: {  	v38 =	vld [tilespmem:s21+$0xFFFFFFF0];
	_ =	sdelay $0x2  }
0x81: {  	v24 =	vmax.f32 v25, v24;
	v26 =	vmax.f32 v27, v26;
	v29 =	vmax.f32 v30, v29  }
0x82: {  	v23 =	vmax.f32 v23, v28;
	v56 =	vmax.f32 v29, v26;
	v57 =	vmax.f32 v36, v37  }
0x83: {  	v58 =	vmax.f32 v34, v35;
	v59 =	vmax.f32 v32, v33;
	v60 =	vmax.f32 v31, v38  }
0x84: {  	v23 =	vmax.f32 v24, v23;
	v61 =	vmax.f32 v57, v58;
	v62 =	vmax.f32 v59, v60  }
0x85: {  	v23 =	vmax.f32 v56, v23;
	v24 =	vmax.f32 v61, v62  }
0x86: {  	v21 =	vmax.f32 v21, v23;
	v22 =	vmax.f32 v22, v24  }
0x87: {  	v21 =	vmin.f32 v22, v21  }
0x88: {  	v22 =	vperm.xlane v21, v0;
	_ =	sdelay $0x1  }
0x89: {  	v21 =	vmin.f32 v21, v22  }
0x8a: {  	v22 =	vperm.xlane v21, v1;
	_ =	sdelay $0x1  }
0x8b: {  	s20 =	sshra.s32 s20, $0x2;
	v21 =	vmin.f32 v21, v22  }
0x8c: {  	[tilespmem:s20+$0x10110] =	vst v23;
	v22 =	vperm.xlane v21, v2  }
0x8d: {  	s22 =	simm.s32 $0x10100;
	[tilespmem:s20+$0x10100] =	vst v24  }
0x8e: {  	v23 =	vld [tilespmem:s22+$0x0];
	v21 =	vmin.f32 v21, v22  }
0x8f: {  	v22 =	vperm.xlane v21, v3  }
0x90: {  	s20 =	simm.s32 $0x0  }
0x91: {  	v21 =	vmin.f32 v21, v22;
	v22 =	vmov s20;
	_ =	sdelay $0x1  }
0x92: {  	vm3 =	vge.f32 v23, v21  }
0x93: {  	s23 =	simm.s32 $0x11100;
	v63 =	vor.u32 s20, v4;
	v23 =	vmpcnt.ones.xlane vm3  }
0x94: {  	s24 =	simm.s32 $0x1;
	s21 =	simm.s32 $0x12100;
	s25 =	simm.s32 $0x0;
	[tilespmem:s23+$0x0] =	vst.msk vm3, v63  }
.LBB2_5:
0x95: {  	[tilespmem:v22+s21+$0x0] =	vst.idx.msk $0x1, v23;
	s22 =	sadd.s32 $0x10, s22;
	s23 =	sadd.s32 $0x10, s23;
	s25 =	sadd.s32 $0x10, s25  }
0x96: {  	p0 =	sne.s32 s24, $0xFF;
	s26 =	smov.u32 s24;
	s24 =	sadd.s32 $0x1, s24;
	v23 =	vld [tilespmem:s22+$0x0]  }
0x97: {  	_ =	sdelay $0x1  }
.Ltmp5:
0x98: {  	v22 =	vmov s26;
	(pc) =	sbr.rel @p0 .LBB2_5-.Ltmp5, $3  }
0x99: {  	_ = 	snop  }
0x9a: {  	v24 =	vor.u32 s25, v4;
	vm3 =	vge.f32 v23, v21  }
0x9b: {  	v23 =	vmpcnt.ones.xlane vm3;
	[tilespmem:s23+$0x0] =	vst.msk vm3, v24;
	_ =	sdelay $0x1  }
0x9c: {  	_ =	sdelay $0x3  }
0x9d: {  	[tilespmem:v22+s21+$0x0] =	vst.idx.msk $0x1, v23  }
0x9e: {  	v24 =	vimm.s32 $0x0;
	s22 =	simm.s32 $0x10;
	v23 =	vimm.s32 $0x0;
	v22 =	vld [tilespmem:s21+$0x0]  }
.LBB2_7:
0x9f: {  	p0 =	sne.s32 s22, $0xF0;
	_ =	sdelay $0x3  }
0xa0: {  	vm3 =	vgt.s32 v22, $0x0  }
0xa1: {  	v25 =	vsel vm3, $0x1, v5;
	v26 =	vmpcnt.ones.xlane vm3  }
0xa2: {  	(xrf0) =	vadd.scan.msk.s32 $0xffff, v25  }
0xa3: {  	v24 =	vadd.s32 v24, v26;
	_ =	sdelay $0x4  }
0xa4: {  	v25, _, _ =	vpop (xrf0)  }
0xa5: {  	v25 =	vadd.s32 v25, v23;
	v23 =	vmov v24  }
0xa6: {  	v25 =	vadd.s32 $0xFFFFFFFF, v25  }
0xa7: {  	v26 =	vmov s20;
	s20 =	smov.u32 s22  }
.Ltmp6:
0xa8: {  	v26 =	vshll.u32 v26, $0x5;
	(pc) =	sbr.rel @p0 .LBB2_7-.Ltmp6, $4  }
0xa9: {  	v26 =	vor.u32 v6, v26  }
0xaa: {  	v22 =	vadd.s32 v26, v22  }
0xab: {  	s21 =	sadd.s32 $0x10, s21;
	[tilespmem:v25+s12+$0x0] =	vst.idx.msk vm3, v22  }
0xac: {  	s22 =	sadd.s32 $0x10, s22;
	v22 =	vld [tilespmem:s21+$0x0]  }
0xad: {  	_ =	sdelay $0x3  }
0xae: {  	vm3 =	vgt.s32 v22, $0x0  }
0xaf: {  	v25 =	vmpcnt.ones.xlane vm3;
	_ =	sdelay $0x1  }
0xb0: {  	v24 =	vadd.s32 v24, v25  }
0xb1: {  	(v2sf) =	vpush v24, $0x0;
	_ =	sdelay $0x6  }
0xb2: {  	v62 =	vsel vm3, $0x1, v5  }
0xb3: {  	(xrf0) =	vadd.scan.msk.s32 $0xffff, v62;
	_ =	sdelay $0x5  }
0xb4: {  	v24, _, _ =	vpop (xrf0)  }
0xb5: {  	v63 =	vmov s20;
	v23 =	vadd.s32 v24, v23;
	s20 =	spop (v2sf)  }
0xb6: {  	v23 =	vadd.s32 $0xFFFFFFFF, v23;
	p0 =	slt.s32 s20, $0x1  }
.Ltmp7:
0xb7: {  	_ = 	snop;
	(pc) =	sbr.rel @!p0 .LBB2_9-.Ltmp7, $4  }
0xb8: {  	v24 =	vshll.u32 v63, $0x5  }
0xb9: {  	v24 =	vor.u32 v6, v24  }
0xba: {  	v22 =	vadd.s32 v24, v22  }
0xbb: {  	s21 =	simm.s32 $0x0;
	s22 =	simm.s32 $0x0;
	[tilespmem:v23+s12+$0x0] =	vst.idx.msk vm3, v22  }
.LBB2_18:
0xbc: {  	p0 =	slt.s32 s21, $0x2000;
	s20 =	smov.u32 s21  }
0xbd: {  	s31 =	sadd.s32 $0xF, s21;
	s20 =	simm.s32 @!p0 $0x2000  }
0xbe: {  	v22 =	vadd.s32 s20, v4;
	s20 =	sshrl.u32 s31, $0x4  }
0xbf: {  	p0 =	sne.s32 s20, $0x0  }
.Ltmp8:
0xc0: {  	_ = 	snop;
	(pc) =	sbr.rel @!p0 .LBB2_19-.Ltmp8, $3  }
0xc1: {  	_ =	sdelay $0x1  }
0xc2: {  	v21 =	vimm.f32 $-Inf;
	s23 =	simm.s32 $0x12380  }
0xc3: {  	s22 =	smin.u32 s20, $0x200;
	[tilespmem:v22+s23+$0x0] =	vst.idx.msk $0xffff, v21  }
0xc4: {  	p1 =	sne.s32 s22, $0x1  }
.Ltmp9:
0xc5: {  	_ = 	snop;
	(pc) =	sbr.rel @!p1 .LBB2_27-.Ltmp9, $2  }
0xc6: {  	_ =	sdelay $0x2  }
0xc7: {  	v25 =	vld [tilespmem:s23+$0x0];
	s24 =	sadd.s32 $0xFFFFFFFF, s22;
	p0 =	por $0x0, $0x0;
	v22 =	vmul.u32 $0xFFFFFFFF, v4  }
0xc8: {  	_ =	sdelay $0x3  }
0xc9: {  	(xrf1) =	vsort.dscd.msk.f32 $0xffff, v25, v5;
	_ =	sdelay $0xd  }
0xca: {  	v23 =	vadd.s32 $0xF, v22;
	v24, _, _ =	vpop (xrf1)  }
0xcb: {  	v24 =	vperm.xlane v24, v23;
	_ =	sdelay $0x1  }
0xcc: {  	v24 =	vmax.f32 v21, v24  }
0xcd: {  	v25 =	vperm.xlane v24, v0;
	_ =	sdelay $0x1  }
0xce: {  	vm3 =	vmmov $0xff;
	v26 =	vmax.f32 v24, v25;
	v24 =	vmin.f32 v24, v25  }
0xcf: {  	v24 =	vsel vm3, v26, v24  }
0xd0: {  	v25 =	vperm.xlane v24, v9;
	_ =	sdelay $0x1  }
0xd1: {  	v26 =	vmax.f32 v24, v25;
	v24 =	vmin.f32 v24, v25  }
0xd2: {  	v24 =	vsel vm0, v26, v24  }
0xd3: {  	p2 =	sne.s32 s24, $0x1;
	v25 =	vperm.xlane v24, v10  }
.Ltmp10:
0xd4: {  	_ = 	snop;
	(pc) =	sbr.rel @!p2 .LBB2_29-.Ltmp10, $4  }
0xd5: {  	v26 =	vmax.f32 v24, v25;
	v24 =	vmin.f32 v24, v25  }
0xd6: {  	v26 =	vsel vm1, v26, v24  }
0xd7: {  	s23 =	sadd.s32 $0x10, s23;
	v27 =	vperm.xlane v26, v11  }
0xd8: {  	s24 =	sadd.s32 $0xFFFFFFFF, s24;
	p1 =	por $0x1, $0x1;
	v25 =	vld [tilespmem:s23+$0x0];
	v24 =	vimm.f32 $-Inf  }
.LBB2_30:
0xd9: {  	p2 =	sne.s32 s24, $0x1;
	v28 =	vmax.f32 v26, v27;
	v26 =	vmin.f32 v26, v27  }
0xda: {  	v26 =	vsel vm2, v28, v26  }
0xdb: {  	v26 =	vperm.xlane v26, v23;
	_ =	sdelay $0x1  }
0xdc: {  	(xrf1) =	vsort.dscd.msk.f32 $0xffff, v25, v5;
	v25 =	vmax.f32 v24, v26;
	v24 =	vmin.f32 v24, v26  }
0xdd: {  	v26 =	vperm.xlane v25, v0;
	v27 =	vperm.xlane v24, v0;
	_ =	sdelay $0x1  }
0xde: {  	v28 =	vmax.f32 v25, v26;
	v29 =	vmax.f32 v24, v27;
	v24 =	vmin.f32 v24, v27  }
0xdf: {  	v25 =	vmin.f32 v25, v26;
	v24 =	vsel vm3, v29, v24  }
0xe0: {  	v25 =	vsel vm3, v28, v25;
	v26 =	vperm.xlane v24, v9  }
0xe1: {  	v27 =	vperm.xlane v25, v9  }
0xe2: {  	v28 =	vmax.f32 v24, v26;
	v24 =	vmin.f32 v24, v26  }
0xe3: {  	v26 =	vmax.f32 v25, v27;
	v25 =	vmin.f32 v25, v27;
	v24 =	vsel vm0, v28, v24  }
0xe4: {  	v25 =	vsel vm0, v26, v25;
	v26 =	vperm.xlane v24, v10  }
0xe5: {  	v27 =	vperm.xlane v25, v10  }
0xe6: {  	v28 =	vmax.f32 v24, v26;
	v24 =	vmin.f32 v24, v26  }
0xe7: {  	v26 =	vmax.f32 v25, v27;
	v25 =	vmin.f32 v25, v27;
	v24 =	vsel vm1, v28, v24  }
0xe8: {  	v25 =	vsel vm1, v26, v25;
	v26 =	vperm.xlane v24, v11  }
0xe9: {  	v28 =	vperm.xlane v25, v11;
	v27, _, _ =	vpop (xrf1)  }
0xea: {  	v27 =	vperm.xlane v27, v23;
	v29 =	vmax.f32 v24, v26;
	v24 =	vmin.f32 v24, v26  }
0xeb: {  	v26 =	vmax.f32 v25, v28;
	v25 =	vmin.f32 v25, v28;
	v24 =	vsel vm2, v29, v24  }
0xec: {  	v27 =	vmax.f32 v24, v27;
	v24 =	vsel vm2, v26, v25  }
0xed: {  	v25 =	vperm.xlane v27, v0;
	_ =	sdelay $0x1  }
0xee: {  	v26 =	vmax.f32 v27, v25;
	v25 =	vmin.f32 v27, v25  }
0xef: {  	v25 =	vsel vm3, v26, v25  }
0xf0: {  	v26 =	vperm.xlane v25, v9;
	_ =	sdelay $0x1  }
0xf1: {  	v27 =	vmax.f32 v25, v26;
	v25 =	vmin.f32 v25, v26  }
0xf2: {  	v25 =	vsel vm0, v27, v25  }
0xf3: {  	v26 =	vperm.xlane v25, v10  }
.Ltmp11:
0xf4: {  	(pc) =	sbr.rel @p2 .LBB2_30-.Ltmp11, $4  }
0xf5: {  	v27 =	vmax.f32 v25, v26;
	v25 =	vmin.f32 v25, v26  }
0xf6: {  	v26 =	vsel vm1, v27, v25  }
0xf7: {  	s23 =	sadd.s32 $0x10, s23;
	v27 =	vperm.xlane v26, v11  }
0xf8: {  	s24 =	sadd.s32 $0xFFFFFFFF, s24;
	v25 =	vld [tilespmem:s23+$0x0]  }
.LBB2_31:
0xf9: {  	v28 =	vmax.f32 @p1 v26, v27;
	v26 =	vmin.f32 @p1 v26, v27  }
0xfa: {  	v26 =	vsel @p1 vm2, v28, v26  }
0xfb: {  	v23 =	vperm.xlane @p1 v26, v23;
	_ =	sdelay $0x1  }
0xfc: {  	v26 =	vmin.f32 @p1 v24, v23  }
0xfd: {  	(xrf1) =	vsort.dscd.msk.f32 $0xffff, v25, v5;
	v25 =	vperm.xlane @p1 v26, v0;
	_ =	sdelay $0x1  }
0xfe: {  	v27 =	vmax.f32 @p1 v26, v25;
	v25 =	vmin.f32 @p1 v26, v25  }
0xff: {  	v25 =	vsel @p1 vm3, v27, v25  }
0x100: {  	v26 =	vperm.xlane @p1 v25, v9;
	_ =	sdelay $0x1  }
0x101: {  	v27 =	vmax.f32 @p1 v25, v26;
	v25 =	vmin.f32 @p1 v25, v26  }
0x102: {  	v25 =	vsel @p1 vm0, v27, v25  }
0x103: {  	v26 =	vperm.xlane @p1 v25, v10;
	_ =	sdelay $0x1  }
0x104: {  	v27 =	vmax.f32 @p1 v25, v26;
	v25 =	vmin.f32 @p1 v25, v26  }
0x105: {  	v25 =	vsel @p1 vm1, v27, v25  }
0x106: {  	v26 =	vperm.xlane @p1 v25, v11;
	_ =	sdelay $0x1  }
0x107: {  	v22 =	vadd.s32 $0xF, v22;
	v57, _, _ =	vpop (xrf1);
	v28 =	vmax.f32 @p1 v25, v26;
	v25 =	vmin.f32 @p1 v25, v26  }
0x108: {  	v58 =	vperm.xlane v57, v22;
	v25 =	vsel @p1 vm2, v28, v25  }
0x109: {  	v25 =	vpsel p1, v25, v21  }
0x10a: {  	v25 =	vmax.f32 v25, v58  }
0x10b: {  	v23 =	vmax.f32 @p1 v24, v23;
	v59 =	vperm.xlane v25, v0  }
0x10c: {  	v26 =	vperm.xlane @p1 v23, v0  }
0x10d: {  	vm4 =	vmmov $0xff;
	v60 =	vmax.f32 v25, v59;
	v24 =	vmin.f32 v25, v59  }
0x10e: {  	v25 =	vmax.f32 @p1 v23, v26;
	v23 =	vmin.f32 @p1 v23, v26;
	v24 =	vsel vm4, v60, v24  }
0x10f: {  	v23 =	vsel @p1 vm3, v25, v23;
	v61 =	vperm.xlane v24, v9  }
0x110: {  	v26 =	vperm.xlane @p1 v23, v9  }
0x111: {  	v27 =	vmax.f32 v24, v61;
	v24 =	vmin.f32 v24, v61  }
0x112: {  	v25 =	vmax.f32 @p1 v23, v26;
	v23 =	vmin.f32 @p1 v23, v26;
	v24 =	vsel vm0, v27, v24  }
0x113: {  	v23 =	vsel @p1 vm0, v25, v23;
	v62 =	vperm.xlane v24, v10  }
0x114: {  	v26 =	vperm.xlane @p1 v23, v10  }
0x115: {  	v27 =	vmax.f32 v24, v62;
	v24 =	vmin.f32 v24, v62  }
0x116: {  	v25 =	vmax.f32 @p1 v23, v26;
	v23 =	vmin.f32 @p1 v23, v26;
	v24 =	vsel vm1, v27, v24  }
0x117: {  	v23 =	vsel @p1 vm1, v25, v23;
	v63 =	vperm.xlane v24, v11  }
0x118: {  	v26 =	vperm.xlane @p1 v23, v11  }
0x119: {  	v27 =	vmax.f32 v24, v63;
	v24 =	vmin.f32 v24, v63  }
0x11a: {  	v25 =	vmax.f32 @p1 v23, v26;
	v23 =	vmin.f32 @p1 v23, v26;
	v24 =	vsel vm2, v27, v24  }
0x11b: {  	v23 =	vsel @p1 vm2, v25, v23;
	v22 =	vperm.xlane v24, v22  }
0x11c: {  	v21 =	vpsel p1, v23, v21  }
0x11d: {  	v21 =	vmin.f32 v21, v22  }
0x11e: {  	v22 =	vperm.xlane v21, v0;
	_ =	sdelay $0x1  }
0x11f: {  	v23 =	vmax.f32 v21, v22;
	v21 =	vmin.f32 v21, v22  }
0x120: {  	v21 =	vsel vm4, v23, v21  }
0x121: {  	v22 =	vperm.xlane v21, v9;
	_ =	sdelay $0x1  }
0x122: {  	v23 =	vmax.f32 v21, v22;
	v21 =	vmin.f32 v21, v22  }
0x123: {  	v21 =	vsel vm0, v23, v21  }
0x124: {  	v22 =	vperm.xlane v21, v10;
	_ =	sdelay $0x1  }
0x125: {  	v23 =	vmax.f32 v21, v22;
	v21 =	vmin.f32 v21, v22  }
0x126: {  	p1 =	sne.s32 s22, $0x1;
	v21 =	vsel vm1, v23, v21  }
.Ltmp12:
0x127: {  	v22 =	vperm.xlane v21, v11;
	(pc) =	sbr.rel @!p1 .LBB2_32-.Ltmp12, $4  }
0x128: {  	_ = 	snop  }
0x129: {  	v23 =	vmax.f32 v21, v22;
	v21 =	vmin.f32 v21, v22  }
0x12a: {  	s25 =	simm.s32 $0x12380;
	v21 =	vsel vm2, v23, v21  }
0x12b: {  	s23 =	simm.s32 $0x0;
	s24 =	simm.s32 $0x14400;
	s22 =	sadd.s32 $0xFFFFFFFF, s22;
	v22 =	vld [tilespmem:s25+$0x0];
	v21 =	vperm.xlane v21, v20  }
0x12c: {  	_ =	sdelay $0x3  }
0x12d: {  	vm3 =	vge.f32 v22, v21  }
0x12e: {  	v24 =	vmpcnt.ones.xlane vm3;
	_ =	sdelay $0x1  }
0x12f: {  	(v2sf) =	vpush v24, $0x0;
	_ =	sdelay $0x1  }
0x130: {  	v23 =	vld [tilespmem:s24+$0x0]  }
0x131: {  	p1 =	sne.s32 s22, $0x1  }
.Ltmp13:
0x132: {  	p0 =	por $0x1, $0x1;
	s25 =	simm.s32 $0x0;
	(pc) =	sbr.rel @!p1 .LBB2_34-.Ltmp13, $4  }
0x133: {  	s25 =	simm.s32 @!p0 $0xFF0  }
0x134: {  	[tilespmem:s25+$0x10100] =	vst.msk vm3, v22  }
0x135: {  	s26 =	simm.s32 $0x12390;
	s28 =	sadd.s32 $0xFFFFFFFF, s22;
	[tilespmem:s25+$0x11100] =	vst.msk vm3, v23  }
0x136: {  	s22 =	simm.s32 $0x14400;
	p0 =	por $0x1, $0x1;
	s25 =	simm.s32 $0x0;
	v22 =	vld [tilespmem:s26+$0x0]  }
.LBB2_35:
0x137: {  	p1 =	sne.s32 s28, $0x1;
	_ =	sdelay $0x3  }
0x138: {  	vm3 =	vge.f32 v22, v21  }
0x139: {  	s22 =	sadd.s32 $0x10, s22;
	v23 =	vmpcnt.ones.xlane vm3  }
0x13a: {  	v24 =	vld [tilespmem:s22+$0x0];
	s29 =	spop (v2sf)  }
0x13b: {  	(v2sf) =	vpush v23, $0x0;
	s25 =	sadd.s32 s25, s29  }
0x13c: {  	p2 =	slt.s32 s25, $0xFF0;
	s29 =	smov.u32 s25  }
0x13d: {  	s29 =	simm.s32 @!p2 $0xFF0  }
0x13e: {  	[tilespmem:s29+$0x10100] =	vst.msk vm3, v22  }
.Ltmp14:
0x13f: {  	[tilespmem:s29+$0x11100] =	vst.msk vm3, v24;
	(pc) =	sbr.rel @p1 .LBB2_35-.Ltmp14, $3  }
0x140: {  	_ =	sdelay $0x1  }
0x141: {  	s26 =	sadd.s32 $0x10, s26  }
0x142: {  	s28 =	sadd.s32 $0xFFFFFFFF, s28;
	v22 =	vld [tilespmem:s26+$0x0]  }
.LBB2_36:
0x143: {  	_ =	sdelay $0x3  }
0x144: {  	vm3 =	vge.f32 v22, v21  }
0x145: {  	v21 =	vmpcnt.ones.xlane vm3;
	_ =	sdelay $0x1  }
0x146: {  	(v2sf) =	vpush v21, $0x0;
	_ =	sdelay $0xb  }
0x147: {  	s22 =	sadd.s32 @p0 $0x10, s22  }
0x148: {  	s24 =	smov.u32 @p0 s22;
	s22 =	spop @p0 (v2sf)  }
0x149: {  	s22 =	sadd.s32 @p0 s25, s22  }
0x14a: {  	s23 =	smov.u32 @p0 s22;
	p0 =	sgt.s32 s21, $0x2000;
	s31 =	spop (v2sf)  }
0x14b: {  	v21 =	vld [tilespmem:s24+$0x0];
	p1 =	slt.s32 s23, $0xFF0;
	s24 =	smov.u32 s23;
	s22 =	sadd.s32 s23, s31  }
0x14c: {  	s24 =	simm.s32 @!p1 $0xFF0;
	p1 =	sne.s32 @!p0 s22, $0x20  }
0x14d: {  	p1 =	por p0, p1  }
.Ltmp15:
0x14e: {  	_ = 	snop;
	(pc) =	sbr.rel @p1 .LBB2_38-.Ltmp15, $3  }
0x14f: {  	_ =	sdelay $0x1  }
0x150: {  	[tilespmem:s24+$0x10100] =	vst.msk vm3, v22  }
0x151: {  	[tilespmem:s24+$0x11100] =	vst.msk vm3, v21  }
.Ltmp16:
0x152: {  	(pc) =	sbr.rel .LBB2_60-.Ltmp16, $4  }
0x153: {  	v25 =	vld [tilespmem:$0x10100]  }
0x154: {  	v21 =	vld [tilespmem:$0x10110]  }
0x155: {  	v26 =	vld [tilespmem:$0x11100]  }
0x156: {  	v22 =	vld [tilespmem:$0x11110]  }
.LBB2_19:
0x157: {  	p0 =	slt.s32 s21, $0x2001  }
.Ltmp17:
0x158: {  	_ = 	snop;
	(pc) =	sbr.rel @!p0 .LBB2_20-.Ltmp17, $1  }
0x159: {  	_ =	sdelay $0x3  }
.LBB2_39:
0x15a: {  	p0 =	sgt.s32 s21, $0x80  }
.Ltmp18:
0x15b: {  	_ = 	snop;
	(pc) =	sbr.rel @p0 .LBB2_40-.Ltmp18, $2  }
0x15c: {  	_ =	sdelay $0x2  }
0x15d: {  	s21 =	simm.s32 $0x0;
	v21 =	vimm.f32 $0.0e+00;
	v22 =	vimm.s32 $0x0  }
0x15e: {  	v25 =	vld [tilespmem:$0x123F0]  }
0x15f: {  	v26 =	vld [tilespmem:$0x123E0]  }
0x160: {  	v27 =	vld [tilespmem:$0x123D0]  }
0x161: {  	v28 =	vld [tilespmem:$0x123B0]  }
0x162: {  	v30 =	vld [tilespmem:$0x123A0]  }
0x163: {  	v31 =	vld [tilespmem:$0x12390]  }
0x164: {  	v32 =	vld [tilespmem:$0x12380]  }
0x165: {  	v29 =	vld [tilespmem:$0x123C0];
	_ =	sdelay $0x3  }
0x166: {  	v23 =	vimm.f32 $0.0e+00;
	v24 =	vimm.s32 $0x0;
	v33 =	vmax.f32 v26, v25  }
0x167: {  	s20 =	simm.s32 $0x1;
	v34 =	vmax.f32 v32, v31;
	v35 =	vmax.f32 v30, v28;
	v36 =	vmax.f32 v29, v27  }
.LBB2_53:
0x168: {  	p0 =	seq.s32 s20, $0x1F;
	v34 =	vmax.f32 v34, v35;
	v33 =	vmax.f32 v36, v33  }
0x169: {  	v33 =	vmax.f32 v34, v33  }
0x16a: {  	v34 =	vperm.xlane v33, v0;
	_ =	sdelay $0x1  }
0x16b: {  	v33 =	vmax.f32 v33, v34  }
0x16c: {  	v34 =	vperm.xlane v33, v9;
	_ =	sdelay $0x1  }
0x16d: {  	v33 =	vmax.f32 v33, v34;
	v34 =	vld [tilespmem:$0x14460]  }
0x16e: {  	v35 =	vperm.xlane v33, v10;
	v36 =	vld [tilespmem:$0x14450]  }
0x16f: {  	v37 =	vld [tilespmem:$0x14430]  }
0x170: {  	v33 =	vmax.f32 v33, v35;
	v35 =	vld [tilespmem:$0x14420]  }
0x171: {  	s22 =	sadd.s32 $0xFFFFFFF0, s21;
	v38 =	vperm.xlane v33, v11;
	v39 =	vld [tilespmem:$0x14400]  }
0x172: {  	v41 =	vmov s21;
	s21 =	smov.u32 s20;
	v42 =	vmov s22;
	v40 =	vld [tilespmem:$0x14410]  }
0x173: {  	vm4 =	veq.s32 v41, v4;
	vm3 =	veq.s32 v42, v4;
	v33 =	vmax.f32 v33, v38;
	v38 =	vld [tilespmem:$0x14440]  }
0x174: {  	vm5 =	veq.f32 v32, v33;
	vm6 =	veq.f32 v31, v33;
	vm7 =	veq.f32 v30, v33;
	v30 =	vld [tilespmem:$0x14470]  }
0x175: {  	vm8 =	veq.f32 v28, v33;
	vm9 =	veq.f32 v29, v33;
	vm10 =	veq.f32 v27, v33  }
0x176: {  	vm11 =	veq.f32 v25, v33;
	v27 =	vnsel vm5, $0x7FFFFFFF, v39;
	vm5 =	veq.f32 v26, v33  }
0x177: {  	v28 =	vnsel vm8, $0x7FFFFFFF, v37;
	v26 =	vnsel vm7, $0x7FFFFFFF, v35;
	v25 =	vnsel vm6, $0x7FFFFFFF, v40  }
0x178: {  	v31 =	vnsel vm10, $0x7FFFFFFF, v36;
	v32 =	vnsel vm5, $0x7FFFFFFF, v34;
	v29 =	vnsel vm9, $0x7FFFFFFF, v38  }
0x179: {  	vm6 =	vlt.s32 v26, v28;
	vm5 =	vlt.s32 v27, v25;
	v30 =	vnsel vm11, $0x7FFFFFFF, v30  }
0x17a: {  	v34 =	vsel vm5, v27, v25;
	vm5 =	vlt.s32 v29, v31;
	vm7 =	vlt.s32 v32, v30  }
0x17b: {  	v35 =	vsel vm6, v26, v28;
	v36 =	vsel vm5, v29, v31;
	v37 =	vsel vm7, v32, v30  }
0x17c: {  	v21 =	vsel vm4, v33, v21;
	vm5 =	vlt.s32 v34, v35;
	vm6 =	vlt.s32 v36, v37  }
0x17d: {  	v23 =	vsel vm3, v33, v23;
	v34 =	vsel vm5, v34, v35;
	v35 =	vsel vm6, v36, v37  }
0x17e: {  	vm5 =	vlt.s32 v34, v35  }
0x17f: {  	v33 =	vsel vm5, v34, v35  }
0x180: {  	v34 =	vperm.xlane v33, v0;
	_ =	sdelay $0x1  }
0x181: {  	vm5 =	vlt.s32 v33, v34  }
0x182: {  	v33 =	vsel vm5, v33, v34  }
0x183: {  	v34 =	vperm.xlane v33, v9;
	_ =	sdelay $0x1  }
0x184: {  	vm5 =	vlt.s32 v33, v34  }
0x185: {  	v33 =	vsel vm5, v33, v34  }
0x186: {  	v34 =	vperm.xlane v33, v10;
	_ =	sdelay $0x1  }
0x187: {  	vm5 =	vlt.s32 v33, v34  }
0x188: {  	v33 =	vsel vm5, v33, v34  }
0x189: {  	v34 =	vperm.xlane v33, v11;
	_ =	sdelay $0x1  }
0x18a: {  	vm5 =	vlt.s32 v33, v34  }
0x18b: {  	v33 =	vsel vm5, v33, v34  }
0x18c: {  	vm5 =	veq.s32 v27, v33;
	vm6 =	veq.s32 v25, v33;
	v22 =	vsel vm4, v33, v22  }
0x18d: {  	vm4 =	veq.s32 v26, v33;
	vm7 =	veq.s32 v28, v33;
	vm8 =	veq.s32 v30, v33  }
0x18e: {  	v25 =	vnsel vm7, $0x7FFFFFFF, v12;
	vm7 =	veq.s32 v32, v33;
	v26 =	vnsel vm8, $0x7FFFFFFF, v13  }
0x18f: {  	vm8 =	veq.s32 v31, v33;
	v25 =	vsel vm4, v14, v25;
	v26 =	vsel vm7, v15, v26  }
0x190: {  	vm4 =	veq.s32 v29, v33;
	v25 =	vsel vm6, v16, v25;
	v26 =	vsel vm8, v17, v26  }
0x191: {  	v24 =	vsel vm3, v33, v24;
	v25 =	vsel vm5, v4, v25;
	v26 =	vsel vm4, v18, v26  }
0x192: {  	v25 =	vmin.u32 v25, v26  }
0x193: {  	v26 =	vperm.xlane v25, v0;
	_ =	sdelay $0x1  }
0x194: {  	vm3 =	vlt.s32 v25, v26  }
0x195: {  	v25 =	vsel vm3, v25, v26  }
0x196: {  	v26 =	vperm.xlane v25, v9;
	_ =	sdelay $0x1  }
0x197: {  	vm3 =	vlt.s32 v25, v26  }
0x198: {  	v25 =	vsel vm3, v25, v26  }
0x199: {  	v26 =	vperm.xlane v25, v10;
	_ =	sdelay $0x1  }
0x19a: {  	vm3 =	vlt.s32 v25, v26  }
0x19b: {  	v25 =	vsel vm3, v25, v26  }
0x19c: {  	v26 =	vperm.xlane v25, v11;
	_ =	sdelay $0x1  }
0x19d: {  	vm3 =	vlt.s32 v25, v26  }
0x19e: {  	v25 =	vsel vm3, v25, v26;
	_ =	sdelay $0x4  }
0x19f: {  	[tilespmem:v25+s13+$0x0] =	vst.idx.msk $0x1, v19  }
0x1a0: {  	v25 =	vld [tilespmem:$0x123F0]  }
0x1a1: {  	v26 =	vld [tilespmem:$0x123E0]  }
0x1a2: {  	v27 =	vld [tilespmem:$0x123D0]  }
0x1a3: {  	v29 =	vld [tilespmem:$0x123C0]  }
0x1a4: {  	v28 =	vld [tilespmem:$0x123B0]  }
0x1a5: {  	v30 =	vld [tilespmem:$0x123A0]  }
0x1a6: {  	v31 =	vld [tilespmem:$0x12390]  }
0x1a7: {  	v32 =	vld [tilespmem:$0x12380]  }
.Ltmp19:
0x1a8: {  	(pc) =	sbr.rel @!p0 .LBB2_53-.Ltmp19, $3  }
0x1a9: {  	_ =	sdelay $0x1  }
0x1aa: {  	v33 =	vmax.f32 v26, v25  }
0x1ab: {  	s20 =	sadd.s32 $0x1, s20;
	v36 =	vmax.f32 v29, v27;
	v35 =	vmax.f32 v30, v28;
	v34 =	vmax.f32 v32, v31  }
0x1ac: {  	v34 =	vmax.f32 v34, v35;
	v33 =	vmax.f32 v36, v33  }
0x1ad: {  	v33 =	vmax.f32 v34, v33  }
0x1ae: {  	v34 =	vperm.xlane v33, v0;
	_ =	sdelay $0x1  }
0x1af: {  	v33 =	vmax.f32 v33, v34  }
0x1b0: {  	v34 =	vperm.xlane v33, v9;
	_ =	sdelay $0x1  }
0x1b1: {  	v55 =	vld [tilespmem:$0x14450];
	v33 =	vmax.f32 v33, v34  }
0x1b2: {  	v37 =	vld [tilespmem:$0x14430];
	v54 =	vperm.xlane v33, v10  }
0x1b3: {  	v56 =	vld [tilespmem:$0x14420]  }
0x1b4: {  	v39 =	vld [tilespmem:$0x14400];
	v33 =	vmax.f32 v33, v54  }
0x1b5: {  	v40 =	vld [tilespmem:$0x14410];
	v38 =	vperm.xlane v33, v11  }
0x1b6: {  	v57 =	vld [tilespmem:$0x14440]  }
0x1b7: {  	v58 =	vld [tilespmem:$0x14470];
	v33 =	vmax.f32 v33, v38  }
0x1b8: {  	v53 =	vld [tilespmem:$0x14460];
	vm3 =	veq.f32 v32, v33;
	vm4 =	veq.f32 v31, v33;
	vm5 =	veq.f32 v30, v33  }
0x1b9: {  	vm6 =	veq.f32 v28, v33;
	vm7 =	veq.f32 v29, v33;
	vm8 =	veq.f32 v27, v33  }
0x1ba: {  	vm9 =	veq.f32 v25, v33;
	v27 =	vnsel vm3, $0x7FFFFFFF, v39;
	vm3 =	veq.f32 v26, v33  }
0x1bb: {  	v25 =	vnsel vm4, $0x7FFFFFFF, v40;
	v26 =	vnsel vm5, $0x7FFFFFFF, v56;
	v28 =	vnsel vm6, $0x7FFFFFFF, v37  }
0x1bc: {  	v29 =	vnsel vm7, $0x7FFFFFFF, v57;
	v59 =	vnsel vm8, $0x7FFFFFFF, v55;
	v30 =	vnsel vm9, $0x7FFFFFFF, v58  }
0x1bd: {  	v60 =	vnsel vm3, $0x7FFFFFFF, v53;
	vm3 =	vlt.s32 v27, v25;
	vm14 =	vlt.s32 v26, v28  }
0x1be: {  	v61 =	vsel vm3, v27, v25;
	vm3 =	vlt.s32 v29, v59;
	vm15 =	vlt.s32 v60, v30  }
0x1bf: {  	v35 =	vsel vm14, v26, v28;
	v36 =	vsel vm3, v29, v59;
	v62 =	vsel vm15, v60, v30  }
0x1c0: {  	vm3 =	vlt.s32 v61, v35;
	vm8 =	vlt.s32 v36, v62  }
0x1c1: {  	v34 =	vsel vm3, v61, v35;
	v63 =	vsel vm8, v36, v62  }
0x1c2: {  	vm3 =	vlt.s32 v34, v63  }
0x1c3: {  	v34 =	vsel vm3, v34, v63  }
0x1c4: {  	v35 =	vperm.xlane v34, v0;
	_ =	sdelay $0x1  }
0x1c5: {  	vm3 =	vlt.s32 v34, v35  }
0x1c6: {  	v34 =	vsel vm3, v34, v35  }
0x1c7: {  	v35 =	vperm.xlane v34, v9;
	_ =	sdelay $0x1  }
0x1c8: {  	vm3 =	vlt.s32 v34, v35  }
0x1c9: {  	v34 =	vsel vm3, v34, v35  }
0x1ca: {  	v35 =	vperm.xlane v34, v10;
	_ =	sdelay $0x1  }
0x1cb: {  	vm3 =	vlt.s32 v34, v35  }
0x1cc: {  	v34 =	vsel vm3, v34, v35  }
0x1cd: {  	v35 =	vperm.xlane v34, v11;
	_ =	sdelay $0x1  }
0x1ce: {  	vm3 =	vlt.s32 v34, v35  }
0x1cf: {  	v34 =	vsel vm3, v34, v35  }
0x1d0: {  	vm3 =	veq.s32 v27, v34;
	vm9 =	veq.s32 v25, v34  }
0x1d1: {  	vm10 =	veq.s32 v26, v34;
	vm6 =	veq.s32 v28, v34;
	vm11 =	veq.s32 v30, v34  }
0x1d2: {  	vm12 =	veq.s32 v60, v34;
	v25 =	vnsel vm6, $0x7FFFFFFF, v12;
	v26 =	vnsel vm11, $0x7FFFFFFF, v13  }
0x1d3: {  	vm13 =	veq.s32 v59, v34;
	v25 =	vsel vm10, v14, v25;
	v26 =	vsel vm12, v15, v26  }
0x1d4: {  	vm14 =	veq.s32 v29, v34;
	v25 =	vsel vm9, v16, v25;
	v26 =	vsel vm13, v17, v26  }
0x1d5: {  	v25 =	vsel vm3, v4, v25;
	v26 =	vsel vm14, v18, v26  }
0x1d6: {  	v25 =	vmin.u32 v25, v26  }
0x1d7: {  	v26 =	vperm.xlane v25, v0;
	_ =	sdelay $0x1  }
0x1d8: {  	vm3 =	vlt.s32 v25, v26  }
0x1d9: {  	v25 =	vsel vm3, v25, v26  }
0x1da: {  	v26 =	vperm.xlane v25, v9;
	_ =	sdelay $0x1  }
0x1db: {  	vm3 =	vlt.s32 v25, v26  }
0x1dc: {  	v25 =	vsel vm3, v25, v26  }
0x1dd: {  	v26 =	vperm.xlane v25, v10;
	_ =	sdelay $0x1  }
0x1de: {  	vm3 =	vlt.s32 v25, v26  }
0x1df: {  	v25 =	vsel vm3, v25, v26  }
0x1e0: {  	v26 =	vperm.xlane v25, v11;
	_ =	sdelay $0x1  }
0x1e1: {  	vm3 =	vlt.s32 v25, v26  }
0x1e2: {  	v27 =	vsel vm3, v25, v26  }
.Ltmp20:
0x1e3: {  	_ = 	snop;
	(pc) =	sbr.rel .LBB2_60-.Ltmp20, $4  }
0x1e4: {  	s20 =	sadd.s32 $0xFFFFFFF0, s21;
	v25 =	vmov s21  }
0x1e5: {  	v26 =	vmov s20;
	vm3 =	veq.s32 v25, v4  }
0x1e6: {  	vm15 =	veq.s32 v26, v4;
	v25 =	vsel vm3, v33, v21;
	v26 =	vsel vm3, v34, v22  }
0x1e7: {  	v21 =	vsel vm15, v33, v23;
	v22 =	vsel vm15, v34, v24;
	[tilespmem:v27+s13+$0x0] =	vst.idx.msk $0x1, v19  }
.LBB2_38:
.Ltmp21:
0x1e8: {  	(pc) =	sbr.rel @!p0 .LBB2_39-.Ltmp21, $1  }
0x1e9: {  	_ =	sdelay $0x3  }
.LBB2_20:
0x1ea: {  	v22 =	vor.u32 $0x8000, v4;
	_ =	sdelay $0x3  }
0x1eb: {  	s20 =	simm.s32 $0x0;
	v21 =	vimm.f32 $0.0e+00  }
0x1ec: {  	v26 =	vimm.s32 $0x0;
	v25 =	vimm.f32 $0.0e+00;
	[tilespmem:v22+s20+$0x0] =	vst.idx.msk $0xffff, v19;
	v22 =	vimm.s32 $0x0  }
.LBB2_21:
0x1ed: {  	s22 =	simm.s32 $0x0  }
0x1ee: {  	v23 =	vimm.f32 $-Inf;
	s21 =	simm.s32 $0x40;
	v24 =	vld [tilespmem:s22+$0x0]  }
.LBB2_22:
0x1ef: {  	p0 =	sne.s32 s21, $0x20000  }
.Ltmp22:
0x1f0: {  	_ = 	snop;
	(pc) =	sbr.rel @p0 .LBB2_22-.Ltmp22, $3  }
0x1f1: {  	_ =	sdelay $0x1  }
0x1f2: {  	s22 =	sshra.s32 s21, $0x2;
	s21 =	sadd.s32 $0x40, s21;
	v23 =	vmax.f32 v23, v24  }
0x1f3: {  	v24 =	vld [tilespmem:s22+$0x0]  }
0x1f4: {  	_ =	sdelay $0x3  }
0x1f5: {  	v23 =	vmax.f32 v23, v24  }
0x1f6: {  	v24 =	vperm.xlane v23, v0;
	_ =	sdelay $0x1  }
0x1f7: {  	v23 =	vmax.f32 v23, v24  }
0x1f8: {  	v24 =	vperm.xlane v23, v1;
	_ =	sdelay $0x1  }
0x1f9: {  	v23 =	vmax.f32 v23, v24  }
0x1fa: {  	s22 =	simm.s32 $0x0;
	v24 =	vperm.xlane v23, v2  }
0x1fb: {  	v27 =	vld [tilespmem:s22+$0x0]  }
0x1fc: {  	v23 =	vmax.f32 v23, v24  }
0x1fd: {  	v24 =	vperm.xlane v23, v3;
	_ =	sdelay $0x1  }
0x1fe: {  	v23 =	vmax.f32 v23, v24  }
0x1ff: {  	s21 =	simm.s32 $0x10;
	v24 =	vimm.s32 $0x7FFFFFFF;
	vm3 =	veq.f32 v27, v23;
	v27 =	vor.u32 s22, v4;
	s22 =	simm.s32 $0x10  }
.LBB2_24:
0x200: {  	v28 =	vld [tilespmem:s22+$0x0];
	p0 =	sne.s32 s21, $0x8000;
	v27 =	vnsel vm3, $0x7FFFFFFF, v27;
	s23 =	smov.u32 s21;
	s21 =	sadd.s32 $0x10, s21  }
.Ltmp23:
0x201: {  	vm3 =	vlt.s32 v24, v27;
	(pc) =	sbr.rel @p0 .LBB2_24-.Ltmp23, $2  }
0x202: {  	v24 =	vsel vm3, v24, v27;
	_ =	sdelay $0x2  }
0x203: {  	s22 =	sadd.s32 $0x10, s22;
	v27 =	vor.u32 s23, v4;
	vm3 =	veq.f32 v28, v23  }
0x204: {  	v27 =	vnsel vm3, $0x7FFFFFFF, v27  }
0x205: {  	vm3 =	vlt.s32 v24, v27  }
0x206: {  	v24 =	vsel vm3, v24, v27  }
0x207: {  	v27 =	vperm.xlane v24, v0;
	_ =	sdelay $0x1  }
0x208: {  	vm3 =	vlt.s32 v24, v27  }
0x209: {  	v24 =	vsel vm3, v24, v27  }
0x20a: {  	v27 =	vperm.xlane v24, v1;
	_ =	sdelay $0x1  }
0x20b: {  	vm3 =	vlt.s32 v24, v27  }
0x20c: {  	v24 =	vsel vm3, v24, v27  }
0x20d: {  	v27 =	vperm.xlane v24, v2;
	_ =	sdelay $0x1  }
0x20e: {  	vm3 =	vlt.s32 v24, v27  }
0x20f: {  	v24 =	vsel vm3, v24, v27  }
0x210: {  	v27 =	vperm.xlane v24, v3;
	_ =	sdelay $0x1  }
0x211: {  	vm3 =	vlt.s32 v24, v27  }
0x212: {  	s21 =	sadd.s32 $0xFFFFFFF0, s20;
	v24 =	vsel vm3, v24, v27;
	v27 =	vmov s20;
	s20 =	sadd.s32 $0x1, s20  }
0x213: {  	p0 =	sne.s32 s20, $0x20  }
.Ltmp24:
0x214: {  	_ = 	snop;
	(pc) =	sbr.rel @p0 .LBB2_21-.Ltmp24, $4  }
0x215: {  	_ = 	snop  }
0x216: {  	vm3 =	veq.s32 v27, v4;
	v27 =	vmov s21  }
0x217: {  	v25 =	vsel vm3, v23, v25;
	vm4 =	veq.s32 v27, v4;
	v26 =	vsel vm3, v24, v26  }
0x218: {  	v21 =	vsel vm4, v23, v21;
	v22 =	vsel vm4, v24, v22;
	[tilespmem:v24+s3+$0x0] =	vst.idx.msk $0x1, v19  }
.LBB2_60:
0x219: {  	_ =	sdelay $0x2  }
0x21a: {  	v23 =	vxor.u32 $0x80000000, v26  }
0x21b: {  	(xrf1) =	vsort.ascd.msk.u32 $0xffff, v23, v25;
	v22 =	vxor.u32 $0x80000000, v22  }
0x21c: {  	(xrf1) =	vsort.ascd.msk.u32 $0xffff, v22, v21;
	_ =	sdelay $0xc  }
0x21d: {  	v21 =	vmul.u32 $0xFFFFFFFF, v4;
	v22, v23, _ =	vpop (xrf1)  }
0x21e: {  	v24, v25, _ =	vpop (xrf1)  }
0x21f: {  	v21 =	vadd.s32 $0xF, v21;
	v24 =	vxor.u32 $0x80000000, v24  }
0x220: {  	v24 =	vperm.xlane v24, v21  }
0x221: {  	v22 =	vxor.u32 $0x80000000, v22  }
0x222: {  	vm4 =	vgt.s32 v22, v24  }
0x223: {  	v26 =	vsel vm4, v24, v22  }
0x224: {  	v27 =	vperm.xlane v26, v0;
	_ =	sdelay $0x1  }
0x225: {  	v25 =	vperm.xlane v25, v21;
	v22 =	vsel vm4, v22, v24;
	vm3 =	vlt.s32 v26, v27  }
0x226: {  	v24 =	vsel vm3, v26, v27;
	v27 =	vsel vm3, v27, v26;
	vm3 =	vmmov $0xff  }
0x227: {  	v28 =	vsel vm4, v25, v23;
	v24 =	vsel vm3, v24, v27;
	v27 =	vperm.xlane v22, v0  }
0x228: {  	v23 =	vsel vm4, v23, v25;
	v29 =	vperm.xlane v28, v0;
	v25 =	vperm.xlane v24, v9  }
0x229: {  	v30 =	vperm.xlane v23, v0;
	vm4 =	veq.s32 v24, v26;
	vm5 =	vlt.s32 v22, v27  }
0x22a: {  	v26 =	vsel vm5, v22, v27;
	v27 =	vsel vm5, v27, v22;
	vm5 =	vlt.s32 v24, v25  }
0x22b: {  	v28 =	vsel vm4, v28, v29;
	v26 =	vsel vm3, v26, v27;
	v27 =	vsel vm5, v24, v25  }
0x22c: {  	v25 =	vsel vm5, v25, v24;
	vm5 =	veq.s32 v26, v22;
	v22 =	vperm.xlane v26, v9  }
0x22d: {  	v25 =	vsel vm0, v27, v25;
	v27 =	vperm.xlane v28, v9  }
0x22e: {  	v23 =	vsel vm5, v23, v30;
	vm4 =	veq.s32 v25, v24;
	vm5 =	vlt.s32 v26, v22  }
0x22f: {  	v29 =	vperm.xlane v25, v10;
	v24 =	vsel vm5, v26, v22;
	v22 =	vsel vm5, v22, v26  }
0x230: {  	v27 =	vsel vm4, v28, v27;
	v28 =	vperm.xlane v23, v9;
	v22 =	vsel vm0, v24, v22  }
0x231: {  	vm5 =	vlt.s32 v25, v29;
	vm4 =	veq.s32 v22, v26;
	v24 =	vperm.xlane v22, v10  }
0x232: {  	v26 =	vsel vm5, v25, v29;
	v23 =	vsel vm4, v23, v28;
	v28 =	vsel vm5, v29, v25  }
0x233: {  	v29 =	vperm.xlane v27, v10;
	v26 =	vsel vm1, v26, v28;
	vm4 =	vlt.s32 v22, v24  }
0x234: {  	v28 =	vsel vm4, v22, v24;
	v24 =	vsel vm4, v24, v22;
	vm4 =	veq.s32 v26, v25  }
0x235: {  	v25 =	vperm.xlane v23, v10;
	v24 =	vsel vm1, v28, v24;
	v28 =	vperm.xlane v26, v11  }
0x236: {  	v27 =	vsel vm4, v27, v29;
	vm4 =	veq.s32 v24, v22  }
0x237: {  	s20 =	sshll.u32 s18, $0x6;
	v22 =	vsel vm4, v23, v25;
	vm4 =	vlt.s32 v26, v28;
	v23 =	vperm.xlane v24, v11  }
0x238: {  	s21 =	sor.u32 $0x10, s20;
	v29 =	vor.u32 s20, v4;
	v25 =	vsel vm4, v26, v28;
	v28 =	vsel vm4, v28, v26  }
0x239: {  	v25 =	vsel vm2, v25, v28;
	vm4 =	vlt.s32 v24, v23;
	v28 =	vor.u32 s21, v4  }
0x23a: {  	v31 =	vperm.xlane v27, v11;
	v30 =	vsel vm4, v24, v23;
	v23 =	vsel vm4, v23, v24  }
0x23b: {  	vm4 =	veq.s32 v25, v26;
	v25 =	vperm.xlane v22, v11;
	v23 =	vsel vm2, v30, v23  }
0x23c: {  	p0 =	seq.s32 s18, $0xF;
	v26 =	vsel vm4, v27, v31;
	vm4 =	veq.s32 v23, v24  }
0x23d: {  	s19 =	sadd.s32 @!p0 $0x2, s19;
	[tilespmem:v29+s14+$0x0] =	vst.idx.msk $0xffff, v26;
	v22 =	vsel vm4, v22, v25  }
0x23e: {  	s22 =	simm.s32 @!p0 $0x400;
	s23 =	simm.s32 @!p0 $0x0;
	s21 =	sshll.u32 @!p0 s19, $0x4;
	[tilespmem:v28+s14+$0x0] =	vst.idx.msk $0xffff, v22  }
0x23f: {  	s19 =	sshll.u32 @!p0 s19, $0xC;
	s21 =	sand.u32 @!p0 $0x60, s21;
	_ =	swait.ge [sflag:s15], $0x8000  }
0x240: {  	s19 =	sand.u32 @!p0 $0xFFF8000, s19;
	s21 =	sadd.s32 @!p0 s0, s21;
	[sflag:s15] =	ssyncset.done $0x0  }
0x241: {  	s19 =	sadd.s32 @!p0 s19, s21;
	s21 =	simm.s32 @!p0 $0x80;
	[sflag:s15] =	ssyncadd.s32 $0xFFFF8000  }
0x242: {  	v22 =	vimm.f32 $-Inf;
	[tilespmem:s23], [sflag:$0x1] =	stream.strided.gather @!p0 [hbm4b:s19+s21], $0x8000, s22, s21, $0x38;
	[tilespmem:$0x16880] =	vst v63  }
0x243: {  	[tilespmem:$0x12380] =	vst v22  }
0x244: {  	[tilespmem:$0x12390] =	vst v22  }
0x245: {  	[tilespmem:$0x123A0] =	vst v22  }
0x246: {  	[tilespmem:$0x123B0] =	vst v22  }
0x247: {  	[tilespmem:$0x123C0] =	vst v22  }
0x248: {  	[tilespmem:$0x123D0] =	vst v22  }
0x249: {  	[tilespmem:$0x123E0] =	vst v22  }
0x24a: {  	s21 =	simm.s32 $0x8100;
	[tilespmem:$0x123F0] =	vst v22  }
0x24b: {  	v24 =	vld [tilespmem:s21+$0x60]  }
0x24c: {  	v25 =	vld [tilespmem:s21+$0x50]  }
0x24d: {  	v26 =	vld [tilespmem:s21+$0x40]  }
0x24e: {  	v27 =	vld [tilespmem:s21+$0x30]  }
0x24f: {  	v28 =	vld [tilespmem:s21+$0x20]  }
0x250: {  	v30 =	vld [tilespmem:s21+$0x10]  }
0x251: {  	v31 =	vld [tilespmem:s21+$0x0]  }
0x252: {  	v23 =	vimm.f32 $-Inf;
	s19 =	simm.s32 $0x0;
	s22 =	simm.s32 $0x80;
	v29 =	vld [tilespmem:s21+$0x70]  }
.LBB2_61:
0x253: {  	p0 =	sne.s32 s22, $0x3F80;
	v32 =	vld [tilespmem:s21+$0xFFFFFFE0]  }
0x254: {  	v33 =	vld [tilespmem:s21+$0xFFFFFFC0]  }
0x255: {  	v34 =	vld [tilespmem:s21+$0xFFFFFFD0]  }
0x256: {  	v35 =	vld [tilespmem:s21+$0xFFFFFFA0];
	v30 =	vmax.f32 v31, v30  }
0x257: {  	v25 =	vmax.f32 v26, v25;
	v27 =	vmax.f32 v28, v27;
	v31 =	vld [tilespmem:s21+$0xFFFFFFB0];
	v24 =	vmax.f32 v24, v29  }
0x258: {  	v27 =	vmax.f32 v30, v27;
	v26 =	vld [tilespmem:s21+$0xFFFFFF80];
	v24 =	vmax.f32 v25, v24  }
0x259: {  	s23 =	sshra.s32 s19, $0x2;
	s19 =	smov.u32 s22;
	v25 =	vld [tilespmem:s21+$0xFFFFFF90];
	v24 =	vmax.f32 v27, v24  }
0x25a: {  	v27 =	vld [tilespmem:s21+$0xFFFFFFF0];
	[tilespmem:s23+$0x10110] =	vst v24;
	v22 =	vmax.f32 v22, v24;
	_ =	sdelay $0x3  }
0x25b: {  	v24 =	vmax.f32 v26, v25  }
0x25c: {  	v25 =	vmax.f32 v35, v31;
	v26 =	vmax.f32 v33, v34;
	v27 =	vmax.f32 v32, v27  }
0x25d: {  	v24 =	vmax.f32 v24, v25;
	v25 =	vmax.f32 v26, v27  }
0x25e: {  	v24 =	vmax.f32 v24, v25  }
0x25f: {  	s21 =	sadd.s32 $0x100, s21;
	[tilespmem:s23+$0x10100] =	vst v24;
	v23 =	vmax.f32 v23, v24  }
0x260: {  	v24 =	vld [tilespmem:s21+$0x60]  }
0x261: {  	v25 =	vld [tilespmem:s21+$0x50]  }
0x262: {  	v26 =	vld [tilespmem:s21+$0x40]  }
.Ltmp25:
0x263: {  	v27 =	vld [tilespmem:s21+$0x30];
	(pc) =	sbr.rel @p0 .LBB2_61-.Ltmp25, $4  }
0x264: {  	v28 =	vld [tilespmem:s21+$0x20]  }
0x265: {  	v30 =	vld [tilespmem:s21+$0x10]  }
0x266: {  	v31 =	vld [tilespmem:s21+$0x0]  }
0x267: {  	s22 =	sadd.s32 $0x80, s22;
	v29 =	vld [tilespmem:s21+$0x70]  }
0x268: {  	v32 =	vld [tilespmem:s21+$0xFFFFFFE0]  }
0x269: {  	v33 =	vld [tilespmem:s21+$0xFFFFFFC0]  }
0x26a: {  	v34 =	vld [tilespmem:s21+$0xFFFFFFD0]  }
0x26b: {  	v35 =	vld [tilespmem:s21+$0xFFFFFFA0]  }
0x26c: {  	v36 =	vld [tilespmem:s21+$0xFFFFFFB0]  }
0x26d: {  	v37 =	vld [tilespmem:s21+$0xFFFFFF80]  }
0x26e: {  	v38 =	vld [tilespmem:s21+$0xFFFFFF90]  }
0x26f: {  	v39 =	vld [tilespmem:s21+$0xFFFFFFF0];
	_ =	sdelay $0x2  }
0x270: {  	v25 =	vmax.f32 v26, v25;
	v27 =	vmax.f32 v28, v27;
	v30 =	vmax.f32 v31, v30  }
0x271: {  	v24 =	vmax.f32 v24, v29;
	v26 =	vmax.f32 v30, v27;
	v27 =	vmax.f32 v37, v38  }
0x272: {  	v61 =	vmax.f32 v35, v36;
	v62 =	vmax.f32 v33, v34;
	v63 =	vmax.f32 v32, v39  }
0x273: {  	v24 =	vmax.f32 v25, v24;
	v25 =	vmax.f32 v27, v61;
	v27 =	vmax.f32 v62, v63  }
0x274: {  	v24 =	vmax.f32 v26, v24;
	v25 =	vmax.f32 v25, v27  }
0x275: {  	v22 =	vmax.f32 v22, v24;
	v23 =	vmax.f32 v23, v25  }
0x276: {  	v22 =	vmin.f32 v23, v22  }
0x277: {  	v23 =	vperm.xlane v22, v0;
	_ =	sdelay $0x1  }
0x278: {  	v22 =	vmin.f32 v22, v23  }
0x279: {  	v23 =	vperm.xlane v22, v1;
	_ =	sdelay $0x1  }
0x27a: {  	s19 =	sshra.s32 s19, $0x2;
	v22 =	vmin.f32 v22, v23  }
0x27b: {  	[tilespmem:s19+$0x10110] =	vst v24;
	v23 =	vperm.xlane v22, v2  }
0x27c: {  	s22 =	simm.s32 $0x10100;
	[tilespmem:s19+$0x10100] =	vst v25  }
0x27d: {  	v24 =	vld [tilespmem:s22+$0x0];
	v22 =	vmin.f32 v22, v23  }
0x27e: {  	v23 =	vperm.xlane v22, v3  }
0x27f: {  	s19 =	simm.s32 $0x0  }
0x280: {  	v22 =	vmin.f32 v22, v23;
	v23 =	vmov s19;
	_ =	sdelay $0x1  }
0x281: {  	vm4 =	vge.f32 v24, v22  }
0x282: {  	s23 =	simm.s32 $0x11100;
	v25 =	vor.u32 s19, v4;
	v24 =	vmpcnt.ones.xlane vm4  }
0x283: {  	s24 =	simm.s32 $0x1;
	s21 =	simm.s32 $0x12100;
	s25 =	simm.s32 $0x0;
	[tilespmem:s23+$0x0] =	vst.msk vm4, v25  }
.LBB2_63:
0x284: {  	[tilespmem:v23+s21+$0x0] =	vst.idx.msk $0x1, v24;
	s22 =	sadd.s32 $0x10, s22;
	s23 =	sadd.s32 $0x10, s23;
	s25 =	sadd.s32 $0x10, s25  }
0x285: {  	p0 =	sne.s32 s24, $0xFF;
	s26 =	smov.u32 s24;
	s24 =	sadd.s32 $0x1, s24;
	v24 =	vld [tilespmem:s22+$0x0]  }
0x286: {  	_ =	sdelay $0x1  }
.Ltmp26:
0x287: {  	v23 =	vmov s26;
	(pc) =	sbr.rel @p0 .LBB2_63-.Ltmp26, $3  }
0x288: {  	_ = 	snop  }
0x289: {  	v25 =	vor.u32 s25, v4;
	vm4 =	vge.f32 v24, v22  }
0x28a: {  	v24 =	vmpcnt.ones.xlane vm4;
	[tilespmem:s23+$0x0] =	vst.msk vm4, v25;
	_ =	sdelay $0x1  }
0x28b: {  	_ =	sdelay $0x3  }
0x28c: {  	[tilespmem:v23+s21+$0x0] =	vst.idx.msk $0x1, v24  }
0x28d: {  	v25 =	vimm.s32 $0x0;
	s22 =	simm.s32 $0x10;
	v24 =	vimm.s32 $0x0;
	v23 =	vld [tilespmem:s21+$0x0]  }
.LBB2_65:
0x28e: {  	p0 =	sne.s32 s22, $0xF0;
	_ =	sdelay $0x3  }
0x28f: {  	vm4 =	vgt.s32 v23, $0x0  }
0x290: {  	v26 =	vsel vm4, $0x1, v5;
	v27 =	vmpcnt.ones.xlane vm4  }
0x291: {  	(xrf0) =	vadd.scan.msk.s32 $0xffff, v26  }
0x292: {  	v25 =	vadd.s32 v25, v27;
	_ =	sdelay $0x4  }
0x293: {  	v26, _, _ =	vpop (xrf0)  }
0x294: {  	v26 =	vadd.s32 v26, v24;
	v24 =	vmov v25  }
0x295: {  	v26 =	vadd.s32 $0xFFFFFFFF, v26  }
0x296: {  	v27 =	vmov s19;
	s19 =	smov.u32 s22  }
.Ltmp27:
0x297: {  	v27 =	vshll.u32 v27, $0x5;
	(pc) =	sbr.rel @p0 .LBB2_65-.Ltmp27, $4  }
0x298: {  	v27 =	vor.u32 v6, v27  }
0x299: {  	v23 =	vadd.s32 v27, v23  }
0x29a: {  	s21 =	sadd.s32 $0x10, s21;
	[tilespmem:v26+s12+$0x0] =	vst.idx.msk vm4, v23  }
0x29b: {  	s22 =	sadd.s32 $0x10, s22;
	v23 =	vld [tilespmem:s21+$0x0]  }
0x29c: {  	_ =	sdelay $0x3  }
0x29d: {  	vm4 =	vgt.s32 v23, $0x0  }
0x29e: {  	v26 =	vmpcnt.ones.xlane vm4;
	_ =	sdelay $0x1  }
0x29f: {  	v25 =	vadd.s32 v25, v26  }
0x2a0: {  	(v2sf) =	vpush v25, $0x0;
	_ =	sdelay $0x6  }
0x2a1: {  	v62 =	vsel vm4, $0x1, v5  }
0x2a2: {  	(xrf0) =	vadd.scan.msk.s32 $0xffff, v62;
	_ =	sdelay $0x5  }
0x2a3: {  	v25, _, _ =	vpop (xrf0)  }
0x2a4: {  	v63 =	vmov s19;
	v24 =	vadd.s32 v25, v24;
	s19 =	spop (v2sf)  }
0x2a5: {  	v24 =	vadd.s32 $0xFFFFFFFF, v24;
	p0 =	slt.s32 s19, $0x1  }
.Ltmp28:
0x2a6: {  	_ = 	snop;
	(pc) =	sbr.rel @!p0 .LBB2_67-.Ltmp28, $4  }
0x2a7: {  	v25 =	vshll.u32 v63, $0x5  }
0x2a8: {  	v25 =	vor.u32 v6, v25  }
0x2a9: {  	v23 =	vadd.s32 v25, v23  }
0x2aa: {  	s21 =	simm.s32 $0x0;
	s22 =	simm.s32 $0x0;
	[tilespmem:v24+s12+$0x0] =	vst.idx.msk vm4, v23  }
.LBB2_76:
0x2ab: {  	p0 =	slt.s32 s21, $0x2000;
	s19 =	smov.u32 s21  }
0x2ac: {  	s31 =	sadd.s32 $0xF, s21;
	s19 =	simm.s32 @!p0 $0x2000  }
0x2ad: {  	v23 =	vadd.s32 s19, v4;
	s19 =	sshrl.u32 s31, $0x4  }
0x2ae: {  	p0 =	sne.s32 s19, $0x0  }
.Ltmp29:
0x2af: {  	_ = 	snop;
	(pc) =	sbr.rel @!p0 .LBB2_77-.Ltmp29, $3  }
0x2b0: {  	_ =	sdelay $0x1  }
0x2b1: {  	v22 =	vimm.f32 $-Inf;
	s23 =	simm.s32 $0x12380  }
0x2b2: {  	s22 =	smin.u32 s19, $0x200;
	[tilespmem:v23+s23+$0x0] =	vst.idx.msk $0xffff, v22  }
0x2b3: {  	p1 =	sne.s32 s22, $0x1  }
.Ltmp30:
0x2b4: {  	_ = 	snop;
	(pc) =	sbr.rel @!p1 .LBB2_85-.Ltmp30, $2  }
0x2b5: {  	_ =	sdelay $0x2  }
0x2b6: {  	v24 =	vld [tilespmem:s23+$0x0];
	s24 =	sadd.s32 $0xFFFFFFFF, s22;
	p0 =	por $0x0, $0x0  }
0x2b7: {  	_ =	sdelay $0x3  }
0x2b8: {  	(xrf1) =	vsort.dscd.msk.f32 $0xffff, v24, v5;
	_ =	sdelay $0xd  }
0x2b9: {  	v23, _, _ =	vpop (xrf1)  }
0x2ba: {  	v23 =	vperm.xlane v23, v21;
	_ =	sdelay $0x1  }
0x2bb: {  	v23 =	vmax.f32 v22, v23  }
0x2bc: {  	v24 =	vperm.xlane v23, v0;
	_ =	sdelay $0x1  }
0x2bd: {  	v25 =	vmax.f32 v23, v24;
	v23 =	vmin.f32 v23, v24  }
0x2be: {  	v23 =	vsel vm3, v25, v23  }
0x2bf: {  	v24 =	vperm.xlane v23, v9;
	_ =	sdelay $0x1  }
0x2c0: {  	v25 =	vmax.f32 v23, v24;
	v23 =	vmin.f32 v23, v24  }
0x2c1: {  	v23 =	vsel vm0, v25, v23  }
0x2c2: {  	p2 =	sne.s32 s24, $0x1;
	v24 =	vperm.xlane v23, v10  }
.Ltmp31:
0x2c3: {  	_ = 	snop;
	(pc) =	sbr.rel @!p2 .LBB2_87-.Ltmp31, $4  }
0x2c4: {  	v25 =	vmax.f32 v23, v24;
	v23 =	vmin.f32 v23, v24  }
0x2c5: {  	v25 =	vsel vm1, v25, v23  }
0x2c6: {  	s23 =	sadd.s32 $0x10, s23;
	v26 =	vperm.xlane v25, v11  }
0x2c7: {  	s24 =	sadd.s32 $0xFFFFFFFF, s24;
	p1 =	por $0x1, $0x1;
	v24 =	vld [tilespmem:s23+$0x0];
	v23 =	vimm.f32 $-Inf  }
.LBB2_88:
0x2c8: {  	p2 =	sne.s32 s24, $0x1;
	v27 =	vmax.f32 v25, v26;
	v25 =	vmin.f32 v25, v26  }
0x2c9: {  	v25 =	vsel vm2, v27, v25  }
0x2ca: {  	v25 =	vperm.xlane v25, v21;
	_ =	sdelay $0x1  }
0x2cb: {  	(xrf1) =	vsort.dscd.msk.f32 $0xffff, v24, v5;
	v24 =	vmax.f32 v23, v25;
	v23 =	vmin.f32 v23, v25  }
0x2cc: {  	v25 =	vperm.xlane v24, v0;
	v26 =	vperm.xlane v23, v0;
	_ =	sdelay $0x1  }
0x2cd: {  	v27 =	vmax.f32 v24, v25;
	v28 =	vmax.f32 v23, v26;
	v23 =	vmin.f32 v23, v26  }
0x2ce: {  	v24 =	vmin.f32 v24, v25;
	v23 =	vsel vm3, v28, v23  }
0x2cf: {  	v24 =	vsel vm3, v27, v24;
	v25 =	vperm.xlane v23, v9  }
0x2d0: {  	v26 =	vperm.xlane v24, v9  }
0x2d1: {  	v27 =	vmax.f32 v23, v25;
	v23 =	vmin.f32 v23, v25  }
0x2d2: {  	v25 =	vmax.f32 v24, v26;
	v24 =	vmin.f32 v24, v26;
	v23 =	vsel vm0, v27, v23  }
0x2d3: {  	v24 =	vsel vm0, v25, v24;
	v25 =	vperm.xlane v23, v10  }
0x2d4: {  	v26 =	vperm.xlane v24, v10  }
0x2d5: {  	v27 =	vmax.f32 v23, v25;
	v23 =	vmin.f32 v23, v25  }
0x2d6: {  	v25 =	vmax.f32 v24, v26;
	v24 =	vmin.f32 v24, v26;
	v23 =	vsel vm1, v27, v23  }
0x2d7: {  	v24 =	vsel vm1, v25, v24;
	v25 =	vperm.xlane v23, v11  }
0x2d8: {  	v27 =	vperm.xlane v24, v11;
	v26, _, _ =	vpop (xrf1)  }
0x2d9: {  	v26 =	vperm.xlane v26, v21;
	v28 =	vmax.f32 v23, v25;
	v23 =	vmin.f32 v23, v25  }
0x2da: {  	v25 =	vmax.f32 v24, v27;
	v24 =	vmin.f32 v24, v27;
	v23 =	vsel vm2, v28, v23  }
0x2db: {  	v26 =	vmax.f32 v23, v26;
	v23 =	vsel vm2, v25, v24  }
0x2dc: {  	v24 =	vperm.xlane v26, v0;
	_ =	sdelay $0x1  }
0x2dd: {  	v25 =	vmax.f32 v26, v24;
	v24 =	vmin.f32 v26, v24  }
0x2de: {  	v24 =	vsel vm3, v25, v24  }
0x2df: {  	v25 =	vperm.xlane v24, v9;
	_ =	sdelay $0x1  }
0x2e0: {  	v26 =	vmax.f32 v24, v25;
	v24 =	vmin.f32 v24, v25  }
0x2e1: {  	v24 =	vsel vm0, v26, v24  }
0x2e2: {  	v25 =	vperm.xlane v24, v10  }
.Ltmp32:
0x2e3: {  	(pc) =	sbr.rel @p2 .LBB2_88-.Ltmp32, $4  }
0x2e4: {  	v26 =	vmax.f32 v24, v25;
	v24 =	vmin.f32 v24, v25  }
0x2e5: {  	v25 =	vsel vm1, v26, v24  }
0x2e6: {  	s23 =	sadd.s32 $0x10, s23;
	v26 =	vperm.xlane v25, v11  }
0x2e7: {  	s24 =	sadd.s32 $0xFFFFFFFF, s24;
	v24 =	vld [tilespmem:s23+$0x0]  }
.LBB2_89:
0x2e8: {  	v27 =	vmax.f32 @p1 v25, v26;
	v25 =	vmin.f32 @p1 v25, v26  }
0x2e9: {  	v25 =	vsel @p1 vm2, v27, v25  }
0x2ea: {  	v25 =	vperm.xlane @p1 v25, v21;
	_ =	sdelay $0x1  }
0x2eb: {  	v26 =	vmin.f32 @p1 v23, v25  }
0x2ec: {  	(xrf1) =	vsort.dscd.msk.f32 $0xffff, v24, v5;
	v24 =	vperm.xlane @p1 v26, v0;
	_ =	sdelay $0x1  }
0x2ed: {  	v27 =	vmax.f32 @p1 v26, v24;
	v24 =	vmin.f32 @p1 v26, v24  }
0x2ee: {  	v24 =	vsel @p1 vm3, v27, v24  }
0x2ef: {  	v26 =	vperm.xlane @p1 v24, v9;
	_ =	sdelay $0x1  }
0x2f0: {  	v27 =	vmax.f32 @p1 v24, v26;
	v24 =	vmin.f32 @p1 v24, v26  }
0x2f1: {  	v24 =	vsel @p1 vm0, v27, v24  }
0x2f2: {  	v26 =	vperm.xlane @p1 v24, v10;
	_ =	sdelay $0x1  }
0x2f3: {  	v27 =	vmax.f32 @p1 v24, v26;
	v24 =	vmin.f32 @p1 v24, v26  }
0x2f4: {  	v24 =	vsel @p1 vm1, v27, v24  }
0x2f5: {  	v26 =	vperm.xlane @p1 v24, v11;
	_ =	sdelay $0x1  }
0x2f6: {  	v57, _, _ =	vpop (xrf1);
	v28 =	vmax.f32 @p1 v24, v26;
	v24 =	vmin.f32 @p1 v24, v26  }
0x2f7: {  	v58 =	vperm.xlane v57, v21;
	v24 =	vsel @p1 vm2, v28, v24  }
0x2f8: {  	v24 =	vpsel p1, v24, v22  }
0x2f9: {  	v24 =	vmax.f32 v24, v58  }
0x2fa: {  	v23 =	vmax.f32 @p1 v23, v25;
	v59 =	vperm.xlane v24, v0  }
0x2fb: {  	v26 =	vperm.xlane @p1 v23, v0  }
0x2fc: {  	v60 =	vmax.f32 v24, v59;
	v24 =	vmin.f32 v24, v59  }
0x2fd: {  	v25 =	vmax.f32 @p1 v23, v26;
	v23 =	vmin.f32 @p1 v23, v26;
	v24 =	vsel vm3, v60, v24  }
0x2fe: {  	v23 =	vsel @p1 vm3, v25, v23;
	v61 =	vperm.xlane v24, v9  }
0x2ff: {  	v26 =	vperm.xlane @p1 v23, v9  }
0x300: {  	v27 =	vmax.f32 v24, v61;
	v24 =	vmin.f32 v24, v61  }
0x301: {  	v25 =	vmax.f32 @p1 v23, v26;
	v23 =	vmin.f32 @p1 v23, v26;
	v24 =	vsel vm0, v27, v24  }
0x302: {  	v23 =	vsel @p1 vm0, v25, v23;
	v62 =	vperm.xlane v24, v10  }
0x303: {  	v26 =	vperm.xlane @p1 v23, v10  }
0x304: {  	v27 =	vmax.f32 v24, v62;
	v24 =	vmin.f32 v24, v62  }
0x305: {  	v25 =	vmax.f32 @p1 v23, v26;
	v23 =	vmin.f32 @p1 v23, v26;
	v24 =	vsel vm1, v27, v24  }
0x306: {  	v23 =	vsel @p1 vm1, v25, v23;
	v63 =	vperm.xlane v24, v11  }
0x307: {  	v26 =	vperm.xlane @p1 v23, v11  }
0x308: {  	v27 =	vmax.f32 v24, v63;
	v24 =	vmin.f32 v24, v63  }
0x309: {  	v25 =	vmax.f32 @p1 v23, v26;
	v23 =	vmin.f32 @p1 v23, v26;
	v24 =	vsel vm2, v27, v24  }
0x30a: {  	v23 =	vsel @p1 vm2, v25, v23;
	v24 =	vperm.xlane v24, v21  }
0x30b: {  	v22 =	vpsel p1, v23, v22  }
0x30c: {  	v22 =	vmin.f32 v22, v24  }
0x30d: {  	v23 =	vperm.xlane v22, v0;
	_ =	sdelay $0x1  }
0x30e: {  	v24 =	vmax.f32 v22, v23;
	v22 =	vmin.f32 v22, v23  }
0x30f: {  	v22 =	vsel vm3, v24, v22  }
0x310: {  	v23 =	vperm.xlane v22, v9;
	_ =	sdelay $0x1  }
0x311: {  	v24 =	vmax.f32 v22, v23;
	v22 =	vmin.f32 v22, v23  }
0x312: {  	v22 =	vsel vm0, v24, v22  }
0x313: {  	v23 =	vperm.xlane v22, v10;
	_ =	sdelay $0x1  }
0x314: {  	v24 =	vmax.f32 v22, v23;
	v22 =	vmin.f32 v22, v23  }
0x315: {  	p1 =	sne.s32 s22, $0x1;
	v22 =	vsel vm1, v24, v22  }
.Ltmp33:
0x316: {  	v23 =	vperm.xlane v22, v11;
	(pc) =	sbr.rel @!p1 .LBB2_90-.Ltmp33, $4  }
0x317: {  	_ = 	snop  }
0x318: {  	v24 =	vmax.f32 v22, v23;
	v22 =	vmin.f32 v22, v23  }
0x319: {  	s25 =	simm.s32 $0x12380;
	v22 =	vsel vm2, v24, v22  }
0x31a: {  	s23 =	simm.s32 $0x0;
	s24 =	simm.s32 $0x14400;
	s22 =	sadd.s32 $0xFFFFFFFF, s22;
	v23 =	vld [tilespmem:s25+$0x0];
	v22 =	vperm.xlane v22, v20  }
0x31b: {  	_ =	sdelay $0x3  }
0x31c: {  	vm4 =	vge.f32 v23, v22  }
0x31d: {  	v25 =	vmpcnt.ones.xlane vm4;
	_ =	sdelay $0x1  }
0x31e: {  	(v2sf) =	vpush v25, $0x0;
	_ =	sdelay $0x1  }
0x31f: {  	v24 =	vld [tilespmem:s24+$0x0]  }
0x320: {  	p1 =	sne.s32 s22, $0x1  }
.Ltmp34:
0x321: {  	p0 =	por $0x1, $0x1;
	s25 =	simm.s32 $0x0;
	(pc) =	sbr.rel @!p1 .LBB2_92-.Ltmp34, $4  }
0x322: {  	s25 =	simm.s32 @!p0 $0xFF0  }
0x323: {  	[tilespmem:s25+$0x10100] =	vst.msk vm4, v23  }
0x324: {  	s26 =	simm.s32 $0x12390;
	s28 =	sadd.s32 $0xFFFFFFFF, s22;
	[tilespmem:s25+$0x11100] =	vst.msk vm4, v24  }
0x325: {  	s22 =	simm.s32 $0x14400;
	p0 =	por $0x1, $0x1;
	s25 =	simm.s32 $0x0;
	v23 =	vld [tilespmem:s26+$0x0]  }
.LBB2_93:
0x326: {  	p1 =	sne.s32 s28, $0x1;
	_ =	sdelay $0x3  }
0x327: {  	vm4 =	vge.f32 v23, v22  }
0x328: {  	s22 =	sadd.s32 $0x10, s22;
	v24 =	vmpcnt.ones.xlane vm4  }
0x329: {  	v25 =	vld [tilespmem:s22+$0x0];
	s29 =	spop (v2sf)  }
0x32a: {  	(v2sf) =	vpush v24, $0x0;
	s25 =	sadd.s32 s25, s29  }
0x32b: {  	p2 =	slt.s32 s25, $0xFF0;
	s29 =	smov.u32 s25  }
0x32c: {  	s29 =	simm.s32 @!p2 $0xFF0  }
0x32d: {  	[tilespmem:s29+$0x10100] =	vst.msk vm4, v23  }
.Ltmp35:
0x32e: {  	[tilespmem:s29+$0x11100] =	vst.msk vm4, v25;
	(pc) =	sbr.rel @p1 .LBB2_93-.Ltmp35, $3  }
0x32f: {  	_ =	sdelay $0x1  }
0x330: {  	s26 =	sadd.s32 $0x10, s26  }
0x331: {  	s28 =	sadd.s32 $0xFFFFFFFF, s28;
	v23 =	vld [tilespmem:s26+$0x0]  }
.LBB2_94:
0x332: {  	_ =	sdelay $0x3  }
0x333: {  	vm4 =	vge.f32 v23, v22  }
0x334: {  	v22 =	vmpcnt.ones.xlane vm4;
	_ =	sdelay $0x1  }
0x335: {  	(v2sf) =	vpush v22, $0x0;
	_ =	sdelay $0xb  }
0x336: {  	s22 =	sadd.s32 @p0 $0x10, s22  }
0x337: {  	s24 =	smov.u32 @p0 s22;
	s22 =	spop @p0 (v2sf)  }
0x338: {  	s22 =	sadd.s32 @p0 s25, s22  }
0x339: {  	s23 =	smov.u32 @p0 s22;
	p0 =	sgt.s32 s21, $0x2000;
	s31 =	spop (v2sf)  }
0x33a: {  	v22 =	vld [tilespmem:s24+$0x0];
	p1 =	slt.s32 s23, $0xFF0;
	s24 =	smov.u32 s23;
	s22 =	sadd.s32 s23, s31  }
0x33b: {  	s24 =	simm.s32 @!p1 $0xFF0;
	p1 =	sne.s32 @!p0 s22, $0x20  }
0x33c: {  	p1 =	por p0, p1  }
.Ltmp36:
0x33d: {  	_ = 	snop;
	(pc) =	sbr.rel @!p1 .LBB2_95-.Ltmp36, $3  }
0x33e: {  	_ =	sdelay $0x1  }
0x33f: {  	[tilespmem:s24+$0x10100] =	vst.msk vm4, v23  }
0x340: {  	[tilespmem:s24+$0x11100] =	vst.msk vm4, v22  }
.Ltmp37:
0x341: {  	(pc) =	sbr.rel @!p0 .LBB2_97-.Ltmp37, $1  }
0x342: {  	_ =	sdelay $0x3  }
.LBB2_78:
0x343: {  	v23 =	vor.u32 $0x8000, v4;
	_ =	sdelay $0x3  }
0x344: {  	v22 =	vimm.f32 $0.0e+00  }
0x345: {  	s19 =	simm.s32 $0x0;
	v27 =	vimm.s32 $0x0;
	v26 =	vimm.f32 $0.0e+00;
	[tilespmem:v23+s11+$0x0] =	vst.idx.msk $0xffff, v19;
	v23 =	vimm.s32 $0x0  }
.LBB2_79:
0x346: {  	s22 =	simm.s32 $0x0  }
0x347: {  	v24 =	vimm.f32 $-Inf;
	s21 =	simm.s32 $0x40;
	v25 =	vld [tilespmem:s22+$0x8080]  }
.LBB2_80:
0x348: {  	p0 =	sne.s32 s21, $0x20000  }
.Ltmp38:
0x349: {  	_ = 	snop;
	(pc) =	sbr.rel @p0 .LBB2_80-.Ltmp38, $3  }
0x34a: {  	_ =	sdelay $0x1  }
0x34b: {  	s22 =	sshra.s32 s21, $0x2;
	s21 =	sadd.s32 $0x40, s21;
	v24 =	vmax.f32 v24, v25  }
0x34c: {  	v25 =	vld [tilespmem:s22+$0x8080]  }
0x34d: {  	_ =	sdelay $0x3  }
0x34e: {  	v24 =	vmax.f32 v24, v25  }
0x34f: {  	v25 =	vperm.xlane v24, v0;
	_ =	sdelay $0x1  }
0x350: {  	v24 =	vmax.f32 v24, v25  }
0x351: {  	v25 =	vperm.xlane v24, v1;
	_ =	sdelay $0x1  }
0x352: {  	v24 =	vmax.f32 v24, v25  }
0x353: {  	s21 =	simm.s32 $0x8080;
	v25 =	vperm.xlane v24, v2  }
0x354: {  	v28 =	vld [tilespmem:s21+$0x0]  }
0x355: {  	v24 =	vmax.f32 v24, v25  }
0x356: {  	v25 =	vperm.xlane v24, v3;
	_ =	sdelay $0x1  }
0x357: {  	s22 =	simm.s32 $0x0;
	v24 =	vmax.f32 v24, v25  }
0x358: {  	s21 =	simm.s32 $0x10;
	v25 =	vimm.s32 $0x7FFFFFFF;
	vm4 =	veq.f32 v28, v24;
	v28 =	vor.u32 s22, v4;
	s22 =	simm.s32 $0x8090  }
.LBB2_82:
0x359: {  	v29 =	vld [tilespmem:s22+$0x0];
	p0 =	sne.s32 s21, $0x8000;
	v28 =	vnsel vm4, $0x7FFFFFFF, v28;
	s23 =	smov.u32 s21;
	s21 =	sadd.s32 $0x10, s21  }
.Ltmp39:
0x35a: {  	vm4 =	vlt.s32 v25, v28;
	(pc) =	sbr.rel @p0 .LBB2_82-.Ltmp39, $2  }
0x35b: {  	v25 =	vsel vm4, v25, v28;
	_ =	sdelay $0x2  }
0x35c: {  	s22 =	sadd.s32 $0x10, s22;
	v28 =	vor.u32 s23, v4;
	vm4 =	veq.f32 v29, v24  }
0x35d: {  	v28 =	vnsel vm4, $0x7FFFFFFF, v28  }
0x35e: {  	vm4 =	vlt.s32 v25, v28  }
0x35f: {  	v25 =	vsel vm4, v25, v28  }
0x360: {  	v28 =	vperm.xlane v25, v0;
	_ =	sdelay $0x1  }
0x361: {  	vm4 =	vlt.s32 v25, v28  }
0x362: {  	v25 =	vsel vm4, v25, v28  }
0x363: {  	v28 =	vperm.xlane v25, v1;
	_ =	sdelay $0x1  }
0x364: {  	vm4 =	vlt.s32 v25, v28  }
0x365: {  	v25 =	vsel vm4, v25, v28  }
0x366: {  	v28 =	vperm.xlane v25, v2;
	_ =	sdelay $0x1  }
0x367: {  	vm4 =	vlt.s32 v25, v28  }
0x368: {  	v25 =	vsel vm4, v25, v28  }
0x369: {  	v28 =	vperm.xlane v25, v3;
	_ =	sdelay $0x1  }
0x36a: {  	vm4 =	vlt.s32 v25, v28  }
0x36b: {  	s21 =	sadd.s32 $0xFFFFFFF0, s19;
	v25 =	vsel vm4, v25, v28;
	v28 =	vmov s19;
	s19 =	sadd.s32 $0x1, s19  }
0x36c: {  	p0 =	sne.s32 s19, $0x20  }
.Ltmp40:
0x36d: {  	_ = 	snop;
	(pc) =	sbr.rel @p0 .LBB2_79-.Ltmp40, $4  }
.Ltmp41:
0x36e: {  	_ = 	snop;
	(pc) =	sbr.rel @!p0 .LBB2_118-.Ltmp41, $4  }
0x36f: {  	vm4 =	veq.s32 v28, v4;
	v28 =	vmov s21  }
0x370: {  	v26 =	vsel vm4, v24, v26;
	vm5 =	veq.s32 v28, v4;
	v27 =	vsel vm4, v25, v27  }
0x371: {  	v22 =	vsel vm5, v24, v22;
	v23 =	vsel vm5, v25, v23;
	[tilespmem:v25+s11+$0x0] =	vst.idx.msk $0x1, v19  }
0x372: {  	_ = 	snop  }
.LBB2_77:
0x373: {  	p0 =	slt.s32 s21, $0x2001  }
.Ltmp42:
0x374: {  	_ = 	snop;
	(pc) =	sbr.rel @!p0 .LBB2_78-.Ltmp42, $1  }
0x375: {  	_ =	sdelay $0x3  }
.LBB2_97:
0x376: {  	p0 =	sgt.s32 s21, $0x80  }
.Ltmp43:
0x377: {  	_ = 	snop;
	(pc) =	sbr.rel @p0 .LBB2_98-.Ltmp43, $2  }
0x378: {  	_ =	sdelay $0x2  }
0x379: {  	s21 =	simm.s32 $0x0;
	v22 =	vimm.f32 $0.0e+00;
	v23 =	vimm.s32 $0x0  }
0x37a: {  	v26 =	vld [tilespmem:$0x123F0]  }
0x37b: {  	v27 =	vld [tilespmem:$0x123E0]  }
0x37c: {  	v28 =	vld [tilespmem:$0x123D0]  }
0x37d: {  	v29 =	vld [tilespmem:$0x123B0]  }
0x37e: {  	v31 =	vld [tilespmem:$0x123A0]  }
0x37f: {  	v32 =	vld [tilespmem:$0x12390]  }
0x380: {  	v33 =	vld [tilespmem:$0x12380]  }
0x381: {  	v30 =	vld [tilespmem:$0x123C0];
	_ =	sdelay $0x3  }
0x382: {  	v24 =	vimm.f32 $0.0e+00;
	v25 =	vimm.s32 $0x0;
	v34 =	vmax.f32 v27, v26  }
0x383: {  	s19 =	simm.s32 $0x1;
	v35 =	vmax.f32 v33, v32;
	v36 =	vmax.f32 v31, v29;
	v37 =	vmax.f32 v30, v28  }
.LBB2_111:
0x384: {  	p0 =	seq.s32 s19, $0x1F;
	v35 =	vmax.f32 v35, v36;
	v34 =	vmax.f32 v37, v34  }
0x385: {  	v34 =	vmax.f32 v35, v34  }
0x386: {  	v35 =	vperm.xlane v34, v0;
	_ =	sdelay $0x1  }
0x387: {  	v34 =	vmax.f32 v34, v35  }
0x388: {  	v35 =	vperm.xlane v34, v9;
	_ =	sdelay $0x1  }
0x389: {  	v34 =	vmax.f32 v34, v35;
	v35 =	vld [tilespmem:$0x14460]  }
0x38a: {  	v36 =	vperm.xlane v34, v10;
	v37 =	vld [tilespmem:$0x14450]  }
0x38b: {  	v38 =	vld [tilespmem:$0x14430]  }
0x38c: {  	v34 =	vmax.f32 v34, v36;
	v36 =	vld [tilespmem:$0x14420]  }
0x38d: {  	s22 =	sadd.s32 $0xFFFFFFF0, s21;
	v39 =	vperm.xlane v34, v11;
	v40 =	vld [tilespmem:$0x14400]  }
0x38e: {  	v42 =	vmov s21;
	s21 =	smov.u32 s19;
	v43 =	vmov s22;
	v41 =	vld [tilespmem:$0x14410]  }
0x38f: {  	vm5 =	veq.s32 v42, v4;
	vm4 =	veq.s32 v43, v4;
	v34 =	vmax.f32 v34, v39;
	v39 =	vld [tilespmem:$0x14440]  }
0x390: {  	vm6 =	veq.f32 v33, v34;
	vm7 =	veq.f32 v32, v34;
	vm8 =	veq.f32 v31, v34;
	v31 =	vld [tilespmem:$0x14470]  }
0x391: {  	vm9 =	veq.f32 v29, v34;
	vm10 =	veq.f32 v30, v34;
	vm11 =	veq.f32 v28, v34  }
0x392: {  	vm12 =	veq.f32 v26, v34;
	v28 =	vnsel vm6, $0x7FFFFFFF, v40;
	vm6 =	veq.f32 v27, v34  }
0x393: {  	v29 =	vnsel vm9, $0x7FFFFFFF, v38;
	v27 =	vnsel vm8, $0x7FFFFFFF, v36;
	v26 =	vnsel vm7, $0x7FFFFFFF, v41  }
0x394: {  	v32 =	vnsel vm11, $0x7FFFFFFF, v37;
	v33 =	vnsel vm6, $0x7FFFFFFF, v35;
	v30 =	vnsel vm10, $0x7FFFFFFF, v39  }
0x395: {  	vm7 =	vlt.s32 v27, v29;
	vm6 =	vlt.s32 v28, v26;
	v31 =	vnsel vm12, $0x7FFFFFFF, v31  }
0x396: {  	v35 =	vsel vm6, v28, v26;
	vm6 =	vlt.s32 v30, v32;
	vm8 =	vlt.s32 v33, v31  }
0x397: {  	v36 =	vsel vm7, v27, v29;
	v37 =	vsel vm6, v30, v32;
	v38 =	vsel vm8, v33, v31  }
0x398: {  	v22 =	vsel vm5, v34, v22;
	vm6 =	vlt.s32 v35, v36;
	vm7 =	vlt.s32 v37, v38  }
0x399: {  	v24 =	vsel vm4, v34, v24;
	v35 =	vsel vm6, v35, v36;
	v36 =	vsel vm7, v37, v38  }
0x39a: {  	vm6 =	vlt.s32 v35, v36  }
0x39b: {  	v34 =	vsel vm6, v35, v36  }
0x39c: {  	v35 =	vperm.xlane v34, v0;
	_ =	sdelay $0x1  }
0x39d: {  	vm6 =	vlt.s32 v34, v35  }
0x39e: {  	v34 =	vsel vm6, v34, v35  }
0x39f: {  	v35 =	vperm.xlane v34, v9;
	_ =	sdelay $0x1  }
0x3a0: {  	vm6 =	vlt.s32 v34, v35  }
0x3a1: {  	v34 =	vsel vm6, v34, v35  }
0x3a2: {  	v35 =	vperm.xlane v34, v10;
	_ =	sdelay $0x1  }
0x3a3: {  	vm6 =	vlt.s32 v34, v35  }
0x3a4: {  	v34 =	vsel vm6, v34, v35  }
0x3a5: {  	v35 =	vperm.xlane v34, v11;
	_ =	sdelay $0x1  }
0x3a6: {  	vm6 =	vlt.s32 v34, v35  }
0x3a7: {  	v34 =	vsel vm6, v34, v35  }
0x3a8: {  	vm6 =	veq.s32 v28, v34;
	vm7 =	veq.s32 v26, v34;
	v23 =	vsel vm5, v34, v23  }
0x3a9: {  	vm5 =	veq.s32 v27, v34;
	vm8 =	veq.s32 v29, v34;
	vm9 =	veq.s32 v31, v34  }
0x3aa: {  	v26 =	vnsel vm8, $0x7FFFFFFF, v12;
	vm8 =	veq.s32 v33, v34;
	v27 =	vnsel vm9, $0x7FFFFFFF, v13  }
0x3ab: {  	vm9 =	veq.s32 v32, v34;
	v26 =	vsel vm5, v14, v26;
	v27 =	vsel vm8, v15, v27  }
0x3ac: {  	vm5 =	veq.s32 v30, v34;
	v26 =	vsel vm7, v16, v26;
	v27 =	vsel vm9, v17, v27  }
0x3ad: {  	v25 =	vsel vm4, v34, v25;
	v26 =	vsel vm6, v4, v26;
	v27 =	vsel vm5, v18, v27  }
0x3ae: {  	v26 =	vmin.u32 v26, v27  }
0x3af: {  	v27 =	vperm.xlane v26, v0;
	_ =	sdelay $0x1  }
0x3b0: {  	vm4 =	vlt.s32 v26, v27  }
0x3b1: {  	v26 =	vsel vm4, v26, v27  }
0x3b2: {  	v27 =	vperm.xlane v26, v9;
	_ =	sdelay $0x1  }
0x3b3: {  	vm4 =	vlt.s32 v26, v27  }
0x3b4: {  	v26 =	vsel vm4, v26, v27  }
0x3b5: {  	v27 =	vperm.xlane v26, v10;
	_ =	sdelay $0x1  }
0x3b6: {  	vm4 =	vlt.s32 v26, v27  }
0x3b7: {  	v26 =	vsel vm4, v26, v27  }
0x3b8: {  	v27 =	vperm.xlane v26, v11;
	_ =	sdelay $0x1  }
0x3b9: {  	vm4 =	vlt.s32 v26, v27  }
0x3ba: {  	v26 =	vsel vm4, v26, v27;
	_ =	sdelay $0x4  }
0x3bb: {  	[tilespmem:v26+s13+$0x0] =	vst.idx.msk $0x1, v19  }
0x3bc: {  	v26 =	vld [tilespmem:$0x123F0]  }
0x3bd: {  	v27 =	vld [tilespmem:$0x123E0]  }
0x3be: {  	v28 =	vld [tilespmem:$0x123D0]  }
0x3bf: {  	v30 =	vld [tilespmem:$0x123C0]  }
0x3c0: {  	v29 =	vld [tilespmem:$0x123B0]  }
0x3c1: {  	v31 =	vld [tilespmem:$0x123A0]  }
0x3c2: {  	v32 =	vld [tilespmem:$0x12390]  }
0x3c3: {  	v33 =	vld [tilespmem:$0x12380]  }
.Ltmp44:
0x3c4: {  	(pc) =	sbr.rel @!p0 .LBB2_111-.Ltmp44, $3  }
0x3c5: {  	_ =	sdelay $0x1  }
0x3c6: {  	v34 =	vmax.f32 v27, v26  }
0x3c7: {  	s19 =	sadd.s32 $0x1, s19;
	v37 =	vmax.f32 v30, v28;
	v36 =	vmax.f32 v31, v29;
	v35 =	vmax.f32 v33, v32  }
0x3c8: {  	v35 =	vmax.f32 v35, v36;
	v34 =	vmax.f32 v37, v34  }
0x3c9: {  	v34 =	vmax.f32 v35, v34  }
0x3ca: {  	v35 =	vperm.xlane v34, v0;
	_ =	sdelay $0x1  }
0x3cb: {  	v34 =	vmax.f32 v34, v35  }
0x3cc: {  	v35 =	vperm.xlane v34, v9;
	_ =	sdelay $0x1  }
0x3cd: {  	v55 =	vld [tilespmem:$0x14450];
	v34 =	vmax.f32 v34, v35  }
0x3ce: {  	v38 =	vld [tilespmem:$0x14430];
	v54 =	vperm.xlane v34, v10  }
0x3cf: {  	v56 =	vld [tilespmem:$0x14420]  }
0x3d0: {  	v40 =	vld [tilespmem:$0x14400];
	v34 =	vmax.f32 v34, v54  }
0x3d1: {  	v41 =	vld [tilespmem:$0x14410];
	v39 =	vperm.xlane v34, v11  }
0x3d2: {  	v57 =	vld [tilespmem:$0x14440]  }
0x3d3: {  	v58 =	vld [tilespmem:$0x14470];
	v34 =	vmax.f32 v34, v39  }
0x3d4: {  	v53 =	vld [tilespmem:$0x14460];
	vm4 =	veq.f32 v33, v34;
	vm5 =	veq.f32 v32, v34;
	vm6 =	veq.f32 v31, v34  }
0x3d5: {  	vm7 =	veq.f32 v29, v34;
	vm8 =	veq.f32 v30, v34;
	vm9 =	veq.f32 v28, v34  }
0x3d6: {  	vm10 =	veq.f32 v26, v34;
	v28 =	vnsel vm4, $0x7FFFFFFF, v40;
	vm4 =	veq.f32 v27, v34  }
0x3d7: {  	v26 =	vnsel vm5, $0x7FFFFFFF, v41;
	v27 =	vnsel vm6, $0x7FFFFFFF, v56;
	v29 =	vnsel vm7, $0x7FFFFFFF, v38  }
0x3d8: {  	v30 =	vnsel vm8, $0x7FFFFFFF, v57;
	v59 =	vnsel vm9, $0x7FFFFFFF, v55;
	v31 =	vnsel vm10, $0x7FFFFFFF, v58  }
0x3d9: {  	v60 =	vnsel vm4, $0x7FFFFFFF, v53;
	vm4 =	vlt.s32 v28, v26;
	vm5 =	vlt.s32 v27, v29  }
0x3da: {  	v61 =	vsel vm4, v28, v26;
	vm4 =	vlt.s32 v30, v59;
	vm14 =	vlt.s32 v60, v31  }
0x3db: {  	v36 =	vsel vm5, v27, v29;
	v37 =	vsel vm4, v30, v59;
	v62 =	vsel vm14, v60, v31  }
0x3dc: {  	vm4 =	vlt.s32 v61, v36;
	vm5 =	vlt.s32 v37, v62  }
0x3dd: {  	v35 =	vsel vm4, v61, v36;
	v63 =	vsel vm5, v37, v62  }
0x3de: {  	vm4 =	vlt.s32 v35, v63  }
0x3df: {  	v35 =	vsel vm4, v35, v63  }
0x3e0: {  	v36 =	vperm.xlane v35, v0;
	_ =	sdelay $0x1  }
0x3e1: {  	vm4 =	vlt.s32 v35, v36  }
0x3e2: {  	v35 =	vsel vm4, v35, v36  }
0x3e3: {  	v36 =	vperm.xlane v35, v9;
	_ =	sdelay $0x1  }
0x3e4: {  	vm4 =	vlt.s32 v35, v36  }
0x3e5: {  	v35 =	vsel vm4, v35, v36  }
0x3e6: {  	v36 =	vperm.xlane v35, v10;
	_ =	sdelay $0x1  }
0x3e7: {  	vm4 =	vlt.s32 v35, v36  }
0x3e8: {  	v35 =	vsel vm4, v35, v36  }
0x3e9: {  	v36 =	vperm.xlane v35, v11;
	_ =	sdelay $0x1  }
0x3ea: {  	vm4 =	vlt.s32 v35, v36  }
0x3eb: {  	v35 =	vsel vm4, v35, v36  }
0x3ec: {  	vm4 =	veq.s32 v28, v35;
	vm5 =	veq.s32 v26, v35  }
0x3ed: {  	vm15 =	veq.s32 v27, v35;
	vm7 =	veq.s32 v29, v35;
	vm12 =	veq.s32 v31, v35  }
0x3ee: {  	vm13 =	veq.s32 v60, v35;
	v26 =	vnsel vm7, $0x7FFFFFFF, v12;
	v27 =	vnsel vm12, $0x7FFFFFFF, v13  }
0x3ef: {  	vm14 =	veq.s32 v59, v35;
	v26 =	vsel vm15, v14, v26;
	v27 =	vsel vm13, v15, v27  }
0x3f0: {  	vm15 =	veq.s32 v30, v35;
	v26 =	vsel vm5, v16, v26;
	v27 =	vsel vm14, v17, v27  }
0x3f1: {  	v26 =	vsel vm4, v4, v26;
	v27 =	vsel vm15, v18, v27  }
0x3f2: {  	v26 =	vmin.u32 v26, v27  }
0x3f3: {  	v27 =	vperm.xlane v26, v0;
	_ =	sdelay $0x1  }
0x3f4: {  	vm4 =	vlt.s32 v26, v27  }
0x3f5: {  	v26 =	vsel vm4, v26, v27  }
0x3f6: {  	v27 =	vperm.xlane v26, v9;
	_ =	sdelay $0x1  }
0x3f7: {  	vm4 =	vlt.s32 v26, v27  }
0x3f8: {  	v26 =	vsel vm4, v26, v27  }
0x3f9: {  	v27 =	vperm.xlane v26, v10;
	_ =	sdelay $0x1  }
0x3fa: {  	vm4 =	vlt.s32 v26, v27  }
0x3fb: {  	v26 =	vsel vm4, v26, v27  }
0x3fc: {  	v27 =	vperm.xlane v26, v11;
	_ =	sdelay $0x1  }
0x3fd: {  	vm4 =	vlt.s32 v26, v27  }
0x3fe: {  	v28 =	vsel vm4, v26, v27  }
.Ltmp45:
0x3ff: {  	_ = 	snop;
	(pc) =	sbr.rel .LBB2_118-.Ltmp45, $4  }
0x400: {  	s19 =	sadd.s32 $0xFFFFFFF0, s21;
	v26 =	vmov s21  }
0x401: {  	v27 =	vmov s19;
	vm4 =	veq.s32 v26, v4  }
0x402: {  	vm5 =	veq.s32 v27, v4;
	v26 =	vsel vm4, v34, v22;
	v27 =	vsel vm4, v35, v23  }
0x403: {  	v22 =	vsel vm5, v34, v24;
	v23 =	vsel vm5, v35, v25;
	[tilespmem:v28+s13+$0x0] =	vst.idx.msk $0x1, v19  }
.LBB2_40:
.Ltmp46:
0x404: {  	(pc) =	sbr.rel .LBB2_41-.Ltmp46, $2  }
0x405: {  	_ =	sdelay $0x2  }
0x406: {  	v26 =	vimm.s32 $0x0;
	v25 =	vimm.f32 $0.0e+00  }
.LBB2_98:
.Ltmp47:
0x407: {  	(pc) =	sbr.rel .LBB2_99-.Ltmp47, $2  }
0x408: {  	_ =	sdelay $0x2  }
0x409: {  	v27 =	vimm.s32 $0x0;
	v26 =	vimm.f32 $0.0e+00  }
.LBB2_11:
0x40a: {  	s24 =	smov.u32 s21  }
.LBB2_16:
0x40b: {  	_ =	sdelay $0x2  }
0x40c: {  	vm3 =	vlt.s32 v28, v23;
	vm4 =	vge.f32 v24, v21  }
0x40d: {  	vm3 =	vmand vm3, vm4  }
0x40e: {  	v22 =	vmpcnt.ones.xlane vm3;
	_ =	sdelay $0x1  }
0x40f: {  	(v2sf) =	vpush v22, $0x0;
	_ =	sdelay $0x9  }
0x410: {  	s23 =	spop @p0 (v2sf)  }
0x411: {  	s23 =	sadd.s32 @p0 s24, s23  }
0x412: {  	s21 =	smov.u32 @p0 s23  }
0x413: {  	p0 =	slt.s32 s21, $0x2000;
	s23 =	smov.u32 s21  }
0x414: {  	s23 =	simm.s32 @!p0 $0x2000  }
0x415: {  	[tilespmem:s23+$0x12380] =	vst.msk vm3, v24;
	s31 =	spop (v2sf)  }
0x416: {  	[tilespmem:s23+$0x14400] =	vst.msk vm3, v27;
	s21 =	sadd.s32 s21, s31  }
.LBB2_17:
0x417: {  	s22 =	sadd.s32 $0x1, s22  }
0x418: {  	p0 =	sne.s32 s22, s20  }
.Ltmp48:
0x419: {  	_ = 	snop;
	(pc) =	sbr.rel @!p0 .LBB2_18-.Ltmp48, $1  }
0x41a: {  	_ =	sdelay $0x3  }
.LBB2_9:
0x41b: {  	v22 =	vld [tilespmem:s22+$0x12200];
	_ =	sdelay $0x4  }
0x41c: {  	(v2sf) =	vpush v22, $0x0;
	_ =	sdelay $0xe  }
0x41d: {  	s25 =	spop (v2sf)  }
0x41e: {  	s24 =	sand.u32 $0x1F, s25  }
0x41f: {  	s23 =	sadd.s32 $0x1, s24  }
0x420: {  	s23 =	sshrl.u32 s23, $0x1  }
0x421: {  	p0 =	seq.s32 s23, $0x0  }
.Ltmp49:
0x422: {  	_ = 	snop;
	(pc) =	sbr.rel @p0 .LBB2_17-.Ltmp49, $1  }
0x423: {  	_ =	sdelay $0x3  }
0x424: {  	s25 =	sshrl.u32 s25, $0x1  }
0x425: {  	s25 =	sand.u32 $0x7FFFFFF0, s25  }
0x426: {  	s31 =	simm.s32 $0x0;
	v22 =	vld [tilespmem:s25+$0x11100]  }
0x427: {  	v28 =	vor.u32 s31, v7  }
0x428: {  	vm3 =	vlt.s32 v28, $0xF  }
0x429: {  	v23 =	vnsel vm3, $0xF, v28  }
0x42a: {  	v23 =	vadd.s32 $0x10, v23  }
0x42b: {  	v23 =	vperm.xlane v22, v23;
	_ =	sdelay $0x1  }
0x42c: {  	v24 =	vshll.u32 v23, $0x3  }
0x42d: {  	v23 =	vand.u32 $0xF, v23;
	v24 =	vand.u32 $0x7F80, v24  }
0x42e: {  	v23 =	vor.u32 v24, v23  }
0x42f: {  	s23 =	sshll.u32 s23, $0x1;
	v27 =	vor.u32 v8, v23  }
0x430: {  	p1 =	sne.s32 s23, $0x2  }
.Ltmp50:
0x431: {  	_ = 	snop;
	(pc) =	sbr.rel @!p1 .LBB2_11-.Ltmp50, $3  }
0x432: {  	_ =	sdelay $0x1  }
0x433: {  	v24 =	vld.idx.msk [tilespmem:v27+s3+$0x0], $0xffff  }
0x434: {  	p0 =	por $0x0, $0x0;
	v23 =	vmov s24;
	s24 =	simm.s32 $0x2  }
0x435: {  	v25 =	vor.u32 s24, v7  }
0x436: {  	vm3 =	vlt.s32 v25, $0xF  }
0x437: {  	v26 =	vnsel vm3, $0xF, v25  }
0x438: {  	v26 =	vadd.s32 $0x10, v26  }
0x439: {  	v26 =	vperm.xlane v22, v26  }
0x43a: {  	vm3 =	vlt.s32 v28, v23;
	vm4 =	vge.f32 v24, v21  }
0x43b: {  	vm3 =	vmand vm3, vm4;
	v29 =	vshll.u32 v26, $0x3  }
0x43c: {  	v63 =	vmpcnt.ones.xlane vm3;
	v26 =	vand.u32 $0xF, v26;
	v29 =	vand.u32 $0x7F80, v29  }
0x43d: {  	v26 =	vor.u32 v29, v26  }
0x43e: {  	(v2sf) =	vpush v63, $0x0;
	v26 =	vor.u32 v8, v26  }
0x43f: {  	p0 =	slt.s32 s21, $0x2000;
	s24 =	smov.u32 s21;
	p1 =	sne.s32 s23, $0x4  }
.Ltmp51:
0x440: {  	s24 =	simm.s32 @!p0 $0x2000;
	(pc) =	sbr.rel @!p1 .LBB2_13-.Ltmp51, $4  }
0x441: {  	[tilespmem:s24+$0x12380] =	vst.msk vm3, v24  }
0x442: {  	[tilespmem:s24+$0x14400] =	vst.msk vm3, v27  }
0x443: {  	v24 =	vld.idx.msk [tilespmem:v26+s3+$0x0], $0xffff  }
0x444: {  	s25 =	simm.s32 $0x4;
	p0 =	por $0x1, $0x1;
	s24 =	smov.u32 s21  }
.LBB2_14:
0x445: {  	_ = 	snop  }
0x446: {  	v27 =	vor.u32 s25, v7;
	s25 =	sadd.s32 $0x2, s25  }
0x447: {  	vm3 =	vlt.s32 v27, $0xF;
	p1 =	sne.s32 s23, s25  }
0x448: {  	v28 =	vnsel vm3, $0xF, v27  }
0x449: {  	v28 =	vadd.s32 $0x10, v28  }
0x44a: {  	vm3 =	vlt.s32 v25, v23;
	v25 =	vmovc v27;
	v28 =	vperm.xlane v22, v28;
	vm4 =	vge.f32 v24, v21  }
0x44b: {  	vm3 =	vmand vm3, vm4  }
0x44c: {  	v27 =	vshll.u32 v28, $0x3;
	v29 =	vmpcnt.ones.xlane vm3  }
0x44d: {  	v28 =	vand.u32 $0xF, v28;
	v27 =	vand.u32 $0x7F80, v27;
	s26 =	spop (v2sf)  }
0x44e: {  	v27 =	vor.u32 v27, v28;
	(v2sf) =	vpush v29, $0x0;
	s24 =	sadd.s32 s24, s26  }
0x44f: {  	v27 =	vor.u32 v8, v27;
	p2 =	slt.s32 s24, $0x2000;
	s26 =	smov.u32 s24  }
.Ltmp52:
0x450: {  	s26 =	simm.s32 @!p2 $0x2000;
	(pc) =	sbr.rel @p1 .LBB2_14-.Ltmp52, $3  }
0x451: {  	[tilespmem:s26+$0x12380] =	vst.msk vm3, v24  }
0x452: {  	[tilespmem:s26+$0x14400] =	vst.msk vm3, v26;
	v26 =	vmov v27;
	_ =	sdelay $0x1  }
0x453: {  	v24 =	vld.idx.msk [tilespmem:v27+s3+$0x0], $0xffff  }
.Ltmp53:
0x454: {  	(pc) =	sbr.rel .LBB2_16-.Ltmp53, $2  }
0x455: {  	_ =	sdelay $0x2  }
0x456: {  	v28 =	vmov v25;
	v27 =	vmov v26  }
.LBB2_13:
.Ltmp54:
0x457: {  	(pc) =	sbr.rel .LBB2_16-.Ltmp54, $2  }
0x458: {  	_ =	sdelay $0x2  }
0x459: {  	v28 =	vmov v25;
	s24 =	smov.u32 s21;
	v27 =	vmov v26  }
.LBB2_69:
0x45a: {  	s24 =	smov.u32 s21  }
.LBB2_74:
0x45b: {  	_ =	sdelay $0x2  }
0x45c: {  	vm4 =	vlt.s32 v29, v24;
	vm5 =	vge.f32 v25, v22  }
0x45d: {  	vm4 =	vmand vm4, vm5  }
0x45e: {  	v23 =	vmpcnt.ones.xlane vm4;
	_ =	sdelay $0x1  }
0x45f: {  	(v2sf) =	vpush v23, $0x0;
	_ =	sdelay $0x9  }
0x460: {  	s23 =	spop @p0 (v2sf)  }
0x461: {  	s23 =	sadd.s32 @p0 s24, s23  }
0x462: {  	s21 =	smov.u32 @p0 s23  }
0x463: {  	p0 =	slt.s32 s21, $0x2000;
	s23 =	smov.u32 s21  }
0x464: {  	s23 =	simm.s32 @!p0 $0x2000  }
0x465: {  	[tilespmem:s23+$0x12380] =	vst.msk vm4, v25;
	s31 =	spop (v2sf)  }
0x466: {  	[tilespmem:s23+$0x14400] =	vst.msk vm4, v28;
	s21 =	sadd.s32 s21, s31  }
.LBB2_75:
0x467: {  	s22 =	sadd.s32 $0x1, s22  }
0x468: {  	p0 =	sne.s32 s22, s19  }
.Ltmp55:
0x469: {  	_ = 	snop;
	(pc) =	sbr.rel @!p0 .LBB2_76-.Ltmp55, $1  }
0x46a: {  	_ =	sdelay $0x3  }
.LBB2_67:
0x46b: {  	v23 =	vld [tilespmem:s22+$0x12200];
	_ =	sdelay $0x4  }
0x46c: {  	(v2sf) =	vpush v23, $0x0;
	_ =	sdelay $0xe  }
0x46d: {  	s25 =	spop (v2sf)  }
0x46e: {  	s24 =	sand.u32 $0x1F, s25  }
0x46f: {  	s23 =	sadd.s32 $0x1, s24  }
0x470: {  	s23 =	sshrl.u32 s23, $0x1  }
0x471: {  	p0 =	seq.s32 s23, $0x0  }
.Ltmp56:
0x472: {  	_ = 	snop;
	(pc) =	sbr.rel @p0 .LBB2_75-.Ltmp56, $1  }
0x473: {  	_ =	sdelay $0x3  }
0x474: {  	s25 =	sshrl.u32 s25, $0x1  }
0x475: {  	s25 =	sand.u32 $0x7FFFFFF0, s25  }
0x476: {  	s31 =	simm.s32 $0x0;
	v23 =	vld [tilespmem:s25+$0x11100]  }
0x477: {  	v29 =	vor.u32 s31, v7  }
0x478: {  	vm4 =	vlt.s32 v29, $0xF  }
0x479: {  	v24 =	vnsel vm4, $0xF, v29  }
0x47a: {  	v24 =	vadd.s32 $0x10, v24  }
0x47b: {  	v24 =	vperm.xlane v23, v24;
	_ =	sdelay $0x1  }
0x47c: {  	v25 =	vshll.u32 v24, $0x3  }
0x47d: {  	v24 =	vand.u32 $0xF, v24;
	v25 =	vand.u32 $0x7F80, v25  }
0x47e: {  	v24 =	vor.u32 v25, v24  }
0x47f: {  	s23 =	sshll.u32 s23, $0x1;
	v28 =	vor.u32 v8, v24  }
0x480: {  	p1 =	sne.s32 s23, $0x2  }
.Ltmp57:
0x481: {  	_ = 	snop;
	(pc) =	sbr.rel @!p1 .LBB2_69-.Ltmp57, $3  }
0x482: {  	_ =	sdelay $0x1  }
0x483: {  	v25 =	vld.idx.msk [tilespmem:v28+s11+$0x0], $0xffff  }
0x484: {  	p0 =	por $0x0, $0x0;
	v24 =	vmov s24;
	s24 =	simm.s32 $0x2  }
0x485: {  	v26 =	vor.u32 s24, v7  }
0x486: {  	vm4 =	vlt.s32 v26, $0xF  }
0x487: {  	v27 =	vnsel vm4, $0xF, v26  }
0x488: {  	v27 =	vadd.s32 $0x10, v27  }
0x489: {  	v27 =	vperm.xlane v23, v27  }
0x48a: {  	vm4 =	vlt.s32 v29, v24;
	vm5 =	vge.f32 v25, v22  }
0x48b: {  	vm4 =	vmand vm4, vm5;
	v30 =	vshll.u32 v27, $0x3  }
0x48c: {  	v29 =	vmpcnt.ones.xlane vm4;
	v27 =	vand.u32 $0xF, v27;
	v30 =	vand.u32 $0x7F80, v30  }
0x48d: {  	v27 =	vor.u32 v30, v27  }
0x48e: {  	(v2sf) =	vpush v29, $0x0;
	v27 =	vor.u32 v8, v27  }
0x48f: {  	p0 =	slt.s32 s21, $0x2000;
	s24 =	smov.u32 s21;
	p1 =	sne.s32 s23, $0x4  }
.Ltmp58:
0x490: {  	s24 =	simm.s32 @!p0 $0x2000;
	(pc) =	sbr.rel @!p1 .LBB2_71-.Ltmp58, $4  }
0x491: {  	[tilespmem:s24+$0x12380] =	vst.msk vm4, v25  }
0x492: {  	[tilespmem:s24+$0x14400] =	vst.msk vm4, v28  }
0x493: {  	v25 =	vld.idx.msk [tilespmem:v27+s11+$0x0], $0xffff  }
0x494: {  	s25 =	simm.s32 $0x4;
	p0 =	por $0x1, $0x1;
	s24 =	smov.u32 s21  }
.LBB2_72:
0x495: {  	_ = 	snop  }
0x496: {  	v28 =	vor.u32 s25, v7;
	s25 =	sadd.s32 $0x2, s25  }
0x497: {  	vm4 =	vlt.s32 v28, $0xF;
	p1 =	sne.s32 s23, s25  }
0x498: {  	v29 =	vnsel vm4, $0xF, v28  }
0x499: {  	v29 =	vadd.s32 $0x10, v29  }
0x49a: {  	vm4 =	vlt.s32 v26, v24;
	v26 =	vmovc v28;
	v29 =	vperm.xlane v23, v29;
	vm5 =	vge.f32 v25, v22  }
0x49b: {  	vm4 =	vmand vm4, vm5  }
0x49c: {  	v28 =	vshll.u32 v29, $0x3;
	v30 =	vmpcnt.ones.xlane vm4  }
0x49d: {  	v29 =	vand.u32 $0xF, v29;
	v28 =	vand.u32 $0x7F80, v28;
	s26 =	spop (v2sf)  }
0x49e: {  	v28 =	vor.u32 v28, v29;
	(v2sf) =	vpush v30, $0x0;
	s24 =	sadd.s32 s24, s26  }
0x49f: {  	v28 =	vor.u32 v8, v28;
	p2 =	slt.s32 s24, $0x2000;
	s26 =	smov.u32 s24  }
.Ltmp59:
0x4a0: {  	s26 =	simm.s32 @!p2 $0x2000;
	(pc) =	sbr.rel @p1 .LBB2_72-.Ltmp59, $3  }
0x4a1: {  	[tilespmem:s26+$0x12380] =	vst.msk vm4, v25  }
0x4a2: {  	[tilespmem:s26+$0x14400] =	vst.msk vm4, v27;
	v27 =	vmov v28;
	_ =	sdelay $0x1  }
0x4a3: {  	v25 =	vld.idx.msk [tilespmem:v28+s11+$0x0], $0xffff  }
.Ltmp60:
0x4a4: {  	(pc) =	sbr.rel .LBB2_74-.Ltmp60, $2  }
0x4a5: {  	_ =	sdelay $0x2  }
0x4a6: {  	v29 =	vmov v26;
	v28 =	vmov v27  }
.LBB2_71:
.Ltmp61:
0x4a7: {  	(pc) =	sbr.rel .LBB2_74-.Ltmp61, $2  }
0x4a8: {  	_ =	sdelay $0x2  }
0x4a9: {  	v29 =	vmov v26;
	s24 =	smov.u32 s21;
	v28 =	vmov v27  }
.LBB2_51:
0x4aa: {  	s24 =	simm.s32 $0x0  }
.LBB2_58:
0x4ab: {  	s23 =	sadd.s32 @p0 $0x10, s24  }
0x4ac: {  	vm3 =	veq.f32 v29, v23;
	vm4 =	veq.s32 v28, v27;
	s22 =	smov.u32 @p0 s23  }
0x4ad: {  	vm3 =	vmand vm3, vm4;
	v28 =	vor.u32 s22, v4  }
0x4ae: {  	v28 =	vnsel vm3, $0x7FFFFFFF, v28  }
0x4af: {  	vm3 =	vlt.s32 v24, v28  }
0x4b0: {  	v24 =	vsel vm3, v24, v28  }
.LBB2_59:
0x4b1: {  	v28 =	vperm.xlane v24, v0;
	_ =	sdelay $0x1  }
0x4b2: {  	vm3 =	vlt.s32 v24, v28  }
0x4b3: {  	v24 =	vsel vm3, v24, v28  }
0x4b4: {  	v28 =	vperm.xlane v24, v1;
	_ =	sdelay $0x1  }
0x4b5: {  	vm3 =	vlt.s32 v24, v28  }
0x4b6: {  	v24 =	vsel vm3, v24, v28  }
0x4b7: {  	v28 =	vperm.xlane v24, v2;
	_ =	sdelay $0x1  }
0x4b8: {  	vm3 =	vlt.s32 v24, v28  }
0x4b9: {  	v24 =	vsel vm3, v24, v28  }
0x4ba: {  	v28 =	vperm.xlane v24, v3;
	_ =	sdelay $0x1  }
0x4bb: {  	v62 =	vmov s21;
	s22 =	sadd.s32 $0xFFFFFFF0, s21;
	s21 =	sadd.s32 $0x1, s21;
	vm3 =	vlt.s32 v24, v28  }
0x4bc: {  	p0 =	seq.s32 s21, $0x20;
	v24 =	vsel vm3, v24, v28  }
.Ltmp62:
0x4bd: {  	_ = 	snop;
	(pc) =	sbr.rel @p0 .LBB2_60-.Ltmp62, $4  }
0x4be: {  	v63 =	vmov s22  }
0x4bf: {  	vm4 =	veq.s32 v63, v4  }
0x4c0: {  	v21 =	vsel vm4, v23, v21;
	v22 =	vsel vm4, v27, v22;
	vm3 =	veq.s32 v62, v4  }
0x4c1: {  	v25 =	vsel vm3, v23, v25;
	v26 =	vsel vm3, v27, v26;
	[tilespmem:v24+s13+$0x0] =	vst.idx.msk $0x1, v19  }
.LBB2_41:
0x4c2: {  	p0 =	seq.s32 s20, $0x0  }
.Ltmp63:
0x4c3: {  	_ = 	snop;
	(pc) =	sbr.rel @p0 .LBB2_45-.Ltmp63, $2  }
0x4c4: {  	_ =	sdelay $0x2  }
0x4c5: {  	s22 =	simm.s32 $0x12380;
	v23 =	vimm.f32 $-Inf  }
0x4c6: {  	p1 =	sne.s32 s20, $0x1  }
.Ltmp64:
0x4c7: {  	_ = 	snop;
	(pc) =	sbr.rel @!p1 .LBB2_44-.Ltmp64, $2  }
0x4c8: {  	_ =	sdelay $0x2  }
0x4c9: {  	s23 =	sadd.s32 $0xFFFFFFFF, s20;
	v24 =	vld [tilespmem:s22+$0x0]  }
.LBB2_43:
0x4ca: {  	p1 =	sne.s32 s23, $0x1  }
.Ltmp65:
0x4cb: {  	_ = 	snop;
	(pc) =	sbr.rel @p1 .LBB2_43-.Ltmp65, $3  }
0x4cc: {  	_ =	sdelay $0x1  }
0x4cd: {  	s23 =	sadd.s32 $0xFFFFFFFF, s23;
	s22 =	sadd.s32 $0x10, s22;
	v23 =	vmax.f32 v23, v24  }
0x4ce: {  	v24 =	vld [tilespmem:s22+$0x0]  }
.LBB2_44:
0x4cf: {  	_ =	sdelay $0x3  }
0x4d0: {  	v23 =	vmax.f32 v23, v24  }
.LBB2_45:
0x4d1: {  	v24 =	vperm.xlane v23, v0;
	_ =	sdelay $0x1  }
0x4d2: {  	v23 =	vmax.f32 v23, v24  }
0x4d3: {  	v24 =	vperm.xlane v23, v1;
	_ =	sdelay $0x1  }
0x4d4: {  	v23 =	vmax.f32 v23, v24  }
0x4d5: {  	v24 =	vperm.xlane v23, v2  }
.Ltmp66:
0x4d6: {  	_ = 	snop;
	(pc) =	sbr.rel @p0 .LBB2_49-.Ltmp66, $3  }
0x4d7: {  	v23 =	vmax.f32 v23, v24  }
0x4d8: {  	v24 =	vperm.xlane v23, v3;
	_ =	sdelay $0x1  }
0x4d9: {  	v27 =	vimm.s32 $0x7FFFFFFF;
	v23 =	vmax.f32 v23, v24;
	v24 =	vimm.s32 $0x7FFFFFFF  }
0x4da: {  	s22 =	simm.s32 $0x12380  }
0x4db: {  	p1 =	sne.s32 s20, $0x1;
	v27 =	vld [tilespmem:s22+$0x0];
	s22 =	simm.s32 $0x14400  }
.Ltmp67:
0x4dc: {  	v28 =	vld [tilespmem:s22+$0x0];
	(pc) =	sbr.rel @!p1 .LBB2_48-.Ltmp67, $2  }
0x4dd: {  	_ =	sdelay $0x2  }
0x4de: {  	s23 =	sadd.s32 $0xFFFFFFFF, s20;
	s24 =	simm.s32 $0x12390;
	vm3 =	veq.f32 v27, v23;
	v27 =	vimm.s32 $0x7FFFFFFF  }
.LBB2_47:
0x4df: {  	v29 =	vld [tilespmem:s24+$0x0];
	p1 =	sne.s32 s23, $0x1;
	s23 =	sadd.s32 $0xFFFFFFFF, s23;
	v30 =	vnsel vm3, $0x7FFFFFFF, v28;
	s22 =	sadd.s32 $0x10, s22  }
.Ltmp68:
0x4e0: {  	v28 =	vld [tilespmem:s22+$0x0];
	vm3 =	vlt.s32 v27, v30;
	(pc) =	sbr.rel @p1 .LBB2_47-.Ltmp68, $2  }
0x4e1: {  	v27 =	vsel vm3, v27, v30;
	_ =	sdelay $0x2  }
0x4e2: {  	s24 =	sadd.s32 $0x10, s24;
	vm3 =	veq.f32 v29, v23  }
.LBB2_48:
0x4e3: {  	v28 =	vnsel vm3, $0x7FFFFFFF, v28  }
0x4e4: {  	vm3 =	vlt.s32 v27, v28  }
0x4e5: {  	v27 =	vsel vm3, v27, v28  }
.LBB2_49:
0x4e6: {  	v28 =	vperm.xlane v27, v0;
	_ =	sdelay $0x1  }
0x4e7: {  	vm3 =	vlt.s32 v27, v28  }
0x4e8: {  	v27 =	vsel vm3, v27, v28  }
0x4e9: {  	v28 =	vperm.xlane v27, v1;
	_ =	sdelay $0x1  }
0x4ea: {  	vm3 =	vlt.s32 v27, v28  }
0x4eb: {  	v27 =	vsel vm3, v27, v28  }
0x4ec: {  	v28 =	vperm.xlane v27, v2;
	_ =	sdelay $0x1  }
0x4ed: {  	vm3 =	vlt.s32 v27, v28  }
.Ltmp69:
0x4ee: {  	v27 =	vsel vm3, v27, v28;
	(pc) =	sbr.rel @p0 .LBB2_59-.Ltmp69, $3  }
0x4ef: {  	v28 =	vperm.xlane v27, v3;
	_ =	sdelay $0x1  }
0x4f0: {  	vm3 =	vlt.s32 v27, v28  }
0x4f1: {  	v27 =	vsel vm3, v27, v28  }
0x4f2: {  	s23 =	simm.s32 $0x12380;
	p1 =	sne.s32 s20, $0x1  }
.Ltmp70:
0x4f3: {  	s24 =	simm.s32 $0x14400;
	v29 =	vld [tilespmem:s23+$0x0];
	(pc) =	sbr.rel @!p1 .LBB2_51-.Ltmp70, $3  }
0x4f4: {  	v28 =	vld [tilespmem:s24+$0x0];
	_ =	sdelay $0x1  }
0x4f5: {  	s22 =	simm.s32 $0x0  }
0x4f6: {  	p0 =	por $0x0, $0x0;
	s24 =	sadd.s32 $0xFFFFFFFF, s20;
	s23 =	simm.s32 $0x12390  }
0x4f7: {  	_ = 	snop  }
0x4f8: {  	vm3 =	veq.f32 v29, v23;
	vm4 =	veq.s32 v28, v27  }
0x4f9: {  	v29 =	vld [tilespmem:s23+$0x0];
	s23 =	simm.s32 $0x14410;
	p1 =	sne.s32 s24, $0x1;
	v28 =	vor.u32 s22, v4;
	vm3 =	vmand vm3, vm4  }
.Ltmp71:
0x4fa: {  	v30 =	vnsel vm3, $0x7FFFFFFF, v28;
	v28 =	vld [tilespmem:s23+$0x0];
	(pc) =	sbr.rel @!p1 .LBB2_56-.Ltmp71, $3  }
0x4fb: {  	_ =	sdelay $0x1  }
0x4fc: {  	s25 =	sadd.s32 $0xFFFFFFFF, s24;
	vm3 =	vlt.s32 v24, v30  }
0x4fd: {  	s26 =	simm.s32 $0x123A0;
	p0 =	por $0x1, $0x1;
	s24 =	simm.s32 $0x0;
	v24 =	vsel vm3, v24, v30  }
.LBB2_57:
0x4fe: {  	vm3 =	veq.f32 v29, v23;
	v29 =	vld [tilespmem:s26+$0x0];
	vm4 =	veq.s32 v28, v27;
	s23 =	sadd.s32 $0x10, s23;
	s24 =	sadd.s32 $0x10, s24;
	p1 =	sne.s32 s25, $0x1  }
.Ltmp72:
0x4ff: {  	s25 =	sadd.s32 $0xFFFFFFFF, s25;
	v28 =	vld [tilespmem:s23+$0x0];
	vm3 =	vmand vm3, vm4;
	v30 =	vor.u32 s24, v4;
	(pc) =	sbr.rel @p1 .LBB2_57-.Ltmp72, $4  }
0x500: {  	v30 =	vnsel vm3, $0x7FFFFFFF, v30  }
0x501: {  	vm3 =	vlt.s32 v24, v30  }
0x502: {  	v24 =	vsel vm3, v24, v30  }
0x503: {  	s26 =	sadd.s32 $0x10, s26  }
.Ltmp73:
0x504: {  	_ = 	snop;
	(pc) =	sbr.rel .LBB2_58-.Ltmp73, $1  }
0x505: {  	_ =	sdelay $0x3  }
.LBB2_56:
.Ltmp74:
0x506: {  	(pc) =	sbr.rel .LBB2_58-.Ltmp74, $2  }
0x507: {  	_ =	sdelay $0x2  }
0x508: {  	s24 =	simm.s32 $0x0  }
.LBB2_109:
0x509: {  	s24 =	simm.s32 $0x0  }
.LBB2_116:
0x50a: {  	s23 =	sadd.s32 @p0 $0x10, s24  }
0x50b: {  	vm4 =	veq.f32 v30, v24;
	vm5 =	veq.s32 v29, v28;
	s22 =	smov.u32 @p0 s23  }
0x50c: {  	vm4 =	vmand vm4, vm5;
	v29 =	vor.u32 s22, v4  }
0x50d: {  	v29 =	vnsel vm4, $0x7FFFFFFF, v29  }
0x50e: {  	vm4 =	vlt.s32 v25, v29  }
0x50f: {  	v25 =	vsel vm4, v25, v29  }
.LBB2_117:
0x510: {  	v29 =	vperm.xlane v25, v0;
	_ =	sdelay $0x1  }
0x511: {  	vm4 =	vlt.s32 v25, v29  }
0x512: {  	v25 =	vsel vm4, v25, v29  }
0x513: {  	v29 =	vperm.xlane v25, v1;
	_ =	sdelay $0x1  }
0x514: {  	vm4 =	vlt.s32 v25, v29  }
0x515: {  	v25 =	vsel vm4, v25, v29  }
0x516: {  	v29 =	vperm.xlane v25, v2;
	_ =	sdelay $0x1  }
0x517: {  	vm4 =	vlt.s32 v25, v29  }
0x518: {  	v25 =	vsel vm4, v25, v29  }
0x519: {  	v29 =	vperm.xlane v25, v3;
	_ =	sdelay $0x1  }
0x51a: {  	vm4 =	vlt.s32 v25, v29  }
0x51b: {  	s22 =	sadd.s32 $0xFFFFFFF0, s21;
	v25 =	vsel vm4, v25, v29;
	v29 =	vmov s21;
	s21 =	sadd.s32 $0x1, s21  }
0x51c: {  	p0 =	seq.s32 s21, $0x20  }
.Ltmp75:
0x51d: {  	_ = 	snop;
	(pc) =	sbr.rel @p0 .LBB2_118-.Ltmp75, $4  }
0x51e: {  	_ = 	snop  }
0x51f: {  	vm4 =	veq.s32 v29, v4;
	v29 =	vmov s22  }
0x520: {  	v26 =	vsel vm4, v24, v26;
	vm5 =	veq.s32 v29, v4;
	v27 =	vsel vm4, v28, v27  }
0x521: {  	v22 =	vsel vm5, v24, v22;
	v23 =	vsel vm5, v28, v23;
	[tilespmem:v25+s13+$0x0] =	vst.idx.msk $0x1, v19  }
.LBB2_99:
0x522: {  	p0 =	seq.s32 s19, $0x0  }
.Ltmp76:
0x523: {  	_ = 	snop;
	(pc) =	sbr.rel @p0 .LBB2_103-.Ltmp76, $2  }
0x524: {  	_ =	sdelay $0x2  }
0x525: {  	s22 =	simm.s32 $0x12380;
	v24 =	vimm.f32 $-Inf  }
0x526: {  	p1 =	sne.s32 s19, $0x1  }
.Ltmp77:
0x527: {  	_ = 	snop;
	(pc) =	sbr.rel @!p1 .LBB2_102-.Ltmp77, $2  }
0x528: {  	_ =	sdelay $0x2  }
0x529: {  	s23 =	sadd.s32 $0xFFFFFFFF, s19;
	v25 =	vld [tilespmem:s22+$0x0]  }
.LBB2_101:
0x52a: {  	p1 =	sne.s32 s23, $0x1  }
.Ltmp78:
0x52b: {  	_ = 	snop;
	(pc) =	sbr.rel @p1 .LBB2_101-.Ltmp78, $3  }
0x52c: {  	_ =	sdelay $0x1  }
0x52d: {  	s23 =	sadd.s32 $0xFFFFFFFF, s23;
	s22 =	sadd.s32 $0x10, s22;
	v24 =	vmax.f32 v24, v25  }
0x52e: {  	v25 =	vld [tilespmem:s22+$0x0]  }
.LBB2_102:
0x52f: {  	_ =	sdelay $0x3  }
0x530: {  	v24 =	vmax.f32 v24, v25  }
.LBB2_103:
0x531: {  	v25 =	vperm.xlane v24, v0;
	_ =	sdelay $0x1  }
0x532: {  	v24 =	vmax.f32 v24, v25  }
0x533: {  	v25 =	vperm.xlane v24, v1;
	_ =	sdelay $0x1  }
0x534: {  	v24 =	vmax.f32 v24, v25  }
0x535: {  	v25 =	vperm.xlane v24, v2  }
.Ltmp79:
0x536: {  	_ = 	snop;
	(pc) =	sbr.rel @p0 .LBB2_107-.Ltmp79, $3  }
0x537: {  	v24 =	vmax.f32 v24, v25  }
0x538: {  	v25 =	vperm.xlane v24, v3;
	_ =	sdelay $0x1  }
0x539: {  	v28 =	vimm.s32 $0x7FFFFFFF;
	v24 =	vmax.f32 v24, v25;
	v25 =	vimm.s32 $0x7FFFFFFF  }
0x53a: {  	s22 =	simm.s32 $0x12380  }
0x53b: {  	p1 =	sne.s32 s19, $0x1;
	v28 =	vld [tilespmem:s22+$0x0];
	s22 =	simm.s32 $0x14400  }
.Ltmp80:
0x53c: {  	v29 =	vld [tilespmem:s22+$0x0];
	(pc) =	sbr.rel @!p1 .LBB2_106-.Ltmp80, $2  }
0x53d: {  	_ =	sdelay $0x2  }
0x53e: {  	s23 =	sadd.s32 $0xFFFFFFFF, s19;
	s24 =	simm.s32 $0x12390;
	vm4 =	veq.f32 v28, v24;
	v28 =	vimm.s32 $0x7FFFFFFF  }
.LBB2_105:
0x53f: {  	v30 =	vld [tilespmem:s24+$0x0];
	p1 =	sne.s32 s23, $0x1;
	s23 =	sadd.s32 $0xFFFFFFFF, s23;
	v31 =	vnsel vm4, $0x7FFFFFFF, v29;
	s22 =	sadd.s32 $0x10, s22  }
.Ltmp81:
0x540: {  	v29 =	vld [tilespmem:s22+$0x0];
	vm4 =	vlt.s32 v28, v31;
	(pc) =	sbr.rel @p1 .LBB2_105-.Ltmp81, $2  }
0x541: {  	v28 =	vsel vm4, v28, v31;
	_ =	sdelay $0x2  }
0x542: {  	s24 =	sadd.s32 $0x10, s24;
	vm4 =	veq.f32 v30, v24  }
.LBB2_106:
0x543: {  	v29 =	vnsel vm4, $0x7FFFFFFF, v29  }
0x544: {  	vm4 =	vlt.s32 v28, v29  }
0x545: {  	v28 =	vsel vm4, v28, v29  }
.LBB2_107:
0x546: {  	v29 =	vperm.xlane v28, v0;
	_ =	sdelay $0x1  }
0x547: {  	vm4 =	vlt.s32 v28, v29  }
0x548: {  	v28 =	vsel vm4, v28, v29  }
0x549: {  	v29 =	vperm.xlane v28, v1;
	_ =	sdelay $0x1  }
0x54a: {  	vm4 =	vlt.s32 v28, v29  }
0x54b: {  	v28 =	vsel vm4, v28, v29  }
0x54c: {  	v29 =	vperm.xlane v28, v2;
	_ =	sdelay $0x1  }
0x54d: {  	vm4 =	vlt.s32 v28, v29  }
.Ltmp82:
0x54e: {  	v28 =	vsel vm4, v28, v29;
	(pc) =	sbr.rel @p0 .LBB2_117-.Ltmp82, $3  }
0x54f: {  	v29 =	vperm.xlane v28, v3;
	_ =	sdelay $0x1  }
0x550: {  	vm4 =	vlt.s32 v28, v29  }
0x551: {  	v28 =	vsel vm4, v28, v29  }
0x552: {  	s23 =	simm.s32 $0x12380;
	p1 =	sne.s32 s19, $0x1  }
.Ltmp83:
0x553: {  	s24 =	simm.s32 $0x14400;
	v30 =	vld [tilespmem:s23+$0x0];
	(pc) =	sbr.rel @!p1 .LBB2_109-.Ltmp83, $3  }
0x554: {  	v29 =	vld [tilespmem:s24+$0x0];
	_ =	sdelay $0x1  }
0x555: {  	s22 =	simm.s32 $0x0  }
0x556: {  	p0 =	por $0x0, $0x0;
	s24 =	sadd.s32 $0xFFFFFFFF, s19;
	s23 =	simm.s32 $0x12390  }
0x557: {  	_ = 	snop  }
0x558: {  	vm4 =	veq.f32 v30, v24;
	vm5 =	veq.s32 v29, v28  }
0x559: {  	v30 =	vld [tilespmem:s23+$0x0];
	s23 =	simm.s32 $0x14410;
	p1 =	sne.s32 s24, $0x1;
	v29 =	vor.u32 s22, v4;
	vm4 =	vmand vm4, vm5  }
.Ltmp84:
0x55a: {  	v31 =	vnsel vm4, $0x7FFFFFFF, v29;
	v29 =	vld [tilespmem:s23+$0x0];
	(pc) =	sbr.rel @!p1 .LBB2_114-.Ltmp84, $3  }
0x55b: {  	_ =	sdelay $0x1  }
0x55c: {  	s25 =	sadd.s32 $0xFFFFFFFF, s24;
	vm4 =	vlt.s32 v25, v31  }
0x55d: {  	s26 =	simm.s32 $0x123A0;
	p0 =	por $0x1, $0x1;
	s24 =	simm.s32 $0x0;
	v25 =	vsel vm4, v25, v31  }
.LBB2_115:
0x55e: {  	vm4 =	veq.f32 v30, v24;
	v30 =	vld [tilespmem:s26+$0x0];
	vm5 =	veq.s32 v29, v28;
	s23 =	sadd.s32 $0x10, s23;
	s24 =	sadd.s32 $0x10, s24;
	p1 =	sne.s32 s25, $0x1  }
.Ltmp85:
0x55f: {  	s25 =	sadd.s32 $0xFFFFFFFF, s25;
	v29 =	vld [tilespmem:s23+$0x0];
	vm4 =	vmand vm4, vm5;
	v31 =	vor.u32 s24, v4;
	(pc) =	sbr.rel @p1 .LBB2_115-.Ltmp85, $4  }
0x560: {  	v31 =	vnsel vm4, $0x7FFFFFFF, v31  }
0x561: {  	vm4 =	vlt.s32 v25, v31  }
0x562: {  	v25 =	vsel vm4, v25, v31  }
0x563: {  	s26 =	sadd.s32 $0x10, s26  }
.Ltmp86:
0x564: {  	_ = 	snop;
	(pc) =	sbr.rel .LBB2_116-.Ltmp86, $1  }
0x565: {  	_ =	sdelay $0x3  }
.LBB2_114:
.Ltmp87:
0x566: {  	(pc) =	sbr.rel .LBB2_116-.Ltmp87, $2  }
0x567: {  	_ =	sdelay $0x2  }
0x568: {  	s24 =	simm.s32 $0x0  }
.LBB2_27:
.Ltmp88:
0x569: {  	(pc) =	sbr.rel .LBB2_31-.Ltmp88, $2  }
0x56a: {  	_ =	sdelay $0x2  }
0x56b: {  	v24 =	vimm.f32 $-Inf;
	p1 =	por $0x0, $0x0  }
.LBB2_32:
.Ltmp89:
0x56c: {  	(pc) =	sbr.rel .LBB2_36-.Ltmp89, $2  }
0x56d: {  	_ =	sdelay $0x2  }
0x56e: {  	s22 =	simm.s32 $0x14400;
	s25 =	simm.s32 $0x0  }
.LBB2_85:
.Ltmp90:
0x56f: {  	(pc) =	sbr.rel .LBB2_89-.Ltmp90, $2  }
0x570: {  	_ =	sdelay $0x2  }
0x571: {  	v23 =	vimm.f32 $-Inf;
	p1 =	por $0x0, $0x0  }
.LBB2_90:
.Ltmp91:
0x572: {  	(pc) =	sbr.rel .LBB2_94-.Ltmp91, $2  }
0x573: {  	_ =	sdelay $0x2  }
0x574: {  	s22 =	simm.s32 $0x14400;
	s25 =	simm.s32 $0x0  }
.LBB2_29:
.Ltmp92:
0x575: {  	(pc) =	sbr.rel .LBB2_31-.Ltmp92, $2  }
0x576: {  	_ =	sdelay $0x2  }
0x577: {  	v24 =	vimm.f32 $-Inf  }
.LBB2_34:
.Ltmp93:
0x578: {  	(pc) =	sbr.rel .LBB2_36-.Ltmp93, $2  }
0x579: {  	_ =	sdelay $0x2  }
0x57a: {  	s22 =	simm.s32 $0x14400;
	s25 =	simm.s32 $0x0  }
.LBB2_87:
.Ltmp94:
0x57b: {  	(pc) =	sbr.rel .LBB2_89-.Ltmp94, $2  }
0x57c: {  	_ =	sdelay $0x2  }
0x57d: {  	v23 =	vimm.f32 $-Inf  }
.LBB2_92:
.Ltmp95:
0x57e: {  	(pc) =	sbr.rel .LBB2_94-.Ltmp95, $2  }
0x57f: {  	_ =	sdelay $0x2  }
0x580: {  	s22 =	simm.s32 $0x14400;
	s25 =	simm.s32 $0x0  }
.LBB2_120:
0x581: {  	_ =	sfence.sel $0x180000  }
0x582: {  	[bflag:$0x0] =	sbarrier.arrive $0xFFFF  }
0x583: {  	p0 =	sne.s32 s2, $0x0;
	_ =	strace $0x90000047  }
0x584: {  	s0 =	sadd.s32 @!p0 $0x100000, s1;
	[bflag:$0x2] =	sbarrier.arrive $0xFFFF  }
0x585: {  	[sflag:s0] =	ssyncadd.tile.s32 @!p0 $0x1;
	_ =	shalt  }
.Lfunc_end2:
_tile_overlayer_lowered:
.L_overlay_start_2:
0x586: {  	(tag) =	ssettag $0x2  }
0x587: {  	s0 =	rddreg [dreg:$0x0];
	s2 =	stileid.u32  }
0x588: {  	s1 =	rddreg [dreg:$0x1];
	p0 =	sne.s32 s2, $0x0  }
0x589: {  	s3 =	rddreg [dreg:$0x2];
	[bflag:$0x3] =	sbarrier.arrive $0xFFFF;
	s2 =	simm.s32 @!p0 $0x1C03  }
0x58a: {  	[timem:s3], [sflag:s2] =	dma.local @!p0 [hbm:s0], s1  }
0x58b: {  	s0 =	simm.s32 @!p0 $0x3  }
0x58c: {  	_ =	swait.ge @!p0 [sflag:s0], s1  }
0x58d: {  	s1 =	ssub.s32 @!p0 $0x0, s1;
	[sflag:s0] =	ssyncset.done @!p0 $0x0  }
0x58e: {  	[sflag:s0] =	ssyncadd.s32 @!p0 s1  }
0x58f: {  	[bflag:$0x3] =	sbarrier.arrive $0xFFFF  }
0x590: {  	_ =	shalt  }

</sc_bundles>
